<compile_context>
chip_gen: v7x
topology: tpu7x:2x2x1
jax: 0.10.2.dev20260603
libtpu: 0.0.44.dev20260713+nightly
codegen_flags: <defaults>
</compile_context>

<pallas_src>
import functools

import jax
import jax.numpy as jnp
from jax import lax
from jax.experimental import pallas as pl
from jax.experimental.pallas import tpu as pltpu
from jax.experimental.pallas import tpu_sc as plsc

N = 10000
NF = 10240
EP = 327680
TNR = NF // 16
RH = EP // (32 * 128)
DEPTH = 8
NCH = RH // DEPTH
C1 = 48
C2 = 32

_mesh = plsc.VectorSubcoreMesh(core_axis_name="c", subcore_axis_name="s", num_cores=2)


def _hist_body(dst_hbm, out_hbm, dacc, ones_v, idx_v, buf_v, sem):
    c = lax.axis_index("c")
    s = lax.axis_index("s")
    for i in range(128 // 16):
        ones_v[pl.ds(i * 16, 16)] = jnp.ones((16,), jnp.float32)
    for i in range(TNR // 16):
        buf_v[pl.ds(i * 16, 16)] = jnp.zeros((16,), jnp.float32)
    pltpu.sync_copy(dst_hbm.at[pl.ds((c * 16 + s) * RH, RH)], idx_v)
    pltpu.sync_copy(buf_v, dacc.at[pl.ds(s * TNR, TNR)])
    plsc.subcore_barrier()

    def chunk(q, carry):
        row0 = q * DEPTH
        descs = []
        for i in range(DEPTH):
            descs.append(
                pltpu.async_copy(ones_v, dacc.at[idx_v.at[row0 + i]], sem, add=True)
            )
        for d in descs:
            d.wait()
        return carry

    lax.fori_loop(0, NCH, chunk, None)
    plsc.subcore_barrier()
    pltpu.sync_copy(dacc.at[pl.ds(s * TNR, TNR)], buf_v)
    pltpu.sync_copy(buf_v, out_hbm.at[c, pl.ds(s * TNR, TNR)])


def _agg_body(depth, g_hbm, src_hbm, dst_hbm, out_hbm, acc, src_v, dst_v, buf_v, gsem, ssem):
    blk = depth * 128
    nch = RH // depth
    c = lax.axis_index("c")
    s = lax.axis_index("s")
    wid = c * 16 + s
    pltpu.sync_copy(src_hbm.at[pl.ds(wid * RH, RH)], src_v)
    pltpu.sync_copy(dst_hbm.at[pl.ds(wid * RH, RH)], dst_v)
    pltpu.sync_copy(g_hbm.at[pl.ds(s * TNR, TNR)], buf_v.at[pl.ds(0, TNR)])
    pltpu.sync_copy(buf_v.at[pl.ds(0, TNR)], acc.at[pl.ds(s * TNR, TNR)])
    plsc.subcore_barrier()

    def g_desc(q, i, half):
        return pltpu.make_async_copy(
            g_hbm.at[src_v.at[q * depth + i]],
            buf_v.at[pl.ds(half * blk + i * 128, 128)],
            gsem,
        )

    def s_desc(q, i, half):
        return pltpu.make_async_copy(
            buf_v.at[pl.ds(half * blk + i * 128, 128)],
            acc.at[dst_v.at[q * depth + i]],
            ssem,
        )

    for i in range(depth):
        g_desc(0, i, 0).start()

    def body(q, carry):
        half = lax.rem(q, 2)
        nhalf = 1 - half
        for i in range(depth):
            g_desc(q, i, half).wait()

        @pl.when(q > 0)
        def _():
            for i in range(depth):
                s_desc(q - 1, i, nhalf).wait()

        @pl.when(q < nch - 1)
        def _():
            for i in range(depth):
                g_desc(q + 1, i, nhalf).start()

        for i in range(depth):
            s_desc(q, i, half).start(add=True)
        return carry

    lax.fori_loop(0, nch, body, None)
    for i in range(depth):
        s_desc(nch - 1, i, (nch - 1) % 2).wait()
    plsc.subcore_barrier()
    pltpu.sync_copy(acc.at[pl.ds(s * TNR, TNR)], buf_v.at[pl.ds(0, TNR)])
    pltpu.sync_copy(buf_v.at[pl.ds(0, TNR)], out_hbm.at[c, pl.ds(s * TNR, TNR)])


def _make_hist():
    return pl.kernel(
        _hist_body,
        out_type=jax.ShapeDtypeStruct((2, NF), jnp.float32),
        mesh=_mesh,
        scratch_types=[
            pltpu.VMEM_SHARED((NF,), jnp.float32),
            pltpu.VMEM((128,), jnp.float32),
            pltpu.VMEM((RH, 128), jnp.int32),
            pltpu.VMEM((TNR,), jnp.float32),
            pltpu.SemaphoreType.DMA,
        ],
    )


def _make_agg(ch, depth):
    return pl.kernel(
        functools.partial(_agg_body, depth),
        out_type=jax.ShapeDtypeStruct((2, NF, ch), jnp.float32),
        mesh=_mesh,
        scratch_types=[
            pltpu.VMEM_SHARED((NF, ch), jnp.float32),
            pltpu.VMEM((RH, 128), jnp.int32),
            pltpu.VMEM((RH, 128), jnp.int32),
            pltpu.VMEM((max(2 * depth * 128, TNR), ch), jnp.float32),
            pltpu.SemaphoreType.DMA,
            pltpu.SemaphoreType.DMA,
        ],
        compiler_params=pltpu.CompilerParams(use_tc_tiling_on_sc=False),
    )


_R = 10000
_G = N // _R


def _dinv_of(pt_blk):
    deg = jnp.sum(pt_blk, axis=1, keepdims=True) + 1.0
    return lax.rsqrt(deg)


def _mm1_body(x_ref, w_ref, pt_ref, o_ref):
    dinv = _dinv_of(pt_ref[...])
    v = jnp.dot(x_ref[...], w_ref[...], preferred_element_type=jnp.float32)
    o_ref[...] = v * dinv


def _mm2_body(sa_ref, g1_ref, pt_ref, b1_ref, w2_ref, o_ref):
    dinv = _dinv_of(pt_ref[...])
    h = sa_ref[0] + sa_ref[1] - g1_ref[...]
    r = jax.nn.relu(dinv * h + b1_ref[...])
    v = jnp.dot(r, w2_ref[...], preferred_element_type=jnp.float32)
    o_ref[...] = v * dinv


def _fin_body(sa_ref, g2_ref, pt_ref, b2_ref, o_ref):
    dinv = _dinv_of(pt_ref[...])
    o_ref[...] = (dinv * (sa_ref[0] + sa_ref[1] - g2_ref[...]) + b2_ref[...])[:, :20]


def _mm1(x, w1p, pt):
    return pl.pallas_call(
        _mm1_body,
        grid=(_G,),
        in_specs=[
            pl.BlockSpec((_R, 128), lambda i: (i, 0)),
            pl.BlockSpec((128, C1), lambda i: (0, 0)),
            pl.BlockSpec((_R, 2), lambda i: (i, 0)),
        ],
        out_specs=pl.BlockSpec((_R, C1), lambda i: (i, 0)),
        out_shape=jax.ShapeDtypeStruct((NF, C1), jnp.float32),
    )(x, w1p, pt)


def _mm2(sa, g1, pt, b1p, w2p):
    return pl.pallas_call(
        _mm2_body,
        grid=(_G,),
        in_specs=[
            pl.BlockSpec((2, _R, C1), lambda i: (0, i, 0)),
            pl.BlockSpec((_R, C1), lambda i: (i, 0)),
            pl.BlockSpec((_R, 2), lambda i: (i, 0)),
            pl.BlockSpec((1, C1), lambda i: (0, 0)),
            pl.BlockSpec((C1, C2), lambda i: (0, 0)),
        ],
        out_specs=pl.BlockSpec((_R, C2), lambda i: (i, 0)),
        out_shape=jax.ShapeDtypeStruct((NF, C2), jnp.float32),
    )(sa, g1, pt, b1p, w2p)


def _fin(sa, g2, pt, b2p):
    return pl.pallas_call(
        _fin_body,
        grid=(_G,),
        in_specs=[
            pl.BlockSpec((2, _R, C2), lambda i: (0, i, 0)),
            pl.BlockSpec((_R, C2), lambda i: (i, 0)),
            pl.BlockSpec((_R, 2), lambda i: (i, 0)),
            pl.BlockSpec((1, C2), lambda i: (0, 0)),
        ],
        out_specs=pl.BlockSpec((_R, 20), lambda i: (i, 0)),
        out_shape=jax.ShapeDtypeStruct((N, 20), jnp.float32),
    )(sa, g2, pt, b2p)


def kernel(x, edge_index, W1, b1, W2, b2):
    e = edge_index.shape[1]
    src = edge_index[0].astype(jnp.int32)
    dst = edge_index[1].astype(jnp.int32)
    pad = EP - e
    pidx = jnp.arange(pad, dtype=jnp.int32)
    src2 = jnp.concatenate([src, pidx]).reshape(EP // 128, 128)
    dst2 = jnp.concatenate([dst, N + (pidx & 127)]).reshape(EP // 128, 128)

    w1p = jnp.zeros((128, C1), jnp.float32).at[:, :40].set(W1)
    b1p = jnp.zeros((1, C1), jnp.float32).at[0, :40].set(b1)
    w2p = jnp.zeros((C1, C2), jnp.float32).at[:40, :20].set(W2)
    b2p = jnp.zeros((1, C2), jnp.float32).at[0, :20].set(b2)

    p2 = _make_hist()(dst2)
    pt = p2.T
    g1 = _mm1(x, w1p, pt)
    sa1 = _make_agg(C1, 5)(g1, src2, dst2)
    g2 = _mm2(sa1, g1, pt, b1p, w2p)
    sa2 = _make_agg(C2, 10)(g2, src2, dst2)
    return _fin(sa2, g2, pt, b2p)

# --- scband reference (transcript-rebuilt; emitter-appended) ---
"""Pipeline reference for scband-gcnencoder-84911503442106 (READ-ONLY COPY).

The authoritative reference and input builder live on the scoring server;
editing this copy changes nothing except your own understanding.
"""

import jax, jax.numpy as jnp
import numpy as np

N = 10000
E = 320000
IN_CH = 128
HID = 40   # 2 * out_channels
OUT = 20


def setup_inputs(seed: int = 0) -> dict:
    key = jax.random.key(seed)
    k1, k2, k3, k4, k5, k6 = jax.random.split(key, 6)
    x = jax.random.normal(k1, (N, IN_CH), dtype=jnp.float32)
    edge_index = jax.random.randint(k2, (2, E), 0, N, dtype=jnp.int64)
    # GCNConv weights (glorot-ish init)
    W1 = jax.random.normal(k3, (IN_CH, HID), dtype=jnp.float32) * (1.0 / np.sqrt(IN_CH))
    b1 = jnp.zeros((HID,), dtype=jnp.float32)
    W2 = jax.random.normal(k4, (HID, OUT), dtype=jnp.float32) * (1.0 / np.sqrt(HID))
    b2 = jnp.zeros((OUT,), dtype=jnp.float32)
    return {"x": x, "edge_index": edge_index, "W1": W1, "b1": b1, "W2": W2, "b2": b2}


def _gcn_conv(h, src, dst, W, b, n_nodes):
    # GCNConv: out = D^{-1/2} (A + I) D^{-1/2} (h @ W) + b
    h = h @ W
    ones = jnp.ones(src.shape[0], dtype=h.dtype)
    deg = jax.ops.segment_sum(ones, dst, num_segments=n_nodes)
    dinv = jnp.where(deg > 0, jax.lax.rsqrt(deg), 0.0)
    norm = dinv[src] * dinv[dst]
    msg = h[src] * norm[:, None]
    out = jax.ops.segment_sum(msg, dst, num_segments=n_nodes)
    return out + b


def reference(x, edge_index, W1, b1, W2, b2):
    n_nodes = x.shape[0]
    # add self-loops once (same normalized adjacency used by both cached convs)
    loop = jnp.arange(n_nodes, dtype=edge_index.dtype)
    src = jnp.concatenate([edge_index[0], loop])
    dst = jnp.concatenate([edge_index[1], loop])
    h = _gcn_conv(x, src, dst, W1, b1, n_nodes)
    h = jax.nn.relu(h)
    out = _gcn_conv(h, src, dst, W2, b2, n_nodes)
    return out

if __name__ == "__main__":
    import jax
    _d = setup_inputs()
    print(jax.jit(kernel)(*tuple(_d.values())))

</pallas_src>

<mosaic_0001>
#map = affine_map<(d0, d1) -> (0, 0)>
module attributes {stable_mosaic.version = 14 : i64} {
  func.func @_hist_body(%arg0: i32, %arg1: i32, %arg2: memref<2560x128xi32, #tpu.memory_space<hbm>>, %arg3: memref<2x10240xf32, #tpu.memory_space<hbm>>, %arg4: memref<10240xf32, #tpu.memory_space<vmem_shared>>, %arg5: memref<128xf32, #tpu.memory_space<vmem>>, %arg6: memref<80x128xi32, #tpu.memory_space<vmem>>, %arg7: memref<640xf32, #tpu.memory_space<vmem>>, %arg8: memref<!tpu.dma_semaphore, #tpu.memory_space<semaphore_mem>>) attributes {dimension_semantics = [#tpu.dimension_semantics<core_parallel>, #tpu.dimension_semantics<subcore_parallel>], iteration_bounds = array<i64: 2, 16>, scalar_prefetch = 0 : i64, scratch_operands = 5 : i64, tpu.core_type = #tpu.core_type<sc_vector_subcore>, window_params = [{transform_indices = #map}, {transform_indices = #map}]} {
    %broadcast_in_dim3A = arith.constant 1.000000e+00 : f32
    %broadcast_in_dim3A_0 = vector.broadcast %broadcast_in_dim3A : f32 to vector<16xf32>
    %swap3A = arith.constant 0 : index
    %swap3A_1 = tpu.vector_load %arg5[%swap3A] {strides = array<i32>} : memref<128xf32, #tpu.memory_space<vmem>>, vector<16xf32>,
    %swap3A_2 = vector.shape_cast %swap3A_1 : vector<16xf32> to vector<16xf32>
    %swap3A_3 = vector.shape_cast %broadcast_in_dim3A_0 : vector<16xf32> to vector<16xf32>
    tpu.vector_store %arg5[%swap3A], %swap3A_3 {strides = array<i32>} : memref<128xf32, #tpu.memory_space<vmem>>, vector<16xf32>,
    %broadcast_in_dim3A_4 = arith.constant 1.000000e+00 : f32
    %broadcast_in_dim3A_5 = vector.broadcast %broadcast_in_dim3A_4 : f32 to vector<16xf32>
    %swap3A_6 = arith.constant 16 : index
    %swap3A_7 = tpu.vector_load %arg5[%swap3A_6] {strides = array<i32>} : memref<128xf32, #tpu.memory_space<vmem>>, vector<16xf32>,
    %swap3A_8 = vector.shape_cast %swap3A_7 : vector<16xf32> to vector<16xf32>
    %swap3A_9 = vector.shape_cast %broadcast_in_dim3A_5 : vector<16xf32> to vector<16xf32>
    tpu.vector_store %arg5[%swap3A_6], %swap3A_9 {strides = array<i32>} : memref<128xf32, #tpu.memory_space<vmem>>, vector<16xf32>,
    %broadcast_in_dim3A_10 = arith.constant 1.000000e+00 : f32
    %broadcast_in_dim3A_11 = vector.broadcast %broadcast_in_dim3A_10 : f32 to vector<16xf32>
    %swap3A_12 = arith.constant 32 : index
    %swap3A_13 = tpu.vector_load %arg5[%swap3A_12] {strides = array<i32>} : memref<128xf32, #tpu.memory_space<vmem>>, vector<16xf32>,
    %swap3A_14 = vector.shape_cast %swap3A_13 : vector<16xf32> to vector<16xf32>
    %swap3A_15 = vector.shape_cast %broadcast_in_dim3A_11 : vector<16xf32> to vector<16xf32>
    tpu.vector_store %arg5[%swap3A_12], %swap3A_15 {strides = array<i32>} : memref<128xf32, #tpu.memory_space<vmem>>, vector<16xf32>,
    %broadcast_in_dim3A_16 = arith.constant 1.000000e+00 : f32
    %broadcast_in_dim3A_17 = vector.broadcast %broadcast_in_dim3A_16 : f32 to vector<16xf32>
    %swap3A_18 = arith.constant 48 : index
    %swap3A_19 = tpu.vector_load %arg5[%swap3A_18] {strides = array<i32>} : memref<128xf32, #tpu.memory_space<vmem>>, vector<16xf32>,
    %swap3A_20 = vector.shape_cast %swap3A_19 : vector<16xf32> to vector<16xf32>
    %swap3A_21 = vector.shape_cast %broadcast_in_dim3A_17 : vector<16xf32> to vector<16xf32>
    tpu.vector_store %arg5[%swap3A_18], %swap3A_21 {strides = array<i32>} : memref<128xf32, #tpu.memory_space<vmem>>, vector<16xf32>,
    %broadcast_in_dim3A_22 = arith.constant 1.000000e+00 : f32
    %broadcast_in_dim3A_23 = vector.broadcast %broadcast_in_dim3A_22 : f32 to vector<16xf32>
    %swap3A_24 = arith.constant 64 : index
    %swap3A_25 = tpu.vector_load %arg5[%swap3A_24] {strides = array<i32>} : memref<128xf32, #tpu.memory_space<vmem>>, vector<16xf32>,
    %swap3A_26 = vector.shape_cast %swap3A_25 : vector<16xf32> to vector<16xf32>
    %swap3A_27 = vector.shape_cast %broadcast_in_dim3A_23 : vector<16xf32> to vector<16xf32>
    tpu.vector_store %arg5[%swap3A_24], %swap3A_27 {strides = array<i32>} : memref<128xf32, #tpu.memory_space<vmem>>, vector<16xf32>,
    %broadcast_in_dim3A_28 = arith.constant 1.000000e+00 : f32
    %broadcast_in_dim3A_29 = vector.broadcast %broadcast_in_dim3A_28 : f32 to vector<16xf32>
    %swap3A_30 = arith.constant 80 : index
    %swap3A_31 = tpu.vector_load %arg5[%swap3A_30] {strides = array<i32>} : memref<128xf32, #tpu.memory_space<vmem>>, vector<16xf32>,
    %swap3A_32 = vector.shape_cast %swap3A_31 : vector<16xf32> to vector<16xf32>
    %swap3A_33 = vector.shape_cast %broadcast_in_dim3A_29 : vector<16xf32> to vector<16xf32>
    tpu.vector_store %arg5[%swap3A_30], %swap3A_33 {strides = array<i32>} : memref<128xf32, #tpu.memory_space<vmem>>, vector<16xf32>,
    %broadcast_in_dim3A_34 = arith.constant 1.000000e+00 : f32
    %broadcast_in_dim3A_35 = vector.broadcast %broadcast_in_dim3A_34 : f32 to vector<16xf32>
    %swap3A_36 = arith.constant 96 : index
    %swap3A_37 = tpu.vector_load %arg5[%swap3A_36] {strides = array<i32>} : memref<128xf32, #tpu.memory_space<vmem>>, vector<16xf32>,
    %swap3A_38 = vector.shape_cast %swap3A_37 : vector<16xf32> to vector<16xf32>
    %swap3A_39 = vector.shape_cast %broadcast_in_dim3A_35 : vector<16xf32> to vector<16xf32>
    tpu.vector_store %arg5[%swap3A_36], %swap3A_39 {strides = array<i32>} : memref<128xf32, #tpu.memory_space<vmem>>, vector<16xf32>,
    %broadcast_in_dim3A_40 = arith.constant 1.000000e+00 : f32
    %broadcast_in_dim3A_41 = vector.broadcast %broadcast_in_dim3A_40 : f32 to vector<16xf32>
    %swap3A_42 = arith.constant 112 : index
    %swap3A_43 = tpu.vector_load %arg5[%swap3A_42] {strides = array<i32>} : memref<128xf32, #tpu.memory_space<vmem>>, vector<16xf32>,
    %swap3A_44 = vector.shape_cast %swap3A_43 : vector<16xf32> to vector<16xf32>
    %swap3A_45 = vector.shape_cast %broadcast_in_dim3A_41 : vector<16xf32> to vector<16xf32>
    tpu.vector_store %arg5[%swap3A_42], %swap3A_45 {strides = array<i32>} : memref<128xf32, #tpu.memory_space<vmem>>, vector<16xf32>,
    %broadcast_in_dim3A_46 = arith.constant 0.000000e+00 : f32
    %broadcast_in_dim3A_47 = vector.broadcast %broadcast_in_dim3A_46 : f32 to vector<16xf32>
    %swap3A_48 = arith.constant 0 : index
    %swap3A_49 = tpu.vector_load %arg7[%swap3A_48] {strides = array<i32>} : memref<640xf32, #tpu.memory_space<vmem>>, vector<16xf32>,
    %swap3A_50 = vector.shape_cast %swap3A_49 : vector<16xf32> to vector<16xf32>
    %swap3A_51 = vector.shape_cast %broadcast_in_dim3A_47 : vector<16xf32> to vector<16xf32>
    tpu.vector_store %arg7[%swap3A_48], %swap3A_51 {strides = array<i32>} : memref<640xf32, #tpu.memory_space<vmem>>, vector<16xf32>,
    %broadcast_in_dim3A_52 = arith.constant 0.000000e+00 : f32
    %broadcast_in_dim3A_53 = vector.broadcast %broadcast_in_dim3A_52 : f32 to vector<16xf32>
    %swap3A_54 = arith.constant 16 : index
    %swap3A_55 = tpu.vector_load %arg7[%swap3A_54] {strides = array<i32>} : memref<640xf32, #tpu.memory_space<vmem>>, vector<16xf32>,
    %swap3A_56 = vector.shape_cast %swap3A_55 : vector<16xf32> to vector<16xf32>
    %swap3A_57 = vector.shape_cast %broadcast_in_dim3A_53 : vector<16xf32> to vector<16xf32>
    tpu.vector_store %arg7[%swap3A_54], %swap3A_57 {strides = array<i32>} : memref<640xf32, #tpu.memory_space<vmem>>, vector<16xf32>,
    %broadcast_in_dim3A_58 = arith.constant 0.000000e+00 : f32
    %broadcast_in_dim3A_59 = vector.broadcast %broadcast_in_dim3A_58 : f32 to vector<16xf32>
    %swap3A_60 = arith.constant 32 : index
    %swap3A_61 = tpu.vector_load %arg7[%swap3A_60] {strides = array<i32>} : memref<640xf32, #tpu.memory_space<vmem>>, vector<16xf32>,
    %swap3A_62 = vector.shape_cast %swap3A_61 : vector<16xf32> to vector<16xf32>
    %swap3A_63 = vector.shape_cast %broadcast_in_dim3A_59 : vector<16xf32> to vector<16xf32>
    tpu.vector_store %arg7[%swap3A_60], %swap3A_63 {strides = array<i32>} : memref<640xf32, #tpu.memory_space<vmem>>, vector<16xf32>,
    %broadcast_in_dim3A_64 = arith.constant 0.000000e+00 : f32
    %broadcast_in_dim3A_65 = vector.broadcast %broadcast_in_dim3A_64 : f32 to vector<16xf32>
    %swap3A_66 = arith.constant 48 : index
    %swap3A_67 = tpu.vector_load %arg7[%swap3A_66] {strides = array<i32>} : memref<640xf32, #tpu.memory_space<vmem>>, vector<16xf32>,
    %swap3A_68 = vector.shape_cast %swap3A_67 : vector<16xf32> to vector<16xf32>
    %swap3A_69 = vector.shape_cast %broadcast_in_dim3A_65 : vector<16xf32> to vector<16xf32>
    tpu.vector_store %arg7[%swap3A_66], %swap3A_69 {strides = array<i32>} : memref<640xf32, #tpu.memory_space<vmem>>, vector<16xf32>,
    %broadcast_in_dim3A_70 = arith.constant 0.000000e+00 : f32
    %broadcast_in_dim3A_71 = vector.broadcast %broadcast_in_dim3A_70 : f32 to vector<16xf32>
    %swap3A_72 = arith.constant 64 : index
    %swap3A_73 = tpu.vector_load %arg7[%swap3A_72] {strides = array<i32>} : memref<640xf32, #tpu.memory_space<vmem>>, vector<16xf32>,
    %swap3A_74 = vector.shape_cast %swap3A_73 : vector<16xf32> to vector<16xf32>
    %swap3A_75 = vector.shape_cast %broadcast_in_dim3A_71 : vector<16xf32> to vector<16xf32>
    tpu.vector_store %arg7[%swap3A_72], %swap3A_75 {strides = array<i32>} : memref<640xf32, #tpu.memory_space<vmem>>, vector<16xf32>,
    %broadcast_in_dim3A_76 = arith.constant 0.000000e+00 : f32
    %broadcast_in_dim3A_77 = vector.broadcast %broadcast_in_dim3A_76 : f32 to vector<16xf32>
    %swap3A_78 = arith.constant 80 : index
    %swap3A_79 = tpu.vector_load %arg7[%swap3A_78] {strides = array<i32>} : memref<640xf32, #tpu.memory_space<vmem>>, vector<16xf32>,
    %swap3A_80 = vector.shape_cast %swap3A_79 : vector<16xf32> to vector<16xf32>
    %swap3A_81 = vector.shape_cast %broadcast_in_dim3A_77 : vector<16xf32> to vector<16xf32>
    tpu.vector_store %arg7[%swap3A_78], %swap3A_81 {strides = array<i32>} : memref<640xf32, #tpu.memory_space<vmem>>, vector<16xf32>,
    %broadcast_in_dim3A_82 = arith.constant 0.000000e+00 : f32
    %broadcast_in_dim3A_83 = vector.broadcast %broadcast_in_dim3A_82 : f32 to vector<16xf32>
    %swap3A_84 = arith.constant 96 : index
    %swap3A_85 = tpu.vector_load %arg7[%swap3A_84] {strides = array<i32>} : memref<640xf32, #tpu.memory_space<vmem>>, vector<16xf32>,
    %swap3A_86 = vector.shape_cast %swap3A_85 : vector<16xf32> to vector<16xf32>
    %swap3A_87 = vector.shape_cast %broadcast_in_dim3A_83 : vector<16xf32> to vector<16xf32>
    tpu.vector_store %arg7[%swap3A_84], %swap3A_87 {strides = array<i32>} : memref<640xf32, #tpu.memory_space<vmem>>, vector<16xf32>,
    %broadcast_in_dim3A_88 = arith.constant 0.000000e+00 : f32
    %broadcast_in_dim3A_89 = vector.broadcast %broadcast_in_dim3A_88 : f32 to vector<16xf32>
    %swap3A_90 = arith.constant 112 : index
    %swap3A_91 = tpu.vector_load %arg7[%swap3A_90] {strides = array<i32>} : memref<640xf32, #tpu.memory_space<vmem>>, vector<16xf32>,
    %swap3A_92 = vector.shape_cast %swap3A_91 : vector<16xf32> to vector<16xf32>
    %swap3A_93 = vector.shape_cast %broadcast_in_dim3A_89 : vector<16xf32> to vector<16xf32>
    tpu.vector_store %arg7[%swap3A_90], %swap3A_93 {strides = array<i32>} : memref<640xf32, #tpu.memory_space<vmem>>, vector<16xf32>,
    %broadcast_in_dim3A_94 = arith.constant 0.000000e+00 : f32
    %broadcast_in_dim3A_95 = vector.broadcast %broadcast_in_dim3A_94 : f32 to vector<16xf32>
    %swap3A_96 = arith.constant 128 : index
    %swap3A_97 = tpu.vector_load %arg7[%swap3A_96] {strides = array<i32>} : memref<640xf32, #tpu.memory_space<vmem>>, vector<16xf32>,
    %swap3A_98 = vector.shape_cast %swap3A_97 : vector<16xf32> to vector<16xf32>
    %swap3A_99 = vector.shape_cast %broadcast_in_dim3A_95 : vector<16xf32> to vector<16xf32>
    tpu.vector_store %arg7[%swap3A_96], %swap3A_99 {strides = array<i32>} : memref<640xf32, #tpu.memory_space<vmem>>, vector<16xf32>,
    %broadcast_in_dim3A_100 = arith.constant 0.000000e+00 : f32
    %broadcast_in_dim3A_101 = vector.broadcast %broadcast_in_dim3A_100 : f32 to vector<16xf32>
    %swap3A_102 = arith.constant 144 : index
    %swap3A_103 = tpu.vector_load %arg7[%swap3A_102] {strides = array<i32>} : memref<640xf32, #tpu.memory_space<vmem>>, vector<16xf32>,
    %swap3A_104 = vector.shape_cast %swap3A_103 : vector<16xf32> to vector<16xf32>
    %swap3A_105 = vector.shape_cast %broadcast_in_dim3A_101 : vector<16xf32> to vector<16xf32>
    tpu.vector_store %arg7[%swap3A_102], %swap3A_105 {strides = array<i32>} : memref<640xf32, #tpu.memory_space<vmem>>, vector<16xf32>,
    %broadcast_in_dim3A_106 = arith.constant 0.000000e+00 : f32
    %broadcast_in_dim3A_107 = vector.broadcast %broadcast_in_dim3A_106 : f32 to vector<16xf32>
    %swap3A_108 = arith.constant 160 : index
    %swap3A_109 = tpu.vector_load %arg7[%swap3A_108] {strides = array<i32>} : memref<640xf32, #tpu.memory_space<vmem>>, vector<16xf32>,
    %swap3A_110 = vector.shape_cast %swap3A_109 : vector<16xf32> to vector<16xf32>
    %swap3A_111 = vector.shape_cast %broadcast_in_dim3A_107 : vector<16xf32> to vector<16xf32>
    tpu.vector_store %arg7[%swap3A_108], %swap3A_111 {strides = array<i32>} : memref<640xf32, #tpu.memory_space<vmem>>, vector<16xf32>,
    %broadcast_in_dim3A_112 = arith.constant 0.000000e+00 : f32
    %broadcast_in_dim3A_113 = vector.broadcast %broadcast_in_dim3A_112 : f32 to vector<16xf32>
    %swap3A_114 = arith.constant 176 : index
    %swap3A_115 = tpu.vector_load %arg7[%swap3A_114] {strides = array<i32>} : memref<640xf32, #tpu.memory_space<vmem>>, vector<16xf32>,
    %swap3A_116 = vector.shape_cast %swap3A_115 : vector<16xf32> to vector<16xf32>
    %swap3A_117 = vector.shape_cast %broadcast_in_dim3A_113 : vector<16xf32> to vector<16xf32>
    tpu.vector_store %arg7[%swap3A_114], %swap3A_117 {strides = array<i32>} : memref<640xf32, #tpu.memory_space<vmem>>, vector<16xf32>,
    %broadcast_in_dim3A_118 = arith.constant 0.000000e+00 : f32
    %broadcast_in_dim3A_119 = vector.broadcast %broadcast_in_dim3A_118 : f32 to vector<16xf32>
    %swap3A_120 = arith.constant 192 : index
    %swap3A_121 = tpu.vector_load %arg7[%swap3A_120] {strides = array<i32>} : memref<640xf32, #tpu.memory_space<vmem>>, vector<16xf32>,
    %swap3A_122 = vector.shape_cast %swap3A_121 : vector<16xf32> to vector<16xf32>
    %swap3A_123 = vector.shape_cast %broadcast_in_dim3A_119 : vector<16xf32> to vector<16xf32>
    tpu.vector_store %arg7[%swap3A_120], %swap3A_123 {strides = array<i32>} : memref<640xf32, #tpu.memory_space<vmem>>, vector<16xf32>,
    %broadcast_in_dim3A_124 = arith.constant 0.000000e+00 : f32
    %broadcast_in_dim3A_125 = vector.broadcast %broadcast_in_dim3A_124 : f32 to vector<16xf32>
    %swap3A_126 = arith.constant 208 : index
    %swap3A_127 = tpu.vector_load %arg7[%swap3A_126] {strides = array<i32>} : memref<640xf32, #tpu.memory_space<vmem>>, vector<16xf32>,
    %swap3A_128 = vector.shape_cast %swap3A_127 : vector<16xf32> to vector<16xf32>
    %swap3A_129 = vector.shape_cast %broadcast_in_dim3A_125 : vector<16xf32> to vector<16xf32>
    tpu.vector_store %arg7[%swap3A_126], %swap3A_129 {strides = array<i32>} : memref<640xf32, #tpu.memory_space<vmem>>, vector<16xf32>,
    %broadcast_in_dim3A_130 = arith.constant 0.000000e+00 : f32
    %broadcast_in_dim3A_131 = vector.broadcast %broadcast_in_dim3A_130 : f32 to vector<16xf32>
    %swap3A_132 = arith.constant 224 : index
    %swap3A_133 = tpu.vector_load %arg7[%swap3A_132] {strides = array<i32>} : memref<640xf32, #tpu.memory_space<vmem>>, vector<16xf32>,
    %swap3A_134 = vector.shape_cast %swap3A_133 : vector<16xf32> to vector<16xf32>
    %swap3A_135 = vector.shape_cast %broadcast_in_dim3A_131 : vector<16xf32> to vector<16xf32>
    tpu.vector_store %arg7[%swap3A_132], %swap3A_135 {strides = array<i32>} : memref<640xf32, #tpu.memory_space<vmem>>, vector<16xf32>,
    %broadcast_in_dim3A_136 = arith.constant 0.000000e+00 : f32
    %broadcast_in_dim3A_137 = vector.broadcast %broadcast_in_dim3A_136 : f32 to vector<16xf32>
    %swap3A_138 = arith.constant 240 : index
    %swap3A_139 = tpu.vector_load %arg7[%swap3A_138] {strides = array<i32>} : memref<640xf32, #tpu.memory_space<vmem>>, vector<16xf32>,
    %swap3A_140 = vector.shape_cast %swap3A_139 : vector<16xf32> to vector<16xf32>
    %swap3A_141 = vector.shape_cast %broadcast_in_dim3A_137 : vector<16xf32> to vector<16xf32>
    tpu.vector_store %arg7[%swap3A_138], %swap3A_141 {strides = array<i32>} : memref<640xf32, #tpu.memory_space<vmem>>, vector<16xf32>,
    %broadcast_in_dim3A_142 = arith.constant 0.000000e+00 : f32
    %broadcast_in_dim3A_143 = vector.broadcast %broadcast_in_dim3A_142 : f32 to vector<16xf32>
    %swap3A_144 = arith.constant 256 : index
    %swap3A_145 = tpu.vector_load %arg7[%swap3A_144] {strides = array<i32>} : memref<640xf32, #tpu.memory_space<vmem>>, vector<16xf32>,
    %swap3A_146 = vector.shape_cast %swap3A_145 : vector<16xf32> to vector<16xf32>
    %swap3A_147 = vector.shape_cast %broadcast_in_dim3A_143 : vector<16xf32> to vector<16xf32>
    tpu.vector_store %arg7[%swap3A_144], %swap3A_147 {strides = array<i32>} : memref<640xf32, #tpu.memory_space<vmem>>, vector<16xf32>,
    %broadcast_in_dim3A_148 = arith.constant 0.000000e+00 : f32
    %broadcast_in_dim3A_149 = vector.broadcast %broadcast_in_dim3A_148 : f32 to vector<16xf32>
    %swap3A_150 = arith.constant 272 : index
    %swap3A_151 = tpu.vector_load %arg7[%swap3A_150] {strides = array<i32>} : memref<640xf32, #tpu.memory_space<vmem>>, vector<16xf32>,
    %swap3A_152 = vector.shape_cast %swap3A_151 : vector<16xf32> to vector<16xf32>
    %swap3A_153 = vector.shape_cast %broadcast_in_dim3A_149 : vector<16xf32> to vector<16xf32>
    tpu.vector_store %arg7[%swap3A_150], %swap3A_153 {strides = array<i32>} : memref<640xf32, #tpu.memory_space<vmem>>, vector<16xf32>,
    %broadcast_in_dim3A_154 = arith.constant 0.000000e+00 : f32
    %broadcast_in_dim3A_155 = vector.broadcast %broadcast_in_dim3A_154 : f32 to vector<16xf32>
    %swap3A_156 = arith.constant 288 : index
    %swap3A_157 = tpu.vector_load %arg7[%swap3A_156] {strides = array<i32>} : memref<640xf32, #tpu.memory_space<vmem>>, vector<16xf32>,
    %swap3A_158 = vector.shape_cast %swap3A_157 : vector<16xf32> to vector<16xf32>
    %swap3A_159 = vector.shape_cast %broadcast_in_dim3A_155 : vector<16xf32> to vector<16xf32>
    tpu.vector_store %arg7[%swap3A_156], %swap3A_159 {strides = array<i32>} : memref<640xf32, #tpu.memory_space<vmem>>, vector<16xf32>,
    %broadcast_in_dim3A_160 = arith.constant 0.000000e+00 : f32
    %broadcast_in_dim3A_161 = vector.broadcast %broadcast_in_dim3A_160 : f32 to vector<16xf32>
    %swap3A_162 = arith.constant 304 : index
    %swap3A_163 = tpu.vector_load %arg7[%swap3A_162] {strides = array<i32>} : memref<640xf32, #tpu.memory_space<vmem>>, vector<16xf32>,
    %swap3A_164 = vector.shape_cast %swap3A_163 : vector<16xf32> to vector<16xf32>
    %swap3A_165 = vector.shape_cast %broadcast_in_dim3A_161 : vector<16xf32> to vector<16xf32>
    tpu.vector_store %arg7[%swap3A_162], %swap3A_165 {strides = array<i32>} : memref<640xf32, #tpu.memory_space<vmem>>, vector<16xf32>,
    %broadcast_in_dim3A_166 = arith.constant 0.000000e+00 : f32
    %broadcast_in_dim3A_167 = vector.broadcast %broadcast_in_dim3A_166 : f32 to vector<16xf32>
    %swap3A_168 = arith.constant 320 : index
    %swap3A_169 = tpu.vector_load %arg7[%swap3A_168] {strides = array<i32>} : memref<640xf32, #tpu.memory_space<vmem>>, vector<16xf32>,
    %swap3A_170 = vector.shape_cast %swap3A_169 : vector<16xf32> to vector<16xf32>
    %swap3A_171 = vector.shape_cast %broadcast_in_dim3A_167 : vector<16xf32> to vector<16xf32>
    tpu.vector_store %arg7[%swap3A_168], %swap3A_171 {strides = array<i32>} : memref<640xf32, #tpu.memory_space<vmem>>, vector<16xf32>,
    %broadcast_in_dim3A_172 = arith.constant 0.000000e+00 : f32
    %broadcast_in_dim3A_173 = vector.broadcast %broadcast_in_dim3A_172 : f32 to vector<16xf32>
    %swap3A_174 = arith.constant 336 : index
    %swap3A_175 = tpu.vector_load %arg7[%swap3A_174] {strides = array<i32>} : memref<640xf32, #tpu.memory_space<vmem>>, vector<16xf32>,
    %swap3A_176 = vector.shape_cast %swap3A_175 : vector<16xf32> to vector<16xf32>
    %swap3A_177 = vector.shape_cast %broadcast_in_dim3A_173 : vector<16xf32> to vector<16xf32>
    tpu.vector_store %arg7[%swap3A_174], %swap3A_177 {strides = array<i32>} : memref<640xf32, #tpu.memory_space<vmem>>, vector<16xf32>,
    %broadcast_in_dim3A_178 = arith.constant 0.000000e+00 : f32
    %broadcast_in_dim3A_179 = vector.broadcast %broadcast_in_dim3A_178 : f32 to vector<16xf32>
    %swap3A_180 = arith.constant 352 : index
    %swap3A_181 = tpu.vector_load %arg7[%swap3A_180] {strides = array<i32>} : memref<640xf32, #tpu.memory_space<vmem>>, vector<16xf32>,
    %swap3A_182 = vector.shape_cast %swap3A_181 : vector<16xf32> to vector<16xf32>
    %swap3A_183 = vector.shape_cast %broadcast_in_dim3A_179 : vector<16xf32> to vector<16xf32>
    tpu.vector_store %arg7[%swap3A_180], %swap3A_183 {strides = array<i32>} : memref<640xf32, #tpu.memory_space<vmem>>, vector<16xf32>,
    %broadcast_in_dim3A_184 = arith.constant 0.000000e+00 : f32
    %broadcast_in_dim3A_185 = vector.broadcast %broadcast_in_dim3A_184 : f32 to vector<16xf32>
    %swap3A_186 = arith.constant 368 : index
    %swap3A_187 = tpu.vector_load %arg7[%swap3A_186] {strides = array<i32>} : memref<640xf32, #tpu.memory_space<vmem>>, vector<16xf32>,
    %swap3A_188 = vector.shape_cast %swap3A_187 : vector<16xf32> to vector<16xf32>
    %swap3A_189 = vector.shape_cast %broadcast_in_dim3A_185 : vector<16xf32> to vector<16xf32>
    tpu.vector_store %arg7[%swap3A_186], %swap3A_189 {strides = array<i32>} : memref<640xf32, #tpu.memory_space<vmem>>, vector<16xf32>,
    %broadcast_in_dim3A_190 = arith.constant 0.000000e+00 : f32
    %broadcast_in_dim3A_191 = vector.broadcast %broadcast_in_dim3A_190 : f32 to vector<16xf32>
    %swap3A_192 = arith.constant 384 : index
    %swap3A_193 = tpu.vector_load %arg7[%swap3A_192] {strides = array<i32>} : memref<640xf32, #tpu.memory_space<vmem>>, vector<16xf32>,
    %swap3A_194 = vector.shape_cast %swap3A_193 : vector<16xf32> to vector<16xf32>
    %swap3A_195 = vector.shape_cast %broadcast_in_dim3A_191 : vector<16xf32> to vector<16xf32>
    tpu.vector_store %arg7[%swap3A_192], %swap3A_195 {strides = array<i32>} : memref<640xf32, #tpu.memory_space<vmem>>, vector<16xf32>,
    %broadcast_in_dim3A_196 = arith.constant 0.000000e+00 : f32
    %broadcast_in_dim3A_197 = vector.broadcast %broadcast_in_dim3A_196 : f32 to vector<16xf32>
    %swap3A_198 = arith.constant 400 : index
    %swap3A_199 = tpu.vector_load %arg7[%swap3A_198] {strides = array<i32>} : memref<640xf32, #tpu.memory_space<vmem>>, vector<16xf32>,
    %swap3A_200 = vector.shape_cast %swap3A_199 : vector<16xf32> to vector<16xf32>
    %swap3A_201 = vector.shape_cast %broadcast_in_dim3A_197 : vector<16xf32> to vector<16xf32>
    tpu.vector_store %arg7[%swap3A_198], %swap3A_201 {strides = array<i32>} : memref<640xf32, #tpu.memory_space<vmem>>, vector<16xf32>,
    %broadcast_in_dim3A_202 = arith.constant 0.000000e+00 : f32
    %broadcast_in_dim3A_203 = vector.broadcast %broadcast_in_dim3A_202 : f32 to vector<16xf32>
    %swap3A_204 = arith.constant 416 : index
    %swap3A_205 = tpu.vector_load %arg7[%swap3A_204] {strides = array<i32>} : memref<640xf32, #tpu.memory_space<vmem>>, vector<16xf32>,
    %swap3A_206 = vector.shape_cast %swap3A_205 : vector<16xf32> to vector<16xf32>
    %swap3A_207 = vector.shape_cast %broadcast_in_dim3A_203 : vector<16xf32> to vector<16xf32>
    tpu.vector_store %arg7[%swap3A_204], %swap3A_207 {strides = array<i32>} : memref<640xf32, #tpu.memory_space<vmem>>, vector<16xf32>,
    %broadcast_in_dim3A_208 = arith.constant 0.000000e+00 : f32
    %broadcast_in_dim3A_209 = vector.broadcast %broadcast_in_dim3A_208 : f32 to vector<16xf32>
    %swap3A_210 = arith.constant 432 : index
    %swap3A_211 = tpu.vector_load %arg7[%swap3A_210] {strides = array<i32>} : memref<640xf32, #tpu.memory_space<vmem>>, vector<16xf32>,
    %swap3A_212 = vector.shape_cast %swap3A_211 : vector<16xf32> to vector<16xf32>
    %swap3A_213 = vector.shape_cast %broadcast_in_dim3A_209 : vector<16xf32> to vector<16xf32>
    tpu.vector_store %arg7[%swap3A_210], %swap3A_213 {strides = array<i32>} : memref<640xf32, #tpu.memory_space<vmem>>, vector<16xf32>,
    %broadcast_in_dim3A_214 = arith.constant 0.000000e+00 : f32
    %broadcast_in_dim3A_215 = vector.broadcast %broadcast_in_dim3A_214 : f32 to vector<16xf32>
    %swap3A_216 = arith.constant 448 : index
    %swap3A_217 = tpu.vector_load %arg7[%swap3A_216] {strides = array<i32>} : memref<640xf32, #tpu.memory_space<vmem>>, vector<16xf32>,
    %swap3A_218 = vector.shape_cast %swap3A_217 : vector<16xf32> to vector<16xf32>
    %swap3A_219 = vector.shape_cast %broadcast_in_dim3A_215 : vector<16xf32> to vector<16xf32>
    tpu.vector_store %arg7[%swap3A_216], %swap3A_219 {strides = array<i32>} : memref<640xf32, #tpu.memory_space<vmem>>, vector<16xf32>,
    %broadcast_in_dim3A_220 = arith.constant 0.000000e+00 : f32
    %broadcast_in_dim3A_221 = vector.broadcast %broadcast_in_dim3A_220 : f32 to vector<16xf32>
    %swap3A_222 = arith.constant 464 : index
    %swap3A_223 = tpu.vector_load %arg7[%swap3A_222] {strides = array<i32>} : memref<640xf32, #tpu.memory_space<vmem>>, vector<16xf32>,
    %swap3A_224 = vector.shape_cast %swap3A_223 : vector<16xf32> to vector<16xf32>
    %swap3A_225 = vector.shape_cast %broadcast_in_dim3A_221 : vector<16xf32> to vector<16xf32>
    tpu.vector_store %arg7[%swap3A_222], %swap3A_225 {strides = array<i32>} : memref<640xf32, #tpu.memory_space<vmem>>, vector<16xf32>,
    %broadcast_in_dim3A_226 = arith.constant 0.000000e+00 : f32
    %broadcast_in_dim3A_227 = vector.broadcast %broadcast_in_dim3A_226 : f32 to vector<16xf32>
    %swap3A_228 = arith.constant 480 : index
    %swap3A_229 = tpu.vector_load %arg7[%swap3A_228] {strides = array<i32>} : memref<640xf32, #tpu.memory_space<vmem>>, vector<16xf32>,
    %swap3A_230 = vector.shape_cast %swap3A_229 : vector<16xf32> to vector<16xf32>
    %swap3A_231 = vector.shape_cast %broadcast_in_dim3A_227 : vector<16xf32> to vector<16xf32>
    tpu.vector_store %arg7[%swap3A_228], %swap3A_231 {strides = array<i32>} : memref<640xf32, #tpu.memory_space<vmem>>, vector<16xf32>,
    %broadcast_in_dim3A_232 = arith.constant 0.000000e+00 : f32
    %broadcast_in_dim3A_233 = vector.broadcast %broadcast_in_dim3A_232 : f32 to vector<16xf32>
    %swap3A_234 = arith.constant 496 : index
    %swap3A_235 = tpu.vector_load %arg7[%swap3A_234] {strides = array<i32>} : memref<640xf32, #tpu.memory_space<vmem>>, vector<16xf32>,
    %swap3A_236 = vector.shape_cast %swap3A_235 : vector<16xf32> to vector<16xf32>
    %swap3A_237 = vector.shape_cast %broadcast_in_dim3A_233 : vector<16xf32> to vector<16xf32>
    tpu.vector_store %arg7[%swap3A_234], %swap3A_237 {strides = array<i32>} : memref<640xf32, #tpu.memory_space<vmem>>, vector<16xf32>,
    %broadcast_in_dim3A_238 = arith.constant 0.000000e+00 : f32
    %broadcast_in_dim3A_239 = vector.broadcast %broadcast_in_dim3A_238 : f32 to vector<16xf32>
    %swap3A_240 = arith.constant 512 : index
    %swap3A_241 = tpu.vector_load %arg7[%swap3A_240] {strides = array<i32>} : memref<640xf32, #tpu.memory_space<vmem>>, vector<16xf32>,
    %swap3A_242 = vector.shape_cast %swap3A_241 : vector<16xf32> to vector<16xf32>
    %swap3A_243 = vector.shape_cast %broadcast_in_dim3A_239 : vector<16xf32> to vector<16xf32>
    tpu.vector_store %arg7[%swap3A_240], %swap3A_243 {strides = array<i32>} : memref<640xf32, #tpu.memory_space<vmem>>, vector<16xf32>,
    %broadcast_in_dim3A_244 = arith.constant 0.000000e+00 : f32
    %broadcast_in_dim3A_245 = vector.broadcast %broadcast_in_dim3A_244 : f32 to vector<16xf32>
    %swap3A_246 = arith.constant 528 : index
    %swap3A_247 = tpu.vector_load %arg7[%swap3A_246] {strides = array<i32>} : memref<640xf32, #tpu.memory_space<vmem>>, vector<16xf32>,
    %swap3A_248 = vector.shape_cast %swap3A_247 : vector<16xf32> to vector<16xf32>
    %swap3A_249 = vector.shape_cast %broadcast_in_dim3A_245 : vector<16xf32> to vector<16xf32>
    tpu.vector_store %arg7[%swap3A_246], %swap3A_249 {strides = array<i32>} : memref<640xf32, #tpu.memory_space<vmem>>, vector<16xf32>,
    %broadcast_in_dim3A_250 = arith.constant 0.000000e+00 : f32
    %broadcast_in_dim3A_251 = vector.broadcast %broadcast_in_dim3A_250 : f32 to vector<16xf32>
    %swap3A_252 = arith.constant 544 : index
    %swap3A_253 = tpu.vector_load %arg7[%swap3A_252] {strides = array<i32>} : memref<640xf32, #tpu.memory_space<vmem>>, vector<16xf32>,
    %swap3A_254 = vector.shape_cast %swap3A_253 : vector<16xf32> to vector<16xf32>
    %swap3A_255 = vector.shape_cast %broadcast_in_dim3A_251 : vector<16xf32> to vector<16xf32>
    tpu.vector_store %arg7[%swap3A_252], %swap3A_255 {strides = array<i32>} : memref<640xf32, #tpu.memory_space<vmem>>, vector<16xf32>,
    %broadcast_in_dim3A_256 = arith.constant 0.000000e+00 : f32
    %broadcast_in_dim3A_257 = vector.broadcast %broadcast_in_dim3A_256 : f32 to vector<16xf32>
    %swap3A_258 = arith.constant 560 : index
    %swap3A_259 = tpu.vector_load %arg7[%swap3A_258] {strides = array<i32>} : memref<640xf32, #tpu.memory_space<vmem>>, vector<16xf32>,
    %swap3A_260 = vector.shape_cast %swap3A_259 : vector<16xf32> to vector<16xf32>
    %swap3A_261 = vector.shape_cast %broadcast_in_dim3A_257 : vector<16xf32> to vector<16xf32>
    tpu.vector_store %arg7[%swap3A_258], %swap3A_261 {strides = array<i32>} : memref<640xf32, #tpu.memory_space<vmem>>, vector<16xf32>,
    %broadcast_in_dim3A_262 = arith.constant 0.000000e+00 : f32
    %broadcast_in_dim3A_263 = vector.broadcast %broadcast_in_dim3A_262 : f32 to vector<16xf32>
    %swap3A_264 = arith.constant 576 : index
    %swap3A_265 = tpu.vector_load %arg7[%swap3A_264] {strides = array<i32>} : memref<640xf32, #tpu.memory_space<vmem>>, vector<16xf32>,
    %swap3A_266 = vector.shape_cast %swap3A_265 : vector<16xf32> to vector<16xf32>
    %swap3A_267 = vector.shape_cast %broadcast_in_dim3A_263 : vector<16xf32> to vector<16xf32>
    tpu.vector_store %arg7[%swap3A_264], %swap3A_267 {strides = array<i32>} : memref<640xf32, #tpu.memory_space<vmem>>, vector<16xf32>,
    %broadcast_in_dim3A_268 = arith.constant 0.000000e+00 : f32
    %broadcast_in_dim3A_269 = vector.broadcast %broadcast_in_dim3A_268 : f32 to vector<16xf32>
    %swap3A_270 = arith.constant 592 : index
    %swap3A_271 = tpu.vector_load %arg7[%swap3A_270] {strides = array<i32>} : memref<640xf32, #tpu.memory_space<vmem>>, vector<16xf32>,
    %swap3A_272 = vector.shape_cast %swap3A_271 : vector<16xf32> to vector<16xf32>
    %swap3A_273 = vector.shape_cast %broadcast_in_dim3A_269 : vector<16xf32> to vector<16xf32>
    tpu.vector_store %arg7[%swap3A_270], %swap3A_273 {strides = array<i32>} : memref<640xf32, #tpu.memory_space<vmem>>, vector<16xf32>,
    %broadcast_in_dim3A_274 = arith.constant 0.000000e+00 : f32
    %broadcast_in_dim3A_275 = vector.broadcast %broadcast_in_dim3A_274 : f32 to vector<16xf32>
    %swap3A_276 = arith.constant 608 : index
    %swap3A_277 = tpu.vector_load %arg7[%swap3A_276] {strides = array<i32>} : memref<640xf32, #tpu.memory_space<vmem>>, vector<16xf32>,
    %swap3A_278 = vector.shape_cast %swap3A_277 : vector<16xf32> to vector<16xf32>
    %swap3A_279 = vector.shape_cast %broadcast_in_dim3A_275 : vector<16xf32> to vector<16xf32>
    tpu.vector_store %arg7[%swap3A_276], %swap3A_279 {strides = array<i32>} : memref<640xf32, #tpu.memory_space<vmem>>, vector<16xf32>,
    %broadcast_in_dim3A_280 = arith.constant 0.000000e+00 : f32
    %broadcast_in_dim3A_281 = vector.broadcast %broadcast_in_dim3A_280 : f32 to vector<16xf32>
    %swap3A_282 = arith.constant 624 : index
    %swap3A_283 = tpu.vector_load %arg7[%swap3A_282] {strides = array<i32>} : memref<640xf32, #tpu.memory_space<vmem>>, vector<16xf32>,
    %swap3A_284 = vector.shape_cast %swap3A_283 : vector<16xf32> to vector<16xf32>
    %swap3A_285 = vector.shape_cast %broadcast_in_dim3A_281 : vector<16xf32> to vector<16xf32>
    tpu.vector_store %arg7[%swap3A_282], %swap3A_285 {strides = array<i32>} : memref<640xf32, #tpu.memory_space<vmem>>, vector<16xf32>,
    %mul3A = arith.constant 16 : i32
    %mul3A_286 = arith.muli %arg0, %mul3A : i32
    %add3A = arith.addi %mul3A_286, %arg1 : i32
    %mul3A_287 = arith.constant 80 : i32
    %mul3A_288 = arith.muli %add3A, %mul3A_287 : i32
    "tpu.region"() ({
      %run_scoped3A = tpu.sem_alloc : memref<!tpu.dma_semaphore, #tpu.memory_space<semaphore_mem>>
      %dma_start3A = arith.constant 0 : i32
      %dma_start3A_300 = tpu.memref_slice %arg2[%mul3A_288, %dma_start3A] : memref<2560x128xi32, #tpu.memory_space<hbm>> -> memref<80x128xi32, #tpu.memory_space<hbm>>
      %dma_start3A_301 = arith.constant 0 : i32
      %dma_start3A_302 = tpu.memref_slice %arg2[%mul3A_288, %dma_start3A_301] : memref<2560x128xi32, #tpu.memory_space<hbm>> -> memref<80x128xi32, #tpu.memory_space<hbm>>
      tpu.enqueue_dma source(%dma_start3A_302 : memref<80x128xi32, #tpu.memory_space<hbm>>) target(%arg6 : memref<80x128xi32, #tpu.memory_space<vmem>>) target_semaphore(%run_scoped3A : memref<!tpu.dma_semaphore, #tpu.memory_space<semaphore_mem>>)
      %dma_wait3A = arith.constant 0 : i32
      %dma_wait3A_303 = tpu.memref_slice %arg2[%mul3A_288, %dma_wait3A] : memref<2560x128xi32, #tpu.memory_space<hbm>> -> memref<80x128xi32, #tpu.memory_space<hbm>>
      %dma_wait3A_304 = arith.constant 0 : i32
      %dma_wait3A_305 = tpu.memref_slice %arg2[%mul3A_288, %dma_wait3A_304] : memref<2560x128xi32, #tpu.memory_space<hbm>> -> memref<80x128xi32, #tpu.memory_space<hbm>>
      tpu.wait_dma2 semaphore(%run_scoped3A : memref<!tpu.dma_semaphore, #tpu.memory_space<semaphore_mem>>) src(%dma_wait3A_305 : memref<80x128xi32, #tpu.memory_space<hbm>>) dst(%arg6 : memref<80x128xi32, #tpu.memory_space<vmem>>)
      tpu.yield
    }) : () -> ()
    %mul3A_289 = arith.constant 640 : i32
    %mul3A_290 = arith.muli %arg1, %mul3A_289 : i32
    "tpu.region"() ({
      %run_scoped3A = tpu.sem_alloc : memref<!tpu.dma_semaphore, #tpu.memory_space<semaphore_mem>>
      %dma_start3A = tpu.memref_slice %arg4[%mul3A_290] : memref<10240xf32, #tpu.memory_space<vmem_shared>> -> memref<640xf32, #tpu.memory_space<vmem_shared>>
      %dma_start3A_300 = tpu.memref_slice %arg4[%mul3A_290] : memref<10240xf32, #tpu.memory_space<vmem_shared>> -> memref<640xf32, #tpu.memory_space<vmem_shared>>
      tpu.enqueue_dma source(%arg7 : memref<640xf32, #tpu.memory_space<vmem>>) target(%dma_start3A_300 : memref<640xf32, #tpu.memory_space<vmem_shared>>) target_semaphore(%run_scoped3A : memref<!tpu.dma_semaphore, #tpu.memory_space<semaphore_mem>>)
      %dma_wait3A = tpu.memref_slice %arg4[%mul3A_290] : memref<10240xf32, #tpu.memory_space<vmem_shared>> -> memref<640xf32, #tpu.memory_space<vmem_shared>>
      %dma_wait3A_301 = tpu.memref_slice %arg4[%mul3A_290] : memref<10240xf32, #tpu.memory_space<vmem_shared>> -> memref<640xf32, #tpu.memory_space<vmem_shared>>
      tpu.wait_dma2 semaphore(%run_scoped3A : memref<!tpu.dma_semaphore, #tpu.memory_space<semaphore_mem>>) src(%arg7 : memref<640xf32, #tpu.memory_space<vmem>>) dst(%dma_wait3A_301 : memref<640xf32, #tpu.memory_space<vmem_shared>>)
      tpu.yield
    }) : () -> ()
    %barrier3A = arith.constant 0 : index
    tpu.barrier barrier_id(%barrier3A)
    %scan3A = arith.constant 0 : i32
    %scan3A_291 = arith.constant 10 : i32
    %scan3A_292 = arith.addi %scan3A, %scan3A_291 : i32
    %scan3A_293 = arith.constant 1 : i32
    scf.for %scan3A_300 = %scan3A to %scan3A_292 step %scan3A_293  : i32 {
      %mul3A_301 = arith.constant 8 : i32
      %mul3A_302 = arith.muli %scan3A_300, %mul3A_301 : i32
      %add3A_303 = arith.constant 0 : i32
      %add3A_304 = arith.addi %mul3A_302, %add3A_303 : i32
      %dma_start3A = arith.constant 0 : i32
      %dma_start3A_305 = tpu.memref_slice %arg6[%add3A_304, %dma_start3A] : memref<80x128xi32, #tpu.memory_space<vmem>> -> memref<1x128xi32, #tpu.memory_space<vmem>>
      %dma_start3A_306 = tpu.memref_squeeze %dma_start3A_305 : memref<1x128xi32, #tpu.memory_space<vmem>> -> memref<128xi32, #tpu.memory_space<vmem>>
      %dma_start3A_307 = arith.constant 0 : i32
      %dma_start3A_308 = tpu.memref_slice %arg4[%dma_start3A_307] : memref<10240xf32, #tpu.memory_space<vmem_shared>> -> memref<10240xf32, #tpu.memory_space<vmem_shared>>
      tpu.enqueue_indirect_dma source(%arg5 : memref<128xf32, #tpu.memory_space<vmem>>) target(%dma_start3A_308 : memref<10240xf32, #tpu.memory_space<vmem_shared>>) offsets(%dma_start3A_306 : memref<128xi32, #tpu.memory_space<vmem>>) semaphore(%arg8 : memref<!tpu.dma_semaphore, #tpu.memory_space<semaphore_mem>>) {add = true}
      %add3A_309 = arith.constant 1 : i32
      %add3A_310 = arith.addi %mul3A_302, %add3A_309 : i32
      %dma_start3A_311 = arith.constant 0 : i32
      %dma_start3A_312 = tpu.memref_slice %arg6[%add3A_310, %dma_start3A_311] : memref<80x128xi32, #tpu.memory_space<vmem>> -> memref<1x128xi32, #tpu.memory_space<vmem>>
      %dma_start3A_313 = tpu.memref_squeeze %dma_start3A_312 : memref<1x128xi32, #tpu.memory_space<vmem>> -> memref<128xi32, #tpu.memory_space<vmem>>
      %dma_start3A_314 = arith.constant 0 : i32
      %dma_start3A_315 = tpu.memref_slice %arg4[%dma_start3A_314] : memref<10240xf32, #tpu.memory_space<vmem_shared>> -> memref<10240xf32, #tpu.memory_space<vmem_shared>>
      tpu.enqueue_indirect_dma source(%arg5 : memref<128xf32, #tpu.memory_space<vmem>>) target(%dma_start3A_315 : memref<10240xf32, #tpu.memory_space<vmem_shared>>) offsets(%dma_start3A_313 : memref<128xi32, #tpu.memory_space<vmem>>) semaphore(%arg8 : memref<!tpu.dma_semaphore, #tpu.memory_space<semaphore_mem>>) {add = true}
      %add3A_316 = arith.constant 2 : i32
      %add3A_317 = arith.addi %mul3A_302, %add3A_316 : i32
      %dma_start3A_318 = arith.constant 0 : i32
      %dma_start3A_319 = tpu.memref_slice %arg6[%add3A_317, %dma_start3A_318] : memref<80x128xi32, #tpu.memory_space<vmem>> -> memref<1x128xi32, #tpu.memory_space<vmem>>
      %dma_start3A_320 = tpu.memref_squeeze %dma_start3A_319 : memref<1x128xi32, #tpu.memory_space<vmem>> -> memref<128xi32, #tpu.memory_space<vmem>>
      %dma_start3A_321 = arith.constant 0 : i32
      %dma_start3A_322 = tpu.memref_slice %arg4[%dma_start3A_321] : memref<10240xf32, #tpu.memory_space<vmem_shared>> -> memref<10240xf32, #tpu.memory_space<vmem_shared>>
      tpu.enqueue_indirect_dma source(%arg5 : memref<128xf32, #tpu.memory_space<vmem>>) target(%dma_start3A_322 : memref<10240xf32, #tpu.memory_space<vmem_shared>>) offsets(%dma_start3A_320 : memref<128xi32, #tpu.memory_space<vmem>>) semaphore(%arg8 : memref<!tpu.dma_semaphore, #tpu.memory_space<semaphore_mem>>) {add = true}
      %add3A_323 = arith.constant 3 : i32
      %add3A_324 = arith.addi %mul3A_302, %add3A_323 : i32
      %dma_start3A_325 = arith.constant 0 : i32
      %dma_start3A_326 = tpu.memref_slice %arg6[%add3A_324, %dma_start3A_325] : memref<80x128xi32, #tpu.memory_space<vmem>> -> memref<1x128xi32, #tpu.memory_space<vmem>>
      %dma_start3A_327 = tpu.memref_squeeze %dma_start3A_326 : memref<1x128xi32, #tpu.memory_space<vmem>> -> memref<128xi32, #tpu.memory_space<vmem>>
      %dma_start3A_328 = arith.constant 0 : i32
      %dma_start3A_329 = tpu.memref_slice %arg4[%dma_start3A_328] : memref<10240xf32, #tpu.memory_space<vmem_shared>> -> memref<10240xf32, #tpu.memory_space<vmem_shared>>
      tpu.enqueue_indirect_dma source(%arg5 : memref<128xf32, #tpu.memory_space<vmem>>) target(%dma_start3A_329 : memref<10240xf32, #tpu.memory_space<vmem_shared>>) offsets(%dma_start3A_327 : memref<128xi32, #tpu.memory_space<vmem>>) semaphore(%arg8 : memref<!tpu.dma_semaphore, #tpu.memory_space<semaphore_mem>>) {add = true}
      %add3A_330 = arith.constant 4 : i32
      %add3A_331 = arith.addi %mul3A_302, %add3A_330 : i32
      %dma_start3A_332 = arith.constant 0 : i32
      %dma_start3A_333 = tpu.memref_slice %arg6[%add3A_331, %dma_start3A_332] : memref<80x128xi32, #tpu.memory_space<vmem>> -> memref<1x128xi32, #tpu.memory_space<vmem>>
      %dma_start3A_334 = tpu.memref_squeeze %dma_start3A_333 : memref<1x128xi32, #tpu.memory_space<vmem>> -> memref<128xi32, #tpu.memory_space<vmem>>
      %dma_start3A_335 = arith.constant 0 : i32
      %dma_start3A_336 = tpu.memref_slice %arg4[%dma_start3A_335] : memref<10240xf32, #tpu.memory_space<vmem_shared>> -> memref<10240xf32, #tpu.memory_space<vmem_shared>>
      tpu.enqueue_indirect_dma source(%arg5 : memref<128xf32, #tpu.memory_space<vmem>>) target(%dma_start3A_336 : memref<10240xf32, #tpu.memory_space<vmem_shared>>) offsets(%dma_start3A_334 : memref<128xi32, #tpu.memory_space<vmem>>) semaphore(%arg8 : memref<!tpu.dma_semaphore, #tpu.memory_space<semaphore_mem>>) {add = true}
      %add3A_337 = arith.constant 5 : i32
      %add3A_338 = arith.addi %mul3A_302, %add3A_337 : i32
      %dma_start3A_339 = arith.constant 0 : i32
      %dma_start3A_340 = tpu.memref_slice %arg6[%add3A_338, %dma_start3A_339] : memref<80x128xi32, #tpu.memory_space<vmem>> -> memref<1x128xi32, #tpu.memory_space<vmem>>
      %dma_start3A_341 = tpu.memref_squeeze %dma_start3A_340 : memref<1x128xi32, #tpu.memory_space<vmem>> -> memref<128xi32, #tpu.memory_space<vmem>>
      %dma_start3A_342 = arith.constant 0 : i32
      %dma_start3A_343 = tpu.memref_slice %arg4[%dma_start3A_342] : memref<10240xf32, #tpu.memory_space<vmem_shared>> -> memref<10240xf32, #tpu.memory_space<vmem_shared>>
      tpu.enqueue_indirect_dma source(%arg5 : memref<128xf32, #tpu.memory_space<vmem>>) target(%dma_start3A_343 : memref<10240xf32, #tpu.memory_space<vmem_shared>>) offsets(%dma_start3A_341 : memref<128xi32, #tpu.memory_space<vmem>>) semaphore(%arg8 : memref<!tpu.dma_semaphore, #tpu.memory_space<semaphore_mem>>) {add = true}
      %add3A_344 = arith.constant 6 : i32
      %add3A_345 = arith.addi %mul3A_302, %add3A_344 : i32
      %dma_start3A_346 = arith.constant 0 : i32
      %dma_start3A_347 = tpu.memref_slice %arg6[%add3A_345, %dma_start3A_346] : memref<80x128xi32, #tpu.memory_space<vmem>> -> memref<1x128xi32, #tpu.memory_space<vmem>>
      %dma_start3A_348 = tpu.memref_squeeze %dma_start3A_347 : memref<1x128xi32, #tpu.memory_space<vmem>> -> memref<128xi32, #tpu.memory_space<vmem>>
      %dma_start3A_349 = arith.constant 0 : i32
      %dma_start3A_350 = tpu.memref_slice %arg4[%dma_start3A_349] : memref<10240xf32, #tpu.memory_space<vmem_shared>> -> memref<10240xf32, #tpu.memory_space<vmem_shared>>
      tpu.enqueue_indirect_dma source(%arg5 : memref<128xf32, #tpu.memory_space<vmem>>) target(%dma_start3A_350 : memref<10240xf32, #tpu.memory_space<vmem_shared>>) offsets(%dma_start3A_348 : memref<128xi32, #tpu.memory_space<vmem>>) semaphore(%arg8 : memref<!tpu.dma_semaphore, #tpu.memory_space<semaphore_mem>>) {add = true}
      %add3A_351 = arith.constant 7 : i32
      %add3A_352 = arith.addi %mul3A_302, %add3A_351 : i32
      %dma_start3A_353 = arith.constant 0 : i32
      %dma_start3A_354 = tpu.memref_slice %arg6[%add3A_352, %dma_start3A_353] : memref<80x128xi32, #tpu.memory_space<vmem>> -> memref<1x128xi32, #tpu.memory_space<vmem>>
      %dma_start3A_355 = tpu.memref_squeeze %dma_start3A_354 : memref<1x128xi32, #tpu.memory_space<vmem>> -> memref<128xi32, #tpu.memory_space<vmem>>
      %dma_start3A_356 = arith.constant 0 : i32
      %dma_start3A_357 = tpu.memref_slice %arg4[%dma_start3A_356] : memref<10240xf32, #tpu.memory_space<vmem_shared>> -> memref<10240xf32, #tpu.memory_space<vmem_shared>>
      tpu.enqueue_indirect_dma source(%arg5 : memref<128xf32, #tpu.memory_space<vmem>>) target(%dma_start3A_357 : memref<10240xf32, #tpu.memory_space<vmem_shared>>) offsets(%dma_start3A_355 : memref<128xi32, #tpu.memory_space<vmem>>) semaphore(%arg8 : memref<!tpu.dma_semaphore, #tpu.memory_space<semaphore_mem>>) {add = true}
      %dma_wait3A = arith.constant 0 : i32
      %dma_wait3A_358 = tpu.memref_slice %arg6[%add3A_304, %dma_wait3A] : memref<80x128xi32, #tpu.memory_space<vmem>> -> memref<1x128xi32, #tpu.memory_space<vmem>>
      %dma_wait3A_359 = tpu.memref_squeeze %dma_wait3A_358 : memref<1x128xi32, #tpu.memory_space<vmem>> -> memref<128xi32, #tpu.memory_space<vmem>>
      %dma_wait3A_360 = arith.constant 0 : i32
      %dma_wait3A_361 = tpu.memref_slice %arg4[%dma_wait3A_360] : memref<10240xf32, #tpu.memory_space<vmem_shared>> -> memref<10240xf32, #tpu.memory_space<vmem_shared>>
      tpu.wait_indirect_dma semaphore(%arg8 : memref<!tpu.dma_semaphore, #tpu.memory_space<semaphore_mem>>) src(%arg5 : memref<128xf32, #tpu.memory_space<vmem>>) dst(%dma_wait3A_361 : memref<10240xf32, #tpu.memory_space<vmem_shared>>)
      %dma_wait3A_362 = arith.constant 0 : i32
      %dma_wait3A_363 = tpu.memref_slice %arg6[%add3A_310, %dma_wait3A_362] : memref<80x128xi32, #tpu.memory_space<vmem>> -> memref<1x128xi32, #tpu.memory_space<vmem>>
      %dma_wait3A_364 = tpu.memref_squeeze %dma_wait3A_363 : memref<1x128xi32, #tpu.memory_space<vmem>> -> memref<128xi32, #tpu.memory_space<vmem>>
      %dma_wait3A_365 = arith.constant 0 : i32
      %dma_wait3A_366 = tpu.memref_slice %arg4[%dma_wait3A_365] : memref<10240xf32, #tpu.memory_space<vmem_shared>> -> memref<10240xf32, #tpu.memory_space<vmem_shared>>
      tpu.wait_indirect_dma semaphore(%arg8 : memref<!tpu.dma_semaphore, #tpu.memory_space<semaphore_mem>>) src(%arg5 : memref<128xf32, #tpu.memory_space<vmem>>) dst(%dma_wait3A_366 : memref<10240xf32, #tpu.memory_space<vmem_shared>>)
      %dma_wait3A_367 = arith.constant 0 : i32
      %dma_wait3A_368 = tpu.memref_slice %arg6[%add3A_317, %dma_wait3A_367] : memref<80x128xi32, #tpu.memory_space<vmem>> -> memref<1x128xi32, #tpu.memory_space<vmem>>
      %dma_wait3A_369 = tpu.memref_squeeze %dma_wait3A_368 : memref<1x128xi32, #tpu.memory_space<vmem>> -> memref<128xi32, #tpu.memory_space<vmem>>
      %dma_wait3A_370 = arith.constant 0 : i32
      %dma_wait3A_371 = tpu.memref_slice %arg4[%dma_wait3A_370] : memref<10240xf32, #tpu.memory_space<vmem_shared>> -> memref<10240xf32, #tpu.memory_space<vmem_shared>>
      tpu.wait_indirect_dma semaphore(%arg8 : memref<!tpu.dma_semaphore, #tpu.memory_space<semaphore_mem>>) src(%arg5 : memref<128xf32, #tpu.memory_space<vmem>>) dst(%dma_wait3A_371 : memref<10240xf32, #tpu.memory_space<vmem_shared>>)
      %dma_wait3A_372 = arith.constant 0 : i32
      %dma_wait3A_373 = tpu.memref_slice %arg6[%add3A_324, %dma_wait3A_372] : memref<80x128xi32, #tpu.memory_space<vmem>> -> memref<1x128xi32, #tpu.memory_space<vmem>>
      %dma_wait3A_374 = tpu.memref_squeeze %dma_wait3A_373 : memref<1x128xi32, #tpu.memory_space<vmem>> -> memref<128xi32, #tpu.memory_space<vmem>>
      %dma_wait3A_375 = arith.constant 0 : i32
      %dma_wait3A_376 = tpu.memref_slice %arg4[%dma_wait3A_375] : memref<10240xf32, #tpu.memory_space<vmem_shared>> -> memref<10240xf32, #tpu.memory_space<vmem_shared>>
      tpu.wait_indirect_dma semaphore(%arg8 : memref<!tpu.dma_semaphore, #tpu.memory_space<semaphore_mem>>) src(%arg5 : memref<128xf32, #tpu.memory_space<vmem>>) dst(%dma_wait3A_376 : memref<10240xf32, #tpu.memory_space<vmem_shared>>)
      %dma_wait3A_377 = arith.constant 0 : i32
      %dma_wait3A_378 = tpu.memref_slice %arg6[%add3A_331, %dma_wait3A_377] : memref<80x128xi32, #tpu.memory_space<vmem>> -> memref<1x128xi32, #tpu.memory_space<vmem>>
      %dma_wait3A_379 = tpu.memref_squeeze %dma_wait3A_378 : memref<1x128xi32, #tpu.memory_space<vmem>> -> memref<128xi32, #tpu.memory_space<vmem>>
      %dma_wait3A_380 = arith.constant 0 : i32
      %dma_wait3A_381 = tpu.memref_slice %arg4[%dma_wait3A_380] : memref<10240xf32, #tpu.memory_space<vmem_shared>> -> memref<10240xf32, #tpu.memory_space<vmem_shared>>
      tpu.wait_indirect_dma semaphore(%arg8 : memref<!tpu.dma_semaphore, #tpu.memory_space<semaphore_mem>>) src(%arg5 : memref<128xf32, #tpu.memory_space<vmem>>) dst(%dma_wait3A_381 : memref<10240xf32, #tpu.memory_space<vmem_shared>>)
      %dma_wait3A_382 = arith.constant 0 : i32
      %dma_wait3A_383 = tpu.memref_slice %arg6[%add3A_338, %dma_wait3A_382] : memref<80x128xi32, #tpu.memory_space<vmem>> -> memref<1x128xi32, #tpu.memory_space<vmem>>
      %dma_wait3A_384 = tpu.memref_squeeze %dma_wait3A_383 : memref<1x128xi32, #tpu.memory_space<vmem>> -> memref<128xi32, #tpu.memory_space<vmem>>
      %dma_wait3A_385 = arith.constant 0 : i32
      %dma_wait3A_386 = tpu.memref_slice %arg4[%dma_wait3A_385] : memref<10240xf32, #tpu.memory_space<vmem_shared>> -> memref<10240xf32, #tpu.memory_space<vmem_shared>>
      tpu.wait_indirect_dma semaphore(%arg8 : memref<!tpu.dma_semaphore, #tpu.memory_space<semaphore_mem>>) src(%arg5 : memref<128xf32, #tpu.memory_space<vmem>>) dst(%dma_wait3A_386 : memref<10240xf32, #tpu.memory_space<vmem_shared>>)
      %dma_wait3A_387 = arith.constant 0 : i32
      %dma_wait3A_388 = tpu.memref_slice %arg6[%add3A_345, %dma_wait3A_387] : memref<80x128xi32, #tpu.memory_space<vmem>> -> memref<1x128xi32, #tpu.memory_space<vmem>>
      %dma_wait3A_389 = tpu.memref_squeeze %dma_wait3A_388 : memref<1x128xi32, #tpu.memory_space<vmem>> -> memref<128xi32, #tpu.memory_space<vmem>>
      %dma_wait3A_390 = arith.constant 0 : i32
      %dma_wait3A_391 = tpu.memref_slice %arg4[%dma_wait3A_390] : memref<10240xf32, #tpu.memory_space<vmem_shared>> -> memref<10240xf32, #tpu.memory_space<vmem_shared>>
      tpu.wait_indirect_dma semaphore(%arg8 : memref<!tpu.dma_semaphore, #tpu.memory_space<semaphore_mem>>) src(%arg5 : memref<128xf32, #tpu.memory_space<vmem>>) dst(%dma_wait3A_391 : memref<10240xf32, #tpu.memory_space<vmem_shared>>)
      %dma_wait3A_392 = arith.constant 0 : i32
      %dma_wait3A_393 = tpu.memref_slice %arg6[%add3A_352, %dma_wait3A_392] : memref<80x128xi32, #tpu.memory_space<vmem>> -> memref<1x128xi32, #tpu.memory_space<vmem>>
      %dma_wait3A_394 = tpu.memref_squeeze %dma_wait3A_393 : memref<1x128xi32, #tpu.memory_space<vmem>> -> memref<128xi32, #tpu.memory_space<vmem>>
      %dma_wait3A_395 = arith.constant 0 : i32
      %dma_wait3A_396 = tpu.memref_slice %arg4[%dma_wait3A_395] : memref<10240xf32, #tpu.memory_space<vmem_shared>> -> memref<10240xf32, #tpu.memory_space<vmem_shared>>
      tpu.wait_indirect_dma semaphore(%arg8 : memref<!tpu.dma_semaphore, #tpu.memory_space<semaphore_mem>>) src(%arg5 : memref<128xf32, #tpu.memory_space<vmem>>) dst(%dma_wait3A_396 : memref<10240xf32, #tpu.memory_space<vmem_shared>>)
    }
    %scan3A_294 = arith.constant 10 : i32
    %barrier3A_295 = arith.constant 0 : index
    tpu.barrier barrier_id(%barrier3A_295)
    %mul3A_296 = arith.constant 640 : i32
    %mul3A_297 = arith.muli %arg1, %mul3A_296 : i32
    "tpu.region"() ({
      %run_scoped3A = tpu.sem_alloc : memref<!tpu.dma_semaphore, #tpu.memory_space<semaphore_mem>>
      %dma_start3A = tpu.memref_slice %arg4[%mul3A_297] : memref<10240xf32, #tpu.memory_space<vmem_shared>> -> memref<640xf32, #tpu.memory_space<vmem_shared>>
      %dma_start3A_300 = tpu.memref_slice %arg4[%mul3A_297] : memref<10240xf32, #tpu.memory_space<vmem_shared>> -> memref<640xf32, #tpu.memory_space<vmem_shared>>
      tpu.enqueue_dma source(%dma_start3A_300 : memref<640xf32, #tpu.memory_space<vmem_shared>>) target(%arg7 : memref<640xf32, #tpu.memory_space<vmem>>) target_semaphore(%run_scoped3A : memref<!tpu.dma_semaphore, #tpu.memory_space<semaphore_mem>>)
      %dma_wait3A = tpu.memref_slice %arg4[%mul3A_297] : memref<10240xf32, #tpu.memory_space<vmem_shared>> -> memref<640xf32, #tpu.memory_space<vmem_shared>>
      %dma_wait3A_301 = tpu.memref_slice %arg4[%mul3A_297] : memref<10240xf32, #tpu.memory_space<vmem_shared>> -> memref<640xf32, #tpu.memory_space<vmem_shared>>
      tpu.wait_dma2 semaphore(%run_scoped3A : memref<!tpu.dma_semaphore, #tpu.memory_space<semaphore_mem>>) src(%dma_wait3A_301 : memref<640xf32, #tpu.memory_space<vmem_shared>>) dst(%arg7 : memref<640xf32, #tpu.memory_space<vmem>>)
      tpu.yield
    }) : () -> ()
    %mul3A_298 = arith.constant 640 : i32
    %mul3A_299 = arith.muli %arg1, %mul3A_298 : i32
    "tpu.region"() ({
      %run_scoped3A = tpu.sem_alloc : memref<!tpu.dma_semaphore, #tpu.memory_space<semaphore_mem>>
      %dma_start3A = tpu.memref_slice %arg3[%arg0, %mul3A_299] : memref<2x10240xf32, #tpu.memory_space<hbm>> -> memref<1x640xf32, #tpu.memory_space<hbm>>
      %dma_start3A_300 = tpu.memref_squeeze %dma_start3A : memref<1x640xf32, #tpu.memory_space<hbm>> -> memref<640xf32, #tpu.memory_space<hbm>>
      %dma_start3A_301 = tpu.memref_slice %arg3[%arg0, %mul3A_299] : memref<2x10240xf32, #tpu.memory_space<hbm>> -> memref<1x640xf32, #tpu.memory_space<hbm>>
      %dma_start3A_302 = tpu.memref_squeeze %dma_start3A_301 : memref<1x640xf32, #tpu.memory_space<hbm>> -> memref<640xf32, #tpu.memory_space<hbm>>
      tpu.enqueue_dma source(%arg7 : memref<640xf32, #tpu.memory_space<vmem>>) target(%dma_start3A_302 : memref<640xf32, #tpu.memory_space<hbm>>) target_semaphore(%run_scoped3A : memref<!tpu.dma_semaphore, #tpu.memory_space<semaphore_mem>>)
      %dma_wait3A = tpu.memref_slice %arg3[%arg0, %mul3A_299] : memref<2x10240xf32, #tpu.memory_space<hbm>> -> memref<1x640xf32, #tpu.memory_space<hbm>>
      %dma_wait3A_303 = tpu.memref_squeeze %dma_wait3A : memref<1x640xf32, #tpu.memory_space<hbm>> -> memref<640xf32, #tpu.memory_space<hbm>>
      %dma_wait3A_304 = tpu.memref_slice %arg3[%arg0, %mul3A_299] : memref<2x10240xf32, #tpu.memory_space<hbm>> -> memref<1x640xf32, #tpu.memory_space<hbm>>
      %dma_wait3A_305 = tpu.memref_squeeze %dma_wait3A_304 : memref<1x640xf32, #tpu.memory_space<hbm>> -> memref<640xf32, #tpu.memory_space<hbm>>
      tpu.wait_dma2 semaphore(%run_scoped3A : memref<!tpu.dma_semaphore, #tpu.memory_space<semaphore_mem>>) src(%arg7 : memref<640xf32, #tpu.memory_space<vmem>>) dst(%dma_wait3A_305 : memref<640xf32, #tpu.memory_space<hbm>>)
      tpu.yield
    }) : () -> ()
    return
  }
}

#map = affine_map<(d0, d1) -> (0, 0)>
#map1 = affine_map<(d0, d1) -> (0, 0, 0)>
module attributes {stable_mosaic.version = 14 : i64} {
  func.func @_agg_body(%arg0: i32, %arg1: i32, %arg2: memref<10240x32xf32, #tpu.memory_space<hbm>>, %arg3: memref<2560x128xi32, #tpu.memory_space<hbm>>, %arg4: memref<2560x128xi32, #tpu.memory_space<hbm>>, %arg5: memref<2x10240x32xf32, #tpu.memory_space<hbm>>, %arg6: memref<10240x32xf32, #tpu.memory_space<vmem_shared>>, %arg7: memref<80x128xi32, #tpu.memory_space<vmem>>, %arg8: memref<80x128xi32, #tpu.memory_space<vmem>>, %arg9: memref<2560x32xf32, #tpu.memory_space<vmem>>, %arg10: memref<!tpu.dma_semaphore, #tpu.memory_space<semaphore_mem>>, %arg11: memref<!tpu.dma_semaphore, #tpu.memory_space<semaphore_mem>>) attributes {dimension_semantics = [#tpu.dimension_semantics<core_parallel>, #tpu.dimension_semantics<subcore_parallel>], iteration_bounds = array<i64: 2, 16>, scalar_prefetch = 0 : i64, scratch_operands = 6 : i64, tpu.core_type = #tpu.core_type<sc_vector_subcore>, window_params = [{transform_indices = #map}, {transform_indices = #map}, {transform_indices = #map}, {transform_indices = #map1}]} {
    %mul3A = arith.constant 16 : i32
    %mul3A_0 = arith.muli %arg0, %mul3A : i32
    %add3A = arith.addi %mul3A_0, %arg1 : i32
    %mul3A_1 = arith.constant 80 : i32
    %mul3A_2 = arith.muli %add3A, %mul3A_1 : i32
    "tpu.region"() ({
      %run_scoped3A = tpu.sem_alloc : memref<!tpu.dma_semaphore, #tpu.memory_space<semaphore_mem>>
      %dma_start3A_216 = arith.constant 0 : i32
      %dma_start3A_217 = tpu.memref_slice %arg3[%mul3A_2, %dma_start3A_216] : memref<2560x128xi32, #tpu.memory_space<hbm>> -> memref<80x128xi32, #tpu.memory_space<hbm>>
      %dma_start3A_218 = arith.constant 0 : i32
      %dma_start3A_219 = tpu.memref_slice %arg3[%mul3A_2, %dma_start3A_218] : memref<2560x128xi32, #tpu.memory_space<hbm>> -> memref<80x128xi32, #tpu.memory_space<hbm>>
      tpu.enqueue_dma source(%dma_start3A_219 : memref<80x128xi32, #tpu.memory_space<hbm>>) target(%arg7 : memref<80x128xi32, #tpu.memory_space<vmem>>) target_semaphore(%run_scoped3A : memref<!tpu.dma_semaphore, #tpu.memory_space<semaphore_mem>>)
      %dma_wait3A_220 = arith.constant 0 : i32
      %dma_wait3A_221 = tpu.memref_slice %arg3[%mul3A_2, %dma_wait3A_220] : memref<2560x128xi32, #tpu.memory_space<hbm>> -> memref<80x128xi32, #tpu.memory_space<hbm>>
      %dma_wait3A_222 = arith.constant 0 : i32
      %dma_wait3A_223 = tpu.memref_slice %arg3[%mul3A_2, %dma_wait3A_222] : memref<2560x128xi32, #tpu.memory_space<hbm>> -> memref<80x128xi32, #tpu.memory_space<hbm>>
      tpu.wait_dma2 semaphore(%run_scoped3A : memref<!tpu.dma_semaphore, #tpu.memory_space<semaphore_mem>>) src(%dma_wait3A_223 : memref<80x128xi32, #tpu.memory_space<hbm>>) dst(%arg7 : memref<80x128xi32, #tpu.memory_space<vmem>>)
      tpu.yield
    }) : () -> ()
    %mul3A_3 = arith.constant 80 : i32
    %mul3A_4 = arith.muli %add3A, %mul3A_3 : i32
    "tpu.region"() ({
      %run_scoped3A = tpu.sem_alloc : memref<!tpu.dma_semaphore, #tpu.memory_space<semaphore_mem>>
      %dma_start3A_216 = arith.constant 0 : i32
      %dma_start3A_217 = tpu.memref_slice %arg4[%mul3A_4, %dma_start3A_216] : memref<2560x128xi32, #tpu.memory_space<hbm>> -> memref<80x128xi32, #tpu.memory_space<hbm>>
      %dma_start3A_218 = arith.constant 0 : i32
      %dma_start3A_219 = tpu.memref_slice %arg4[%mul3A_4, %dma_start3A_218] : memref<2560x128xi32, #tpu.memory_space<hbm>> -> memref<80x128xi32, #tpu.memory_space<hbm>>
      tpu.enqueue_dma source(%dma_start3A_219 : memref<80x128xi32, #tpu.memory_space<hbm>>) target(%arg8 : memref<80x128xi32, #tpu.memory_space<vmem>>) target_semaphore(%run_scoped3A : memref<!tpu.dma_semaphore, #tpu.memory_space<semaphore_mem>>)
      %dma_wait3A_220 = arith.constant 0 : i32
      %dma_wait3A_221 = tpu.memref_slice %arg4[%mul3A_4, %dma_wait3A_220] : memref<2560x128xi32, #tpu.memory_space<hbm>> -> memref<80x128xi32, #tpu.memory_space<hbm>>
      %dma_wait3A_222 = arith.constant 0 : i32
      %dma_wait3A_223 = tpu.memref_slice %arg4[%mul3A_4, %dma_wait3A_222] : memref<2560x128xi32, #tpu.memory_space<hbm>> -> memref<80x128xi32, #tpu.memory_space<hbm>>
      tpu.wait_dma2 semaphore(%run_scoped3A : memref<!tpu.dma_semaphore, #tpu.memory_space<semaphore_mem>>) src(%dma_wait3A_223 : memref<80x128xi32, #tpu.memory_space<hbm>>) dst(%arg8 : memref<80x128xi32, #tpu.memory_space<vmem>>)
      tpu.yield
    }) : () -> ()
    %mul3A_5 = arith.constant 640 : i32
    %mul3A_6 = arith.muli %arg1, %mul3A_5 : i32
    "tpu.region"() ({
      %run_scoped3A = tpu.sem_alloc : memref<!tpu.dma_semaphore, #tpu.memory_space<semaphore_mem>>
      %dma_start3A_216 = arith.constant 0 : i32
      %dma_start3A_217 = arith.constant 0 : i32
      %dma_start3A_218 = tpu.memref_slice %arg9[%dma_start3A_216, %dma_start3A_217] : memref<2560x32xf32, #tpu.memory_space<vmem>> -> memref<640x32xf32, #tpu.memory_space<vmem>>
      %dma_start3A_219 = arith.constant 0 : i32
      %dma_start3A_220 = tpu.memref_slice %arg2[%mul3A_6, %dma_start3A_219] : memref<10240x32xf32, #tpu.memory_space<hbm>> -> memref<640x32xf32, #tpu.memory_space<hbm>>
      %dma_start3A_221 = arith.constant 0 : i32
      %dma_start3A_222 = arith.constant 0 : i32
      %dma_start3A_223 = tpu.memref_slice %arg9[%dma_start3A_221, %dma_start3A_222] : memref<2560x32xf32, #tpu.memory_space<vmem>> -> memref<640x32xf32, #tpu.memory_space<vmem>>
      %dma_start3A_224 = arith.constant 0 : i32
      %dma_start3A_225 = tpu.memref_slice %arg2[%mul3A_6, %dma_start3A_224] : memref<10240x32xf32, #tpu.memory_space<hbm>> -> memref<640x32xf32, #tpu.memory_space<hbm>>
      tpu.enqueue_dma source(%dma_start3A_225 : memref<640x32xf32, #tpu.memory_space<hbm>>) target(%dma_start3A_223 : memref<640x32xf32, #tpu.memory_space<vmem>>) target_semaphore(%run_scoped3A : memref<!tpu.dma_semaphore, #tpu.memory_space<semaphore_mem>>)
      %dma_wait3A_226 = arith.constant 0 : i32
      %dma_wait3A_227 = arith.constant 0 : i32
      %dma_wait3A_228 = tpu.memref_slice %arg9[%dma_wait3A_226, %dma_wait3A_227] : memref<2560x32xf32, #tpu.memory_space<vmem>> -> memref<640x32xf32, #tpu.memory_space<vmem>>
      %dma_wait3A_229 = arith.constant 0 : i32
      %dma_wait3A_230 = tpu.memref_slice %arg2[%mul3A_6, %dma_wait3A_229] : memref<10240x32xf32, #tpu.memory_space<hbm>> -> memref<640x32xf32, #tpu.memory_space<hbm>>
      %dma_wait3A_231 = arith.constant 0 : i32
      %dma_wait3A_232 = arith.constant 0 : i32
      %dma_wait3A_233 = tpu.memref_slice %arg9[%dma_wait3A_231, %dma_wait3A_232] : memref<2560x32xf32, #tpu.memory_space<vmem>> -> memref<640x32xf32, #tpu.memory_space<vmem>>
      %dma_wait3A_234 = arith.constant 0 : i32
      %dma_wait3A_235 = tpu.memref_slice %arg2[%mul3A_6, %dma_wait3A_234] : memref<10240x32xf32, #tpu.memory_space<hbm>> -> memref<640x32xf32, #tpu.memory_space<hbm>>
      tpu.wait_dma2 semaphore(%run_scoped3A : memref<!tpu.dma_semaphore, #tpu.memory_space<semaphore_mem>>) src(%dma_wait3A_235 : memref<640x32xf32, #tpu.memory_space<hbm>>) dst(%dma_wait3A_233 : memref<640x32xf32, #tpu.memory_space<vmem>>)
      tpu.yield
    }) : () -> ()
    %mul3A_7 = arith.constant 640 : i32
    %mul3A_8 = arith.muli %arg1, %mul3A_7 : i32
    "tpu.region"() ({
      %run_scoped3A = tpu.sem_alloc : memref<!tpu.dma_semaphore, #tpu.memory_space<semaphore_mem>>
      %dma_start3A_216 = arith.constant 0 : i32
      %dma_start3A_217 = arith.constant 0 : i32
      %dma_start3A_218 = tpu.memref_slice %arg9[%dma_start3A_216, %dma_start3A_217] : memref<2560x32xf32, #tpu.memory_space<vmem>> -> memref<640x32xf32, #tpu.memory_space<vmem>>
      %dma_start3A_219 = arith.constant 0 : i32
      %dma_start3A_220 = tpu.memref_slice %arg6[%mul3A_8, %dma_start3A_219] : memref<10240x32xf32, #tpu.memory_space<vmem_shared>> -> memref<640x32xf32, #tpu.memory_space<vmem_shared>>
      %dma_start3A_221 = arith.constant 0 : i32
      %dma_start3A_222 = tpu.memref_slice %arg6[%mul3A_8, %dma_start3A_221] : memref<10240x32xf32, #tpu.memory_space<vmem_shared>> -> memref<640x32xf32, #tpu.memory_space<vmem_shared>>
      %dma_start3A_223 = arith.constant 0 : i32
      %dma_start3A_224 = arith.constant 0 : i32
      %dma_start3A_225 = tpu.memref_slice %arg9[%dma_start3A_223, %dma_start3A_224] : memref<2560x32xf32, #tpu.memory_space<vmem>> -> memref<640x32xf32, #tpu.memory_space<vmem>>
      tpu.enqueue_dma source(%dma_start3A_225 : memref<640x32xf32, #tpu.memory_space<vmem>>) target(%dma_start3A_222 : memref<640x32xf32, #tpu.memory_space<vmem_shared>>) target_semaphore(%run_scoped3A : memref<!tpu.dma_semaphore, #tpu.memory_space<semaphore_mem>>)
      %dma_wait3A_226 = arith.constant 0 : i32
      %dma_wait3A_227 = arith.constant 0 : i32
      %dma_wait3A_228 = tpu.memref_slice %arg9[%dma_wait3A_226, %dma_wait3A_227] : memref<2560x32xf32, #tpu.memory_space<vmem>> -> memref<640x32xf32, #tpu.memory_space<vmem>>
      %dma_wait3A_229 = arith.constant 0 : i32
      %dma_wait3A_230 = tpu.memref_slice %arg6[%mul3A_8, %dma_wait3A_229] : memref<10240x32xf32, #tpu.memory_space<vmem_shared>> -> memref<640x32xf32, #tpu.memory_space<vmem_shared>>
      %dma_wait3A_231 = arith.constant 0 : i32
      %dma_wait3A_232 = tpu.memref_slice %arg6[%mul3A_8, %dma_wait3A_231] : memref<10240x32xf32, #tpu.memory_space<vmem_shared>> -> memref<640x32xf32, #tpu.memory_space<vmem_shared>>
      %dma_wait3A_233 = arith.constant 0 : i32
      %dma_wait3A_234 = arith.constant 0 : i32
      %dma_wait3A_235 = tpu.memref_slice %arg9[%dma_wait3A_233, %dma_wait3A_234] : memref<2560x32xf32, #tpu.memory_space<vmem>> -> memref<640x32xf32, #tpu.memory_space<vmem>>
      tpu.wait_dma2 semaphore(%run_scoped3A : memref<!tpu.dma_semaphore, #tpu.memory_space<semaphore_mem>>) src(%dma_wait3A_235 : memref<640x32xf32, #tpu.memory_space<vmem>>) dst(%dma_wait3A_232 : memref<640x32xf32, #tpu.memory_space<vmem_shared>>)
      tpu.yield
    }) : () -> ()
    %barrier3A = arith.constant 0 : index
    tpu.barrier barrier_id(%barrier3A)
    %dma_start3A = arith.constant 0 : i32
    %dma_start3A_9 = arith.constant 0 : i32
    %dma_start3A_10 = arith.constant 0 : i32
    %dma_start3A_11 = tpu.memref_slice %arg9[%dma_start3A_9, %dma_start3A_10] : memref<2560x32xf32, #tpu.memory_space<vmem>> -> memref<128x32xf32, #tpu.memory_space<vmem>>
    %dma_start3A_12 = arith.constant 0 : i32
    %dma_start3A_13 = tpu.memref_slice %arg7[%dma_start3A, %dma_start3A_12] : memref<80x128xi32, #tpu.memory_space<vmem>> -> memref<1x128xi32, #tpu.memory_space<vmem>>
    %dma_start3A_14 = tpu.memref_squeeze %dma_start3A_13 : memref<1x128xi32, #tpu.memory_space<vmem>> -> memref<128xi32, #tpu.memory_space<vmem>>
    %dma_start3A_15 = arith.constant 0 : i32
    %dma_start3A_16 = arith.constant 0 : i32
    %dma_start3A_17 = tpu.memref_slice %arg2[%dma_start3A_15, %dma_start3A_16] : memref<10240x32xf32, #tpu.memory_space<hbm>> -> memref<10240x32xf32, #tpu.memory_space<hbm>>
    tpu.enqueue_indirect_dma source(%dma_start3A_17 : memref<10240x32xf32, #tpu.memory_space<hbm>>) target(%dma_start3A_11 : memref<128x32xf32, #tpu.memory_space<vmem>>) offsets(%dma_start3A_14 : memref<128xi32, #tpu.memory_space<vmem>>) semaphore(%arg10 : memref<!tpu.dma_semaphore, #tpu.memory_space<semaphore_mem>>)
    %dma_start3A_18 = arith.constant 1 : i32
    %dma_start3A_19 = arith.constant 128 : i32
    %dma_start3A_20 = arith.constant 0 : i32
    %dma_start3A_21 = tpu.memref_slice %arg9[%dma_start3A_19, %dma_start3A_20] : memref<2560x32xf32, #tpu.memory_space<vmem>> -> memref<128x32xf32, #tpu.memory_space<vmem>>
    %dma_start3A_22 = arith.constant 0 : i32
    %dma_start3A_23 = tpu.memref_slice %arg7[%dma_start3A_18, %dma_start3A_22] : memref<80x128xi32, #tpu.memory_space<vmem>> -> memref<1x128xi32, #tpu.memory_space<vmem>>
    %dma_start3A_24 = tpu.memref_squeeze %dma_start3A_23 : memref<1x128xi32, #tpu.memory_space<vmem>> -> memref<128xi32, #tpu.memory_space<vmem>>
    %dma_start3A_25 = arith.constant 0 : i32
    %dma_start3A_26 = arith.constant 0 : i32
    %dma_start3A_27 = tpu.memref_slice %arg2[%dma_start3A_25, %dma_start3A_26] : memref<10240x32xf32, #tpu.memory_space<hbm>> -> memref<10240x32xf32, #tpu.memory_space<hbm>>
    tpu.enqueue_indirect_dma source(%dma_start3A_27 : memref<10240x32xf32, #tpu.memory_space<hbm>>) target(%dma_start3A_21 : memref<128x32xf32, #tpu.memory_space<vmem>>) offsets(%dma_start3A_24 : memref<128xi32, #tpu.memory_space<vmem>>) semaphore(%arg10 : memref<!tpu.dma_semaphore, #tpu.memory_space<semaphore_mem>>)
    %dma_start3A_28 = arith.constant 2 : i32
    %dma_start3A_29 = arith.constant 256 : i32
    %dma_start3A_30 = arith.constant 0 : i32
    %dma_start3A_31 = tpu.memref_slice %arg9[%dma_start3A_29, %dma_start3A_30] : memref<2560x32xf32, #tpu.memory_space<vmem>> -> memref<128x32xf32, #tpu.memory_space<vmem>>
    %dma_start3A_32 = arith.constant 0 : i32
    %dma_start3A_33 = tpu.memref_slice %arg7[%dma_start3A_28, %dma_start3A_32] : memref<80x128xi32, #tpu.memory_space<vmem>> -> memref<1x128xi32, #tpu.memory_space<vmem>>
    %dma_start3A_34 = tpu.memref_squeeze %dma_start3A_33 : memref<1x128xi32, #tpu.memory_space<vmem>> -> memref<128xi32, #tpu.memory_space<vmem>>
    %dma_start3A_35 = arith.constant 0 : i32
    %dma_start3A_36 = arith.constant 0 : i32
    %dma_start3A_37 = tpu.memref_slice %arg2[%dma_start3A_35, %dma_start3A_36] : memref<10240x32xf32, #tpu.memory_space<hbm>> -> memref<10240x32xf32, #tpu.memory_space<hbm>>
    tpu.enqueue_indirect_dma source(%dma_start3A_37 : memref<10240x32xf32, #tpu.memory_space<hbm>>) target(%dma_start3A_31 : memref<128x32xf32, #tpu.memory_space<vmem>>) offsets(%dma_start3A_34 : memref<128xi32, #tpu.memory_space<vmem>>) semaphore(%arg10 : memref<!tpu.dma_semaphore, #tpu.memory_space<semaphore_mem>>)
    %dma_start3A_38 = arith.constant 3 : i32
    %dma_start3A_39 = arith.constant 384 : i32
    %dma_start3A_40 = arith.constant 0 : i32
    %dma_start3A_41 = tpu.memref_slice %arg9[%dma_start3A_39, %dma_start3A_40] : memref<2560x32xf32, #tpu.memory_space<vmem>> -> memref<128x32xf32, #tpu.memory_space<vmem>>
    %dma_start3A_42 = arith.constant 0 : i32
    %dma_start3A_43 = tpu.memref_slice %arg7[%dma_start3A_38, %dma_start3A_42] : memref<80x128xi32, #tpu.memory_space<vmem>> -> memref<1x128xi32, #tpu.memory_space<vmem>>
    %dma_start3A_44 = tpu.memref_squeeze %dma_start3A_43 : memref<1x128xi32, #tpu.memory_space<vmem>> -> memref<128xi32, #tpu.memory_space<vmem>>
    %dma_start3A_45 = arith.constant 0 : i32
    %dma_start3A_46 = arith.constant 0 : i32
    %dma_start3A_47 = tpu.memref_slice %arg2[%dma_start3A_45, %dma_start3A_46] : memref<10240x32xf32, #tpu.memory_space<hbm>> -> memref<10240x32xf32, #tpu.memory_space<hbm>>
    tpu.enqueue_indirect_dma source(%dma_start3A_47 : memref<10240x32xf32, #tpu.memory_space<hbm>>) target(%dma_start3A_41 : memref<128x32xf32, #tpu.memory_space<vmem>>) offsets(%dma_start3A_44 : memref<128xi32, #tpu.memory_space<vmem>>) semaphore(%arg10 : memref<!tpu.dma_semaphore, #tpu.memory_space<semaphore_mem>>)
    %dma_start3A_48 = arith.constant 4 : i32
    %dma_start3A_49 = arith.constant 512 : i32
    %dma_start3A_50 = arith.constant 0 : i32
    %dma_start3A_51 = tpu.memref_slice %arg9[%dma_start3A_49, %dma_start3A_50] : memref<2560x32xf32, #tpu.memory_space<vmem>> -> memref<128x32xf32, #tpu.memory_space<vmem>>
    %dma_start3A_52 = arith.constant 0 : i32
    %dma_start3A_53 = tpu.memref_slice %arg7[%dma_start3A_48, %dma_start3A_52] : memref<80x128xi32, #tpu.memory_space<vmem>> -> memref<1x128xi32, #tpu.memory_space<vmem>>
    %dma_start3A_54 = tpu.memref_squeeze %dma_start3A_53 : memref<1x128xi32, #tpu.memory_space<vmem>> -> memref<128xi32, #tpu.memory_space<vmem>>
    %dma_start3A_55 = arith.constant 0 : i32
    %dma_start3A_56 = arith.constant 0 : i32
    %dma_start3A_57 = tpu.memref_slice %arg2[%dma_start3A_55, %dma_start3A_56] : memref<10240x32xf32, #tpu.memory_space<hbm>> -> memref<10240x32xf32, #tpu.memory_space<hbm>>
    tpu.enqueue_indirect_dma source(%dma_start3A_57 : memref<10240x32xf32, #tpu.memory_space<hbm>>) target(%dma_start3A_51 : memref<128x32xf32, #tpu.memory_space<vmem>>) offsets(%dma_start3A_54 : memref<128xi32, #tpu.memory_space<vmem>>) semaphore(%arg10 : memref<!tpu.dma_semaphore, #tpu.memory_space<semaphore_mem>>)
    %dma_start3A_58 = arith.constant 5 : i32
    %dma_start3A_59 = arith.constant 640 : i32
    %dma_start3A_60 = arith.constant 0 : i32
    %dma_start3A_61 = tpu.memref_slice %arg9[%dma_start3A_59, %dma_start3A_60] : memref<2560x32xf32, #tpu.memory_space<vmem>> -> memref<128x32xf32, #tpu.memory_space<vmem>>
    %dma_start3A_62 = arith.constant 0 : i32
    %dma_start3A_63 = tpu.memref_slice %arg7[%dma_start3A_58, %dma_start3A_62] : memref<80x128xi32, #tpu.memory_space<vmem>> -> memref<1x128xi32, #tpu.memory_space<vmem>>
    %dma_start3A_64 = tpu.memref_squeeze %dma_start3A_63 : memref<1x128xi32, #tpu.memory_space<vmem>> -> memref<128xi32, #tpu.memory_space<vmem>>
    %dma_start3A_65 = arith.constant 0 : i32
    %dma_start3A_66 = arith.constant 0 : i32
    %dma_start3A_67 = tpu.memref_slice %arg2[%dma_start3A_65, %dma_start3A_66] : memref<10240x32xf32, #tpu.memory_space<hbm>> -> memref<10240x32xf32, #tpu.memory_space<hbm>>
    tpu.enqueue_indirect_dma source(%dma_start3A_67 : memref<10240x32xf32, #tpu.memory_space<hbm>>) target(%dma_start3A_61 : memref<128x32xf32, #tpu.memory_space<vmem>>) offsets(%dma_start3A_64 : memref<128xi32, #tpu.memory_space<vmem>>) semaphore(%arg10 : memref<!tpu.dma_semaphore, #tpu.memory_space<semaphore_mem>>)
    %dma_start3A_68 = arith.constant 6 : i32
    %dma_start3A_69 = arith.constant 768 : i32
    %dma_start3A_70 = arith.constant 0 : i32
    %dma_start3A_71 = tpu.memref_slice %arg9[%dma_start3A_69, %dma_start3A_70] : memref<2560x32xf32, #tpu.memory_space<vmem>> -> memref<128x32xf32, #tpu.memory_space<vmem>>
    %dma_start3A_72 = arith.constant 0 : i32
    %dma_start3A_73 = tpu.memref_slice %arg7[%dma_start3A_68, %dma_start3A_72] : memref<80x128xi32, #tpu.memory_space<vmem>> -> memref<1x128xi32, #tpu.memory_space<vmem>>
    %dma_start3A_74 = tpu.memref_squeeze %dma_start3A_73 : memref<1x128xi32, #tpu.memory_space<vmem>> -> memref<128xi32, #tpu.memory_space<vmem>>
    %dma_start3A_75 = arith.constant 0 : i32
    %dma_start3A_76 = arith.constant 0 : i32
    %dma_start3A_77 = tpu.memref_slice %arg2[%dma_start3A_75, %dma_start3A_76] : memref<10240x32xf32, #tpu.memory_space<hbm>> -> memref<10240x32xf32, #tpu.memory_space<hbm>>
    tpu.enqueue_indirect_dma source(%dma_start3A_77 : memref<10240x32xf32, #tpu.memory_space<hbm>>) target(%dma_start3A_71 : memref<128x32xf32, #tpu.memory_space<vmem>>) offsets(%dma_start3A_74 : memref<128xi32, #tpu.memory_space<vmem>>) semaphore(%arg10 : memref<!tpu.dma_semaphore, #tpu.memory_space<semaphore_mem>>)
    %dma_start3A_78 = arith.constant 7 : i32
    %dma_start3A_79 = arith.constant 896 : i32
    %dma_start3A_80 = arith.constant 0 : i32
    %dma_start3A_81 = tpu.memref_slice %arg9[%dma_start3A_79, %dma_start3A_80] : memref<2560x32xf32, #tpu.memory_space<vmem>> -> memref<128x32xf32, #tpu.memory_space<vmem>>
    %dma_start3A_82 = arith.constant 0 : i32
    %dma_start3A_83 = tpu.memref_slice %arg7[%dma_start3A_78, %dma_start3A_82] : memref<80x128xi32, #tpu.memory_space<vmem>> -> memref<1x128xi32, #tpu.memory_space<vmem>>
    %dma_start3A_84 = tpu.memref_squeeze %dma_start3A_83 : memref<1x128xi32, #tpu.memory_space<vmem>> -> memref<128xi32, #tpu.memory_space<vmem>>
    %dma_start3A_85 = arith.constant 0 : i32
    %dma_start3A_86 = arith.constant 0 : i32
    %dma_start3A_87 = tpu.memref_slice %arg2[%dma_start3A_85, %dma_start3A_86] : memref<10240x32xf32, #tpu.memory_space<hbm>> -> memref<10240x32xf32, #tpu.memory_space<hbm>>
    tpu.enqueue_indirect_dma source(%dma_start3A_87 : memref<10240x32xf32, #tpu.memory_space<hbm>>) target(%dma_start3A_81 : memref<128x32xf32, #tpu.memory_space<vmem>>) offsets(%dma_start3A_84 : memref<128xi32, #tpu.memory_space<vmem>>) semaphore(%arg10 : memref<!tpu.dma_semaphore, #tpu.memory_space<semaphore_mem>>)
    %dma_start3A_88 = arith.constant 8 : i32
    %dma_start3A_89 = arith.constant 1024 : i32
    %dma_start3A_90 = arith.constant 0 : i32
    %dma_start3A_91 = tpu.memref_slice %arg9[%dma_start3A_89, %dma_start3A_90] : memref<2560x32xf32, #tpu.memory_space<vmem>> -> memref<128x32xf32, #tpu.memory_space<vmem>>
    %dma_start3A_92 = arith.constant 0 : i32
    %dma_start3A_93 = tpu.memref_slice %arg7[%dma_start3A_88, %dma_start3A_92] : memref<80x128xi32, #tpu.memory_space<vmem>> -> memref<1x128xi32, #tpu.memory_space<vmem>>
    %dma_start3A_94 = tpu.memref_squeeze %dma_start3A_93 : memref<1x128xi32, #tpu.memory_space<vmem>> -> memref<128xi32, #tpu.memory_space<vmem>>
    %dma_start3A_95 = arith.constant 0 : i32
    %dma_start3A_96 = arith.constant 0 : i32
    %dma_start3A_97 = tpu.memref_slice %arg2[%dma_start3A_95, %dma_start3A_96] : memref<10240x32xf32, #tpu.memory_space<hbm>> -> memref<10240x32xf32, #tpu.memory_space<hbm>>
    tpu.enqueue_indirect_dma source(%dma_start3A_97 : memref<10240x32xf32, #tpu.memory_space<hbm>>) target(%dma_start3A_91 : memref<128x32xf32, #tpu.memory_space<vmem>>) offsets(%dma_start3A_94 : memref<128xi32, #tpu.memory_space<vmem>>) semaphore(%arg10 : memref<!tpu.dma_semaphore, #tpu.memory_space<semaphore_mem>>)
    %dma_start3A_98 = arith.constant 9 : i32
    %dma_start3A_99 = arith.constant 1152 : i32
    %dma_start3A_100 = arith.constant 0 : i32
    %dma_start3A_101 = tpu.memref_slice %arg9[%dma_start3A_99, %dma_start3A_100] : memref<2560x32xf32, #tpu.memory_space<vmem>> -> memref<128x32xf32, #tpu.memory_space<vmem>>
    %dma_start3A_102 = arith.constant 0 : i32
    %dma_start3A_103 = tpu.memref_slice %arg7[%dma_start3A_98, %dma_start3A_102] : memref<80x128xi32, #tpu.memory_space<vmem>> -> memref<1x128xi32, #tpu.memory_space<vmem>>
    %dma_start3A_104 = tpu.memref_squeeze %dma_start3A_103 : memref<1x128xi32, #tpu.memory_space<vmem>> -> memref<128xi32, #tpu.memory_space<vmem>>
    %dma_start3A_105 = arith.constant 0 : i32
    %dma_start3A_106 = arith.constant 0 : i32
    %dma_start3A_107 = tpu.memref_slice %arg2[%dma_start3A_105, %dma_start3A_106] : memref<10240x32xf32, #tpu.memory_space<hbm>> -> memref<10240x32xf32, #tpu.memory_space<hbm>>
    tpu.enqueue_indirect_dma source(%dma_start3A_107 : memref<10240x32xf32, #tpu.memory_space<hbm>>) target(%dma_start3A_101 : memref<128x32xf32, #tpu.memory_space<vmem>>) offsets(%dma_start3A_104 : memref<128xi32, #tpu.memory_space<vmem>>) semaphore(%arg10 : memref<!tpu.dma_semaphore, #tpu.memory_space<semaphore_mem>>)
    %scan3A = arith.constant 0 : i32
    %scan3A_108 = arith.constant 8 : i32
    %scan3A_109 = arith.addi %scan3A, %scan3A_108 : i32
    %scan3A_110 = arith.constant 1 : i32
    scf.for %scan3A_216 = %scan3A to %scan3A_109 step %scan3A_110  : i32 {
      %rem3A = arith.constant 2 : i32
      %rem3A_217 = arith.remsi %scan3A_216, %rem3A : i32
      %sub3A = arith.constant 1 : i32
      %sub3A_218 = arith.subi %sub3A, %rem3A_217 : i32
      %mul3A_219 = arith.constant 10 : i32
      %mul3A_220 = arith.muli %scan3A_216, %mul3A_219 : i32
      %add3A_221 = arith.constant 0 : i32
      %add3A_222 = arith.addi %mul3A_220, %add3A_221 : i32
      %mul3A_223 = arith.constant 1280 : i32
      %mul3A_224 = arith.muli %rem3A_217, %mul3A_223 : i32
      %add3A_225 = arith.constant 0 : i32
      %add3A_226 = arith.addi %mul3A_224, %add3A_225 : i32
      %dma_wait3A_227 = arith.constant 0 : i32
      %dma_wait3A_228 = tpu.memref_slice %arg9[%add3A_226, %dma_wait3A_227] : memref<2560x32xf32, #tpu.memory_space<vmem>> -> memref<128x32xf32, #tpu.memory_space<vmem>>
      %dma_wait3A_229 = arith.constant 0 : i32
      %dma_wait3A_230 = tpu.memref_slice %arg7[%add3A_222, %dma_wait3A_229] : memref<80x128xi32, #tpu.memory_space<vmem>> -> memref<1x128xi32, #tpu.memory_space<vmem>>
      %dma_wait3A_231 = tpu.memref_squeeze %dma_wait3A_230 : memref<1x128xi32, #tpu.memory_space<vmem>> -> memref<128xi32, #tpu.memory_space<vmem>>
      %dma_wait3A_232 = arith.constant 0 : i32
      %dma_wait3A_233 = arith.constant 0 : i32
      %dma_wait3A_234 = tpu.memref_slice %arg2[%dma_wait3A_232, %dma_wait3A_233] : memref<10240x32xf32, #tpu.memory_space<hbm>> -> memref<10240x32xf32, #tpu.memory_space<hbm>>
      tpu.wait_indirect_dma semaphore(%arg10 : memref<!tpu.dma_semaphore, #tpu.memory_space<semaphore_mem>>) src(%dma_wait3A_234 : memref<10240x32xf32, #tpu.memory_space<hbm>>) dst(%dma_wait3A_228 : memref<128x32xf32, #tpu.memory_space<vmem>>)
      %mul3A_235 = arith.constant 10 : i32
      %mul3A_236 = arith.muli %scan3A_216, %mul3A_235 : i32
      %add3A_237 = arith.constant 1 : i32
      %add3A_238 = arith.addi %mul3A_236, %add3A_237 : i32
      %mul3A_239 = arith.constant 1280 : i32
      %mul3A_240 = arith.muli %rem3A_217, %mul3A_239 : i32
      %add3A_241 = arith.constant 128 : i32
      %add3A_242 = arith.addi %mul3A_240, %add3A_241 : i32
      %dma_wait3A_243 = arith.constant 0 : i32
      %dma_wait3A_244 = tpu.memref_slice %arg9[%add3A_242, %dma_wait3A_243] : memref<2560x32xf32, #tpu.memory_space<vmem>> -> memref<128x32xf32, #tpu.memory_space<vmem>>
      %dma_wait3A_245 = arith.constant 0 : i32
      %dma_wait3A_246 = tpu.memref_slice %arg7[%add3A_238, %dma_wait3A_245] : memref<80x128xi32, #tpu.memory_space<vmem>> -> memref<1x128xi32, #tpu.memory_space<vmem>>
      %dma_wait3A_247 = tpu.memref_squeeze %dma_wait3A_246 : memref<1x128xi32, #tpu.memory_space<vmem>> -> memref<128xi32, #tpu.memory_space<vmem>>
      %dma_wait3A_248 = arith.constant 0 : i32
      %dma_wait3A_249 = arith.constant 0 : i32
      %dma_wait3A_250 = tpu.memref_slice %arg2[%dma_wait3A_248, %dma_wait3A_249] : memref<10240x32xf32, #tpu.memory_space<hbm>> -> memref<10240x32xf32, #tpu.memory_space<hbm>>
      tpu.wait_indirect_dma semaphore(%arg10 : memref<!tpu.dma_semaphore, #tpu.memory_space<semaphore_mem>>) src(%dma_wait3A_250 : memref<10240x32xf32, #tpu.memory_space<hbm>>) dst(%dma_wait3A_244 : memref<128x32xf32, #tpu.memory_space<vmem>>)
      %mul3A_251 = arith.constant 10 : i32
      %mul3A_252 = arith.muli %scan3A_216, %mul3A_251 : i32
      %add3A_253 = arith.constant 2 : i32
      %add3A_254 = arith.addi %mul3A_252, %add3A_253 : i32
      %mul3A_255 = arith.constant 1280 : i32
      %mul3A_256 = arith.muli %rem3A_217, %mul3A_255 : i32
      %add3A_257 = arith.constant 256 : i32
      %add3A_258 = arith.addi %mul3A_256, %add3A_257 : i32
      %dma_wait3A_259 = arith.constant 0 : i32
      %dma_wait3A_260 = tpu.memref_slice %arg9[%add3A_258, %dma_wait3A_259] : memref<2560x32xf32, #tpu.memory_space<vmem>> -> memref<128x32xf32, #tpu.memory_space<vmem>>
      %dma_wait3A_261 = arith.constant 0 : i32
      %dma_wait3A_262 = tpu.memref_slice %arg7[%add3A_254, %dma_wait3A_261] : memref<80x128xi32, #tpu.memory_space<vmem>> -> memref<1x128xi32, #tpu.memory_space<vmem>>
      %dma_wait3A_263 = tpu.memref_squeeze %dma_wait3A_262 : memref<1x128xi32, #tpu.memory_space<vmem>> -> memref<128xi32, #tpu.memory_space<vmem>>
      %dma_wait3A_264 = arith.constant 0 : i32
      %dma_wait3A_265 = arith.constant 0 : i32
      %dma_wait3A_266 = tpu.memref_slice %arg2[%dma_wait3A_264, %dma_wait3A_265] : memref<10240x32xf32, #tpu.memory_space<hbm>> -> memref<10240x32xf32, #tpu.memory_space<hbm>>
      tpu.wait_indirect_dma semaphore(%arg10 : memref<!tpu.dma_semaphore, #tpu.memory_space<semaphore_mem>>) src(%dma_wait3A_266 : memref<10240x32xf32, #tpu.memory_space<hbm>>) dst(%dma_wait3A_260 : memref<128x32xf32, #tpu.memory_space<vmem>>)
      %mul3A_267 = arith.constant 10 : i32
      %mul3A_268 = arith.muli %scan3A_216, %mul3A_267 : i32
      %add3A_269 = arith.constant 3 : i32
      %add3A_270 = arith.addi %mul3A_268, %add3A_269 : i32
      %mul3A_271 = arith.constant 1280 : i32
      %mul3A_272 = arith.muli %rem3A_217, %mul3A_271 : i32
      %add3A_273 = arith.constant 384 : i32
      %add3A_274 = arith.addi %mul3A_272, %add3A_273 : i32
      %dma_wait3A_275 = arith.constant 0 : i32
      %dma_wait3A_276 = tpu.memref_slice %arg9[%add3A_274, %dma_wait3A_275] : memref<2560x32xf32, #tpu.memory_space<vmem>> -> memref<128x32xf32, #tpu.memory_space<vmem>>
      %dma_wait3A_277 = arith.constant 0 : i32
      %dma_wait3A_278 = tpu.memref_slice %arg7[%add3A_270, %dma_wait3A_277] : memref<80x128xi32, #tpu.memory_space<vmem>> -> memref<1x128xi32, #tpu.memory_space<vmem>>
      %dma_wait3A_279 = tpu.memref_squeeze %dma_wait3A_278 : memref<1x128xi32, #tpu.memory_space<vmem>> -> memref<128xi32, #tpu.memory_space<vmem>>
      %dma_wait3A_280 = arith.constant 0 : i32
      %dma_wait3A_281 = arith.constant 0 : i32
      %dma_wait3A_282 = tpu.memref_slice %arg2[%dma_wait3A_280, %dma_wait3A_281] : memref<10240x32xf32, #tpu.memory_space<hbm>> -> memref<10240x32xf32, #tpu.memory_space<hbm>>
      tpu.wait_indirect_dma semaphore(%arg10 : memref<!tpu.dma_semaphore, #tpu.memory_space<semaphore_mem>>) src(%dma_wait3A_282 : memref<10240x32xf32, #tpu.memory_space<hbm>>) dst(%dma_wait3A_276 : memref<128x32xf32, #tpu.memory_space<vmem>>)
      %mul3A_283 = arith.constant 10 : i32
      %mul3A_284 = arith.muli %scan3A_216, %mul3A_283 : i32
      %add3A_285 = arith.constant 4 : i32
      %add3A_286 = arith.addi %mul3A_284, %add3A_285 : i32
      %mul3A_287 = arith.constant 1280 : i32
      %mul3A_288 = arith.muli %rem3A_217, %mul3A_287 : i32
      %add3A_289 = arith.constant 512 : i32
      %add3A_290 = arith.addi %mul3A_288, %add3A_289 : i32
      %dma_wait3A_291 = arith.constant 0 : i32
      %dma_wait3A_292 = tpu.memref_slice %arg9[%add3A_290, %dma_wait3A_291] : memref<2560x32xf32, #tpu.memory_space<vmem>> -> memref<128x32xf32, #tpu.memory_space<vmem>>
      %dma_wait3A_293 = arith.constant 0 : i32
      %dma_wait3A_294 = tpu.memref_slice %arg7[%add3A_286, %dma_wait3A_293] : memref<80x128xi32, #tpu.memory_space<vmem>> -> memref<1x128xi32, #tpu.memory_space<vmem>>
      %dma_wait3A_295 = tpu.memref_squeeze %dma_wait3A_294 : memref<1x128xi32, #tpu.memory_space<vmem>> -> memref<128xi32, #tpu.memory_space<vmem>>
      %dma_wait3A_296 = arith.constant 0 : i32
      %dma_wait3A_297 = arith.constant 0 : i32
      %dma_wait3A_298 = tpu.memref_slice %arg2[%dma_wait3A_296, %dma_wait3A_297] : memref<10240x32xf32, #tpu.memory_space<hbm>> -> memref<10240x32xf32, #tpu.memory_space<hbm>>
      tpu.wait_indirect_dma semaphore(%arg10 : memref<!tpu.dma_semaphore, #tpu.memory_space<semaphore_mem>>) src(%dma_wait3A_298 : memref<10240x32xf32, #tpu.memory_space<hbm>>) dst(%dma_wait3A_292 : memref<128x32xf32, #tpu.memory_space<vmem>>)
      %mul3A_299 = arith.constant 10 : i32
      %mul3A_300 = arith.muli %scan3A_216, %mul3A_299 : i32
      %add3A_301 = arith.constant 5 : i32
      %add3A_302 = arith.addi %mul3A_300, %add3A_301 : i32
      %mul3A_303 = arith.constant 1280 : i32
      %mul3A_304 = arith.muli %rem3A_217, %mul3A_303 : i32
      %add3A_305 = arith.constant 640 : i32
      %add3A_306 = arith.addi %mul3A_304, %add3A_305 : i32
      %dma_wait3A_307 = arith.constant 0 : i32
      %dma_wait3A_308 = tpu.memref_slice %arg9[%add3A_306, %dma_wait3A_307] : memref<2560x32xf32, #tpu.memory_space<vmem>> -> memref<128x32xf32, #tpu.memory_space<vmem>>
      %dma_wait3A_309 = arith.constant 0 : i32
      %dma_wait3A_310 = tpu.memref_slice %arg7[%add3A_302, %dma_wait3A_309] : memref<80x128xi32, #tpu.memory_space<vmem>> -> memref<1x128xi32, #tpu.memory_space<vmem>>
      %dma_wait3A_311 = tpu.memref_squeeze %dma_wait3A_310 : memref<1x128xi32, #tpu.memory_space<vmem>> -> memref<128xi32, #tpu.memory_space<vmem>>
      %dma_wait3A_312 = arith.constant 0 : i32
      %dma_wait3A_313 = arith.constant 0 : i32
      %dma_wait3A_314 = tpu.memref_slice %arg2[%dma_wait3A_312, %dma_wait3A_313] : memref<10240x32xf32, #tpu.memory_space<hbm>> -> memref<10240x32xf32, #tpu.memory_space<hbm>>
      tpu.wait_indirect_dma semaphore(%arg10 : memref<!tpu.dma_semaphore, #tpu.memory_space<semaphore_mem>>) src(%dma_wait3A_314 : memref<10240x32xf32, #tpu.memory_space<hbm>>) dst(%dma_wait3A_308 : memref<128x32xf32, #tpu.memory_space<vmem>>)
      %mul3A_315 = arith.constant 10 : i32
      %mul3A_316 = arith.muli %scan3A_216, %mul3A_315 : i32
      %add3A_317 = arith.constant 6 : i32
      %add3A_318 = arith.addi %mul3A_316, %add3A_317 : i32
      %mul3A_319 = arith.constant 1280 : i32
      %mul3A_320 = arith.muli %rem3A_217, %mul3A_319 : i32
      %add3A_321 = arith.constant 768 : i32
      %add3A_322 = arith.addi %mul3A_320, %add3A_321 : i32
      %dma_wait3A_323 = arith.constant 0 : i32
      %dma_wait3A_324 = tpu.memref_slice %arg9[%add3A_322, %dma_wait3A_323] : memref<2560x32xf32, #tpu.memory_space<vmem>> -> memref<128x32xf32, #tpu.memory_space<vmem>>
      %dma_wait3A_325 = arith.constant 0 : i32
      %dma_wait3A_326 = tpu.memref_slice %arg7[%add3A_318, %dma_wait3A_325] : memref<80x128xi32, #tpu.memory_space<vmem>> -> memref<1x128xi32, #tpu.memory_space<vmem>>
      %dma_wait3A_327 = tpu.memref_squeeze %dma_wait3A_326 : memref<1x128xi32, #tpu.memory_space<vmem>> -> memref<128xi32, #tpu.memory_space<vmem>>
      %dma_wait3A_328 = arith.constant 0 : i32
      %dma_wait3A_329 = arith.constant 0 : i32
      %dma_wait3A_330 = tpu.memref_slice %arg2[%dma_wait3A_328, %dma_wait3A_329] : memref<10240x32xf32, #tpu.memory_space<hbm>> -> memref<10240x32xf32, #tpu.memory_space<hbm>>
      tpu.wait_indirect_dma semaphore(%arg10 : memref<!tpu.dma_semaphore, #tpu.memory_space<semaphore_mem>>) src(%dma_wait3A_330 : memref<10240x32xf32, #tpu.memory_space<hbm>>) dst(%dma_wait3A_324 : memref<128x32xf32, #tpu.memory_space<vmem>>)
      %mul3A_331 = arith.constant 10 : i32
      %mul3A_332 = arith.muli %scan3A_216, %mul3A_331 : i32
      %add3A_333 = arith.constant 7 : i32
      %add3A_334 = arith.addi %mul3A_332, %add3A_333 : i32
      %mul3A_335 = arith.constant 1280 : i32
      %mul3A_336 = arith.muli %rem3A_217, %mul3A_335 : i32
      %add3A_337 = arith.constant 896 : i32
      %add3A_338 = arith.addi %mul3A_336, %add3A_337 : i32
      %dma_wait3A_339 = arith.constant 0 : i32
      %dma_wait3A_340 = tpu.memref_slice %arg9[%add3A_338, %dma_wait3A_339] : memref<2560x32xf32, #tpu.memory_space<vmem>> -> memref<128x32xf32, #tpu.memory_space<vmem>>
      %dma_wait3A_341 = arith.constant 0 : i32
      %dma_wait3A_342 = tpu.memref_slice %arg7[%add3A_334, %dma_wait3A_341] : memref<80x128xi32, #tpu.memory_space<vmem>> -> memref<1x128xi32, #tpu.memory_space<vmem>>
      %dma_wait3A_343 = tpu.memref_squeeze %dma_wait3A_342 : memref<1x128xi32, #tpu.memory_space<vmem>> -> memref<128xi32, #tpu.memory_space<vmem>>
      %dma_wait3A_344 = arith.constant 0 : i32
      %dma_wait3A_345 = arith.constant 0 : i32
      %dma_wait3A_346 = tpu.memref_slice %arg2[%dma_wait3A_344, %dma_wait3A_345] : memref<10240x32xf32, #tpu.memory_space<hbm>> -> memref<10240x32xf32, #tpu.memory_space<hbm>>
      tpu.wait_indirect_dma semaphore(%arg10 : memref<!tpu.dma_semaphore, #tpu.memory_space<semaphore_mem>>) src(%dma_wait3A_346 : memref<10240x32xf32, #tpu.memory_space<hbm>>) dst(%dma_wait3A_340 : memref<128x32xf32, #tpu.memory_space<vmem>>)
      %mul3A_347 = arith.constant 10 : i32
      %mul3A_348 = arith.muli %scan3A_216, %mul3A_347 : i32
      %add3A_349 = arith.constant 8 : i32
      %add3A_350 = arith.addi %mul3A_348, %add3A_349 : i32
      %mul3A_351 = arith.constant 1280 : i32
      %mul3A_352 = arith.muli %rem3A_217, %mul3A_351 : i32
      %add3A_353 = arith.constant 1024 : i32
      %add3A_354 = arith.addi %mul3A_352, %add3A_353 : i32
      %dma_wait3A_355 = arith.constant 0 : i32
      %dma_wait3A_356 = tpu.memref_slice %arg9[%add3A_354, %dma_wait3A_355] : memref<2560x32xf32, #tpu.memory_space<vmem>> -> memref<128x32xf32, #tpu.memory_space<vmem>>
      %dma_wait3A_357 = arith.constant 0 : i32
      %dma_wait3A_358 = tpu.memref_slice %arg7[%add3A_350, %dma_wait3A_357] : memref<80x128xi32, #tpu.memory_space<vmem>> -> memref<1x128xi32, #tpu.memory_space<vmem>>
      %dma_wait3A_359 = tpu.memref_squeeze %dma_wait3A_358 : memref<1x128xi32, #tpu.memory_space<vmem>> -> memref<128xi32, #tpu.memory_space<vmem>>
      %dma_wait3A_360 = arith.constant 0 : i32
      %dma_wait3A_361 = arith.constant 0 : i32
      %dma_wait3A_362 = tpu.memref_slice %arg2[%dma_wait3A_360, %dma_wait3A_361] : memref<10240x32xf32, #tpu.memory_space<hbm>> -> memref<10240x32xf32, #tpu.memory_space<hbm>>
      tpu.wait_indirect_dma semaphore(%arg10 : memref<!tpu.dma_semaphore, #tpu.memory_space<semaphore_mem>>) src(%dma_wait3A_362 : memref<10240x32xf32, #tpu.memory_space<hbm>>) dst(%dma_wait3A_356 : memref<128x32xf32, #tpu.memory_space<vmem>>)
      %mul3A_363 = arith.constant 10 : i32
      %mul3A_364 = arith.muli %scan3A_216, %mul3A_363 : i32
      %add3A_365 = arith.constant 9 : i32
      %add3A_366 = arith.addi %mul3A_364, %add3A_365 : i32
      %mul3A_367 = arith.constant 1280 : i32
      %mul3A_368 = arith.muli %rem3A_217, %mul3A_367 : i32
      %add3A_369 = arith.constant 1152 : i32
      %add3A_370 = arith.addi %mul3A_368, %add3A_369 : i32
      %dma_wait3A_371 = arith.constant 0 : i32
      %dma_wait3A_372 = tpu.memref_slice %arg9[%add3A_370, %dma_wait3A_371] : memref<2560x32xf32, #tpu.memory_space<vmem>> -> memref<128x32xf32, #tpu.memory_space<vmem>>
      %dma_wait3A_373 = arith.constant 0 : i32
      %dma_wait3A_374 = tpu.memref_slice %arg7[%add3A_366, %dma_wait3A_373] : memref<80x128xi32, #tpu.memory_space<vmem>> -> memref<1x128xi32, #tpu.memory_space<vmem>>
      %dma_wait3A_375 = tpu.memref_squeeze %dma_wait3A_374 : memref<1x128xi32, #tpu.memory_space<vmem>> -> memref<128xi32, #tpu.memory_space<vmem>>
      %dma_wait3A_376 = arith.constant 0 : i32
      %dma_wait3A_377 = arith.constant 0 : i32
      %dma_wait3A_378 = tpu.memref_slice %arg2[%dma_wait3A_376, %dma_wait3A_377] : memref<10240x32xf32, #tpu.memory_space<hbm>> -> memref<10240x32xf32, #tpu.memory_space<hbm>>
      tpu.wait_indirect_dma semaphore(%arg10 : memref<!tpu.dma_semaphore, #tpu.memory_space<semaphore_mem>>) src(%dma_wait3A_378 : memref<10240x32xf32, #tpu.memory_space<hbm>>) dst(%dma_wait3A_372 : memref<128x32xf32, #tpu.memory_space<vmem>>)
      %gt3A = arith.constant 0 : i32
      %gt3A_379 = arith.cmpi sgt, %scan3A_216, %gt3A : i32
      %convert_element_type3A = arith.extui %gt3A_379 : i1 to i32
      %cond3A = arith.constant 0 : i32
      %cond3A_380 = arith.cmpi ne, %convert_element_type3A, %cond3A : i32
      scf.if %cond3A_380 {
        %sub3A_545 = arith.constant 1 : i32
        %sub3A_546 = arith.subi %scan3A_216, %sub3A_545 : i32
        %mul3A_547 = arith.constant 1280 : i32
        %mul3A_548 = arith.muli %sub3A_218, %mul3A_547 : i32
        %add3A_549 = arith.constant 0 : i32
        %add3A_550 = arith.addi %mul3A_548, %add3A_549 : i32
        %mul3A_551 = arith.constant 10 : i32
        %mul3A_552 = arith.muli %sub3A_546, %mul3A_551 : i32
        %add3A_553 = arith.constant 0 : i32
        %add3A_554 = arith.addi %mul3A_552, %add3A_553 : i32
        %dma_wait3A_555 = arith.constant 0 : i32
        %dma_wait3A_556 = tpu.memref_slice %arg9[%add3A_550, %dma_wait3A_555] : memref<2560x32xf32, #tpu.memory_space<vmem>> -> memref<128x32xf32, #tpu.memory_space<vmem>>
        %dma_wait3A_557 = arith.constant 0 : i32
        %dma_wait3A_558 = tpu.memref_slice %arg8[%add3A_554, %dma_wait3A_557] : memref<80x128xi32, #tpu.memory_space<vmem>> -> memref<1x128xi32, #tpu.memory_space<vmem>>
        %dma_wait3A_559 = tpu.memref_squeeze %dma_wait3A_558 : memref<1x128xi32, #tpu.memory_space<vmem>> -> memref<128xi32, #tpu.memory_space<vmem>>
        %dma_wait3A_560 = arith.constant 0 : i32
        %dma_wait3A_561 = arith.constant 0 : i32
        %dma_wait3A_562 = tpu.memref_slice %arg6[%dma_wait3A_560, %dma_wait3A_561] : memref<10240x32xf32, #tpu.memory_space<vmem_shared>> -> memref<10240x32xf32, #tpu.memory_space<vmem_shared>>
        tpu.wait_indirect_dma semaphore(%arg11 : memref<!tpu.dma_semaphore, #tpu.memory_space<semaphore_mem>>) src(%dma_wait3A_556 : memref<128x32xf32, #tpu.memory_space<vmem>>) dst(%dma_wait3A_562 : memref<10240x32xf32, #tpu.memory_space<vmem_shared>>)
        %sub3A_563 = arith.constant 1 : i32
        %sub3A_564 = arith.subi %scan3A_216, %sub3A_563 : i32
        %mul3A_565 = arith.constant 1280 : i32
        %mul3A_566 = arith.muli %sub3A_218, %mul3A_565 : i32
        %add3A_567 = arith.constant 128 : i32
        %add3A_568 = arith.addi %mul3A_566, %add3A_567 : i32
        %mul3A_569 = arith.constant 10 : i32
        %mul3A_570 = arith.muli %sub3A_564, %mul3A_569 : i32
        %add3A_571 = arith.constant 1 : i32
        %add3A_572 = arith.addi %mul3A_570, %add3A_571 : i32
        %dma_wait3A_573 = arith.constant 0 : i32
        %dma_wait3A_574 = tpu.memref_slice %arg9[%add3A_568, %dma_wait3A_573] : memref<2560x32xf32, #tpu.memory_space<vmem>> -> memref<128x32xf32, #tpu.memory_space<vmem>>
        %dma_wait3A_575 = arith.constant 0 : i32
        %dma_wait3A_576 = tpu.memref_slice %arg8[%add3A_572, %dma_wait3A_575] : memref<80x128xi32, #tpu.memory_space<vmem>> -> memref<1x128xi32, #tpu.memory_space<vmem>>
        %dma_wait3A_577 = tpu.memref_squeeze %dma_wait3A_576 : memref<1x128xi32, #tpu.memory_space<vmem>> -> memref<128xi32, #tpu.memory_space<vmem>>
        %dma_wait3A_578 = arith.constant 0 : i32
        %dma_wait3A_579 = arith.constant 0 : i32
        %dma_wait3A_580 = tpu.memref_slice %arg6[%dma_wait3A_578, %dma_wait3A_579] : memref<10240x32xf32, #tpu.memory_space<vmem_shared>> -> memref<10240x32xf32, #tpu.memory_space<vmem_shared>>
        tpu.wait_indirect_dma semaphore(%arg11 : memref<!tpu.dma_semaphore, #tpu.memory_space<semaphore_mem>>) src(%dma_wait3A_574 : memref<128x32xf32, #tpu.memory_space<vmem>>) dst(%dma_wait3A_580 : memref<10240x32xf32, #tpu.memory_space<vmem_shared>>)
        %sub3A_581 = arith.constant 1 : i32
        %sub3A_582 = arith.subi %scan3A_216, %sub3A_581 : i32
        %mul3A_583 = arith.constant 1280 : i32
        %mul3A_584 = arith.muli %sub3A_218, %mul3A_583 : i32
        %add3A_585 = arith.constant 256 : i32
        %add3A_586 = arith.addi %mul3A_584, %add3A_585 : i32
        %mul3A_587 = arith.constant 10 : i32
        %mul3A_588 = arith.muli %sub3A_582, %mul3A_587 : i32
        %add3A_589 = arith.constant 2 : i32
        %add3A_590 = arith.addi %mul3A_588, %add3A_589 : i32
        %dma_wait3A_591 = arith.constant 0 : i32
        %dma_wait3A_592 = tpu.memref_slice %arg9[%add3A_586, %dma_wait3A_591] : memref<2560x32xf32, #tpu.memory_space<vmem>> -> memref<128x32xf32, #tpu.memory_space<vmem>>
        %dma_wait3A_593 = arith.constant 0 : i32
        %dma_wait3A_594 = tpu.memref_slice %arg8[%add3A_590, %dma_wait3A_593] : memref<80x128xi32, #tpu.memory_space<vmem>> -> memref<1x128xi32, #tpu.memory_space<vmem>>
        %dma_wait3A_595 = tpu.memref_squeeze %dma_wait3A_594 : memref<1x128xi32, #tpu.memory_space<vmem>> -> memref<128xi32, #tpu.memory_space<vmem>>
        %dma_wait3A_596 = arith.constant 0 : i32
        %dma_wait3A_597 = arith.constant 0 : i32
        %dma_wait3A_598 = tpu.memref_slice %arg6[%dma_wait3A_596, %dma_wait3A_597] : memref<10240x32xf32, #tpu.memory_space<vmem_shared>> -> memref<10240x32xf32, #tpu.memory_space<vmem_shared>>
        tpu.wait_indirect_dma semaphore(%arg11 : memref<!tpu.dma_semaphore, #tpu.memory_space<semaphore_mem>>) src(%dma_wait3A_592 : memref<128x32xf32, #tpu.memory_space<vmem>>) dst(%dma_wait3A_598 : memref<10240x32xf32, #tpu.memory_space<vmem_shared>>)
        %sub3A_599 = arith.constant 1 : i32
        %sub3A_600 = arith.subi %scan3A_216, %sub3A_599 : i32
        %mul3A_601 = arith.constant 1280 : i32
        %mul3A_602 = arith.muli %sub3A_218, %mul3A_601 : i32
        %add3A_603 = arith.constant 384 : i32
        %add3A_604 = arith.addi %mul3A_602, %add3A_603 : i32
        %mul3A_605 = arith.constant 10 : i32
        %mul3A_606 = arith.muli %sub3A_600, %mul3A_605 : i32
        %add3A_607 = arith.constant 3 : i32
        %add3A_608 = arith.addi %mul3A_606, %add3A_607 : i32
        %dma_wait3A_609 = arith.constant 0 : i32
        %dma_wait3A_610 = tpu.memref_slice %arg9[%add3A_604, %dma_wait3A_609] : memref<2560x32xf32, #tpu.memory_space<vmem>> -> memref<128x32xf32, #tpu.memory_space<vmem>>
        %dma_wait3A_611 = arith.constant 0 : i32
        %dma_wait3A_612 = tpu.memref_slice %arg8[%add3A_608, %dma_wait3A_611] : memref<80x128xi32, #tpu.memory_space<vmem>> -> memref<1x128xi32, #tpu.memory_space<vmem>>
        %dma_wait3A_613 = tpu.memref_squeeze %dma_wait3A_612 : memref<1x128xi32, #tpu.memory_space<vmem>> -> memref<128xi32, #tpu.memory_space<vmem>>
        %dma_wait3A_614 = arith.constant 0 : i32
        %dma_wait3A_615 = arith.constant 0 : i32
        %dma_wait3A_616 = tpu.memref_slice %arg6[%dma_wait3A_614, %dma_wait3A_615] : memref<10240x32xf32, #tpu.memory_space<vmem_shared>> -> memref<10240x32xf32, #tpu.memory_space<vmem_shared>>
        tpu.wait_indirect_dma semaphore(%arg11 : memref<!tpu.dma_semaphore, #tpu.memory_space<semaphore_mem>>) src(%dma_wait3A_610 : memref<128x32xf32, #tpu.memory_space<vmem>>) dst(%dma_wait3A_616 : memref<10240x32xf32, #tpu.memory_space<vmem_shared>>)
        %sub3A_617 = arith.constant 1 : i32
        %sub3A_618 = arith.subi %scan3A_216, %sub3A_617 : i32
        %mul3A_619 = arith.constant 1280 : i32
        %mul3A_620 = arith.muli %sub3A_218, %mul3A_619 : i32
        %add3A_621 = arith.constant 512 : i32
        %add3A_622 = arith.addi %mul3A_620, %add3A_621 : i32
        %mul3A_623 = arith.constant 10 : i32
        %mul3A_624 = arith.muli %sub3A_618, %mul3A_623 : i32
        %add3A_625 = arith.constant 4 : i32
        %add3A_626 = arith.addi %mul3A_624, %add3A_625 : i32
        %dma_wait3A_627 = arith.constant 0 : i32
        %dma_wait3A_628 = tpu.memref_slice %arg9[%add3A_622, %dma_wait3A_627] : memref<2560x32xf32, #tpu.memory_space<vmem>> -> memref<128x32xf32, #tpu.memory_space<vmem>>
        %dma_wait3A_629 = arith.constant 0 : i32
        %dma_wait3A_630 = tpu.memref_slice %arg8[%add3A_626, %dma_wait3A_629] : memref<80x128xi32, #tpu.memory_space<vmem>> -> memref<1x128xi32, #tpu.memory_space<vmem>>
        %dma_wait3A_631 = tpu.memref_squeeze %dma_wait3A_630 : memref<1x128xi32, #tpu.memory_space<vmem>> -> memref<128xi32, #tpu.memory_space<vmem>>
        %dma_wait3A_632 = arith.constant 0 : i32
        %dma_wait3A_633 = arith.constant 0 : i32
        %dma_wait3A_634 = tpu.memref_slice %arg6[%dma_wait3A_632, %dma_wait3A_633] : memref<10240x32xf32, #tpu.memory_space<vmem_shared>> -> memref<10240x32xf32, #tpu.memory_space<vmem_shared>>
        tpu.wait_indirect_dma semaphore(%arg11 : memref<!tpu.dma_semaphore, #tpu.memory_space<semaphore_mem>>) src(%dma_wait3A_628 : memref<128x32xf32, #tpu.memory_space<vmem>>) dst(%dma_wait3A_634 : memref<10240x32xf32, #tpu.memory_space<vmem_shared>>)
        %sub3A_635 = arith.constant 1 : i32
        %sub3A_636 = arith.subi %scan3A_216, %sub3A_635 : i32
        %mul3A_637 = arith.constant 1280 : i32
        %mul3A_638 = arith.muli %sub3A_218, %mul3A_637 : i32
        %add3A_639 = arith.constant 640 : i32
        %add3A_640 = arith.addi %mul3A_638, %add3A_639 : i32
        %mul3A_641 = arith.constant 10 : i32
        %mul3A_642 = arith.muli %sub3A_636, %mul3A_641 : i32
        %add3A_643 = arith.constant 5 : i32
        %add3A_644 = arith.addi %mul3A_642, %add3A_643 : i32
        %dma_wait3A_645 = arith.constant 0 : i32
        %dma_wait3A_646 = tpu.memref_slice %arg9[%add3A_640, %dma_wait3A_645] : memref<2560x32xf32, #tpu.memory_space<vmem>> -> memref<128x32xf32, #tpu.memory_space<vmem>>
        %dma_wait3A_647 = arith.constant 0 : i32
        %dma_wait3A_648 = tpu.memref_slice %arg8[%add3A_644, %dma_wait3A_647] : memref<80x128xi32, #tpu.memory_space<vmem>> -> memref<1x128xi32, #tpu.memory_space<vmem>>
        %dma_wait3A_649 = tpu.memref_squeeze %dma_wait3A_648 : memref<1x128xi32, #tpu.memory_space<vmem>> -> memref<128xi32, #tpu.memory_space<vmem>>
        %dma_wait3A_650 = arith.constant 0 : i32
        %dma_wait3A_651 = arith.constant 0 : i32
        %dma_wait3A_652 = tpu.memref_slice %arg6[%dma_wait3A_650, %dma_wait3A_651] : memref<10240x32xf32, #tpu.memory_space<vmem_shared>> -> memref<10240x32xf32, #tpu.memory_space<vmem_shared>>
        tpu.wait_indirect_dma semaphore(%arg11 : memref<!tpu.dma_semaphore, #tpu.memory_space<semaphore_mem>>) src(%dma_wait3A_646 : memref<128x32xf32, #tpu.memory_space<vmem>>) dst(%dma_wait3A_652 : memref<10240x32xf32, #tpu.memory_space<vmem_shared>>)
        %sub3A_653 = arith.constant 1 : i32
        %sub3A_654 = arith.subi %scan3A_216, %sub3A_653 : i32
        %mul3A_655 = arith.constant 1280 : i32
        %mul3A_656 = arith.muli %sub3A_218, %mul3A_655 : i32
        %add3A_657 = arith.constant 768 : i32
        %add3A_658 = arith.addi %mul3A_656, %add3A_657 : i32
        %mul3A_659 = arith.constant 10 : i32
        %mul3A_660 = arith.muli %sub3A_654, %mul3A_659 : i32
        %add3A_661 = arith.constant 6 : i32
        %add3A_662 = arith.addi %mul3A_660, %add3A_661 : i32
        %dma_wait3A_663 = arith.constant 0 : i32
        %dma_wait3A_664 = tpu.memref_slice %arg9[%add3A_658, %dma_wait3A_663] : memref<2560x32xf32, #tpu.memory_space<vmem>> -> memref<128x32xf32, #tpu.memory_space<vmem>>
        %dma_wait3A_665 = arith.constant 0 : i32
        %dma_wait3A_666 = tpu.memref_slice %arg8[%add3A_662, %dma_wait3A_665] : memref<80x128xi32, #tpu.memory_space<vmem>> -> memref<1x128xi32, #tpu.memory_space<vmem>>
        %dma_wait3A_667 = tpu.memref_squeeze %dma_wait3A_666 : memref<1x128xi32, #tpu.memory_space<vmem>> -> memref<128xi32, #tpu.memory_space<vmem>>
        %dma_wait3A_668 = arith.constant 0 : i32
        %dma_wait3A_669 = arith.constant 0 : i32
        %dma_wait3A_670 = tpu.memref_slice %arg6[%dma_wait3A_668, %dma_wait3A_669] : memref<10240x32xf32, #tpu.memory_space<vmem_shared>> -> memref<10240x32xf32, #tpu.memory_space<vmem_shared>>
        tpu.wait_indirect_dma semaphore(%arg11 : memref<!tpu.dma_semaphore, #tpu.memory_space<semaphore_mem>>) src(%dma_wait3A_664 : memref<128x32xf32, #tpu.memory_space<vmem>>) dst(%dma_wait3A_670 : memref<10240x32xf32, #tpu.memory_space<vmem_shared>>)
        %sub3A_671 = arith.constant 1 : i32
        %sub3A_672 = arith.subi %scan3A_216, %sub3A_671 : i32
        %mul3A_673 = arith.constant 1280 : i32
        %mul3A_674 = arith.muli %sub3A_218, %mul3A_673 : i32
        %add3A_675 = arith.constant 896 : i32
        %add3A_676 = arith.addi %mul3A_674, %add3A_675 : i32
        %mul3A_677 = arith.constant 10 : i32
        %mul3A_678 = arith.muli %sub3A_672, %mul3A_677 : i32
        %add3A_679 = arith.constant 7 : i32
        %add3A_680 = arith.addi %mul3A_678, %add3A_679 : i32
        %dma_wait3A_681 = arith.constant 0 : i32
        %dma_wait3A_682 = tpu.memref_slice %arg9[%add3A_676, %dma_wait3A_681] : memref<2560x32xf32, #tpu.memory_space<vmem>> -> memref<128x32xf32, #tpu.memory_space<vmem>>
        %dma_wait3A_683 = arith.constant 0 : i32
        %dma_wait3A_684 = tpu.memref_slice %arg8[%add3A_680, %dma_wait3A_683] : memref<80x128xi32, #tpu.memory_space<vmem>> -> memref<1x128xi32, #tpu.memory_space<vmem>>
        %dma_wait3A_685 = tpu.memref_squeeze %dma_wait3A_684 : memref<1x128xi32, #tpu.memory_space<vmem>> -> memref<128xi32, #tpu.memory_space<vmem>>
        %dma_wait3A_686 = arith.constant 0 : i32
        %dma_wait3A_687 = arith.constant 0 : i32
        %dma_wait3A_688 = tpu.memref_slice %arg6[%dma_wait3A_686, %dma_wait3A_687] : memref<10240x32xf32, #tpu.memory_space<vmem_shared>> -> memref<10240x32xf32, #tpu.memory_space<vmem_shared>>
        tpu.wait_indirect_dma semaphore(%arg11 : memref<!tpu.dma_semaphore, #tpu.memory_space<semaphore_mem>>) src(%dma_wait3A_682 : memref<128x32xf32, #tpu.memory_space<vmem>>) dst(%dma_wait3A_688 : memref<10240x32xf32, #tpu.memory_space<vmem_shared>>)
        %sub3A_689 = arith.constant 1 : i32
        %sub3A_690 = arith.subi %scan3A_216, %sub3A_689 : i32
        %mul3A_691 = arith.constant 1280 : i32
        %mul3A_692 = arith.muli %sub3A_218, %mul3A_691 : i32
        %add3A_693 = arith.constant 1024 : i32
        %add3A_694 = arith.addi %mul3A_692, %add3A_693 : i32
        %mul3A_695 = arith.constant 10 : i32
        %mul3A_696 = arith.muli %sub3A_690, %mul3A_695 : i32
        %add3A_697 = arith.constant 8 : i32
        %add3A_698 = arith.addi %mul3A_696, %add3A_697 : i32
        %dma_wait3A_699 = arith.constant 0 : i32
        %dma_wait3A_700 = tpu.memref_slice %arg9[%add3A_694, %dma_wait3A_699] : memref<2560x32xf32, #tpu.memory_space<vmem>> -> memref<128x32xf32, #tpu.memory_space<vmem>>
        %dma_wait3A_701 = arith.constant 0 : i32
        %dma_wait3A_702 = tpu.memref_slice %arg8[%add3A_698, %dma_wait3A_701] : memref<80x128xi32, #tpu.memory_space<vmem>> -> memref<1x128xi32, #tpu.memory_space<vmem>>
        %dma_wait3A_703 = tpu.memref_squeeze %dma_wait3A_702 : memref<1x128xi32, #tpu.memory_space<vmem>> -> memref<128xi32, #tpu.memory_space<vmem>>
        %dma_wait3A_704 = arith.constant 0 : i32
        %dma_wait3A_705 = arith.constant 0 : i32
        %dma_wait3A_706 = tpu.memref_slice %arg6[%dma_wait3A_704, %dma_wait3A_705] : memref<10240x32xf32, #tpu.memory_space<vmem_shared>> -> memref<10240x32xf32, #tpu.memory_space<vmem_shared>>
        tpu.wait_indirect_dma semaphore(%arg11 : memref<!tpu.dma_semaphore, #tpu.memory_space<semaphore_mem>>) src(%dma_wait3A_700 : memref<128x32xf32, #tpu.memory_space<vmem>>) dst(%dma_wait3A_706 : memref<10240x32xf32, #tpu.memory_space<vmem_shared>>)
        %sub3A_707 = arith.constant 1 : i32
        %sub3A_708 = arith.subi %scan3A_216, %sub3A_707 : i32
        %mul3A_709 = arith.constant 1280 : i32
        %mul3A_710 = arith.muli %sub3A_218, %mul3A_709 : i32
        %add3A_711 = arith.constant 1152 : i32
        %add3A_712 = arith.addi %mul3A_710, %add3A_711 : i32
        %mul3A_713 = arith.constant 10 : i32
        %mul3A_714 = arith.muli %sub3A_708, %mul3A_713 : i32
        %add3A_715 = arith.constant 9 : i32
        %add3A_716 = arith.addi %mul3A_714, %add3A_715 : i32
        %dma_wait3A_717 = arith.constant 0 : i32
        %dma_wait3A_718 = tpu.memref_slice %arg9[%add3A_712, %dma_wait3A_717] : memref<2560x32xf32, #tpu.memory_space<vmem>> -> memref<128x32xf32, #tpu.memory_space<vmem>>
        %dma_wait3A_719 = arith.constant 0 : i32
        %dma_wait3A_720 = tpu.memref_slice %arg8[%add3A_716, %dma_wait3A_719] : memref<80x128xi32, #tpu.memory_space<vmem>> -> memref<1x128xi32, #tpu.memory_space<vmem>>
        %dma_wait3A_721 = tpu.memref_squeeze %dma_wait3A_720 : memref<1x128xi32, #tpu.memory_space<vmem>> -> memref<128xi32, #tpu.memory_space<vmem>>
        %dma_wait3A_722 = arith.constant 0 : i32
        %dma_wait3A_723 = arith.constant 0 : i32
        %dma_wait3A_724 = tpu.memref_slice %arg6[%dma_wait3A_722, %dma_wait3A_723] : memref<10240x32xf32, #tpu.memory_space<vmem_shared>> -> memref<10240x32xf32, #tpu.memory_space<vmem_shared>>
        tpu.wait_indirect_dma semaphore(%arg11 : memref<!tpu.dma_semaphore, #tpu.memory_space<semaphore_mem>>) src(%dma_wait3A_718 : memref<128x32xf32, #tpu.memory_space<vmem>>) dst(%dma_wait3A_724 : memref<10240x32xf32, #tpu.memory_space<vmem_shared>>)
      } else {
      }
      %lt3A = arith.constant 7 : i32
      %lt3A_381 = arith.cmpi slt, %scan3A_216, %lt3A : i32
      %convert_element_type3A_382 = arith.extui %lt3A_381 : i1 to i32
      %cond3A_383 = arith.constant 0 : i32
      %cond3A_384 = arith.cmpi ne, %convert_element_type3A_382, %cond3A_383 : i32
      scf.if %cond3A_384 {
        %add3A_545 = arith.constant 1 : i32
        %add3A_546 = arith.addi %scan3A_216, %add3A_545 : i32
        %mul3A_547 = arith.constant 10 : i32
        %mul3A_548 = arith.muli %add3A_546, %mul3A_547 : i32
        %add3A_549 = arith.constant 0 : i32
        %add3A_550 = arith.addi %mul3A_548, %add3A_549 : i32
        %mul3A_551 = arith.constant 1280 : i32
        %mul3A_552 = arith.muli %sub3A_218, %mul3A_551 : i32
        %add3A_553 = arith.constant 0 : i32
        %add3A_554 = arith.addi %mul3A_552, %add3A_553 : i32
        %dma_start3A_555 = arith.constant 0 : i32
        %dma_start3A_556 = tpu.memref_slice %arg9[%add3A_554, %dma_start3A_555] : memref<2560x32xf32, #tpu.memory_space<vmem>> -> memref<128x32xf32, #tpu.memory_space<vmem>>
        %dma_start3A_557 = arith.constant 0 : i32
        %dma_start3A_558 = tpu.memref_slice %arg7[%add3A_550, %dma_start3A_557] : memref<80x128xi32, #tpu.memory_space<vmem>> -> memref<1x128xi32, #tpu.memory_space<vmem>>
        %dma_start3A_559 = tpu.memref_squeeze %dma_start3A_558 : memref<1x128xi32, #tpu.memory_space<vmem>> -> memref<128xi32, #tpu.memory_space<vmem>>
        %dma_start3A_560 = arith.constant 0 : i32
        %dma_start3A_561 = arith.constant 0 : i32
        %dma_start3A_562 = tpu.memref_slice %arg2[%dma_start3A_560, %dma_start3A_561] : memref<10240x32xf32, #tpu.memory_space<hbm>> -> memref<10240x32xf32, #tpu.memory_space<hbm>>
        tpu.enqueue_indirect_dma source(%dma_start3A_562 : memref<10240x32xf32, #tpu.memory_space<hbm>>) target(%dma_start3A_556 : memref<128x32xf32, #tpu.memory_space<vmem>>) offsets(%dma_start3A_559 : memref<128xi32, #tpu.memory_space<vmem>>) semaphore(%arg10 : memref<!tpu.dma_semaphore, #tpu.memory_space<semaphore_mem>>)
        %add3A_563 = arith.constant 1 : i32
        %add3A_564 = arith.addi %scan3A_216, %add3A_563 : i32
        %mul3A_565 = arith.constant 10 : i32
        %mul3A_566 = arith.muli %add3A_564, %mul3A_565 : i32
        %add3A_567 = arith.constant 1 : i32
        %add3A_568 = arith.addi %mul3A_566, %add3A_567 : i32
        %mul3A_569 = arith.constant 1280 : i32
        %mul3A_570 = arith.muli %sub3A_218, %mul3A_569 : i32
        %add3A_571 = arith.constant 128 : i32
        %add3A_572 = arith.addi %mul3A_570, %add3A_571 : i32
        %dma_start3A_573 = arith.constant 0 : i32
        %dma_start3A_574 = tpu.memref_slice %arg9[%add3A_572, %dma_start3A_573] : memref<2560x32xf32, #tpu.memory_space<vmem>> -> memref<128x32xf32, #tpu.memory_space<vmem>>
        %dma_start3A_575 = arith.constant 0 : i32
        %dma_start3A_576 = tpu.memref_slice %arg7[%add3A_568, %dma_start3A_575] : memref<80x128xi32, #tpu.memory_space<vmem>> -> memref<1x128xi32, #tpu.memory_space<vmem>>
        %dma_start3A_577 = tpu.memref_squeeze %dma_start3A_576 : memref<1x128xi32, #tpu.memory_space<vmem>> -> memref<128xi32, #tpu.memory_space<vmem>>
        %dma_start3A_578 = arith.constant 0 : i32
        %dma_start3A_579 = arith.constant 0 : i32
        %dma_start3A_580 = tpu.memref_slice %arg2[%dma_start3A_578, %dma_start3A_579] : memref<10240x32xf32, #tpu.memory_space<hbm>> -> memref<10240x32xf32, #tpu.memory_space<hbm>>
        tpu.enqueue_indirect_dma source(%dma_start3A_580 : memref<10240x32xf32, #tpu.memory_space<hbm>>) target(%dma_start3A_574 : memref<128x32xf32, #tpu.memory_space<vmem>>) offsets(%dma_start3A_577 : memref<128xi32, #tpu.memory_space<vmem>>) semaphore(%arg10 : memref<!tpu.dma_semaphore, #tpu.memory_space<semaphore_mem>>)
        %add3A_581 = arith.constant 1 : i32
        %add3A_582 = arith.addi %scan3A_216, %add3A_581 : i32
        %mul3A_583 = arith.constant 10 : i32
        %mul3A_584 = arith.muli %add3A_582, %mul3A_583 : i32
        %add3A_585 = arith.constant 2 : i32
        %add3A_586 = arith.addi %mul3A_584, %add3A_585 : i32
        %mul3A_587 = arith.constant 1280 : i32
        %mul3A_588 = arith.muli %sub3A_218, %mul3A_587 : i32
        %add3A_589 = arith.constant 256 : i32
        %add3A_590 = arith.addi %mul3A_588, %add3A_589 : i32
        %dma_start3A_591 = arith.constant 0 : i32
        %dma_start3A_592 = tpu.memref_slice %arg9[%add3A_590, %dma_start3A_591] : memref<2560x32xf32, #tpu.memory_space<vmem>> -> memref<128x32xf32, #tpu.memory_space<vmem>>
        %dma_start3A_593 = arith.constant 0 : i32
        %dma_start3A_594 = tpu.memref_slice %arg7[%add3A_586, %dma_start3A_593] : memref<80x128xi32, #tpu.memory_space<vmem>> -> memref<1x128xi32, #tpu.memory_space<vmem>>
        %dma_start3A_595 = tpu.memref_squeeze %dma_start3A_594 : memref<1x128xi32, #tpu.memory_space<vmem>> -> memref<128xi32, #tpu.memory_space<vmem>>
        %dma_start3A_596 = arith.constant 0 : i32
        %dma_start3A_597 = arith.constant 0 : i32
        %dma_start3A_598 = tpu.memref_slice %arg2[%dma_start3A_596, %dma_start3A_597] : memref<10240x32xf32, #tpu.memory_space<hbm>> -> memref<10240x32xf32, #tpu.memory_space<hbm>>
        tpu.enqueue_indirect_dma source(%dma_start3A_598 : memref<10240x32xf32, #tpu.memory_space<hbm>>) target(%dma_start3A_592 : memref<128x32xf32, #tpu.memory_space<vmem>>) offsets(%dma_start3A_595 : memref<128xi32, #tpu.memory_space<vmem>>) semaphore(%arg10 : memref<!tpu.dma_semaphore, #tpu.memory_space<semaphore_mem>>)
        %add3A_599 = arith.constant 1 : i32
        %add3A_600 = arith.addi %scan3A_216, %add3A_599 : i32
        %mul3A_601 = arith.constant 10 : i32
        %mul3A_602 = arith.muli %add3A_600, %mul3A_601 : i32
        %add3A_603 = arith.constant 3 : i32
        %add3A_604 = arith.addi %mul3A_602, %add3A_603 : i32
        %mul3A_605 = arith.constant 1280 : i32
        %mul3A_606 = arith.muli %sub3A_218, %mul3A_605 : i32
        %add3A_607 = arith.constant 384 : i32
        %add3A_608 = arith.addi %mul3A_606, %add3A_607 : i32
        %dma_start3A_609 = arith.constant 0 : i32
        %dma_start3A_610 = tpu.memref_slice %arg9[%add3A_608, %dma_start3A_609] : memref<2560x32xf32, #tpu.memory_space<vmem>> -> memref<128x32xf32, #tpu.memory_space<vmem>>
        %dma_start3A_611 = arith.constant 0 : i32
        %dma_start3A_612 = tpu.memref_slice %arg7[%add3A_604, %dma_start3A_611] : memref<80x128xi32, #tpu.memory_space<vmem>> -> memref<1x128xi32, #tpu.memory_space<vmem>>
        %dma_start3A_613 = tpu.memref_squeeze %dma_start3A_612 : memref<1x128xi32, #tpu.memory_space<vmem>> -> memref<128xi32, #tpu.memory_space<vmem>>
        %dma_start3A_614 = arith.constant 0 : i32
        %dma_start3A_615 = arith.constant 0 : i32
        %dma_start3A_616 = tpu.memref_slice %arg2[%dma_start3A_614, %dma_start3A_615] : memref<10240x32xf32, #tpu.memory_space<hbm>> -> memref<10240x32xf32, #tpu.memory_space<hbm>>
        tpu.enqueue_indirect_dma source(%dma_start3A_616 : memref<10240x32xf32, #tpu.memory_space<hbm>>) target(%dma_start3A_610 : memref<128x32xf32, #tpu.memory_space<vmem>>) offsets(%dma_start3A_613 : memref<128xi32, #tpu.memory_space<vmem>>) semaphore(%arg10 : memref<!tpu.dma_semaphore, #tpu.memory_space<semaphore_mem>>)
        %add3A_617 = arith.constant 1 : i32
        %add3A_618 = arith.addi %scan3A_216, %add3A_617 : i32
        %mul3A_619 = arith.constant 10 : i32
        %mul3A_620 = arith.muli %add3A_618, %mul3A_619 : i32
        %add3A_621 = arith.constant 4 : i32
        %add3A_622 = arith.addi %mul3A_620, %add3A_621 : i32
        %mul3A_623 = arith.constant 1280 : i32
        %mul3A_624 = arith.muli %sub3A_218, %mul3A_623 : i32
        %add3A_625 = arith.constant 512 : i32
        %add3A_626 = arith.addi %mul3A_624, %add3A_625 : i32
        %dma_start3A_627 = arith.constant 0 : i32
        %dma_start3A_628 = tpu.memref_slice %arg9[%add3A_626, %dma_start3A_627] : memref<2560x32xf32, #tpu.memory_space<vmem>> -> memref<128x32xf32, #tpu.memory_space<vmem>>
        %dma_start3A_629 = arith.constant 0 : i32
        %dma_start3A_630 = tpu.memref_slice %arg7[%add3A_622, %dma_start3A_629] : memref<80x128xi32, #tpu.memory_space<vmem>> -> memref<1x128xi32, #tpu.memory_space<vmem>>
        %dma_start3A_631 = tpu.memref_squeeze %dma_start3A_630 : memref<1x128xi32, #tpu.memory_space<vmem>> -> memref<128xi32, #tpu.memory_space<vmem>>
        %dma_start3A_632 = arith.constant 0 : i32
        %dma_start3A_633 = arith.constant 0 : i32
        %dma_start3A_634 = tpu.memref_slice %arg2[%dma_start3A_632, %dma_start3A_633] : memref<10240x32xf32, #tpu.memory_space<hbm>> -> memref<10240x32xf32, #tpu.memory_space<hbm>>
        tpu.enqueue_indirect_dma source(%dma_start3A_634 : memref<10240x32xf32, #tpu.memory_space<hbm>>) target(%dma_start3A_628 : memref<128x32xf32, #tpu.memory_space<vmem>>) offsets(%dma_start3A_631 : memref<128xi32, #tpu.memory_space<vmem>>) semaphore(%arg10 : memref<!tpu.dma_semaphore, #tpu.memory_space<semaphore_mem>>)
        %add3A_635 = arith.constant 1 : i32
        %add3A_636 = arith.addi %scan3A_216, %add3A_635 : i32
        %mul3A_637 = arith.constant 10 : i32
        %mul3A_638 = arith.muli %add3A_636, %mul3A_637 : i32
        %add3A_639 = arith.constant 5 : i32
        %add3A_640 = arith.addi %mul3A_638, %add3A_639 : i32
        %mul3A_641 = arith.constant 1280 : i32
        %mul3A_642 = arith.muli %sub3A_218, %mul3A_641 : i32
        %add3A_643 = arith.constant 640 : i32
        %add3A_644 = arith.addi %mul3A_642, %add3A_643 : i32
        %dma_start3A_645 = arith.constant 0 : i32
        %dma_start3A_646 = tpu.memref_slice %arg9[%add3A_644, %dma_start3A_645] : memref<2560x32xf32, #tpu.memory_space<vmem>> -> memref<128x32xf32, #tpu.memory_space<vmem>>
        %dma_start3A_647 = arith.constant 0 : i32
        %dma_start3A_648 = tpu.memref_slice %arg7[%add3A_640, %dma_start3A_647] : memref<80x128xi32, #tpu.memory_space<vmem>> -> memref<1x128xi32, #tpu.memory_space<vmem>>
        %dma_start3A_649 = tpu.memref_squeeze %dma_start3A_648 : memref<1x128xi32, #tpu.memory_space<vmem>> -> memref<128xi32, #tpu.memory_space<vmem>>
        %dma_start3A_650 = arith.constant 0 : i32
        %dma_start3A_651 = arith.constant 0 : i32
        %dma_start3A_652 = tpu.memref_slice %arg2[%dma_start3A_650, %dma_start3A_651] : memref<10240x32xf32, #tpu.memory_space<hbm>> -> memref<10240x32xf32, #tpu.memory_space<hbm>>
        tpu.enqueue_indirect_dma source(%dma_start3A_652 : memref<10240x32xf32, #tpu.memory_space<hbm>>) target(%dma_start3A_646 : memref<128x32xf32, #tpu.memory_space<vmem>>) offsets(%dma_start3A_649 : memref<128xi32, #tpu.memory_space<vmem>>) semaphore(%arg10 : memref<!tpu.dma_semaphore, #tpu.memory_space<semaphore_mem>>)
        %add3A_653 = arith.constant 1 : i32
        %add3A_654 = arith.addi %scan3A_216, %add3A_653 : i32
        %mul3A_655 = arith.constant 10 : i32
        %mul3A_656 = arith.muli %add3A_654, %mul3A_655 : i32
        %add3A_657 = arith.constant 6 : i32
        %add3A_658 = arith.addi %mul3A_656, %add3A_657 : i32
        %mul3A_659 = arith.constant 1280 : i32
        %mul3A_660 = arith.muli %sub3A_218, %mul3A_659 : i32
        %add3A_661 = arith.constant 768 : i32
        %add3A_662 = arith.addi %mul3A_660, %add3A_661 : i32
        %dma_start3A_663 = arith.constant 0 : i32
        %dma_start3A_664 = tpu.memref_slice %arg9[%add3A_662, %dma_start3A_663] : memref<2560x32xf32, #tpu.memory_space<vmem>> -> memref<128x32xf32, #tpu.memory_space<vmem>>
        %dma_start3A_665 = arith.constant 0 : i32
        %dma_start3A_666 = tpu.memref_slice %arg7[%add3A_658, %dma_start3A_665] : memref<80x128xi32, #tpu.memory_space<vmem>> -> memref<1x128xi32, #tpu.memory_space<vmem>>
        %dma_start3A_667 = tpu.memref_squeeze %dma_start3A_666 : memref<1x128xi32, #tpu.memory_space<vmem>> -> memref<128xi32, #tpu.memory_space<vmem>>
        %dma_start3A_668 = arith.constant 0 : i32
        %dma_start3A_669 = arith.constant 0 : i32
        %dma_start3A_670 = tpu.memref_slice %arg2[%dma_start3A_668, %dma_start3A_669] : memref<10240x32xf32, #tpu.memory_space<hbm>> -> memref<10240x32xf32, #tpu.memory_space<hbm>>
        tpu.enqueue_indirect_dma source(%dma_start3A_670 : memref<10240x32xf32, #tpu.memory_space<hbm>>) target(%dma_start3A_664 : memref<128x32xf32, #tpu.memory_space<vmem>>) offsets(%dma_start3A_667 : memref<128xi32, #tpu.memory_space<vmem>>) semaphore(%arg10 : memref<!tpu.dma_semaphore, #tpu.memory_space<semaphore_mem>>)
        %add3A_671 = arith.constant 1 : i32
        %add3A_672 = arith.addi %scan3A_216, %add3A_671 : i32
        %mul3A_673 = arith.constant 10 : i32
        %mul3A_674 = arith.muli %add3A_672, %mul3A_673 : i32
        %add3A_675 = arith.constant 7 : i32
        %add3A_676 = arith.addi %mul3A_674, %add3A_675 : i32
        %mul3A_677 = arith.constant 1280 : i32
        %mul3A_678 = arith.muli %sub3A_218, %mul3A_677 : i32
        %add3A_679 = arith.constant 896 : i32
        %add3A_680 = arith.addi %mul3A_678, %add3A_679 : i32
        %dma_start3A_681 = arith.constant 0 : i32
        %dma_start3A_682 = tpu.memref_slice %arg9[%add3A_680, %dma_start3A_681] : memref<2560x32xf32, #tpu.memory_space<vmem>> -> memref<128x32xf32, #tpu.memory_space<vmem>>
        %dma_start3A_683 = arith.constant 0 : i32
        %dma_start3A_684 = tpu.memref_slice %arg7[%add3A_676, %dma_start3A_683] : memref<80x128xi32, #tpu.memory_space<vmem>> -> memref<1x128xi32, #tpu.memory_space<vmem>>
        %dma_start3A_685 = tpu.memref_squeeze %dma_start3A_684 : memref<1x128xi32, #tpu.memory_space<vmem>> -> memref<128xi32, #tpu.memory_space<vmem>>
        %dma_start3A_686 = arith.constant 0 : i32
        %dma_start3A_687 = arith.constant 0 : i32
        %dma_start3A_688 = tpu.memref_slice %arg2[%dma_start3A_686, %dma_start3A_687] : memref<10240x32xf32, #tpu.memory_space<hbm>> -> memref<10240x32xf32, #tpu.memory_space<hbm>>
        tpu.enqueue_indirect_dma source(%dma_start3A_688 : memref<10240x32xf32, #tpu.memory_space<hbm>>) target(%dma_start3A_682 : memref<128x32xf32, #tpu.memory_space<vmem>>) offsets(%dma_start3A_685 : memref<128xi32, #tpu.memory_space<vmem>>) semaphore(%arg10 : memref<!tpu.dma_semaphore, #tpu.memory_space<semaphore_mem>>)
        %add3A_689 = arith.constant 1 : i32
        %add3A_690 = arith.addi %scan3A_216, %add3A_689 : i32
        %mul3A_691 = arith.constant 10 : i32
        %mul3A_692 = arith.muli %add3A_690, %mul3A_691 : i32
        %add3A_693 = arith.constant 8 : i32
        %add3A_694 = arith.addi %mul3A_692, %add3A_693 : i32
        %mul3A_695 = arith.constant 1280 : i32
        %mul3A_696 = arith.muli %sub3A_218, %mul3A_695 : i32
        %add3A_697 = arith.constant 1024 : i32
        %add3A_698 = arith.addi %mul3A_696, %add3A_697 : i32
        %dma_start3A_699 = arith.constant 0 : i32
        %dma_start3A_700 = tpu.memref_slice %arg9[%add3A_698, %dma_start3A_699] : memref<2560x32xf32, #tpu.memory_space<vmem>> -> memref<128x32xf32, #tpu.memory_space<vmem>>
        %dma_start3A_701 = arith.constant 0 : i32
        %dma_start3A_702 = tpu.memref_slice %arg7[%add3A_694, %dma_start3A_701] : memref<80x128xi32, #tpu.memory_space<vmem>> -> memref<1x128xi32, #tpu.memory_space<vmem>>
        %dma_start3A_703 = tpu.memref_squeeze %dma_start3A_702 : memref<1x128xi32, #tpu.memory_space<vmem>> -> memref<128xi32, #tpu.memory_space<vmem>>
        %dma_start3A_704 = arith.constant 0 : i32
        %dma_start3A_705 = arith.constant 0 : i32
        %dma_start3A_706 = tpu.memref_slice %arg2[%dma_start3A_704, %dma_start3A_705] : memref<10240x32xf32, #tpu.memory_space<hbm>> -> memref<10240x32xf32, #tpu.memory_space<hbm>>
        tpu.enqueue_indirect_dma source(%dma_start3A_706 : memref<10240x32xf32, #tpu.memory_space<hbm>>) target(%dma_start3A_700 : memref<128x32xf32, #tpu.memory_space<vmem>>) offsets(%dma_start3A_703 : memref<128xi32, #tpu.memory_space<vmem>>) semaphore(%arg10 : memref<!tpu.dma_semaphore, #tpu.memory_space<semaphore_mem>>)
        %add3A_707 = arith.constant 1 : i32
        %add3A_708 = arith.addi %scan3A_216, %add3A_707 : i32
        %mul3A_709 = arith.constant 10 : i32
        %mul3A_710 = arith.muli %add3A_708, %mul3A_709 : i32
        %add3A_711 = arith.constant 9 : i32
        %add3A_712 = arith.addi %mul3A_710, %add3A_711 : i32
        %mul3A_713 = arith.constant 1280 : i32
        %mul3A_714 = arith.muli %sub3A_218, %mul3A_713 : i32
        %add3A_715 = arith.constant 1152 : i32
        %add3A_716 = arith.addi %mul3A_714, %add3A_715 : i32
        %dma_start3A_717 = arith.constant 0 : i32
        %dma_start3A_718 = tpu.memref_slice %arg9[%add3A_716, %dma_start3A_717] : memref<2560x32xf32, #tpu.memory_space<vmem>> -> memref<128x32xf32, #tpu.memory_space<vmem>>
        %dma_start3A_719 = arith.constant 0 : i32
        %dma_start3A_720 = tpu.memref_slice %arg7[%add3A_712, %dma_start3A_719] : memref<80x128xi32, #tpu.memory_space<vmem>> -> memref<1x128xi32, #tpu.memory_space<vmem>>
        %dma_start3A_721 = tpu.memref_squeeze %dma_start3A_720 : memref<1x128xi32, #tpu.memory_space<vmem>> -> memref<128xi32, #tpu.memory_space<vmem>>
        %dma_start3A_722 = arith.constant 0 : i32
        %dma_start3A_723 = arith.constant 0 : i32
        %dma_start3A_724 = tpu.memref_slice %arg2[%dma_start3A_722, %dma_start3A_723] : memref<10240x32xf32, #tpu.memory_space<hbm>> -> memref<10240x32xf32, #tpu.memory_space<hbm>>
        tpu.enqueue_indirect_dma source(%dma_start3A_724 : memref<10240x32xf32, #tpu.memory_space<hbm>>) target(%dma_start3A_718 : memref<128x32xf32, #tpu.memory_space<vmem>>) offsets(%dma_start3A_721 : memref<128xi32, #tpu.memory_space<vmem>>) semaphore(%arg10 : memref<!tpu.dma_semaphore, #tpu.memory_space<semaphore_mem>>)
      } else {
      }
      %mul3A_385 = arith.constant 1280 : i32
      %mul3A_386 = arith.muli %rem3A_217, %mul3A_385 : i32
      %add3A_387 = arith.constant 0 : i32
      %add3A_388 = arith.addi %mul3A_386, %add3A_387 : i32
      %mul3A_389 = arith.constant 10 : i32
      %mul3A_390 = arith.muli %scan3A_216, %mul3A_389 : i32
      %add3A_391 = arith.constant 0 : i32
      %add3A_392 = arith.addi %mul3A_390, %add3A_391 : i32
      %dma_start3A_393 = arith.constant 0 : i32
      %dma_start3A_394 = tpu.memref_slice %arg9[%add3A_388, %dma_start3A_393] : memref<2560x32xf32, #tpu.memory_space<vmem>> -> memref<128x32xf32, #tpu.memory_space<vmem>>
      %dma_start3A_395 = arith.constant 0 : i32
      %dma_start3A_396 = tpu.memref_slice %arg8[%add3A_392, %dma_start3A_395] : memref<80x128xi32, #tpu.memory_space<vmem>> -> memref<1x128xi32, #tpu.memory_space<vmem>>
      %dma_start3A_397 = tpu.memref_squeeze %dma_start3A_396 : memref<1x128xi32, #tpu.memory_space<vmem>> -> memref<128xi32, #tpu.memory_space<vmem>>
      %dma_start3A_398 = arith.constant 0 : i32
      %dma_start3A_399 = arith.constant 0 : i32
      %dma_start3A_400 = tpu.memref_slice %arg6[%dma_start3A_398, %dma_start3A_399] : memref<10240x32xf32, #tpu.memory_space<vmem_shared>> -> memref<10240x32xf32, #tpu.memory_space<vmem_shared>>
      tpu.enqueue_indirect_dma source(%dma_start3A_394 : memref<128x32xf32, #tpu.memory_space<vmem>>) target(%dma_start3A_400 : memref<10240x32xf32, #tpu.memory_space<vmem_shared>>) offsets(%dma_start3A_397 : memref<128xi32, #tpu.memory_space<vmem>>) semaphore(%arg11 : memref<!tpu.dma_semaphore, #tpu.memory_space<semaphore_mem>>) {add = true}
      %mul3A_401 = arith.constant 1280 : i32
      %mul3A_402 = arith.muli %rem3A_217, %mul3A_401 : i32
      %add3A_403 = arith.constant 128 : i32
      %add3A_404 = arith.addi %mul3A_402, %add3A_403 : i32
      %mul3A_405 = arith.constant 10 : i32
      %mul3A_406 = arith.muli %scan3A_216, %mul3A_405 : i32
      %add3A_407 = arith.constant 1 : i32
      %add3A_408 = arith.addi %mul3A_406, %add3A_407 : i32
      %dma_start3A_409 = arith.constant 0 : i32
      %dma_start3A_410 = tpu.memref_slice %arg9[%add3A_404, %dma_start3A_409] : memref<2560x32xf32, #tpu.memory_space<vmem>> -> memref<128x32xf32, #tpu.memory_space<vmem>>
      %dma_start3A_411 = arith.constant 0 : i32
      %dma_start3A_412 = tpu.memref_slice %arg8[%add3A_408, %dma_start3A_411] : memref<80x128xi32, #tpu.memory_space<vmem>> -> memref<1x128xi32, #tpu.memory_space<vmem>>
      %dma_start3A_413 = tpu.memref_squeeze %dma_start3A_412 : memref<1x128xi32, #tpu.memory_space<vmem>> -> memref<128xi32, #tpu.memory_space<vmem>>
      %dma_start3A_414 = arith.constant 0 : i32
      %dma_start3A_415 = arith.constant 0 : i32
      %dma_start3A_416 = tpu.memref_slice %arg6[%dma_start3A_414, %dma_start3A_415] : memref<10240x32xf32, #tpu.memory_space<vmem_shared>> -> memref<10240x32xf32, #tpu.memory_space<vmem_shared>>
      tpu.enqueue_indirect_dma source(%dma_start3A_410 : memref<128x32xf32, #tpu.memory_space<vmem>>) target(%dma_start3A_416 : memref<10240x32xf32, #tpu.memory_space<vmem_shared>>) offsets(%dma_start3A_413 : memref<128xi32, #tpu.memory_space<vmem>>) semaphore(%arg11 : memref<!tpu.dma_semaphore, #tpu.memory_space<semaphore_mem>>) {add = true}
      %mul3A_417 = arith.constant 1280 : i32
      %mul3A_418 = arith.muli %rem3A_217, %mul3A_417 : i32
      %add3A_419 = arith.constant 256 : i32
      %add3A_420 = arith.addi %mul3A_418, %add3A_419 : i32
      %mul3A_421 = arith.constant 10 : i32
      %mul3A_422 = arith.muli %scan3A_216, %mul3A_421 : i32
      %add3A_423 = arith.constant 2 : i32
      %add3A_424 = arith.addi %mul3A_422, %add3A_423 : i32
      %dma_start3A_425 = arith.constant 0 : i32
      %dma_start3A_426 = tpu.memref_slice %arg9[%add3A_420, %dma_start3A_425] : memref<2560x32xf32, #tpu.memory_space<vmem>> -> memref<128x32xf32, #tpu.memory_space<vmem>>
      %dma_start3A_427 = arith.constant 0 : i32
      %dma_start3A_428 = tpu.memref_slice %arg8[%add3A_424, %dma_start3A_427] : memref<80x128xi32, #tpu.memory_space<vmem>> -> memref<1x128xi32, #tpu.memory_space<vmem>>
      %dma_start3A_429 = tpu.memref_squeeze %dma_start3A_428 : memref<1x128xi32, #tpu.memory_space<vmem>> -> memref<128xi32, #tpu.memory_space<vmem>>
      %dma_start3A_430 = arith.constant 0 : i32
      %dma_start3A_431 = arith.constant 0 : i32
      %dma_start3A_432 = tpu.memref_slice %arg6[%dma_start3A_430, %dma_start3A_431] : memref<10240x32xf32, #tpu.memory_space<vmem_shared>> -> memref<10240x32xf32, #tpu.memory_space<vmem_shared>>
      tpu.enqueue_indirect_dma source(%dma_start3A_426 : memref<128x32xf32, #tpu.memory_space<vmem>>) target(%dma_start3A_432 : memref<10240x32xf32, #tpu.memory_space<vmem_shared>>) offsets(%dma_start3A_429 : memref<128xi32, #tpu.memory_space<vmem>>) semaphore(%arg11 : memref<!tpu.dma_semaphore, #tpu.memory_space<semaphore_mem>>) {add = true}
      %mul3A_433 = arith.constant 1280 : i32
      %mul3A_434 = arith.muli %rem3A_217, %mul3A_433 : i32
      %add3A_435 = arith.constant 384 : i32
      %add3A_436 = arith.addi %mul3A_434, %add3A_435 : i32
      %mul3A_437 = arith.constant 10 : i32
      %mul3A_438 = arith.muli %scan3A_216, %mul3A_437 : i32
      %add3A_439 = arith.constant 3 : i32
      %add3A_440 = arith.addi %mul3A_438, %add3A_439 : i32
      %dma_start3A_441 = arith.constant 0 : i32
      %dma_start3A_442 = tpu.memref_slice %arg9[%add3A_436, %dma_start3A_441] : memref<2560x32xf32, #tpu.memory_space<vmem>> -> memref<128x32xf32, #tpu.memory_space<vmem>>
      %dma_start3A_443 = arith.constant 0 : i32
      %dma_start3A_444 = tpu.memref_slice %arg8[%add3A_440, %dma_start3A_443] : memref<80x128xi32, #tpu.memory_space<vmem>> -> memref<1x128xi32, #tpu.memory_space<vmem>>
      %dma_start3A_445 = tpu.memref_squeeze %dma_start3A_444 : memref<1x128xi32, #tpu.memory_space<vmem>> -> memref<128xi32, #tpu.memory_space<vmem>>
      %dma_start3A_446 = arith.constant 0 : i32
      %dma_start3A_447 = arith.constant 0 : i32
      %dma_start3A_448 = tpu.memref_slice %arg6[%dma_start3A_446, %dma_start3A_447] : memref<10240x32xf32, #tpu.memory_space<vmem_shared>> -> memref<10240x32xf32, #tpu.memory_space<vmem_shared>>
      tpu.enqueue_indirect_dma source(%dma_start3A_442 : memref<128x32xf32, #tpu.memory_space<vmem>>) target(%dma_start3A_448 : memref<10240x32xf32, #tpu.memory_space<vmem_shared>>) offsets(%dma_start3A_445 : memref<128xi32, #tpu.memory_space<vmem>>) semaphore(%arg11 : memref<!tpu.dma_semaphore, #tpu.memory_space<semaphore_mem>>) {add = true}
      %mul3A_449 = arith.constant 1280 : i32
      %mul3A_450 = arith.muli %rem3A_217, %mul3A_449 : i32
      %add3A_451 = arith.constant 512 : i32
      %add3A_452 = arith.addi %mul3A_450, %add3A_451 : i32
      %mul3A_453 = arith.constant 10 : i32
      %mul3A_454 = arith.muli %scan3A_216, %mul3A_453 : i32
      %add3A_455 = arith.constant 4 : i32
      %add3A_456 = arith.addi %mul3A_454, %add3A_455 : i32
      %dma_start3A_457 = arith.constant 0 : i32
      %dma_start3A_458 = tpu.memref_slice %arg9[%add3A_452, %dma_start3A_457] : memref<2560x32xf32, #tpu.memory_space<vmem>> -> memref<128x32xf32, #tpu.memory_space<vmem>>
      %dma_start3A_459 = arith.constant 0 : i32
      %dma_start3A_460 = tpu.memref_slice %arg8[%add3A_456, %dma_start3A_459] : memref<80x128xi32, #tpu.memory_space<vmem>> -> memref<1x128xi32, #tpu.memory_space<vmem>>
      %dma_start3A_461 = tpu.memref_squeeze %dma_start3A_460 : memref<1x128xi32, #tpu.memory_space<vmem>> -> memref<128xi32, #tpu.memory_space<vmem>>
      %dma_start3A_462 = arith.constant 0 : i32
      %dma_start3A_463 = arith.constant 0 : i32
      %dma_start3A_464 = tpu.memref_slice %arg6[%dma_start3A_462, %dma_start3A_463] : memref<10240x32xf32, #tpu.memory_space<vmem_shared>> -> memref<10240x32xf32, #tpu.memory_space<vmem_shared>>
      tpu.enqueue_indirect_dma source(%dma_start3A_458 : memref<128x32xf32, #tpu.memory_space<vmem>>) target(%dma_start3A_464 : memref<10240x32xf32, #tpu.memory_space<vmem_shared>>) offsets(%dma_start3A_461 : memref<128xi32, #tpu.memory_space<vmem>>) semaphore(%arg11 : memref<!tpu.dma_semaphore, #tpu.memory_space<semaphore_mem>>) {add = true}
      %mul3A_465 = arith.constant 1280 : i32
      %mul3A_466 = arith.muli %rem3A_217, %mul3A_465 : i32
      %add3A_467 = arith.constant 640 : i32
      %add3A_468 = arith.addi %mul3A_466, %add3A_467 : i32
      %mul3A_469 = arith.constant 10 : i32
      %mul3A_470 = arith.muli %scan3A_216, %mul3A_469 : i32
      %add3A_471 = arith.constant 5 : i32
      %add3A_472 = arith.addi %mul3A_470, %add3A_471 : i32
      %dma_start3A_473 = arith.constant 0 : i32
      %dma_start3A_474 = tpu.memref_slice %arg9[%add3A_468, %dma_start3A_473] : memref<2560x32xf32, #tpu.memory_space<vmem>> -> memref<128x32xf32, #tpu.memory_space<vmem>>
      %dma_start3A_475 = arith.constant 0 : i32
      %dma_start3A_476 = tpu.memref_slice %arg8[%add3A_472, %dma_start3A_475] : memref<80x128xi32, #tpu.memory_space<vmem>> -> memref<1x128xi32, #tpu.memory_space<vmem>>
      %dma_start3A_477 = tpu.memref_squeeze %dma_start3A_476 : memref<1x128xi32, #tpu.memory_space<vmem>> -> memref<128xi32, #tpu.memory_space<vmem>>
      %dma_start3A_478 = arith.constant 0 : i32
      %dma_start3A_479 = arith.constant 0 : i32
      %dma_start3A_480 = tpu.memref_slice %arg6[%dma_start3A_478, %dma_start3A_479] : memref<10240x32xf32, #tpu.memory_space<vmem_shared>> -> memref<10240x32xf32, #tpu.memory_space<vmem_shared>>
      tpu.enqueue_indirect_dma source(%dma_start3A_474 : memref<128x32xf32, #tpu.memory_space<vmem>>) target(%dma_start3A_480 : memref<10240x32xf32, #tpu.memory_space<vmem_shared>>) offsets(%dma_start3A_477 : memref<128xi32, #tpu.memory_space<vmem>>) semaphore(%arg11 : memref<!tpu.dma_semaphore, #tpu.memory_space<semaphore_mem>>) {add = true}
      %mul3A_481 = arith.constant 1280 : i32
      %mul3A_482 = arith.muli %rem3A_217, %mul3A_481 : i32
      %add3A_483 = arith.constant 768 : i32
      %add3A_484 = arith.addi %mul3A_482, %add3A_483 : i32
      %mul3A_485 = arith.constant 10 : i32
      %mul3A_486 = arith.muli %scan3A_216, %mul3A_485 : i32
      %add3A_487 = arith.constant 6 : i32
      %add3A_488 = arith.addi %mul3A_486, %add3A_487 : i32
      %dma_start3A_489 = arith.constant 0 : i32
      %dma_start3A_490 = tpu.memref_slice %arg9[%add3A_484, %dma_start3A_489] : memref<2560x32xf32, #tpu.memory_space<vmem>> -> memref<128x32xf32, #tpu.memory_space<vmem>>
      %dma_start3A_491 = arith.constant 0 : i32
      %dma_start3A_492 = tpu.memref_slice %arg8[%add3A_488, %dma_start3A_491] : memref<80x128xi32, #tpu.memory_space<vmem>> -> memref<1x128xi32, #tpu.memory_space<vmem>>
      %dma_start3A_493 = tpu.memref_squeeze %dma_start3A_492 : memref<1x128xi32, #tpu.memory_space<vmem>> -> memref<128xi32, #tpu.memory_space<vmem>>
      %dma_start3A_494 = arith.constant 0 : i32
      %dma_start3A_495 = arith.constant 0 : i32
      %dma_start3A_496 = tpu.memref_slice %arg6[%dma_start3A_494, %dma_start3A_495] : memref<10240x32xf32, #tpu.memory_space<vmem_shared>> -> memref<10240x32xf32, #tpu.memory_space<vmem_shared>>
      tpu.enqueue_indirect_dma source(%dma_start3A_490 : memref<128x32xf32, #tpu.memory_space<vmem>>) target(%dma_start3A_496 : memref<10240x32xf32, #tpu.memory_space<vmem_shared>>) offsets(%dma_start3A_493 : memref<128xi32, #tpu.memory_space<vmem>>) semaphore(%arg11 : memref<!tpu.dma_semaphore, #tpu.memory_space<semaphore_mem>>) {add = true}
      %mul3A_497 = arith.constant 1280 : i32
      %mul3A_498 = arith.muli %rem3A_217, %mul3A_497 : i32
      %add3A_499 = arith.constant 896 : i32
      %add3A_500 = arith.addi %mul3A_498, %add3A_499 : i32
      %mul3A_501 = arith.constant 10 : i32
      %mul3A_502 = arith.muli %scan3A_216, %mul3A_501 : i32
      %add3A_503 = arith.constant 7 : i32
      %add3A_504 = arith.addi %mul3A_502, %add3A_503 : i32
      %dma_start3A_505 = arith.constant 0 : i32
      %dma_start3A_506 = tpu.memref_slice %arg9[%add3A_500, %dma_start3A_505] : memref<2560x32xf32, #tpu.memory_space<vmem>> -> memref<128x32xf32, #tpu.memory_space<vmem>>
      %dma_start3A_507 = arith.constant 0 : i32
      %dma_start3A_508 = tpu.memref_slice %arg8[%add3A_504, %dma_start3A_507] : memref<80x128xi32, #tpu.memory_space<vmem>> -> memref<1x128xi32, #tpu.memory_space<vmem>>
      %dma_start3A_509 = tpu.memref_squeeze %dma_start3A_508 : memref<1x128xi32, #tpu.memory_space<vmem>> -> memref<128xi32, #tpu.memory_space<vmem>>
      %dma_start3A_510 = arith.constant 0 : i32
      %dma_start3A_511 = arith.constant 0 : i32
      %dma_start3A_512 = tpu.memref_slice %arg6[%dma_start3A_510, %dma_start3A_511] : memref<10240x32xf32, #tpu.memory_space<vmem_shared>> -> memref<10240x32xf32, #tpu.memory_space<vmem_shared>>
      tpu.enqueue_indirect_dma source(%dma_start3A_506 : memref<128x32xf32, #tpu.memory_space<vmem>>) target(%dma_start3A_512 : memref<10240x32xf32, #tpu.memory_space<vmem_shared>>) offsets(%dma_start3A_509 : memref<128xi32, #tpu.memory_space<vmem>>) semaphore(%arg11 : memref<!tpu.dma_semaphore, #tpu.memory_space<semaphore_mem>>) {add = true}
      %mul3A_513 = arith.constant 1280 : i32
      %mul3A_514 = arith.muli %rem3A_217, %mul3A_513 : i32
      %add3A_515 = arith.constant 1024 : i32
      %add3A_516 = arith.addi %mul3A_514, %add3A_515 : i32
      %mul3A_517 = arith.constant 10 : i32
      %mul3A_518 = arith.muli %scan3A_216, %mul3A_517 : i32
      %add3A_519 = arith.constant 8 : i32
      %add3A_520 = arith.addi %mul3A_518, %add3A_519 : i32
      %dma_start3A_521 = arith.constant 0 : i32
      %dma_start3A_522 = tpu.memref_slice %arg9[%add3A_516, %dma_start3A_521] : memref<2560x32xf32, #tpu.memory_space<vmem>> -> memref<128x32xf32, #tpu.memory_space<vmem>>
      %dma_start3A_523 = arith.constant 0 : i32
      %dma_start3A_524 = tpu.memref_slice %arg8[%add3A_520, %dma_start3A_523] : memref<80x128xi32, #tpu.memory_space<vmem>> -> memref<1x128xi32, #tpu.memory_space<vmem>>
      %dma_start3A_525 = tpu.memref_squeeze %dma_start3A_524 : memref<1x128xi32, #tpu.memory_space<vmem>> -> memref<128xi32, #tpu.memory_space<vmem>>
      %dma_start3A_526 = arith.constant 0 : i32
      %dma_start3A_527 = arith.constant 0 : i32
      %dma_start3A_528 = tpu.memref_slice %arg6[%dma_start3A_526, %dma_start3A_527] : memref<10240x32xf32, #tpu.memory_space<vmem_shared>> -> memref<10240x32xf32, #tpu.memory_space<vmem_shared>>
      tpu.enqueue_indirect_dma source(%dma_start3A_522 : memref<128x32xf32, #tpu.memory_space<vmem>>) target(%dma_start3A_528 : memref<10240x32xf32, #tpu.memory_space<vmem_shared>>) offsets(%dma_start3A_525 : memref<128xi32, #tpu.memory_space<vmem>>) semaphore(%arg11 : memref<!tpu.dma_semaphore, #tpu.memory_space<semaphore_mem>>) {add = true}
      %mul3A_529 = arith.constant 1280 : i32
      %mul3A_530 = arith.muli %rem3A_217, %mul3A_529 : i32
      %add3A_531 = arith.constant 1152 : i32
      %add3A_532 = arith.addi %mul3A_530, %add3A_531 : i32
      %mul3A_533 = arith.constant 10 : i32
      %mul3A_534 = arith.muli %scan3A_216, %mul3A_533 : i32
      %add3A_535 = arith.constant 9 : i32
      %add3A_536 = arith.addi %mul3A_534, %add3A_535 : i32
      %dma_start3A_537 = arith.constant 0 : i32
      %dma_start3A_538 = tpu.memref_slice %arg9[%add3A_532, %dma_start3A_537] : memref<2560x32xf32, #tpu.memory_space<vmem>> -> memref<128x32xf32, #tpu.memory_space<vmem>>
      %dma_start3A_539 = arith.constant 0 : i32
      %dma_start3A_540 = tpu.memref_slice %arg8[%add3A_536, %dma_start3A_539] : memref<80x128xi32, #tpu.memory_space<vmem>> -> memref<1x128xi32, #tpu.memory_space<vmem>>
      %dma_start3A_541 = tpu.memref_squeeze %dma_start3A_540 : memref<1x128xi32, #tpu.memory_space<vmem>> -> memref<128xi32, #tpu.memory_space<vmem>>
      %dma_start3A_542 = arith.constant 0 : i32
      %dma_start3A_543 = arith.constant 0 : i32
      %dma_start3A_544 = tpu.memref_slice %arg6[%dma_start3A_542, %dma_start3A_543] : memref<10240x32xf32, #tpu.memory_space<vmem_shared>> -> memref<10240x32xf32, #tpu.memory_space<vmem_shared>>
      tpu.enqueue_indirect_dma source(%dma_start3A_538 : memref<128x32xf32, #tpu.memory_space<vmem>>) target(%dma_start3A_544 : memref<10240x32xf32, #tpu.memory_space<vmem_shared>>) offsets(%dma_start3A_541 : memref<128xi32, #tpu.memory_space<vmem>>) semaphore(%arg11 : memref<!tpu.dma_semaphore, #tpu.memory_space<semaphore_mem>>) {add = true}
    }
    %scan3A_111 = arith.constant 8 : i32
    %dma_wait3A = arith.constant 70 : i32
    %dma_wait3A_112 = arith.constant 1280 : i32
    %dma_wait3A_113 = arith.constant 0 : i32
    %dma_wait3A_114 = tpu.memref_slice %arg9[%dma_wait3A_112, %dma_wait3A_113] : memref<2560x32xf32, #tpu.memory_space<vmem>> -> memref<128x32xf32, #tpu.memory_space<vmem>>
    %dma_wait3A_115 = arith.constant 0 : i32
    %dma_wait3A_116 = tpu.memref_slice %arg8[%dma_wait3A, %dma_wait3A_115] : memref<80x128xi32, #tpu.memory_space<vmem>> -> memref<1x128xi32, #tpu.memory_space<vmem>>
    %dma_wait3A_117 = tpu.memref_squeeze %dma_wait3A_116 : memref<1x128xi32, #tpu.memory_space<vmem>> -> memref<128xi32, #tpu.memory_space<vmem>>
    %dma_wait3A_118 = arith.constant 0 : i32
    %dma_wait3A_119 = arith.constant 0 : i32
    %dma_wait3A_120 = tpu.memref_slice %arg6[%dma_wait3A_118, %dma_wait3A_119] : memref<10240x32xf32, #tpu.memory_space<vmem_shared>> -> memref<10240x32xf32, #tpu.memory_space<vmem_shared>>
    tpu.wait_indirect_dma semaphore(%arg11 : memref<!tpu.dma_semaphore, #tpu.memory_space<semaphore_mem>>) src(%dma_wait3A_114 : memref<128x32xf32, #tpu.memory_space<vmem>>) dst(%dma_wait3A_120 : memref<10240x32xf32, #tpu.memory_space<vmem_shared>>)
    %dma_wait3A_121 = arith.constant 71 : i32
    %dma_wait3A_122 = arith.constant 1408 : i32
    %dma_wait3A_123 = arith.constant 0 : i32
    %dma_wait3A_124 = tpu.memref_slice %arg9[%dma_wait3A_122, %dma_wait3A_123] : memref<2560x32xf32, #tpu.memory_space<vmem>> -> memref<128x32xf32, #tpu.memory_space<vmem>>
    %dma_wait3A_125 = arith.constant 0 : i32
    %dma_wait3A_126 = tpu.memref_slice %arg8[%dma_wait3A_121, %dma_wait3A_125] : memref<80x128xi32, #tpu.memory_space<vmem>> -> memref<1x128xi32, #tpu.memory_space<vmem>>
    %dma_wait3A_127 = tpu.memref_squeeze %dma_wait3A_126 : memref<1x128xi32, #tpu.memory_space<vmem>> -> memref<128xi32, #tpu.memory_space<vmem>>
    %dma_wait3A_128 = arith.constant 0 : i32
    %dma_wait3A_129 = arith.constant 0 : i32
    %dma_wait3A_130 = tpu.memref_slice %arg6[%dma_wait3A_128, %dma_wait3A_129] : memref<10240x32xf32, #tpu.memory_space<vmem_shared>> -> memref<10240x32xf32, #tpu.memory_space<vmem_shared>>
    tpu.wait_indirect_dma semaphore(%arg11 : memref<!tpu.dma_semaphore, #tpu.memory_space<semaphore_mem>>) src(%dma_wait3A_124 : memref<128x32xf32, #tpu.memory_space<vmem>>) dst(%dma_wait3A_130 : memref<10240x32xf32, #tpu.memory_space<vmem_shared>>)
    %dma_wait3A_131 = arith.constant 72 : i32
    %dma_wait3A_132 = arith.constant 1536 : i32
    %dma_wait3A_133 = arith.constant 0 : i32
    %dma_wait3A_134 = tpu.memref_slice %arg9[%dma_wait3A_132, %dma_wait3A_133] : memref<2560x32xf32, #tpu.memory_space<vmem>> -> memref<128x32xf32, #tpu.memory_space<vmem>>
    %dma_wait3A_135 = arith.constant 0 : i32
    %dma_wait3A_136 = tpu.memref_slice %arg8[%dma_wait3A_131, %dma_wait3A_135] : memref<80x128xi32, #tpu.memory_space<vmem>> -> memref<1x128xi32, #tpu.memory_space<vmem>>
    %dma_wait3A_137 = tpu.memref_squeeze %dma_wait3A_136 : memref<1x128xi32, #tpu.memory_space<vmem>> -> memref<128xi32, #tpu.memory_space<vmem>>
    %dma_wait3A_138 = arith.constant 0 : i32
    %dma_wait3A_139 = arith.constant 0 : i32
    %dma_wait3A_140 = tpu.memref_slice %arg6[%dma_wait3A_138, %dma_wait3A_139] : memref<10240x32xf32, #tpu.memory_space<vmem_shared>> -> memref<10240x32xf32, #tpu.memory_space<vmem_shared>>
    tpu.wait_indirect_dma semaphore(%arg11 : memref<!tpu.dma_semaphore, #tpu.memory_space<semaphore_mem>>) src(%dma_wait3A_134 : memref<128x32xf32, #tpu.memory_space<vmem>>) dst(%dma_wait3A_140 : memref<10240x32xf32, #tpu.memory_space<vmem_shared>>)
    %dma_wait3A_141 = arith.constant 73 : i32
    %dma_wait3A_142 = arith.constant 1664 : i32
    %dma_wait3A_143 = arith.constant 0 : i32
    %dma_wait3A_144 = tpu.memref_slice %arg9[%dma_wait3A_142, %dma_wait3A_143] : memref<2560x32xf32, #tpu.memory_space<vmem>> -> memref<128x32xf32, #tpu.memory_space<vmem>>
    %dma_wait3A_145 = arith.constant 0 : i32
    %dma_wait3A_146 = tpu.memref_slice %arg8[%dma_wait3A_141, %dma_wait3A_145] : memref<80x128xi32, #tpu.memory_space<vmem>> -> memref<1x128xi32, #tpu.memory_space<vmem>>
    %dma_wait3A_147 = tpu.memref_squeeze %dma_wait3A_146 : memref<1x128xi32, #tpu.memory_space<vmem>> -> memref<128xi32, #tpu.memory_space<vmem>>
    %dma_wait3A_148 = arith.constant 0 : i32
    %dma_wait3A_149 = arith.constant 0 : i32
    %dma_wait3A_150 = tpu.memref_slice %arg6[%dma_wait3A_148, %dma_wait3A_149] : memref<10240x32xf32, #tpu.memory_space<vmem_shared>> -> memref<10240x32xf32, #tpu.memory_space<vmem_shared>>
    tpu.wait_indirect_dma semaphore(%arg11 : memref<!tpu.dma_semaphore, #tpu.memory_space<semaphore_mem>>) src(%dma_wait3A_144 : memref<128x32xf32, #tpu.memory_space<vmem>>) dst(%dma_wait3A_150 : memref<10240x32xf32, #tpu.memory_space<vmem_shared>>)
    %dma_wait3A_151 = arith.constant 74 : i32
    %dma_wait3A_152 = arith.constant 1792 : i32
    %dma_wait3A_153 = arith.constant 0 : i32
    %dma_wait3A_154 = tpu.memref_slice %arg9[%dma_wait3A_152, %dma_wait3A_153] : memref<2560x32xf32, #tpu.memory_space<vmem>> -> memref<128x32xf32, #tpu.memory_space<vmem>>
    %dma_wait3A_155 = arith.constant 0 : i32
    %dma_wait3A_156 = tpu.memref_slice %arg8[%dma_wait3A_151, %dma_wait3A_155] : memref<80x128xi32, #tpu.memory_space<vmem>> -> memref<1x128xi32, #tpu.memory_space<vmem>>
    %dma_wait3A_157 = tpu.memref_squeeze %dma_wait3A_156 : memref<1x128xi32, #tpu.memory_space<vmem>> -> memref<128xi32, #tpu.memory_space<vmem>>
    %dma_wait3A_158 = arith.constant 0 : i32
    %dma_wait3A_159 = arith.constant 0 : i32
    %dma_wait3A_160 = tpu.memref_slice %arg6[%dma_wait3A_158, %dma_wait3A_159] : memref<10240x32xf32, #tpu.memory_space<vmem_shared>> -> memref<10240x32xf32, #tpu.memory_space<vmem_shared>>
    tpu.wait_indirect_dma semaphore(%arg11 : memref<!tpu.dma_semaphore, #tpu.memory_space<semaphore_mem>>) src(%dma_wait3A_154 : memref<128x32xf32, #tpu.memory_space<vmem>>) dst(%dma_wait3A_160 : memref<10240x32xf32, #tpu.memory_space<vmem_shared>>)
    %dma_wait3A_161 = arith.constant 75 : i32
    %dma_wait3A_162 = arith.constant 1920 : i32
    %dma_wait3A_163 = arith.constant 0 : i32
    %dma_wait3A_164 = tpu.memref_slice %arg9[%dma_wait3A_162, %dma_wait3A_163] : memref<2560x32xf32, #tpu.memory_space<vmem>> -> memref<128x32xf32, #tpu.memory_space<vmem>>
    %dma_wait3A_165 = arith.constant 0 : i32
    %dma_wait3A_166 = tpu.memref_slice %arg8[%dma_wait3A_161, %dma_wait3A_165] : memref<80x128xi32, #tpu.memory_space<vmem>> -> memref<1x128xi32, #tpu.memory_space<vmem>>
    %dma_wait3A_167 = tpu.memref_squeeze %dma_wait3A_166 : memref<1x128xi32, #tpu.memory_space<vmem>> -> memref<128xi32, #tpu.memory_space<vmem>>
    %dma_wait3A_168 = arith.constant 0 : i32
    %dma_wait3A_169 = arith.constant 0 : i32
    %dma_wait3A_170 = tpu.memref_slice %arg6[%dma_wait3A_168, %dma_wait3A_169] : memref<10240x32xf32, #tpu.memory_space<vmem_shared>> -> memref<10240x32xf32, #tpu.memory_space<vmem_shared>>
    tpu.wait_indirect_dma semaphore(%arg11 : memref<!tpu.dma_semaphore, #tpu.memory_space<semaphore_mem>>) src(%dma_wait3A_164 : memref<128x32xf32, #tpu.memory_space<vmem>>) dst(%dma_wait3A_170 : memref<10240x32xf32, #tpu.memory_space<vmem_shared>>)
    %dma_wait3A_171 = arith.constant 76 : i32
    %dma_wait3A_172 = arith.constant 2048 : i32
    %dma_wait3A_173 = arith.constant 0 : i32
    %dma_wait3A_174 = tpu.memref_slice %arg9[%dma_wait3A_172, %dma_wait3A_173] : memref<2560x32xf32, #tpu.memory_space<vmem>> -> memref<128x32xf32, #tpu.memory_space<vmem>>
    %dma_wait3A_175 = arith.constant 0 : i32
    %dma_wait3A_176 = tpu.memref_slice %arg8[%dma_wait3A_171, %dma_wait3A_175] : memref<80x128xi32, #tpu.memory_space<vmem>> -> memref<1x128xi32, #tpu.memory_space<vmem>>
    %dma_wait3A_177 = tpu.memref_squeeze %dma_wait3A_176 : memref<1x128xi32, #tpu.memory_space<vmem>> -> memref<128xi32, #tpu.memory_space<vmem>>
    %dma_wait3A_178 = arith.constant 0 : i32
    %dma_wait3A_179 = arith.constant 0 : i32
    %dma_wait3A_180 = tpu.memref_slice %arg6[%dma_wait3A_178, %dma_wait3A_179] : memref<10240x32xf32, #tpu.memory_space<vmem_shared>> -> memref<10240x32xf32, #tpu.memory_space<vmem_shared>>
    tpu.wait_indirect_dma semaphore(%arg11 : memref<!tpu.dma_semaphore, #tpu.memory_space<semaphore_mem>>) src(%dma_wait3A_174 : memref<128x32xf32, #tpu.memory_space<vmem>>) dst(%dma_wait3A_180 : memref<10240x32xf32, #tpu.memory_space<vmem_shared>>)
    %dma_wait3A_181 = arith.constant 77 : i32
    %dma_wait3A_182 = arith.constant 2176 : i32
    %dma_wait3A_183 = arith.constant 0 : i32
    %dma_wait3A_184 = tpu.memref_slice %arg9[%dma_wait3A_182, %dma_wait3A_183] : memref<2560x32xf32, #tpu.memory_space<vmem>> -> memref<128x32xf32, #tpu.memory_space<vmem>>
    %dma_wait3A_185 = arith.constant 0 : i32
    %dma_wait3A_186 = tpu.memref_slice %arg8[%dma_wait3A_181, %dma_wait3A_185] : memref<80x128xi32, #tpu.memory_space<vmem>> -> memref<1x128xi32, #tpu.memory_space<vmem>>
    %dma_wait3A_187 = tpu.memref_squeeze %dma_wait3A_186 : memref<1x128xi32, #tpu.memory_space<vmem>> -> memref<128xi32, #tpu.memory_space<vmem>>
    %dma_wait3A_188 = arith.constant 0 : i32
    %dma_wait3A_189 = arith.constant 0 : i32
    %dma_wait3A_190 = tpu.memref_slice %arg6[%dma_wait3A_188, %dma_wait3A_189] : memref<10240x32xf32, #tpu.memory_space<vmem_shared>> -> memref<10240x32xf32, #tpu.memory_space<vmem_shared>>
    tpu.wait_indirect_dma semaphore(%arg11 : memref<!tpu.dma_semaphore, #tpu.memory_space<semaphore_mem>>) src(%dma_wait3A_184 : memref<128x32xf32, #tpu.memory_space<vmem>>) dst(%dma_wait3A_190 : memref<10240x32xf32, #tpu.memory_space<vmem_shared>>)
    %dma_wait3A_191 = arith.constant 78 : i32
    %dma_wait3A_192 = arith.constant 2304 : i32
    %dma_wait3A_193 = arith.constant 0 : i32
    %dma_wait3A_194 = tpu.memref_slice %arg9[%dma_wait3A_192, %dma_wait3A_193] : memref<2560x32xf32, #tpu.memory_space<vmem>> -> memref<128x32xf32, #tpu.memory_space<vmem>>
    %dma_wait3A_195 = arith.constant 0 : i32
    %dma_wait3A_196 = tpu.memref_slice %arg8[%dma_wait3A_191, %dma_wait3A_195] : memref<80x128xi32, #tpu.memory_space<vmem>> -> memref<1x128xi32, #tpu.memory_space<vmem>>
    %dma_wait3A_197 = tpu.memref_squeeze %dma_wait3A_196 : memref<1x128xi32, #tpu.memory_space<vmem>> -> memref<128xi32, #tpu.memory_space<vmem>>
    %dma_wait3A_198 = arith.constant 0 : i32
    %dma_wait3A_199 = arith.constant 0 : i32
    %dma_wait3A_200 = tpu.memref_slice %arg6[%dma_wait3A_198, %dma_wait3A_199] : memref<10240x32xf32, #tpu.memory_space<vmem_shared>> -> memref<10240x32xf32, #tpu.memory_space<vmem_shared>>
    tpu.wait_indirect_dma semaphore(%arg11 : memref<!tpu.dma_semaphore, #tpu.memory_space<semaphore_mem>>) src(%dma_wait3A_194 : memref<128x32xf32, #tpu.memory_space<vmem>>) dst(%dma_wait3A_200 : memref<10240x32xf32, #tpu.memory_space<vmem_shared>>)
    %dma_wait3A_201 = arith.constant 79 : i32
    %dma_wait3A_202 = arith.constant 2432 : i32
    %dma_wait3A_203 = arith.constant 0 : i32
    %dma_wait3A_204 = tpu.memref_slice %arg9[%dma_wait3A_202, %dma_wait3A_203] : memref<2560x32xf32, #tpu.memory_space<vmem>> -> memref<128x32xf32, #tpu.memory_space<vmem>>
    %dma_wait3A_205 = arith.constant 0 : i32
    %dma_wait3A_206 = tpu.memref_slice %arg8[%dma_wait3A_201, %dma_wait3A_205] : memref<80x128xi32, #tpu.memory_space<vmem>> -> memref<1x128xi32, #tpu.memory_space<vmem>>
    %dma_wait3A_207 = tpu.memref_squeeze %dma_wait3A_206 : memref<1x128xi32, #tpu.memory_space<vmem>> -> memref<128xi32, #tpu.memory_space<vmem>>
    %dma_wait3A_208 = arith.constant 0 : i32
    %dma_wait3A_209 = arith.constant 0 : i32
    %dma_wait3A_210 = tpu.memref_slice %arg6[%dma_wait3A_208, %dma_wait3A_209] : memref<10240x32xf32, #tpu.memory_space<vmem_shared>> -> memref<10240x32xf32, #tpu.memory_space<vmem_shared>>
    tpu.wait_indirect_dma semaphore(%arg11 : memref<!tpu.dma_semaphore, #tpu.memory_space<semaphore_mem>>) src(%dma_wait3A_204 : memref<128x32xf32, #tpu.memory_space<vmem>>) dst(%dma_wait3A_210 : memref<10240x32xf32, #tpu.memory_space<vmem_shared>>)
    %barrier3A_211 = arith.constant 0 : index
    tpu.barrier barrier_id(%barrier3A_211)
    %mul3A_212 = arith.constant 640 : i32
    %mul3A_213 = arith.muli %arg1, %mul3A_212 : i32
    "tpu.region"() ({
      %run_scoped3A = tpu.sem_alloc : memref<!tpu.dma_semaphore, #tpu.memory_space<semaphore_mem>>
      %dma_start3A_216 = arith.constant 0 : i32
      %dma_start3A_217 = arith.constant 0 : i32
      %dma_start3A_218 = tpu.memref_slice %arg9[%dma_start3A_216, %dma_start3A_217] : memref<2560x32xf32, #tpu.memory_space<vmem>> -> memref<640x32xf32, #tpu.memory_space<vmem>>
      %dma_start3A_219 = arith.constant 0 : i32
      %dma_start3A_220 = tpu.memref_slice %arg6[%mul3A_213, %dma_start3A_219] : memref<10240x32xf32, #tpu.memory_space<vmem_shared>> -> memref<640x32xf32, #tpu.memory_space<vmem_shared>>
      %dma_start3A_221 = arith.constant 0 : i32
      %dma_start3A_222 = arith.constant 0 : i32
      %dma_start3A_223 = tpu.memref_slice %arg9[%dma_start3A_221, %dma_start3A_222] : memref<2560x32xf32, #tpu.memory_space<vmem>> -> memref<640x32xf32, #tpu.memory_space<vmem>>
      %dma_start3A_224 = arith.constant 0 : i32
      %dma_start3A_225 = tpu.memref_slice %arg6[%mul3A_213, %dma_start3A_224] : memref<10240x32xf32, #tpu.memory_space<vmem_shared>> -> memref<640x32xf32, #tpu.memory_space<vmem_shared>>
      tpu.enqueue_dma source(%dma_start3A_225 : memref<640x32xf32, #tpu.memory_space<vmem_shared>>) target(%dma_start3A_223 : memref<640x32xf32, #tpu.memory_space<vmem>>) target_semaphore(%run_scoped3A : memref<!tpu.dma_semaphore, #tpu.memory_space<semaphore_mem>>)
      %dma_wait3A_226 = arith.constant 0 : i32
      %dma_wait3A_227 = arith.constant 0 : i32
      %dma_wait3A_228 = tpu.memref_slice %arg9[%dma_wait3A_226, %dma_wait3A_227] : memref<2560x32xf32, #tpu.memory_space<vmem>> -> memref<640x32xf32, #tpu.memory_space<vmem>>
      %dma_wait3A_229 = arith.constant 0 : i32
      %dma_wait3A_230 = tpu.memref_slice %arg6[%mul3A_213, %dma_wait3A_229] : memref<10240x32xf32, #tpu.memory_space<vmem_shared>> -> memref<640x32xf32, #tpu.memory_space<vmem_shared>>
      %dma_wait3A_231 = arith.constant 0 : i32
      %dma_wait3A_232 = arith.constant 0 : i32
      %dma_wait3A_233 = tpu.memref_slice %arg9[%dma_wait3A_231, %dma_wait3A_232] : memref<2560x32xf32, #tpu.memory_space<vmem>> -> memref<640x32xf32, #tpu.memory_space<vmem>>
      %dma_wait3A_234 = arith.constant 0 : i32
      %dma_wait3A_235 = tpu.memref_slice %arg6[%mul3A_213, %dma_wait3A_234] : memref<10240x32xf32, #tpu.memory_space<vmem_shared>> -> memref<640x32xf32, #tpu.memory_space<vmem_shared>>
      tpu.wait_dma2 semaphore(%run_scoped3A : memref<!tpu.dma_semaphore, #tpu.memory_space<semaphore_mem>>) src(%dma_wait3A_235 : memref<640x32xf32, #tpu.memory_space<vmem_shared>>) dst(%dma_wait3A_233 : memref<640x32xf32, #tpu.memory_space<vmem>>)
      tpu.yield
    }) : () -> ()
    %mul3A_214 = arith.constant 640 : i32
    %mul3A_215 = arith.muli %arg1, %mul3A_214 : i32
    "tpu.region"() ({
      %run_scoped3A = tpu.sem_alloc : memref<!tpu.dma_semaphore, #tpu.memory_space<semaphore_mem>>
      %dma_start3A_216 = arith.constant 0 : i32
      %dma_start3A_217 = arith.constant 0 : i32
      %dma_start3A_218 = tpu.memref_slice %arg9[%dma_start3A_216, %dma_start3A_217] : memref<2560x32xf32, #tpu.memory_space<vmem>> -> memref<640x32xf32, #tpu.memory_space<vmem>>
      %dma_start3A_219 = arith.constant 0 : i32
      %dma_start3A_220 = tpu.memref_slice %arg5[%arg0, %mul3A_215, %dma_start3A_219] : memref<2x10240x32xf32, #tpu.memory_space<hbm>> -> memref<1x640x32xf32, #tpu.memory_space<hbm>>
      %dma_start3A_221 = tpu.memref_squeeze %dma_start3A_220 : memref<1x640x32xf32, #tpu.memory_space<hbm>> -> memref<640x32xf32, #tpu.memory_space<hbm>>
      %dma_start3A_222 = arith.constant 0 : i32
      %dma_start3A_223 = tpu.memref_slice %arg5[%arg0, %mul3A_215, %dma_start3A_222] : memref<2x10240x32xf32, #tpu.memory_space<hbm>> -> memref<1x640x32xf32, #tpu.memory_space<hbm>>
      %dma_start3A_224 = tpu.memref_squeeze %dma_start3A_223 : memref<1x640x32xf32, #tpu.memory_space<hbm>> -> memref<640x32xf32, #tpu.memory_space<hbm>>
      %dma_start3A_225 = arith.constant 0 : i32
      %dma_start3A_226 = arith.constant 0 : i32
      %dma_start3A_227 = tpu.memref_slice %arg9[%dma_start3A_225, %dma_start3A_226] : memref<2560x32xf32, #tpu.memory_space<vmem>> -> memref<640x32xf32, #tpu.memory_space<vmem>>
      tpu.enqueue_dma source(%dma_start3A_227 : memref<640x32xf32, #tpu.memory_space<vmem>>) target(%dma_start3A_224 : memref<640x32xf32, #tpu.memory_space<hbm>>) target_semaphore(%run_scoped3A : memref<!tpu.dma_semaphore, #tpu.memory_space<semaphore_mem>>)
      %dma_wait3A_228 = arith.constant 0 : i32
      %dma_wait3A_229 = arith.constant 0 : i32
      %dma_wait3A_230 = tpu.memref_slice %arg9[%dma_wait3A_228, %dma_wait3A_229] : memref<2560x32xf32, #tpu.memory_space<vmem>> -> memref<640x32xf32, #tpu.memory_space<vmem>>
      %dma_wait3A_231 = arith.constant 0 : i32
      %dma_wait3A_232 = tpu.memref_slice %arg5[%arg0, %mul3A_215, %dma_wait3A_231] : memref<2x10240x32xf32, #tpu.memory_space<hbm>> -> memref<1x640x32xf32, #tpu.memory_space<hbm>>
      %dma_wait3A_233 = tpu.memref_squeeze %dma_wait3A_232 : memref<1x640x32xf32, #tpu.memory_space<hbm>> -> memref<640x32xf32, #tpu.memory_space<hbm>>
      %dma_wait3A_234 = arith.constant 0 : i32
      %dma_wait3A_235 = tpu.memref_slice %arg5[%arg0, %mul3A_215, %dma_wait3A_234] : memref<2x10240x32xf32, #tpu.memory_space<hbm>> -> memref<1x640x32xf32, #tpu.memory_space<hbm>>
      %dma_wait3A_236 = tpu.memref_squeeze %dma_wait3A_235 : memref<1x640x32xf32, #tpu.memory_space<hbm>> -> memref<640x32xf32, #tpu.memory_space<hbm>>
      %dma_wait3A_237 = arith.constant 0 : i32
      %dma_wait3A_238 = arith.constant 0 : i32
      %dma_wait3A_239 = tpu.memref_slice %arg9[%dma_wait3A_237, %dma_wait3A_238] : memref<2560x32xf32, #tpu.memory_space<vmem>> -> memref<640x32xf32, #tpu.memory_space<vmem>>
      tpu.wait_dma2 semaphore(%run_scoped3A : memref<!tpu.dma_semaphore, #tpu.memory_space<semaphore_mem>>) src(%dma_wait3A_239 : memref<640x32xf32, #tpu.memory_space<vmem>>) dst(%dma_wait3A_236 : memref<640x32xf32, #tpu.memory_space<hbm>>)
      tpu.yield
    }) : () -> ()
    return
  }
}

#map = affine_map<(d0, d1) -> (0, 0)>
#map1 = affine_map<(d0, d1) -> (0, 0, 0)>
module attributes {stable_mosaic.version = 14 : i64} {
  func.func @_agg_body(%arg0: i32, %arg1: i32, %arg2: memref<10240x48xf32, #tpu.memory_space<hbm>>, %arg3: memref<2560x128xi32, #tpu.memory_space<hbm>>, %arg4: memref<2560x128xi32, #tpu.memory_space<hbm>>, %arg5: memref<2x10240x48xf32, #tpu.memory_space<hbm>>, %arg6: memref<10240x48xf32, #tpu.memory_space<vmem_shared>>, %arg7: memref<80x128xi32, #tpu.memory_space<vmem>>, %arg8: memref<80x128xi32, #tpu.memory_space<vmem>>, %arg9: memref<1280x48xf32, #tpu.memory_space<vmem>>, %arg10: memref<!tpu.dma_semaphore, #tpu.memory_space<semaphore_mem>>, %arg11: memref<!tpu.dma_semaphore, #tpu.memory_space<semaphore_mem>>) attributes {dimension_semantics = [#tpu.dimension_semantics<core_parallel>, #tpu.dimension_semantics<subcore_parallel>], iteration_bounds = array<i64: 2, 16>, scalar_prefetch = 0 : i64, scratch_operands = 6 : i64, tpu.core_type = #tpu.core_type<sc_vector_subcore>, window_params = [{transform_indices = #map}, {transform_indices = #map}, {transform_indices = #map}, {transform_indices = #map1}]} {
    %mul3A = arith.constant 16 : i32
    %mul3A_0 = arith.muli %arg0, %mul3A : i32
    %add3A = arith.addi %mul3A_0, %arg1 : i32
    %mul3A_1 = arith.constant 80 : i32
    %mul3A_2 = arith.muli %add3A, %mul3A_1 : i32
    "tpu.region"() ({
      %run_scoped3A = tpu.sem_alloc : memref<!tpu.dma_semaphore, #tpu.memory_space<semaphore_mem>>
      %dma_start3A_116 = arith.constant 0 : i32
      %dma_start3A_117 = tpu.memref_slice %arg3[%mul3A_2, %dma_start3A_116] : memref<2560x128xi32, #tpu.memory_space<hbm>> -> memref<80x128xi32, #tpu.memory_space<hbm>>
      %dma_start3A_118 = arith.constant 0 : i32
      %dma_start3A_119 = tpu.memref_slice %arg3[%mul3A_2, %dma_start3A_118] : memref<2560x128xi32, #tpu.memory_space<hbm>> -> memref<80x128xi32, #tpu.memory_space<hbm>>
      tpu.enqueue_dma source(%dma_start3A_119 : memref<80x128xi32, #tpu.memory_space<hbm>>) target(%arg7 : memref<80x128xi32, #tpu.memory_space<vmem>>) target_semaphore(%run_scoped3A : memref<!tpu.dma_semaphore, #tpu.memory_space<semaphore_mem>>)
      %dma_wait3A_120 = arith.constant 0 : i32
      %dma_wait3A_121 = tpu.memref_slice %arg3[%mul3A_2, %dma_wait3A_120] : memref<2560x128xi32, #tpu.memory_space<hbm>> -> memref<80x128xi32, #tpu.memory_space<hbm>>
      %dma_wait3A_122 = arith.constant 0 : i32
      %dma_wait3A_123 = tpu.memref_slice %arg3[%mul3A_2, %dma_wait3A_122] : memref<2560x128xi32, #tpu.memory_space<hbm>> -> memref<80x128xi32, #tpu.memory_space<hbm>>
      tpu.wait_dma2 semaphore(%run_scoped3A : memref<!tpu.dma_semaphore, #tpu.memory_space<semaphore_mem>>) src(%dma_wait3A_123 : memref<80x128xi32, #tpu.memory_space<hbm>>) dst(%arg7 : memref<80x128xi32, #tpu.memory_space<vmem>>)
      tpu.yield
    }) : () -> ()
    %mul3A_3 = arith.constant 80 : i32
    %mul3A_4 = arith.muli %add3A, %mul3A_3 : i32
    "tpu.region"() ({
      %run_scoped3A = tpu.sem_alloc : memref<!tpu.dma_semaphore, #tpu.memory_space<semaphore_mem>>
      %dma_start3A_116 = arith.constant 0 : i32
      %dma_start3A_117 = tpu.memref_slice %arg4[%mul3A_4, %dma_start3A_116] : memref<2560x128xi32, #tpu.memory_space<hbm>> -> memref<80x128xi32, #tpu.memory_space<hbm>>
      %dma_start3A_118 = arith.constant 0 : i32
      %dma_start3A_119 = tpu.memref_slice %arg4[%mul3A_4, %dma_start3A_118] : memref<2560x128xi32, #tpu.memory_space<hbm>> -> memref<80x128xi32, #tpu.memory_space<hbm>>
      tpu.enqueue_dma source(%dma_start3A_119 : memref<80x128xi32, #tpu.memory_space<hbm>>) target(%arg8 : memref<80x128xi32, #tpu.memory_space<vmem>>) target_semaphore(%run_scoped3A : memref<!tpu.dma_semaphore, #tpu.memory_space<semaphore_mem>>)
      %dma_wait3A_120 = arith.constant 0 : i32
      %dma_wait3A_121 = tpu.memref_slice %arg4[%mul3A_4, %dma_wait3A_120] : memref<2560x128xi32, #tpu.memory_space<hbm>> -> memref<80x128xi32, #tpu.memory_space<hbm>>
      %dma_wait3A_122 = arith.constant 0 : i32
      %dma_wait3A_123 = tpu.memref_slice %arg4[%mul3A_4, %dma_wait3A_122] : memref<2560x128xi32, #tpu.memory_space<hbm>> -> memref<80x128xi32, #tpu.memory_space<hbm>>
      tpu.wait_dma2 semaphore(%run_scoped3A : memref<!tpu.dma_semaphore, #tpu.memory_space<semaphore_mem>>) src(%dma_wait3A_123 : memref<80x128xi32, #tpu.memory_space<hbm>>) dst(%arg8 : memref<80x128xi32, #tpu.memory_space<vmem>>)
      tpu.yield
    }) : () -> ()
    %mul3A_5 = arith.constant 640 : i32
    %mul3A_6 = arith.muli %arg1, %mul3A_5 : i32
    "tpu.region"() ({
      %run_scoped3A = tpu.sem_alloc : memref<!tpu.dma_semaphore, #tpu.memory_space<semaphore_mem>>
      %dma_start3A_116 = arith.constant 0 : i32
      %dma_start3A_117 = arith.constant 0 : i32
      %dma_start3A_118 = tpu.memref_slice %arg9[%dma_start3A_116, %dma_start3A_117] : memref<1280x48xf32, #tpu.memory_space<vmem>> -> memref<640x48xf32, #tpu.memory_space<vmem>>
      %dma_start3A_119 = arith.constant 0 : i32
      %dma_start3A_120 = tpu.memref_slice %arg2[%mul3A_6, %dma_start3A_119] : memref<10240x48xf32, #tpu.memory_space<hbm>> -> memref<640x48xf32, #tpu.memory_space<hbm>>
      %dma_start3A_121 = arith.constant 0 : i32
      %dma_start3A_122 = arith.constant 0 : i32
      %dma_start3A_123 = tpu.memref_slice %arg9[%dma_start3A_121, %dma_start3A_122] : memref<1280x48xf32, #tpu.memory_space<vmem>> -> memref<640x48xf32, #tpu.memory_space<vmem>>
      %dma_start3A_124 = arith.constant 0 : i32
      %dma_start3A_125 = tpu.memref_slice %arg2[%mul3A_6, %dma_start3A_124] : memref<10240x48xf32, #tpu.memory_space<hbm>> -> memref<640x48xf32, #tpu.memory_space<hbm>>
      tpu.enqueue_dma source(%dma_start3A_125 : memref<640x48xf32, #tpu.memory_space<hbm>>) target(%dma_start3A_123 : memref<640x48xf32, #tpu.memory_space<vmem>>) target_semaphore(%run_scoped3A : memref<!tpu.dma_semaphore, #tpu.memory_space<semaphore_mem>>)
      %dma_wait3A_126 = arith.constant 0 : i32
      %dma_wait3A_127 = arith.constant 0 : i32
      %dma_wait3A_128 = tpu.memref_slice %arg9[%dma_wait3A_126, %dma_wait3A_127] : memref<1280x48xf32, #tpu.memory_space<vmem>> -> memref<640x48xf32, #tpu.memory_space<vmem>>
      %dma_wait3A_129 = arith.constant 0 : i32
      %dma_wait3A_130 = tpu.memref_slice %arg2[%mul3A_6, %dma_wait3A_129] : memref<10240x48xf32, #tpu.memory_space<hbm>> -> memref<640x48xf32, #tpu.memory_space<hbm>>
      %dma_wait3A_131 = arith.constant 0 : i32
      %dma_wait3A_132 = arith.constant 0 : i32
      %dma_wait3A_133 = tpu.memref_slice %arg9[%dma_wait3A_131, %dma_wait3A_132] : memref<1280x48xf32, #tpu.memory_space<vmem>> -> memref<640x48xf32, #tpu.memory_space<vmem>>
      %dma_wait3A_134 = arith.constant 0 : i32
      %dma_wait3A_135 = tpu.memref_slice %arg2[%mul3A_6, %dma_wait3A_134] : memref<10240x48xf32, #tpu.memory_space<hbm>> -> memref<640x48xf32, #tpu.memory_space<hbm>>
      tpu.wait_dma2 semaphore(%run_scoped3A : memref<!tpu.dma_semaphore, #tpu.memory_space<semaphore_mem>>) src(%dma_wait3A_135 : memref<640x48xf32, #tpu.memory_space<hbm>>) dst(%dma_wait3A_133 : memref<640x48xf32, #tpu.memory_space<vmem>>)
      tpu.yield
    }) : () -> ()
    %mul3A_7 = arith.constant 640 : i32
    %mul3A_8 = arith.muli %arg1, %mul3A_7 : i32
    "tpu.region"() ({
      %run_scoped3A = tpu.sem_alloc : memref<!tpu.dma_semaphore, #tpu.memory_space<semaphore_mem>>
      %dma_start3A_116 = arith.constant 0 : i32
      %dma_start3A_117 = arith.constant 0 : i32
      %dma_start3A_118 = tpu.memref_slice %arg9[%dma_start3A_116, %dma_start3A_117] : memref<1280x48xf32, #tpu.memory_space<vmem>> -> memref<640x48xf32, #tpu.memory_space<vmem>>
      %dma_start3A_119 = arith.constant 0 : i32
      %dma_start3A_120 = tpu.memref_slice %arg6[%mul3A_8, %dma_start3A_119] : memref<10240x48xf32, #tpu.memory_space<vmem_shared>> -> memref<640x48xf32, #tpu.memory_space<vmem_shared>>
      %dma_start3A_121 = arith.constant 0 : i32
      %dma_start3A_122 = tpu.memref_slice %arg6[%mul3A_8, %dma_start3A_121] : memref<10240x48xf32, #tpu.memory_space<vmem_shared>> -> memref<640x48xf32, #tpu.memory_space<vmem_shared>>
      %dma_start3A_123 = arith.constant 0 : i32
      %dma_start3A_124 = arith.constant 0 : i32
      %dma_start3A_125 = tpu.memref_slice %arg9[%dma_start3A_123, %dma_start3A_124] : memref<1280x48xf32, #tpu.memory_space<vmem>> -> memref<640x48xf32, #tpu.memory_space<vmem>>
      tpu.enqueue_dma source(%dma_start3A_125 : memref<640x48xf32, #tpu.memory_space<vmem>>) target(%dma_start3A_122 : memref<640x48xf32, #tpu.memory_space<vmem_shared>>) target_semaphore(%run_scoped3A : memref<!tpu.dma_semaphore, #tpu.memory_space<semaphore_mem>>)
      %dma_wait3A_126 = arith.constant 0 : i32
      %dma_wait3A_127 = arith.constant 0 : i32
      %dma_wait3A_128 = tpu.memref_slice %arg9[%dma_wait3A_126, %dma_wait3A_127] : memref<1280x48xf32, #tpu.memory_space<vmem>> -> memref<640x48xf32, #tpu.memory_space<vmem>>
      %dma_wait3A_129 = arith.constant 0 : i32
      %dma_wait3A_130 = tpu.memref_slice %arg6[%mul3A_8, %dma_wait3A_129] : memref<10240x48xf32, #tpu.memory_space<vmem_shared>> -> memref<640x48xf32, #tpu.memory_space<vmem_shared>>
      %dma_wait3A_131 = arith.constant 0 : i32
      %dma_wait3A_132 = tpu.memref_slice %arg6[%mul3A_8, %dma_wait3A_131] : memref<10240x48xf32, #tpu.memory_space<vmem_shared>> -> memref<640x48xf32, #tpu.memory_space<vmem_shared>>
      %dma_wait3A_133 = arith.constant 0 : i32
      %dma_wait3A_134 = arith.constant 0 : i32
      %dma_wait3A_135 = tpu.memref_slice %arg9[%dma_wait3A_133, %dma_wait3A_134] : memref<1280x48xf32, #tpu.memory_space<vmem>> -> memref<640x48xf32, #tpu.memory_space<vmem>>
      tpu.wait_dma2 semaphore(%run_scoped3A : memref<!tpu.dma_semaphore, #tpu.memory_space<semaphore_mem>>) src(%dma_wait3A_135 : memref<640x48xf32, #tpu.memory_space<vmem>>) dst(%dma_wait3A_132 : memref<640x48xf32, #tpu.memory_space<vmem_shared>>)
      tpu.yield
    }) : () -> ()
    %barrier3A = arith.constant 0 : index
    tpu.barrier barrier_id(%barrier3A)
    %dma_start3A = arith.constant 0 : i32
    %dma_start3A_9 = arith.constant 0 : i32
    %dma_start3A_10 = arith.constant 0 : i32
    %dma_start3A_11 = tpu.memref_slice %arg9[%dma_start3A_9, %dma_start3A_10] : memref<1280x48xf32, #tpu.memory_space<vmem>> -> memref<128x48xf32, #tpu.memory_space<vmem>>
    %dma_start3A_12 = arith.constant 0 : i32
    %dma_start3A_13 = tpu.memref_slice %arg7[%dma_start3A, %dma_start3A_12] : memref<80x128xi32, #tpu.memory_space<vmem>> -> memref<1x128xi32, #tpu.memory_space<vmem>>
    %dma_start3A_14 = tpu.memref_squeeze %dma_start3A_13 : memref<1x128xi32, #tpu.memory_space<vmem>> -> memref<128xi32, #tpu.memory_space<vmem>>
    %dma_start3A_15 = arith.constant 0 : i32
    %dma_start3A_16 = arith.constant 0 : i32
    %dma_start3A_17 = tpu.memref_slice %arg2[%dma_start3A_15, %dma_start3A_16] : memref<10240x48xf32, #tpu.memory_space<hbm>> -> memref<10240x48xf32, #tpu.memory_space<hbm>>
    tpu.enqueue_indirect_dma source(%dma_start3A_17 : memref<10240x48xf32, #tpu.memory_space<hbm>>) target(%dma_start3A_11 : memref<128x48xf32, #tpu.memory_space<vmem>>) offsets(%dma_start3A_14 : memref<128xi32, #tpu.memory_space<vmem>>) semaphore(%arg10 : memref<!tpu.dma_semaphore, #tpu.memory_space<semaphore_mem>>)
    %dma_start3A_18 = arith.constant 1 : i32
    %dma_start3A_19 = arith.constant 128 : i32
    %dma_start3A_20 = arith.constant 0 : i32
    %dma_start3A_21 = tpu.memref_slice %arg9[%dma_start3A_19, %dma_start3A_20] : memref<1280x48xf32, #tpu.memory_space<vmem>> -> memref<128x48xf32, #tpu.memory_space<vmem>>
    %dma_start3A_22 = arith.constant 0 : i32
    %dma_start3A_23 = tpu.memref_slice %arg7[%dma_start3A_18, %dma_start3A_22] : memref<80x128xi32, #tpu.memory_space<vmem>> -> memref<1x128xi32, #tpu.memory_space<vmem>>
    %dma_start3A_24 = tpu.memref_squeeze %dma_start3A_23 : memref<1x128xi32, #tpu.memory_space<vmem>> -> memref<128xi32, #tpu.memory_space<vmem>>
    %dma_start3A_25 = arith.constant 0 : i32
    %dma_start3A_26 = arith.constant 0 : i32
    %dma_start3A_27 = tpu.memref_slice %arg2[%dma_start3A_25, %dma_start3A_26] : memref<10240x48xf32, #tpu.memory_space<hbm>> -> memref<10240x48xf32, #tpu.memory_space<hbm>>
    tpu.enqueue_indirect_dma source(%dma_start3A_27 : memref<10240x48xf32, #tpu.memory_space<hbm>>) target(%dma_start3A_21 : memref<128x48xf32, #tpu.memory_space<vmem>>) offsets(%dma_start3A_24 : memref<128xi32, #tpu.memory_space<vmem>>) semaphore(%arg10 : memref<!tpu.dma_semaphore, #tpu.memory_space<semaphore_mem>>)
    %dma_start3A_28 = arith.constant 2 : i32
    %dma_start3A_29 = arith.constant 256 : i32
    %dma_start3A_30 = arith.constant 0 : i32
    %dma_start3A_31 = tpu.memref_slice %arg9[%dma_start3A_29, %dma_start3A_30] : memref<1280x48xf32, #tpu.memory_space<vmem>> -> memref<128x48xf32, #tpu.memory_space<vmem>>
    %dma_start3A_32 = arith.constant 0 : i32
    %dma_start3A_33 = tpu.memref_slice %arg7[%dma_start3A_28, %dma_start3A_32] : memref<80x128xi32, #tpu.memory_space<vmem>> -> memref<1x128xi32, #tpu.memory_space<vmem>>
    %dma_start3A_34 = tpu.memref_squeeze %dma_start3A_33 : memref<1x128xi32, #tpu.memory_space<vmem>> -> memref<128xi32, #tpu.memory_space<vmem>>
    %dma_start3A_35 = arith.constant 0 : i32
    %dma_start3A_36 = arith.constant 0 : i32
    %dma_start3A_37 = tpu.memref_slice %arg2[%dma_start3A_35, %dma_start3A_36] : memref<10240x48xf32, #tpu.memory_space<hbm>> -> memref<10240x48xf32, #tpu.memory_space<hbm>>
    tpu.enqueue_indirect_dma source(%dma_start3A_37 : memref<10240x48xf32, #tpu.memory_space<hbm>>) target(%dma_start3A_31 : memref<128x48xf32, #tpu.memory_space<vmem>>) offsets(%dma_start3A_34 : memref<128xi32, #tpu.memory_space<vmem>>) semaphore(%arg10 : memref<!tpu.dma_semaphore, #tpu.memory_space<semaphore_mem>>)
    %dma_start3A_38 = arith.constant 3 : i32
    %dma_start3A_39 = arith.constant 384 : i32
    %dma_start3A_40 = arith.constant 0 : i32
    %dma_start3A_41 = tpu.memref_slice %arg9[%dma_start3A_39, %dma_start3A_40] : memref<1280x48xf32, #tpu.memory_space<vmem>> -> memref<128x48xf32, #tpu.memory_space<vmem>>
    %dma_start3A_42 = arith.constant 0 : i32
    %dma_start3A_43 = tpu.memref_slice %arg7[%dma_start3A_38, %dma_start3A_42] : memref<80x128xi32, #tpu.memory_space<vmem>> -> memref<1x128xi32, #tpu.memory_space<vmem>>
    %dma_start3A_44 = tpu.memref_squeeze %dma_start3A_43 : memref<1x128xi32, #tpu.memory_space<vmem>> -> memref<128xi32, #tpu.memory_space<vmem>>
    %dma_start3A_45 = arith.constant 0 : i32
    %dma_start3A_46 = arith.constant 0 : i32
    %dma_start3A_47 = tpu.memref_slice %arg2[%dma_start3A_45, %dma_start3A_46] : memref<10240x48xf32, #tpu.memory_space<hbm>> -> memref<10240x48xf32, #tpu.memory_space<hbm>>
    tpu.enqueue_indirect_dma source(%dma_start3A_47 : memref<10240x48xf32, #tpu.memory_space<hbm>>) target(%dma_start3A_41 : memref<128x48xf32, #tpu.memory_space<vmem>>) offsets(%dma_start3A_44 : memref<128xi32, #tpu.memory_space<vmem>>) semaphore(%arg10 : memref<!tpu.dma_semaphore, #tpu.memory_space<semaphore_mem>>)
    %dma_start3A_48 = arith.constant 4 : i32
    %dma_start3A_49 = arith.constant 512 : i32
    %dma_start3A_50 = arith.constant 0 : i32
    %dma_start3A_51 = tpu.memref_slice %arg9[%dma_start3A_49, %dma_start3A_50] : memref<1280x48xf32, #tpu.memory_space<vmem>> -> memref<128x48xf32, #tpu.memory_space<vmem>>
    %dma_start3A_52 = arith.constant 0 : i32
    %dma_start3A_53 = tpu.memref_slice %arg7[%dma_start3A_48, %dma_start3A_52] : memref<80x128xi32, #tpu.memory_space<vmem>> -> memref<1x128xi32, #tpu.memory_space<vmem>>
    %dma_start3A_54 = tpu.memref_squeeze %dma_start3A_53 : memref<1x128xi32, #tpu.memory_space<vmem>> -> memref<128xi32, #tpu.memory_space<vmem>>
    %dma_start3A_55 = arith.constant 0 : i32
    %dma_start3A_56 = arith.constant 0 : i32
    %dma_start3A_57 = tpu.memref_slice %arg2[%dma_start3A_55, %dma_start3A_56] : memref<10240x48xf32, #tpu.memory_space<hbm>> -> memref<10240x48xf32, #tpu.memory_space<hbm>>
    tpu.enqueue_indirect_dma source(%dma_start3A_57 : memref<10240x48xf32, #tpu.memory_space<hbm>>) target(%dma_start3A_51 : memref<128x48xf32, #tpu.memory_space<vmem>>) offsets(%dma_start3A_54 : memref<128xi32, #tpu.memory_space<vmem>>) semaphore(%arg10 : memref<!tpu.dma_semaphore, #tpu.memory_space<semaphore_mem>>)
    %scan3A = arith.constant 0 : i32
    %scan3A_58 = arith.constant 16 : i32
    %scan3A_59 = arith.addi %scan3A, %scan3A_58 : i32
    %scan3A_60 = arith.constant 1 : i32
    scf.for %scan3A_116 = %scan3A to %scan3A_59 step %scan3A_60  : i32 {
      %rem3A = arith.constant 2 : i32
      %rem3A_117 = arith.remsi %scan3A_116, %rem3A : i32
      %sub3A = arith.constant 1 : i32
      %sub3A_118 = arith.subi %sub3A, %rem3A_117 : i32
      %mul3A_119 = arith.constant 5 : i32
      %mul3A_120 = arith.muli %scan3A_116, %mul3A_119 : i32
      %add3A_121 = arith.constant 0 : i32
      %add3A_122 = arith.addi %mul3A_120, %add3A_121 : i32
      %mul3A_123 = arith.constant 640 : i32
      %mul3A_124 = arith.muli %rem3A_117, %mul3A_123 : i32
      %add3A_125 = arith.constant 0 : i32
      %add3A_126 = arith.addi %mul3A_124, %add3A_125 : i32
      %dma_wait3A_127 = arith.constant 0 : i32
      %dma_wait3A_128 = tpu.memref_slice %arg9[%add3A_126, %dma_wait3A_127] : memref<1280x48xf32, #tpu.memory_space<vmem>> -> memref<128x48xf32, #tpu.memory_space<vmem>>
      %dma_wait3A_129 = arith.constant 0 : i32
      %dma_wait3A_130 = tpu.memref_slice %arg7[%add3A_122, %dma_wait3A_129] : memref<80x128xi32, #tpu.memory_space<vmem>> -> memref<1x128xi32, #tpu.memory_space<vmem>>
      %dma_wait3A_131 = tpu.memref_squeeze %dma_wait3A_130 : memref<1x128xi32, #tpu.memory_space<vmem>> -> memref<128xi32, #tpu.memory_space<vmem>>
      %dma_wait3A_132 = arith.constant 0 : i32
      %dma_wait3A_133 = arith.constant 0 : i32
      %dma_wait3A_134 = tpu.memref_slice %arg2[%dma_wait3A_132, %dma_wait3A_133] : memref<10240x48xf32, #tpu.memory_space<hbm>> -> memref<10240x48xf32, #tpu.memory_space<hbm>>
      tpu.wait_indirect_dma semaphore(%arg10 : memref<!tpu.dma_semaphore, #tpu.memory_space<semaphore_mem>>) src(%dma_wait3A_134 : memref<10240x48xf32, #tpu.memory_space<hbm>>) dst(%dma_wait3A_128 : memref<128x48xf32, #tpu.memory_space<vmem>>)
      %mul3A_135 = arith.constant 5 : i32
      %mul3A_136 = arith.muli %scan3A_116, %mul3A_135 : i32
      %add3A_137 = arith.constant 1 : i32
      %add3A_138 = arith.addi %mul3A_136, %add3A_137 : i32
      %mul3A_139 = arith.constant 640 : i32
      %mul3A_140 = arith.muli %rem3A_117, %mul3A_139 : i32
      %add3A_141 = arith.constant 128 : i32
      %add3A_142 = arith.addi %mul3A_140, %add3A_141 : i32
      %dma_wait3A_143 = arith.constant 0 : i32
      %dma_wait3A_144 = tpu.memref_slice %arg9[%add3A_142, %dma_wait3A_143] : memref<1280x48xf32, #tpu.memory_space<vmem>> -> memref<128x48xf32, #tpu.memory_space<vmem>>
      %dma_wait3A_145 = arith.constant 0 : i32
      %dma_wait3A_146 = tpu.memref_slice %arg7[%add3A_138, %dma_wait3A_145] : memref<80x128xi32, #tpu.memory_space<vmem>> -> memref<1x128xi32, #tpu.memory_space<vmem>>
      %dma_wait3A_147 = tpu.memref_squeeze %dma_wait3A_146 : memref<1x128xi32, #tpu.memory_space<vmem>> -> memref<128xi32, #tpu.memory_space<vmem>>
      %dma_wait3A_148 = arith.constant 0 : i32
      %dma_wait3A_149 = arith.constant 0 : i32
      %dma_wait3A_150 = tpu.memref_slice %arg2[%dma_wait3A_148, %dma_wait3A_149] : memref<10240x48xf32, #tpu.memory_space<hbm>> -> memref<10240x48xf32, #tpu.memory_space<hbm>>
      tpu.wait_indirect_dma semaphore(%arg10 : memref<!tpu.dma_semaphore, #tpu.memory_space<semaphore_mem>>) src(%dma_wait3A_150 : memref<10240x48xf32, #tpu.memory_space<hbm>>) dst(%dma_wait3A_144 : memref<128x48xf32, #tpu.memory_space<vmem>>)
      %mul3A_151 = arith.constant 5 : i32
      %mul3A_152 = arith.muli %scan3A_116, %mul3A_151 : i32
      %add3A_153 = arith.constant 2 : i32
      %add3A_154 = arith.addi %mul3A_152, %add3A_153 : i32
      %mul3A_155 = arith.constant 640 : i32
      %mul3A_156 = arith.muli %rem3A_117, %mul3A_155 : i32
      %add3A_157 = arith.constant 256 : i32
      %add3A_158 = arith.addi %mul3A_156, %add3A_157 : i32
      %dma_wait3A_159 = arith.constant 0 : i32
      %dma_wait3A_160 = tpu.memref_slice %arg9[%add3A_158, %dma_wait3A_159] : memref<1280x48xf32, #tpu.memory_space<vmem>> -> memref<128x48xf32, #tpu.memory_space<vmem>>
      %dma_wait3A_161 = arith.constant 0 : i32
      %dma_wait3A_162 = tpu.memref_slice %arg7[%add3A_154, %dma_wait3A_161] : memref<80x128xi32, #tpu.memory_space<vmem>> -> memref<1x128xi32, #tpu.memory_space<vmem>>
      %dma_wait3A_163 = tpu.memref_squeeze %dma_wait3A_162 : memref<1x128xi32, #tpu.memory_space<vmem>> -> memref<128xi32, #tpu.memory_space<vmem>>
      %dma_wait3A_164 = arith.constant 0 : i32
      %dma_wait3A_165 = arith.constant 0 : i32
      %dma_wait3A_166 = tpu.memref_slice %arg2[%dma_wait3A_164, %dma_wait3A_165] : memref<10240x48xf32, #tpu.memory_space<hbm>> -> memref<10240x48xf32, #tpu.memory_space<hbm>>
      tpu.wait_indirect_dma semaphore(%arg10 : memref<!tpu.dma_semaphore, #tpu.memory_space<semaphore_mem>>) src(%dma_wait3A_166 : memref<10240x48xf32, #tpu.memory_space<hbm>>) dst(%dma_wait3A_160 : memref<128x48xf32, #tpu.memory_space<vmem>>)
      %mul3A_167 = arith.constant 5 : i32
      %mul3A_168 = arith.muli %scan3A_116, %mul3A_167 : i32
      %add3A_169 = arith.constant 3 : i32
      %add3A_170 = arith.addi %mul3A_168, %add3A_169 : i32
      %mul3A_171 = arith.constant 640 : i32
      %mul3A_172 = arith.muli %rem3A_117, %mul3A_171 : i32
      %add3A_173 = arith.constant 384 : i32
      %add3A_174 = arith.addi %mul3A_172, %add3A_173 : i32
      %dma_wait3A_175 = arith.constant 0 : i32
      %dma_wait3A_176 = tpu.memref_slice %arg9[%add3A_174, %dma_wait3A_175] : memref<1280x48xf32, #tpu.memory_space<vmem>> -> memref<128x48xf32, #tpu.memory_space<vmem>>
      %dma_wait3A_177 = arith.constant 0 : i32
      %dma_wait3A_178 = tpu.memref_slice %arg7[%add3A_170, %dma_wait3A_177] : memref<80x128xi32, #tpu.memory_space<vmem>> -> memref<1x128xi32, #tpu.memory_space<vmem>>
      %dma_wait3A_179 = tpu.memref_squeeze %dma_wait3A_178 : memref<1x128xi32, #tpu.memory_space<vmem>> -> memref<128xi32, #tpu.memory_space<vmem>>
      %dma_wait3A_180 = arith.constant 0 : i32
      %dma_wait3A_181 = arith.constant 0 : i32
      %dma_wait3A_182 = tpu.memref_slice %arg2[%dma_wait3A_180, %dma_wait3A_181] : memref<10240x48xf32, #tpu.memory_space<hbm>> -> memref<10240x48xf32, #tpu.memory_space<hbm>>
      tpu.wait_indirect_dma semaphore(%arg10 : memref<!tpu.dma_semaphore, #tpu.memory_space<semaphore_mem>>) src(%dma_wait3A_182 : memref<10240x48xf32, #tpu.memory_space<hbm>>) dst(%dma_wait3A_176 : memref<128x48xf32, #tpu.memory_space<vmem>>)
      %mul3A_183 = arith.constant 5 : i32
      %mul3A_184 = arith.muli %scan3A_116, %mul3A_183 : i32
      %add3A_185 = arith.constant 4 : i32
      %add3A_186 = arith.addi %mul3A_184, %add3A_185 : i32
      %mul3A_187 = arith.constant 640 : i32
      %mul3A_188 = arith.muli %rem3A_117, %mul3A_187 : i32
      %add3A_189 = arith.constant 512 : i32
      %add3A_190 = arith.addi %mul3A_188, %add3A_189 : i32
      %dma_wait3A_191 = arith.constant 0 : i32
      %dma_wait3A_192 = tpu.memref_slice %arg9[%add3A_190, %dma_wait3A_191] : memref<1280x48xf32, #tpu.memory_space<vmem>> -> memref<128x48xf32, #tpu.memory_space<vmem>>
      %dma_wait3A_193 = arith.constant 0 : i32
      %dma_wait3A_194 = tpu.memref_slice %arg7[%add3A_186, %dma_wait3A_193] : memref<80x128xi32, #tpu.memory_space<vmem>> -> memref<1x128xi32, #tpu.memory_space<vmem>>
      %dma_wait3A_195 = tpu.memref_squeeze %dma_wait3A_194 : memref<1x128xi32, #tpu.memory_space<vmem>> -> memref<128xi32, #tpu.memory_space<vmem>>
      %dma_wait3A_196 = arith.constant 0 : i32
      %dma_wait3A_197 = arith.constant 0 : i32
      %dma_wait3A_198 = tpu.memref_slice %arg2[%dma_wait3A_196, %dma_wait3A_197] : memref<10240x48xf32, #tpu.memory_space<hbm>> -> memref<10240x48xf32, #tpu.memory_space<hbm>>
      tpu.wait_indirect_dma semaphore(%arg10 : memref<!tpu.dma_semaphore, #tpu.memory_space<semaphore_mem>>) src(%dma_wait3A_198 : memref<10240x48xf32, #tpu.memory_space<hbm>>) dst(%dma_wait3A_192 : memref<128x48xf32, #tpu.memory_space<vmem>>)
      %gt3A = arith.constant 0 : i32
      %gt3A_199 = arith.cmpi sgt, %scan3A_116, %gt3A : i32
      %convert_element_type3A = arith.extui %gt3A_199 : i1 to i32
      %cond3A = arith.constant 0 : i32
      %cond3A_200 = arith.cmpi ne, %convert_element_type3A, %cond3A : i32
      scf.if %cond3A_200 {
        %sub3A_285 = arith.constant 1 : i32
        %sub3A_286 = arith.subi %scan3A_116, %sub3A_285 : i32
        %mul3A_287 = arith.constant 640 : i32
        %mul3A_288 = arith.muli %sub3A_118, %mul3A_287 : i32
        %add3A_289 = arith.constant 0 : i32
        %add3A_290 = arith.addi %mul3A_288, %add3A_289 : i32
        %mul3A_291 = arith.constant 5 : i32
        %mul3A_292 = arith.muli %sub3A_286, %mul3A_291 : i32
        %add3A_293 = arith.constant 0 : i32
        %add3A_294 = arith.addi %mul3A_292, %add3A_293 : i32
        %dma_wait3A_295 = arith.constant 0 : i32
        %dma_wait3A_296 = tpu.memref_slice %arg9[%add3A_290, %dma_wait3A_295] : memref<1280x48xf32, #tpu.memory_space<vmem>> -> memref<128x48xf32, #tpu.memory_space<vmem>>
        %dma_wait3A_297 = arith.constant 0 : i32
        %dma_wait3A_298 = tpu.memref_slice %arg8[%add3A_294, %dma_wait3A_297] : memref<80x128xi32, #tpu.memory_space<vmem>> -> memref<1x128xi32, #tpu.memory_space<vmem>>
        %dma_wait3A_299 = tpu.memref_squeeze %dma_wait3A_298 : memref<1x128xi32, #tpu.memory_space<vmem>> -> memref<128xi32, #tpu.memory_space<vmem>>
        %dma_wait3A_300 = arith.constant 0 : i32
        %dma_wait3A_301 = arith.constant 0 : i32
        %dma_wait3A_302 = tpu.memref_slice %arg6[%dma_wait3A_300, %dma_wait3A_301] : memref<10240x48xf32, #tpu.memory_space<vmem_shared>> -> memref<10240x48xf32, #tpu.memory_space<vmem_shared>>
        tpu.wait_indirect_dma semaphore(%arg11 : memref<!tpu.dma_semaphore, #tpu.memory_space<semaphore_mem>>) src(%dma_wait3A_296 : memref<128x48xf32, #tpu.memory_space<vmem>>) dst(%dma_wait3A_302 : memref<10240x48xf32, #tpu.memory_space<vmem_shared>>)
        %sub3A_303 = arith.constant 1 : i32
        %sub3A_304 = arith.subi %scan3A_116, %sub3A_303 : i32
        %mul3A_305 = arith.constant 640 : i32
        %mul3A_306 = arith.muli %sub3A_118, %mul3A_305 : i32
        %add3A_307 = arith.constant 128 : i32
        %add3A_308 = arith.addi %mul3A_306, %add3A_307 : i32
        %mul3A_309 = arith.constant 5 : i32
        %mul3A_310 = arith.muli %sub3A_304, %mul3A_309 : i32
        %add3A_311 = arith.constant 1 : i32
        %add3A_312 = arith.addi %mul3A_310, %add3A_311 : i32
        %dma_wait3A_313 = arith.constant 0 : i32
        %dma_wait3A_314 = tpu.memref_slice %arg9[%add3A_308, %dma_wait3A_313] : memref<1280x48xf32, #tpu.memory_space<vmem>> -> memref<128x48xf32, #tpu.memory_space<vmem>>
        %dma_wait3A_315 = arith.constant 0 : i32
        %dma_wait3A_316 = tpu.memref_slice %arg8[%add3A_312, %dma_wait3A_315] : memref<80x128xi32, #tpu.memory_space<vmem>> -> memref<1x128xi32, #tpu.memory_space<vmem>>
        %dma_wait3A_317 = tpu.memref_squeeze %dma_wait3A_316 : memref<1x128xi32, #tpu.memory_space<vmem>> -> memref<128xi32, #tpu.memory_space<vmem>>
        %dma_wait3A_318 = arith.constant 0 : i32
        %dma_wait3A_319 = arith.constant 0 : i32
        %dma_wait3A_320 = tpu.memref_slice %arg6[%dma_wait3A_318, %dma_wait3A_319] : memref<10240x48xf32, #tpu.memory_space<vmem_shared>> -> memref<10240x48xf32, #tpu.memory_space<vmem_shared>>
        tpu.wait_indirect_dma semaphore(%arg11 : memref<!tpu.dma_semaphore, #tpu.memory_space<semaphore_mem>>) src(%dma_wait3A_314 : memref<128x48xf32, #tpu.memory_space<vmem>>) dst(%dma_wait3A_320 : memref<10240x48xf32, #tpu.memory_space<vmem_shared>>)
        %sub3A_321 = arith.constant 1 : i32
        %sub3A_322 = arith.subi %scan3A_116, %sub3A_321 : i32
        %mul3A_323 = arith.constant 640 : i32
        %mul3A_324 = arith.muli %sub3A_118, %mul3A_323 : i32
        %add3A_325 = arith.constant 256 : i32
        %add3A_326 = arith.addi %mul3A_324, %add3A_325 : i32
        %mul3A_327 = arith.constant 5 : i32
        %mul3A_328 = arith.muli %sub3A_322, %mul3A_327 : i32
        %add3A_329 = arith.constant 2 : i32
        %add3A_330 = arith.addi %mul3A_328, %add3A_329 : i32
        %dma_wait3A_331 = arith.constant 0 : i32
        %dma_wait3A_332 = tpu.memref_slice %arg9[%add3A_326, %dma_wait3A_331] : memref<1280x48xf32, #tpu.memory_space<vmem>> -> memref<128x48xf32, #tpu.memory_space<vmem>>
        %dma_wait3A_333 = arith.constant 0 : i32
        %dma_wait3A_334 = tpu.memref_slice %arg8[%add3A_330, %dma_wait3A_333] : memref<80x128xi32, #tpu.memory_space<vmem>> -> memref<1x128xi32, #tpu.memory_space<vmem>>
        %dma_wait3A_335 = tpu.memref_squeeze %dma_wait3A_334 : memref<1x128xi32, #tpu.memory_space<vmem>> -> memref<128xi32, #tpu.memory_space<vmem>>
        %dma_wait3A_336 = arith.constant 0 : i32
        %dma_wait3A_337 = arith.constant 0 : i32
        %dma_wait3A_338 = tpu.memref_slice %arg6[%dma_wait3A_336, %dma_wait3A_337] : memref<10240x48xf32, #tpu.memory_space<vmem_shared>> -> memref<10240x48xf32, #tpu.memory_space<vmem_shared>>
        tpu.wait_indirect_dma semaphore(%arg11 : memref<!tpu.dma_semaphore, #tpu.memory_space<semaphore_mem>>) src(%dma_wait3A_332 : memref<128x48xf32, #tpu.memory_space<vmem>>) dst(%dma_wait3A_338 : memref<10240x48xf32, #tpu.memory_space<vmem_shared>>)
        %sub3A_339 = arith.constant 1 : i32
        %sub3A_340 = arith.subi %scan3A_116, %sub3A_339 : i32
        %mul3A_341 = arith.constant 640 : i32
        %mul3A_342 = arith.muli %sub3A_118, %mul3A_341 : i32
        %add3A_343 = arith.constant 384 : i32
        %add3A_344 = arith.addi %mul3A_342, %add3A_343 : i32
        %mul3A_345 = arith.constant 5 : i32
        %mul3A_346 = arith.muli %sub3A_340, %mul3A_345 : i32
        %add3A_347 = arith.constant 3 : i32
        %add3A_348 = arith.addi %mul3A_346, %add3A_347 : i32
        %dma_wait3A_349 = arith.constant 0 : i32
        %dma_wait3A_350 = tpu.memref_slice %arg9[%add3A_344, %dma_wait3A_349] : memref<1280x48xf32, #tpu.memory_space<vmem>> -> memref<128x48xf32, #tpu.memory_space<vmem>>
        %dma_wait3A_351 = arith.constant 0 : i32
        %dma_wait3A_352 = tpu.memref_slice %arg8[%add3A_348, %dma_wait3A_351] : memref<80x128xi32, #tpu.memory_space<vmem>> -> memref<1x128xi32, #tpu.memory_space<vmem>>
        %dma_wait3A_353 = tpu.memref_squeeze %dma_wait3A_352 : memref<1x128xi32, #tpu.memory_space<vmem>> -> memref<128xi32, #tpu.memory_space<vmem>>
        %dma_wait3A_354 = arith.constant 0 : i32
        %dma_wait3A_355 = arith.constant 0 : i32
        %dma_wait3A_356 = tpu.memref_slice %arg6[%dma_wait3A_354, %dma_wait3A_355] : memref<10240x48xf32, #tpu.memory_space<vmem_shared>> -> memref<10240x48xf32, #tpu.memory_space<vmem_shared>>
        tpu.wait_indirect_dma semaphore(%arg11 : memref<!tpu.dma_semaphore, #tpu.memory_space<semaphore_mem>>) src(%dma_wait3A_350 : memref<128x48xf32, #tpu.memory_space<vmem>>) dst(%dma_wait3A_356 : memref<10240x48xf32, #tpu.memory_space<vmem_shared>>)
        %sub3A_357 = arith.constant 1 : i32
        %sub3A_358 = arith.subi %scan3A_116, %sub3A_357 : i32
        %mul3A_359 = arith.constant 640 : i32
        %mul3A_360 = arith.muli %sub3A_118, %mul3A_359 : i32
        %add3A_361 = arith.constant 512 : i32
        %add3A_362 = arith.addi %mul3A_360, %add3A_361 : i32
        %mul3A_363 = arith.constant 5 : i32
        %mul3A_364 = arith.muli %sub3A_358, %mul3A_363 : i32
        %add3A_365 = arith.constant 4 : i32
        %add3A_366 = arith.addi %mul3A_364, %add3A_365 : i32
        %dma_wait3A_367 = arith.constant 0 : i32
        %dma_wait3A_368 = tpu.memref_slice %arg9[%add3A_362, %dma_wait3A_367] : memref<1280x48xf32, #tpu.memory_space<vmem>> -> memref<128x48xf32, #tpu.memory_space<vmem>>
        %dma_wait3A_369 = arith.constant 0 : i32
        %dma_wait3A_370 = tpu.memref_slice %arg8[%add3A_366, %dma_wait3A_369] : memref<80x128xi32, #tpu.memory_space<vmem>> -> memref<1x128xi32, #tpu.memory_space<vmem>>
        %dma_wait3A_371 = tpu.memref_squeeze %dma_wait3A_370 : memref<1x128xi32, #tpu.memory_space<vmem>> -> memref<128xi32, #tpu.memory_space<vmem>>
        %dma_wait3A_372 = arith.constant 0 : i32
        %dma_wait3A_373 = arith.constant 0 : i32
        %dma_wait3A_374 = tpu.memref_slice %arg6[%dma_wait3A_372, %dma_wait3A_373] : memref<10240x48xf32, #tpu.memory_space<vmem_shared>> -> memref<10240x48xf32, #tpu.memory_space<vmem_shared>>
        tpu.wait_indirect_dma semaphore(%arg11 : memref<!tpu.dma_semaphore, #tpu.memory_space<semaphore_mem>>) src(%dma_wait3A_368 : memref<128x48xf32, #tpu.memory_space<vmem>>) dst(%dma_wait3A_374 : memref<10240x48xf32, #tpu.memory_space<vmem_shared>>)
      } else {
      }
      %lt3A = arith.constant 15 : i32
      %lt3A_201 = arith.cmpi slt, %scan3A_116, %lt3A : i32
      %convert_element_type3A_202 = arith.extui %lt3A_201 : i1 to i32
      %cond3A_203 = arith.constant 0 : i32
      %cond3A_204 = arith.cmpi ne, %convert_element_type3A_202, %cond3A_203 : i32
      scf.if %cond3A_204 {
        %add3A_285 = arith.constant 1 : i32
        %add3A_286 = arith.addi %scan3A_116, %add3A_285 : i32
        %mul3A_287 = arith.constant 5 : i32
        %mul3A_288 = arith.muli %add3A_286, %mul3A_287 : i32
        %add3A_289 = arith.constant 0 : i32
        %add3A_290 = arith.addi %mul3A_288, %add3A_289 : i32
        %mul3A_291 = arith.constant 640 : i32
        %mul3A_292 = arith.muli %sub3A_118, %mul3A_291 : i32
        %add3A_293 = arith.constant 0 : i32
        %add3A_294 = arith.addi %mul3A_292, %add3A_293 : i32
        %dma_start3A_295 = arith.constant 0 : i32
        %dma_start3A_296 = tpu.memref_slice %arg9[%add3A_294, %dma_start3A_295] : memref<1280x48xf32, #tpu.memory_space<vmem>> -> memref<128x48xf32, #tpu.memory_space<vmem>>
        %dma_start3A_297 = arith.constant 0 : i32
        %dma_start3A_298 = tpu.memref_slice %arg7[%add3A_290, %dma_start3A_297] : memref<80x128xi32, #tpu.memory_space<vmem>> -> memref<1x128xi32, #tpu.memory_space<vmem>>
        %dma_start3A_299 = tpu.memref_squeeze %dma_start3A_298 : memref<1x128xi32, #tpu.memory_space<vmem>> -> memref<128xi32, #tpu.memory_space<vmem>>
        %dma_start3A_300 = arith.constant 0 : i32
        %dma_start3A_301 = arith.constant 0 : i32
        %dma_start3A_302 = tpu.memref_slice %arg2[%dma_start3A_300, %dma_start3A_301] : memref<10240x48xf32, #tpu.memory_space<hbm>> -> memref<10240x48xf32, #tpu.memory_space<hbm>>
        tpu.enqueue_indirect_dma source(%dma_start3A_302 : memref<10240x48xf32, #tpu.memory_space<hbm>>) target(%dma_start3A_296 : memref<128x48xf32, #tpu.memory_space<vmem>>) offsets(%dma_start3A_299 : memref<128xi32, #tpu.memory_space<vmem>>) semaphore(%arg10 : memref<!tpu.dma_semaphore, #tpu.memory_space<semaphore_mem>>)
        %add3A_303 = arith.constant 1 : i32
        %add3A_304 = arith.addi %scan3A_116, %add3A_303 : i32
        %mul3A_305 = arith.constant 5 : i32
        %mul3A_306 = arith.muli %add3A_304, %mul3A_305 : i32
        %add3A_307 = arith.constant 1 : i32
        %add3A_308 = arith.addi %mul3A_306, %add3A_307 : i32
        %mul3A_309 = arith.constant 640 : i32
        %mul3A_310 = arith.muli %sub3A_118, %mul3A_309 : i32
        %add3A_311 = arith.constant 128 : i32
        %add3A_312 = arith.addi %mul3A_310, %add3A_311 : i32
        %dma_start3A_313 = arith.constant 0 : i32
        %dma_start3A_314 = tpu.memref_slice %arg9[%add3A_312, %dma_start3A_313] : memref<1280x48xf32, #tpu.memory_space<vmem>> -> memref<128x48xf32, #tpu.memory_space<vmem>>
        %dma_start3A_315 = arith.constant 0 : i32
        %dma_start3A_316 = tpu.memref_slice %arg7[%add3A_308, %dma_start3A_315] : memref<80x128xi32, #tpu.memory_space<vmem>> -> memref<1x128xi32, #tpu.memory_space<vmem>>
        %dma_start3A_317 = tpu.memref_squeeze %dma_start3A_316 : memref<1x128xi32, #tpu.memory_space<vmem>> -> memref<128xi32, #tpu.memory_space<vmem>>
        %dma_start3A_318 = arith.constant 0 : i32
        %dma_start3A_319 = arith.constant 0 : i32
        %dma_start3A_320 = tpu.memref_slice %arg2[%dma_start3A_318, %dma_start3A_319] : memref<10240x48xf32, #tpu.memory_space<hbm>> -> memref<10240x48xf32, #tpu.memory_space<hbm>>
        tpu.enqueue_indirect_dma source(%dma_start3A_320 : memref<10240x48xf32, #tpu.memory_space<hbm>>) target(%dma_start3A_314 : memref<128x48xf32, #tpu.memory_space<vmem>>) offsets(%dma_start3A_317 : memref<128xi32, #tpu.memory_space<vmem>>) semaphore(%arg10 : memref<!tpu.dma_semaphore, #tpu.memory_space<semaphore_mem>>)
        %add3A_321 = arith.constant 1 : i32
        %add3A_322 = arith.addi %scan3A_116, %add3A_321 : i32
        %mul3A_323 = arith.constant 5 : i32
        %mul3A_324 = arith.muli %add3A_322, %mul3A_323 : i32
        %add3A_325 = arith.constant 2 : i32
        %add3A_326 = arith.addi %mul3A_324, %add3A_325 : i32
        %mul3A_327 = arith.constant 640 : i32
        %mul3A_328 = arith.muli %sub3A_118, %mul3A_327 : i32
        %add3A_329 = arith.constant 256 : i32
        %add3A_330 = arith.addi %mul3A_328, %add3A_329 : i32
        %dma_start3A_331 = arith.constant 0 : i32
        %dma_start3A_332 = tpu.memref_slice %arg9[%add3A_330, %dma_start3A_331] : memref<1280x48xf32, #tpu.memory_space<vmem>> -> memref<128x48xf32, #tpu.memory_space<vmem>>
        %dma_start3A_333 = arith.constant 0 : i32
        %dma_start3A_334 = tpu.memref_slice %arg7[%add3A_326, %dma_start3A_333] : memref<80x128xi32, #tpu.memory_space<vmem>> -> memref<1x128xi32, #tpu.memory_space<vmem>>
        %dma_start3A_335 = tpu.memref_squeeze %dma_start3A_334 : memref<1x128xi32, #tpu.memory_space<vmem>> -> memref<128xi32, #tpu.memory_space<vmem>>
        %dma_start3A_336 = arith.constant 0 : i32
        %dma_start3A_337 = arith.constant 0 : i32
        %dma_start3A_338 = tpu.memref_slice %arg2[%dma_start3A_336, %dma_start3A_337] : memref<10240x48xf32, #tpu.memory_space<hbm>> -> memref<10240x48xf32, #tpu.memory_space<hbm>>
        tpu.enqueue_indirect_dma source(%dma_start3A_338 : memref<10240x48xf32, #tpu.memory_space<hbm>>) target(%dma_start3A_332 : memref<128x48xf32, #tpu.memory_space<vmem>>) offsets(%dma_start3A_335 : memref<128xi32, #tpu.memory_space<vmem>>) semaphore(%arg10 : memref<!tpu.dma_semaphore, #tpu.memory_space<semaphore_mem>>)
        %add3A_339 = arith.constant 1 : i32
        %add3A_340 = arith.addi %scan3A_116, %add3A_339 : i32
        %mul3A_341 = arith.constant 5 : i32
        %mul3A_342 = arith.muli %add3A_340, %mul3A_341 : i32
        %add3A_343 = arith.constant 3 : i32
        %add3A_344 = arith.addi %mul3A_342, %add3A_343 : i32
        %mul3A_345 = arith.constant 640 : i32
        %mul3A_346 = arith.muli %sub3A_118, %mul3A_345 : i32
        %add3A_347 = arith.constant 384 : i32
        %add3A_348 = arith.addi %mul3A_346, %add3A_347 : i32
        %dma_start3A_349 = arith.constant 0 : i32
        %dma_start3A_350 = tpu.memref_slice %arg9[%add3A_348, %dma_start3A_349] : memref<1280x48xf32, #tpu.memory_space<vmem>> -> memref<128x48xf32, #tpu.memory_space<vmem>>
        %dma_start3A_351 = arith.constant 0 : i32
        %dma_start3A_352 = tpu.memref_slice %arg7[%add3A_344, %dma_start3A_351] : memref<80x128xi32, #tpu.memory_space<vmem>> -> memref<1x128xi32, #tpu.memory_space<vmem>>
        %dma_start3A_353 = tpu.memref_squeeze %dma_start3A_352 : memref<1x128xi32, #tpu.memory_space<vmem>> -> memref<128xi32, #tpu.memory_space<vmem>>
        %dma_start3A_354 = arith.constant 0 : i32
        %dma_start3A_355 = arith.constant 0 : i32
        %dma_start3A_356 = tpu.memref_slice %arg2[%dma_start3A_354, %dma_start3A_355] : memref<10240x48xf32, #tpu.memory_space<hbm>> -> memref<10240x48xf32, #tpu.memory_space<hbm>>
        tpu.enqueue_indirect_dma source(%dma_start3A_356 : memref<10240x48xf32, #tpu.memory_space<hbm>>) target(%dma_start3A_350 : memref<128x48xf32, #tpu.memory_space<vmem>>) offsets(%dma_start3A_353 : memref<128xi32, #tpu.memory_space<vmem>>) semaphore(%arg10 : memref<!tpu.dma_semaphore, #tpu.memory_space<semaphore_mem>>)
        %add3A_357 = arith.constant 1 : i32
        %add3A_358 = arith.addi %scan3A_116, %add3A_357 : i32
        %mul3A_359 = arith.constant 5 : i32
        %mul3A_360 = arith.muli %add3A_358, %mul3A_359 : i32
        %add3A_361 = arith.constant 4 : i32
        %add3A_362 = arith.addi %mul3A_360, %add3A_361 : i32
        %mul3A_363 = arith.constant 640 : i32
        %mul3A_364 = arith.muli %sub3A_118, %mul3A_363 : i32
        %add3A_365 = arith.constant 512 : i32
        %add3A_366 = arith.addi %mul3A_364, %add3A_365 : i32
        %dma_start3A_367 = arith.constant 0 : i32
        %dma_start3A_368 = tpu.memref_slice %arg9[%add3A_366, %dma_start3A_367] : memref<1280x48xf32, #tpu.memory_space<vmem>> -> memref<128x48xf32, #tpu.memory_space<vmem>>
        %dma_start3A_369 = arith.constant 0 : i32
        %dma_start3A_370 = tpu.memref_slice %arg7[%add3A_362, %dma_start3A_369] : memref<80x128xi32, #tpu.memory_space<vmem>> -> memref<1x128xi32, #tpu.memory_space<vmem>>
        %dma_start3A_371 = tpu.memref_squeeze %dma_start3A_370 : memref<1x128xi32, #tpu.memory_space<vmem>> -> memref<128xi32, #tpu.memory_space<vmem>>
        %dma_start3A_372 = arith.constant 0 : i32
        %dma_start3A_373 = arith.constant 0 : i32
        %dma_start3A_374 = tpu.memref_slice %arg2[%dma_start3A_372, %dma_start3A_373] : memref<10240x48xf32, #tpu.memory_space<hbm>> -> memref<10240x48xf32, #tpu.memory_space<hbm>>
        tpu.enqueue_indirect_dma source(%dma_start3A_374 : memref<10240x48xf32, #tpu.memory_space<hbm>>) target(%dma_start3A_368 : memref<128x48xf32, #tpu.memory_space<vmem>>) offsets(%dma_start3A_371 : memref<128xi32, #tpu.memory_space<vmem>>) semaphore(%arg10 : memref<!tpu.dma_semaphore, #tpu.memory_space<semaphore_mem>>)
      } else {
      }
      %mul3A_205 = arith.constant 640 : i32
      %mul3A_206 = arith.muli %rem3A_117, %mul3A_205 : i32
      %add3A_207 = arith.constant 0 : i32
      %add3A_208 = arith.addi %mul3A_206, %add3A_207 : i32
      %mul3A_209 = arith.constant 5 : i32
      %mul3A_210 = arith.muli %scan3A_116, %mul3A_209 : i32
      %add3A_211 = arith.constant 0 : i32
      %add3A_212 = arith.addi %mul3A_210, %add3A_211 : i32
      %dma_start3A_213 = arith.constant 0 : i32
      %dma_start3A_214 = tpu.memref_slice %arg9[%add3A_208, %dma_start3A_213] : memref<1280x48xf32, #tpu.memory_space<vmem>> -> memref<128x48xf32, #tpu.memory_space<vmem>>
      %dma_start3A_215 = arith.constant 0 : i32
      %dma_start3A_216 = tpu.memref_slice %arg8[%add3A_212, %dma_start3A_215] : memref<80x128xi32, #tpu.memory_space<vmem>> -> memref<1x128xi32, #tpu.memory_space<vmem>>
      %dma_start3A_217 = tpu.memref_squeeze %dma_start3A_216 : memref<1x128xi32, #tpu.memory_space<vmem>> -> memref<128xi32, #tpu.memory_space<vmem>>
      %dma_start3A_218 = arith.constant 0 : i32
      %dma_start3A_219 = arith.constant 0 : i32
      %dma_start3A_220 = tpu.memref_slice %arg6[%dma_start3A_218, %dma_start3A_219] : memref<10240x48xf32, #tpu.memory_space<vmem_shared>> -> memref<10240x48xf32, #tpu.memory_space<vmem_shared>>
      tpu.enqueue_indirect_dma source(%dma_start3A_214 : memref<128x48xf32, #tpu.memory_space<vmem>>) target(%dma_start3A_220 : memref<10240x48xf32, #tpu.memory_space<vmem_shared>>) offsets(%dma_start3A_217 : memref<128xi32, #tpu.memory_space<vmem>>) semaphore(%arg11 : memref<!tpu.dma_semaphore, #tpu.memory_space<semaphore_mem>>) {add = true}
      %mul3A_221 = arith.constant 640 : i32
      %mul3A_222 = arith.muli %rem3A_117, %mul3A_221 : i32
      %add3A_223 = arith.constant 128 : i32
      %add3A_224 = arith.addi %mul3A_222, %add3A_223 : i32
      %mul3A_225 = arith.constant 5 : i32
      %mul3A_226 = arith.muli %scan3A_116, %mul3A_225 : i32
      %add3A_227 = arith.constant 1 : i32
      %add3A_228 = arith.addi %mul3A_226, %add3A_227 : i32
      %dma_start3A_229 = arith.constant 0 : i32
      %dma_start3A_230 = tpu.memref_slice %arg9[%add3A_224, %dma_start3A_229] : memref<1280x48xf32, #tpu.memory_space<vmem>> -> memref<128x48xf32, #tpu.memory_space<vmem>>
      %dma_start3A_231 = arith.constant 0 : i32
      %dma_start3A_232 = tpu.memref_slice %arg8[%add3A_228, %dma_start3A_231] : memref<80x128xi32, #tpu.memory_space<vmem>> -> memref<1x128xi32, #tpu.memory_space<vmem>>
      %dma_start3A_233 = tpu.memref_squeeze %dma_start3A_232 : memref<1x128xi32, #tpu.memory_space<vmem>> -> memref<128xi32, #tpu.memory_space<vmem>>
      %dma_start3A_234 = arith.constant 0 : i32
      %dma_start3A_235 = arith.constant 0 : i32
      %dma_start3A_236 = tpu.memref_slice %arg6[%dma_start3A_234, %dma_start3A_235] : memref<10240x48xf32, #tpu.memory_space<vmem_shared>> -> memref<10240x48xf32, #tpu.memory_space<vmem_shared>>
      tpu.enqueue_indirect_dma source(%dma_start3A_230 : memref<128x48xf32, #tpu.memory_space<vmem>>) target(%dma_start3A_236 : memref<10240x48xf32, #tpu.memory_space<vmem_shared>>) offsets(%dma_start3A_233 : memref<128xi32, #tpu.memory_space<vmem>>) semaphore(%arg11 : memref<!tpu.dma_semaphore, #tpu.memory_space<semaphore_mem>>) {add = true}
      %mul3A_237 = arith.constant 640 : i32
      %mul3A_238 = arith.muli %rem3A_117, %mul3A_237 : i32
      %add3A_239 = arith.constant 256 : i32
      %add3A_240 = arith.addi %mul3A_238, %add3A_239 : i32
      %mul3A_241 = arith.constant 5 : i32
      %mul3A_242 = arith.muli %scan3A_116, %mul3A_241 : i32
      %add3A_243 = arith.constant 2 : i32
      %add3A_244 = arith.addi %mul3A_242, %add3A_243 : i32
      %dma_start3A_245 = arith.constant 0 : i32
      %dma_start3A_246 = tpu.memref_slice %arg9[%add3A_240, %dma_start3A_245] : memref<1280x48xf32, #tpu.memory_space<vmem>> -> memref<128x48xf32, #tpu.memory_space<vmem>>
      %dma_start3A_247 = arith.constant 0 : i32
      %dma_start3A_248 = tpu.memref_slice %arg8[%add3A_244, %dma_start3A_247] : memref<80x128xi32, #tpu.memory_space<vmem>> -> memref<1x128xi32, #tpu.memory_space<vmem>>
      %dma_start3A_249 = tpu.memref_squeeze %dma_start3A_248 : memref<1x128xi32, #tpu.memory_space<vmem>> -> memref<128xi32, #tpu.memory_space<vmem>>
      %dma_start3A_250 = arith.constant 0 : i32
      %dma_start3A_251 = arith.constant 0 : i32
      %dma_start3A_252 = tpu.memref_slice %arg6[%dma_start3A_250, %dma_start3A_251] : memref<10240x48xf32, #tpu.memory_space<vmem_shared>> -> memref<10240x48xf32, #tpu.memory_space<vmem_shared>>
      tpu.enqueue_indirect_dma source(%dma_start3A_246 : memref<128x48xf32, #tpu.memory_space<vmem>>) target(%dma_start3A_252 : memref<10240x48xf32, #tpu.memory_space<vmem_shared>>) offsets(%dma_start3A_249 : memref<128xi32, #tpu.memory_space<vmem>>) semaphore(%arg11 : memref<!tpu.dma_semaphore, #tpu.memory_space<semaphore_mem>>) {add = true}
      %mul3A_253 = arith.constant 640 : i32
      %mul3A_254 = arith.muli %rem3A_117, %mul3A_253 : i32
      %add3A_255 = arith.constant 384 : i32
      %add3A_256 = arith.addi %mul3A_254, %add3A_255 : i32
      %mul3A_257 = arith.constant 5 : i32
      %mul3A_258 = arith.muli %scan3A_116, %mul3A_257 : i32
      %add3A_259 = arith.constant 3 : i32
      %add3A_260 = arith.addi %mul3A_258, %add3A_259 : i32
      %dma_start3A_261 = arith.constant 0 : i32
      %dma_start3A_262 = tpu.memref_slice %arg9[%add3A_256, %dma_start3A_261] : memref<1280x48xf32, #tpu.memory_space<vmem>> -> memref<128x48xf32, #tpu.memory_space<vmem>>
      %dma_start3A_263 = arith.constant 0 : i32
      %dma_start3A_264 = tpu.memref_slice %arg8[%add3A_260, %dma_start3A_263] : memref<80x128xi32, #tpu.memory_space<vmem>> -> memref<1x128xi32, #tpu.memory_space<vmem>>
      %dma_start3A_265 = tpu.memref_squeeze %dma_start3A_264 : memref<1x128xi32, #tpu.memory_space<vmem>> -> memref<128xi32, #tpu.memory_space<vmem>>
      %dma_start3A_266 = arith.constant 0 : i32
      %dma_start3A_267 = arith.constant 0 : i32
      %dma_start3A_268 = tpu.memref_slice %arg6[%dma_start3A_266, %dma_start3A_267] : memref<10240x48xf32, #tpu.memory_space<vmem_shared>> -> memref<10240x48xf32, #tpu.memory_space<vmem_shared>>
      tpu.enqueue_indirect_dma source(%dma_start3A_262 : memref<128x48xf32, #tpu.memory_space<vmem>>) target(%dma_start3A_268 : memref<10240x48xf32, #tpu.memory_space<vmem_shared>>) offsets(%dma_start3A_265 : memref<128xi32, #tpu.memory_space<vmem>>) semaphore(%arg11 : memref<!tpu.dma_semaphore, #tpu.memory_space<semaphore_mem>>) {add = true}
      %mul3A_269 = arith.constant 640 : i32
      %mul3A_270 = arith.muli %rem3A_117, %mul3A_269 : i32
      %add3A_271 = arith.constant 512 : i32
      %add3A_272 = arith.addi %mul3A_270, %add3A_271 : i32
      %mul3A_273 = arith.constant 5 : i32
      %mul3A_274 = arith.muli %scan3A_116, %mul3A_273 : i32
      %add3A_275 = arith.constant 4 : i32
      %add3A_276 = arith.addi %mul3A_274, %add3A_275 : i32
      %dma_start3A_277 = arith.constant 0 : i32
      %dma_start3A_278 = tpu.memref_slice %arg9[%add3A_272, %dma_start3A_277] : memref<1280x48xf32, #tpu.memory_space<vmem>> -> memref<128x48xf32, #tpu.memory_space<vmem>>
      %dma_start3A_279 = arith.constant 0 : i32
      %dma_start3A_280 = tpu.memref_slice %arg8[%add3A_276, %dma_start3A_279] : memref<80x128xi32, #tpu.memory_space<vmem>> -> memref<1x128xi32, #tpu.memory_space<vmem>>
      %dma_start3A_281 = tpu.memref_squeeze %dma_start3A_280 : memref<1x128xi32, #tpu.memory_space<vmem>> -> memref<128xi32, #tpu.memory_space<vmem>>
      %dma_start3A_282 = arith.constant 0 : i32
      %dma_start3A_283 = arith.constant 0 : i32
      %dma_start3A_284 = tpu.memref_slice %arg6[%dma_start3A_282, %dma_start3A_283] : memref<10240x48xf32, #tpu.memory_space<vmem_shared>> -> memref<10240x48xf32, #tpu.memory_space<vmem_shared>>
      tpu.enqueue_indirect_dma source(%dma_start3A_278 : memref<128x48xf32, #tpu.memory_space<vmem>>) target(%dma_start3A_284 : memref<10240x48xf32, #tpu.memory_space<vmem_shared>>) offsets(%dma_start3A_281 : memref<128xi32, #tpu.memory_space<vmem>>) semaphore(%arg11 : memref<!tpu.dma_semaphore, #tpu.memory_space<semaphore_mem>>) {add = true}
    }
    %scan3A_61 = arith.constant 16 : i32
    %dma_wait3A = arith.constant 75 : i32
    %dma_wait3A_62 = arith.constant 640 : i32
    %dma_wait3A_63 = arith.constant 0 : i32
    %dma_wait3A_64 = tpu.memref_slice %arg9[%dma_wait3A_62, %dma_wait3A_63] : memref<1280x48xf32, #tpu.memory_space<vmem>> -> memref<128x48xf32, #tpu.memory_space<vmem>>
    %dma_wait3A_65 = arith.constant 0 : i32
    %dma_wait3A_66 = tpu.memref_slice %arg8[%dma_wait3A, %dma_wait3A_65] : memref<80x128xi32, #tpu.memory_space<vmem>> -> memref<1x128xi32, #tpu.memory_space<vmem>>
    %dma_wait3A_67 = tpu.memref_squeeze %dma_wait3A_66 : memref<1x128xi32, #tpu.memory_space<vmem>> -> memref<128xi32, #tpu.memory_space<vmem>>
    %dma_wait3A_68 = arith.constant 0 : i32
    %dma_wait3A_69 = arith.constant 0 : i32
    %dma_wait3A_70 = tpu.memref_slice %arg6[%dma_wait3A_68, %dma_wait3A_69] : memref<10240x48xf32, #tpu.memory_space<vmem_shared>> -> memref<10240x48xf32, #tpu.memory_space<vmem_shared>>
    tpu.wait_indirect_dma semaphore(%arg11 : memref<!tpu.dma_semaphore, #tpu.memory_space<semaphore_mem>>) src(%dma_wait3A_64 : memref<128x48xf32, #tpu.memory_space<vmem>>) dst(%dma_wait3A_70 : memref<10240x48xf32, #tpu.memory_space<vmem_shared>>)
    %dma_wait3A_71 = arith.constant 76 : i32
    %dma_wait3A_72 = arith.constant 768 : i32
    %dma_wait3A_73 = arith.constant 0 : i32
    %dma_wait3A_74 = tpu.memref_slice %arg9[%dma_wait3A_72, %dma_wait3A_73] : memref<1280x48xf32, #tpu.memory_space<vmem>> -> memref<128x48xf32, #tpu.memory_space<vmem>>
    %dma_wait3A_75 = arith.constant 0 : i32
    %dma_wait3A_76 = tpu.memref_slice %arg8[%dma_wait3A_71, %dma_wait3A_75] : memref<80x128xi32, #tpu.memory_space<vmem>> -> memref<1x128xi32, #tpu.memory_space<vmem>>
    %dma_wait3A_77 = tpu.memref_squeeze %dma_wait3A_76 : memref<1x128xi32, #tpu.memory_space<vmem>> -> memref<128xi32, #tpu.memory_space<vmem>>
    %dma_wait3A_78 = arith.constant 0 : i32
    %dma_wait3A_79 = arith.constant 0 : i32
    %dma_wait3A_80 = tpu.memref_slice %arg6[%dma_wait3A_78, %dma_wait3A_79] : memref<10240x48xf32, #tpu.memory_space<vmem_shared>> -> memref<10240x48xf32, #tpu.memory_space<vmem_shared>>
    tpu.wait_indirect_dma semaphore(%arg11 : memref<!tpu.dma_semaphore, #tpu.memory_space<semaphore_mem>>) src(%dma_wait3A_74 : memref<128x48xf32, #tpu.memory_space<vmem>>) dst(%dma_wait3A_80 : memref<10240x48xf32, #tpu.memory_space<vmem_shared>>)
    %dma_wait3A_81 = arith.constant 77 : i32
    %dma_wait3A_82 = arith.constant 896 : i32
    %dma_wait3A_83 = arith.constant 0 : i32
    %dma_wait3A_84 = tpu.memref_slice %arg9[%dma_wait3A_82, %dma_wait3A_83] : memref<1280x48xf32, #tpu.memory_space<vmem>> -> memref<128x48xf32, #tpu.memory_space<vmem>>
    %dma_wait3A_85 = arith.constant 0 : i32
    %dma_wait3A_86 = tpu.memref_slice %arg8[%dma_wait3A_81, %dma_wait3A_85] : memref<80x128xi32, #tpu.memory_space<vmem>> -> memref<1x128xi32, #tpu.memory_space<vmem>>
    %dma_wait3A_87 = tpu.memref_squeeze %dma_wait3A_86 : memref<1x128xi32, #tpu.memory_space<vmem>> -> memref<128xi32, #tpu.memory_space<vmem>>
    %dma_wait3A_88 = arith.constant 0 : i32
    %dma_wait3A_89 = arith.constant 0 : i32
    %dma_wait3A_90 = tpu.memref_slice %arg6[%dma_wait3A_88, %dma_wait3A_89] : memref<10240x48xf32, #tpu.memory_space<vmem_shared>> -> memref<10240x48xf32, #tpu.memory_space<vmem_shared>>
    tpu.wait_indirect_dma semaphore(%arg11 : memref<!tpu.dma_semaphore, #tpu.memory_space<semaphore_mem>>) src(%dma_wait3A_84 : memref<128x48xf32, #tpu.memory_space<vmem>>) dst(%dma_wait3A_90 : memref<10240x48xf32, #tpu.memory_space<vmem_shared>>)
    %dma_wait3A_91 = arith.constant 78 : i32
    %dma_wait3A_92 = arith.constant 1024 : i32
    %dma_wait3A_93 = arith.constant 0 : i32
    %dma_wait3A_94 = tpu.memref_slice %arg9[%dma_wait3A_92, %dma_wait3A_93] : memref<1280x48xf32, #tpu.memory_space<vmem>> -> memref<128x48xf32, #tpu.memory_space<vmem>>
    %dma_wait3A_95 = arith.constant 0 : i32
    %dma_wait3A_96 = tpu.memref_slice %arg8[%dma_wait3A_91, %dma_wait3A_95] : memref<80x128xi32, #tpu.memory_space<vmem>> -> memref<1x128xi32, #tpu.memory_space<vmem>>
    %dma_wait3A_97 = tpu.memref_squeeze %dma_wait3A_96 : memref<1x128xi32, #tpu.memory_space<vmem>> -> memref<128xi32, #tpu.memory_space<vmem>>
    %dma_wait3A_98 = arith.constant 0 : i32
    %dma_wait3A_99 = arith.constant 0 : i32
    %dma_wait3A_100 = tpu.memref_slice %arg6[%dma_wait3A_98, %dma_wait3A_99] : memref<10240x48xf32, #tpu.memory_space<vmem_shared>> -> memref<10240x48xf32, #tpu.memory_space<vmem_shared>>
    tpu.wait_indirect_dma semaphore(%arg11 : memref<!tpu.dma_semaphore, #tpu.memory_space<semaphore_mem>>) src(%dma_wait3A_94 : memref<128x48xf32, #tpu.memory_space<vmem>>) dst(%dma_wait3A_100 : memref<10240x48xf32, #tpu.memory_space<vmem_shared>>)
    %dma_wait3A_101 = arith.constant 79 : i32
    %dma_wait3A_102 = arith.constant 1152 : i32
    %dma_wait3A_103 = arith.constant 0 : i32
    %dma_wait3A_104 = tpu.memref_slice %arg9[%dma_wait3A_102, %dma_wait3A_103] : memref<1280x48xf32, #tpu.memory_space<vmem>> -> memref<128x48xf32, #tpu.memory_space<vmem>>
    %dma_wait3A_105 = arith.constant 0 : i32
    %dma_wait3A_106 = tpu.memref_slice %arg8[%dma_wait3A_101, %dma_wait3A_105] : memref<80x128xi32, #tpu.memory_space<vmem>> -> memref<1x128xi32, #tpu.memory_space<vmem>>
    %dma_wait3A_107 = tpu.memref_squeeze %dma_wait3A_106 : memref<1x128xi32, #tpu.memory_space<vmem>> -> memref<128xi32, #tpu.memory_space<vmem>>
    %dma_wait3A_108 = arith.constant 0 : i32
    %dma_wait3A_109 = arith.constant 0 : i32
    %dma_wait3A_110 = tpu.memref_slice %arg6[%dma_wait3A_108, %dma_wait3A_109] : memref<10240x48xf32, #tpu.memory_space<vmem_shared>> -> memref<10240x48xf32, #tpu.memory_space<vmem_shared>>
    tpu.wait_indirect_dma semaphore(%arg11 : memref<!tpu.dma_semaphore, #tpu.memory_space<semaphore_mem>>) src(%dma_wait3A_104 : memref<128x48xf32, #tpu.memory_space<vmem>>) dst(%dma_wait3A_110 : memref<10240x48xf32, #tpu.memory_space<vmem_shared>>)
    %barrier3A_111 = arith.constant 0 : index
    tpu.barrier barrier_id(%barrier3A_111)
    %mul3A_112 = arith.constant 640 : i32
    %mul3A_113 = arith.muli %arg1, %mul3A_112 : i32
    "tpu.region"() ({
      %run_scoped3A = tpu.sem_alloc : memref<!tpu.dma_semaphore, #tpu.memory_space<semaphore_mem>>
      %dma_start3A_116 = arith.constant 0 : i32
      %dma_start3A_117 = arith.constant 0 : i32
      %dma_start3A_118 = tpu.memref_slice %arg9[%dma_start3A_116, %dma_start3A_117] : memref<1280x48xf32, #tpu.memory_space<vmem>> -> memref<640x48xf32, #tpu.memory_space<vmem>>
      %dma_start3A_119 = arith.constant 0 : i32
      %dma_start3A_120 = tpu.memref_slice %arg6[%mul3A_113, %dma_start3A_119] : memref<10240x48xf32, #tpu.memory_space<vmem_shared>> -> memref<640x48xf32, #tpu.memory_space<vmem_shared>>
      %dma_start3A_121 = arith.constant 0 : i32
      %dma_start3A_122 = arith.constant 0 : i32
      %dma_start3A_123 = tpu.memref_slice %arg9[%dma_start3A_121, %dma_start3A_122] : memref<1280x48xf32, #tpu.memory_space<vmem>> -> memref<640x48xf32, #tpu.memory_space<vmem>>
      %dma_start3A_124 = arith.constant 0 : i32
      %dma_start3A_125 = tpu.memref_slice %arg6[%mul3A_113, %dma_start3A_124] : memref<10240x48xf32, #tpu.memory_space<vmem_shared>> -> memref<640x48xf32, #tpu.memory_space<vmem_shared>>
      tpu.enqueue_dma source(%dma_start3A_125 : memref<640x48xf32, #tpu.memory_space<vmem_shared>>) target(%dma_start3A_123 : memref<640x48xf32, #tpu.memory_space<vmem>>) target_semaphore(%run_scoped3A : memref<!tpu.dma_semaphore, #tpu.memory_space<semaphore_mem>>)
      %dma_wait3A_126 = arith.constant 0 : i32
      %dma_wait3A_127 = arith.constant 0 : i32
      %dma_wait3A_128 = tpu.memref_slice %arg9[%dma_wait3A_126, %dma_wait3A_127] : memref<1280x48xf32, #tpu.memory_space<vmem>> -> memref<640x48xf32, #tpu.memory_space<vmem>>
      %dma_wait3A_129 = arith.constant 0 : i32
      %dma_wait3A_130 = tpu.memref_slice %arg6[%mul3A_113, %dma_wait3A_129] : memref<10240x48xf32, #tpu.memory_space<vmem_shared>> -> memref<640x48xf32, #tpu.memory_space<vmem_shared>>
      %dma_wait3A_131 = arith.constant 0 : i32
      %dma_wait3A_132 = arith.constant 0 : i32
      %dma_wait3A_133 = tpu.memref_slice %arg9[%dma_wait3A_131, %dma_wait3A_132] : memref<1280x48xf32, #tpu.memory_space<vmem>> -> memref<640x48xf32, #tpu.memory_space<vmem>>
      %dma_wait3A_134 = arith.constant 0 : i32
      %dma_wait3A_135 = tpu.memref_slice %arg6[%mul3A_113, %dma_wait3A_134] : memref<10240x48xf32, #tpu.memory_space<vmem_shared>> -> memref<640x48xf32, #tpu.memory_space<vmem_shared>>
      tpu.wait_dma2 semaphore(%run_scoped3A : memref<!tpu.dma_semaphore, #tpu.memory_space<semaphore_mem>>) src(%dma_wait3A_135 : memref<640x48xf32, #tpu.memory_space<vmem_shared>>) dst(%dma_wait3A_133 : memref<640x48xf32, #tpu.memory_space<vmem>>)
      tpu.yield
    }) : () -> ()
    %mul3A_114 = arith.constant 640 : i32
    %mul3A_115 = arith.muli %arg1, %mul3A_114 : i32
    "tpu.region"() ({
      %run_scoped3A = tpu.sem_alloc : memref<!tpu.dma_semaphore, #tpu.memory_space<semaphore_mem>>
      %dma_start3A_116 = arith.constant 0 : i32
      %dma_start3A_117 = arith.constant 0 : i32
      %dma_start3A_118 = tpu.memref_slice %arg9[%dma_start3A_116, %dma_start3A_117] : memref<1280x48xf32, #tpu.memory_space<vmem>> -> memref<640x48xf32, #tpu.memory_space<vmem>>
      %dma_start3A_119 = arith.constant 0 : i32
      %dma_start3A_120 = tpu.memref_slice %arg5[%arg0, %mul3A_115, %dma_start3A_119] : memref<2x10240x48xf32, #tpu.memory_space<hbm>> -> memref<1x640x48xf32, #tpu.memory_space<hbm>>
      %dma_start3A_121 = tpu.memref_squeeze %dma_start3A_120 : memref<1x640x48xf32, #tpu.memory_space<hbm>> -> memref<640x48xf32, #tpu.memory_space<hbm>>
      %dma_start3A_122 = arith.constant 0 : i32
      %dma_start3A_123 = tpu.memref_slice %arg5[%arg0, %mul3A_115, %dma_start3A_122] : memref<2x10240x48xf32, #tpu.memory_space<hbm>> -> memref<1x640x48xf32, #tpu.memory_space<hbm>>
      %dma_start3A_124 = tpu.memref_squeeze %dma_start3A_123 : memref<1x640x48xf32, #tpu.memory_space<hbm>> -> memref<640x48xf32, #tpu.memory_space<hbm>>
      %dma_start3A_125 = arith.constant 0 : i32
      %dma_start3A_126 = arith.constant 0 : i32
      %dma_start3A_127 = tpu.memref_slice %arg9[%dma_start3A_125, %dma_start3A_126] : memref<1280x48xf32, #tpu.memory_space<vmem>> -> memref<640x48xf32, #tpu.memory_space<vmem>>
      tpu.enqueue_dma source(%dma_start3A_127 : memref<640x48xf32, #tpu.memory_space<vmem>>) target(%dma_start3A_124 : memref<640x48xf32, #tpu.memory_space<hbm>>) target_semaphore(%run_scoped3A : memref<!tpu.dma_semaphore, #tpu.memory_space<semaphore_mem>>)
      %dma_wait3A_128 = arith.constant 0 : i32
      %dma_wait3A_129 = arith.constant 0 : i32
      %dma_wait3A_130 = tpu.memref_slice %arg9[%dma_wait3A_128, %dma_wait3A_129] : memref<1280x48xf32, #tpu.memory_space<vmem>> -> memref<640x48xf32, #tpu.memory_space<vmem>>
      %dma_wait3A_131 = arith.constant 0 : i32
      %dma_wait3A_132 = tpu.memref_slice %arg5[%arg0, %mul3A_115, %dma_wait3A_131] : memref<2x10240x48xf32, #tpu.memory_space<hbm>> -> memref<1x640x48xf32, #tpu.memory_space<hbm>>
      %dma_wait3A_133 = tpu.memref_squeeze %dma_wait3A_132 : memref<1x640x48xf32, #tpu.memory_space<hbm>> -> memref<640x48xf32, #tpu.memory_space<hbm>>
      %dma_wait3A_134 = arith.constant 0 : i32
      %dma_wait3A_135 = tpu.memref_slice %arg5[%arg0, %mul3A_115, %dma_wait3A_134] : memref<2x10240x48xf32, #tpu.memory_space<hbm>> -> memref<1x640x48xf32, #tpu.memory_space<hbm>>
      %dma_wait3A_136 = tpu.memref_squeeze %dma_wait3A_135 : memref<1x640x48xf32, #tpu.memory_space<hbm>> -> memref<640x48xf32, #tpu.memory_space<hbm>>
      %dma_wait3A_137 = arith.constant 0 : i32
      %dma_wait3A_138 = arith.constant 0 : i32
      %dma_wait3A_139 = tpu.memref_slice %arg9[%dma_wait3A_137, %dma_wait3A_138] : memref<1280x48xf32, #tpu.memory_space<vmem>> -> memref<640x48xf32, #tpu.memory_space<vmem>>
      tpu.wait_dma2 semaphore(%run_scoped3A : memref<!tpu.dma_semaphore, #tpu.memory_space<semaphore_mem>>) src(%dma_wait3A_139 : memref<640x48xf32, #tpu.memory_space<vmem>>) dst(%dma_wait3A_136 : memref<640x48xf32, #tpu.memory_space<hbm>>)
      tpu.yield
    }) : () -> ()
    return
  }
}

module attributes {stable_mosaic.version = 14 : i64} {
  func.func @_mm1_body(%arg0: i32, %arg1: memref<10000x128xf32, #tpu.memory_space<vmem>>, %arg2: memref<128x48xf32, #tpu.memory_space<vmem>>, %arg3: memref<10000x2xf32, #tpu.memory_space<vmem>>, %arg4: memref<10000x48xf32, #tpu.memory_space<vmem>>) attributes {dimension_semantics = [#tpu.dimension_semantics<arbitrary>], iteration_bounds = array<i64: 1>, scalar_prefetch = 0 : i64, scratch_operands = 0 : i64, tpu.core_type = #tpu.core_type<tc>, window_params = [{transform_indices = @transform_0, window_bounds = array<i64: 10000, 128>}, {pipeline_mode = #tpu.pipeline_mode<synchronous>, transform_indices = @transform_1, window_bounds = array<i64: 128, 48>}, {transform_indices = @transform_2, window_bounds = array<i64: 10000, 2>}, {transform_indices = @transform_3, window_bounds = array<i64: 10000, 48>}]} {
    %get3A = arith.constant 0 : index
    %get3A_0 = arith.constant 0 : index
    %get3A_1 = vector.load %arg3[%get3A, %get3A_0] : memref<10000x2xf32, #tpu.memory_space<vmem>>, vector<10000x2xf32>
    %reduce_sum3A = arith.constant dense<0.000000e+00> : vector<10000xf32>
    %reduce_sum3A_2 = vector.multi_reduction <add>, %get3A_1, %reduce_sum3A [1] : vector<10000x2xf32> to vector<10000xf32>
    %broadcast_in_dim3A = vector.shape_cast %reduce_sum3A_2 : vector<10000xf32> to vector<10000x1xf32>
    %add3A = arith.constant 1.000000e+00 : f32
    %add3A_3 = vector.broadcast %add3A : f32 to vector<10000x1xf32>
    %add3A_4 = arith.addf %broadcast_in_dim3A, %add3A_3 : vector<10000x1xf32>
    %rsqrt3A = math.rsqrt %add3A_4 : vector<10000x1xf32>
    %get3A_5 = arith.constant 0 : index
    %get3A_6 = arith.constant 0 : index
    %get3A_7 = vector.load %arg1[%get3A_5, %get3A_6] : memref<10000x128xf32, #tpu.memory_space<vmem>>, vector<10000x128xf32>
    %get3A_8 = arith.constant 0 : index
    %get3A_9 = arith.constant 0 : index
    %get3A_10 = vector.load %arg2[%get3A_8, %get3A_9] : memref<128x48xf32, #tpu.memory_space<vmem>>, vector<128x48xf32>
    %dot_general3A = arith.constant dense<0.000000e+00> : vector<10000x48xf32>
    %dot_general3A_11 = tpu.matmul %get3A_7, %get3A_10, %dot_general3A {dimension_numbers = #tpu.dot_dimension_numbers<[1], [0], [0], [1], [0, 0, 1, 1], [], []>, transpose_lhs_hint = false} : vector<10000x128xf32>, vector<128x48xf32>, vector<10000x48xf32> -> vector<10000x48xf32>
    %mul3A = vector.broadcast %rsqrt3A : vector<10000x1xf32> to vector<10000x48xf32>
    %mul3A_12 = arith.mulf %dot_general3A_11, %mul3A : vector<10000x48xf32>
    %swap3A = arith.constant 0 : index
    %swap3A_13 = arith.constant 0 : index
    %swap3A_14 = vector.load %arg4[%swap3A, %swap3A_13] : memref<10000x48xf32, #tpu.memory_space<vmem>>, vector<10000x48xf32>
    tpu.vector_store %arg4[%swap3A, %swap3A_13], %mul3A_12 {strides = array<i32>} : memref<10000x48xf32, #tpu.memory_space<vmem>>, vector<10000x48xf32>,
    return
  }
  func.func @transform_0(%arg0: i32) -> (i32, i32) {
    %c0_i32 = arith.constant 0 : i32
    %c0_i32_0 = arith.constant 0 : i32
    return %arg0, %c0_i32 : i32, i32
  }
  func.func @transform_1(%arg0: i32) -> (i32, i32) {
    %c0_i32 = arith.constant 0 : i32
    %c0_i32_0 = arith.constant 0 : i32
    %c0_i32_1 = arith.constant 0 : i32
    return %c0_i32, %c0_i32_0 : i32, i32
  }
  func.func @transform_2(%arg0: i32) -> (i32, i32) {
    %c0_i32 = arith.constant 0 : i32
    %c0_i32_0 = arith.constant 0 : i32
    return %arg0, %c0_i32 : i32, i32
  }
  func.func @transform_3(%arg0: i32) -> (i32, i32) {
    %c0_i32 = arith.constant 0 : i32
    %c0_i32_0 = arith.constant 0 : i32
    return %arg0, %c0_i32 : i32, i32
  }
}

module attributes {stable_mosaic.version = 14 : i64} {
  func.func @_mm2_body(%arg0: i32, %arg1: memref<2x10000x48xf32, #tpu.memory_space<vmem>>, %arg2: memref<10000x48xf32, #tpu.memory_space<vmem>>, %arg3: memref<10000x2xf32, #tpu.memory_space<vmem>>, %arg4: memref<1x48xf32, #tpu.memory_space<vmem>>, %arg5: memref<48x32xf32, #tpu.memory_space<vmem>>, %arg6: memref<10000x32xf32, #tpu.memory_space<vmem>>) attributes {dimension_semantics = [#tpu.dimension_semantics<arbitrary>], iteration_bounds = array<i64: 1>, scalar_prefetch = 0 : i64, scratch_operands = 0 : i64, tpu.core_type = #tpu.core_type<tc>, window_params = [{transform_indices = @transform_0, window_bounds = array<i64: 2, 10000, 48>}, {transform_indices = @transform_1, window_bounds = array<i64: 10000, 48>}, {transform_indices = @transform_2, window_bounds = array<i64: 10000, 2>}, {pipeline_mode = #tpu.pipeline_mode<synchronous>, transform_indices = @transform_3, window_bounds = array<i64: 1, 48>}, {pipeline_mode = #tpu.pipeline_mode<synchronous>, transform_indices = @transform_4, window_bounds = array<i64: 48, 32>}, {transform_indices = @transform_5, window_bounds = array<i64: 10000, 32>}]} {
    %get3A = arith.constant 0 : index
    %get3A_0 = arith.constant 0 : index
    %get3A_1 = vector.load %arg3[%get3A, %get3A_0] : memref<10000x2xf32, #tpu.memory_space<vmem>>, vector<10000x2xf32>
    %reduce_sum3A = arith.constant dense<0.000000e+00> : vector<10000xf32>
    %reduce_sum3A_2 = vector.multi_reduction <add>, %get3A_1, %reduce_sum3A [1] : vector<10000x2xf32> to vector<10000xf32>
    %broadcast_in_dim3A = vector.shape_cast %reduce_sum3A_2 : vector<10000xf32> to vector<10000x1xf32>
    %add3A = arith.constant 1.000000e+00 : f32
    %add3A_3 = vector.broadcast %add3A : f32 to vector<10000x1xf32>
    %add3A_4 = arith.addf %broadcast_in_dim3A, %add3A_3 : vector<10000x1xf32>
    %rsqrt3A = math.rsqrt %add3A_4 : vector<10000x1xf32>
    %get3A_5 = arith.constant 0 : index
    %get3A_6 = arith.constant 0 : index
    %get3A_7 = arith.constant 0 : index
    %get3A_8 = vector.load %arg1[%get3A_5, %get3A_6, %get3A_7] : memref<2x10000x48xf32, #tpu.memory_space<vmem>>, vector<1x10000x48xf32>
    %get3A_9 = vector.shape_cast %get3A_8 : vector<1x10000x48xf32> to vector<10000x48xf32>
    %get3A_10 = arith.constant 1 : index
    %get3A_11 = arith.constant 0 : index
    %get3A_12 = arith.constant 0 : index
    %get3A_13 = vector.load %arg1[%get3A_10, %get3A_11, %get3A_12] : memref<2x10000x48xf32, #tpu.memory_space<vmem>>, vector<1x10000x48xf32>
    %get3A_14 = vector.shape_cast %get3A_13 : vector<1x10000x48xf32> to vector<10000x48xf32>
    %add3A_15 = arith.addf %get3A_9, %get3A_14 : vector<10000x48xf32>
    %get3A_16 = arith.constant 0 : index
    %get3A_17 = arith.constant 0 : index
    %get3A_18 = vector.load %arg2[%get3A_16, %get3A_17] : memref<10000x48xf32, #tpu.memory_space<vmem>>, vector<10000x48xf32>
    %sub3A = arith.subf %add3A_15, %get3A_18 : vector<10000x48xf32>
    %mul3A = vector.broadcast %rsqrt3A : vector<10000x1xf32> to vector<10000x48xf32>
    %mul3A_19 = arith.mulf %mul3A, %sub3A : vector<10000x48xf32>
    %get3A_20 = arith.constant 0 : index
    %get3A_21 = arith.constant 0 : index
    %get3A_22 = vector.load %arg4[%get3A_20, %get3A_21] : memref<1x48xf32, #tpu.memory_space<vmem>>, vector<1x48xf32>
    %add3A_23 = vector.broadcast %get3A_22 : vector<1x48xf32> to vector<10000x48xf32>
    %add3A_24 = arith.addf %mul3A_19, %add3A_23 : vector<10000x48xf32>
    %max3A = arith.constant 0.000000e+00 : f32
    %max3A_25 = vector.broadcast %max3A : f32 to vector<10000x48xf32>
    %max3A_26 = arith.maximumf %add3A_24, %max3A_25 : vector<10000x48xf32>
    %get3A_27 = arith.constant 0 : index
    %get3A_28 = arith.constant 0 : index
    %get3A_29 = vector.load %arg5[%get3A_27, %get3A_28] : memref<48x32xf32, #tpu.memory_space<vmem>>, vector<48x32xf32>
    %dot_general3A = arith.constant dense<0.000000e+00> : vector<10000x32xf32>
    %dot_general3A_30 = tpu.matmul %max3A_26, %get3A_29, %dot_general3A {dimension_numbers = #tpu.dot_dimension_numbers<[1], [0], [0], [1], [0, 0, 1, 1], [], []>, transpose_lhs_hint = false} : vector<10000x48xf32>, vector<48x32xf32>, vector<10000x32xf32> -> vector<10000x32xf32>
    %mul3A_31 = vector.broadcast %rsqrt3A : vector<10000x1xf32> to vector<10000x32xf32>
    %mul3A_32 = arith.mulf %dot_general3A_30, %mul3A_31 : vector<10000x32xf32>
    %swap3A = arith.constant 0 : index
    %swap3A_33 = arith.constant 0 : index
    %swap3A_34 = vector.load %arg6[%swap3A, %swap3A_33] : memref<10000x32xf32, #tpu.memory_space<vmem>>, vector<10000x32xf32>
    tpu.vector_store %arg6[%swap3A, %swap3A_33], %mul3A_32 {strides = array<i32>} : memref<10000x32xf32, #tpu.memory_space<vmem>>, vector<10000x32xf32>,
    return
  }
  func.func @transform_0(%arg0: i32) -> (i32, i32, i32) {
    %c0_i32 = arith.constant 0 : i32
    %c0_i32_0 = arith.constant 0 : i32
    %c0_i32_1 = arith.constant 0 : i32
    return %c0_i32, %arg0, %c0_i32_0 : i32, i32, i32
  }
  func.func @transform_1(%arg0: i32) -> (i32, i32) {
    %c0_i32 = arith.constant 0 : i32
    %c0_i32_0 = arith.constant 0 : i32
    return %arg0, %c0_i32 : i32, i32
  }
  func.func @transform_2(%arg0: i32) -> (i32, i32) {
    %c0_i32 = arith.constant 0 : i32
    %c0_i32_0 = arith.constant 0 : i32
    return %arg0, %c0_i32 : i32, i32
  }
  func.func @transform_3(%arg0: i32) -> (i32, i32) {
    %c0_i32 = arith.constant 0 : i32
    %c0_i32_0 = arith.constant 0 : i32
    %c0_i32_1 = arith.constant 0 : i32
    return %c0_i32, %c0_i32_0 : i32, i32
  }
  func.func @transform_4(%arg0: i32) -> (i32, i32) {
    %c0_i32 = arith.constant 0 : i32
    %c0_i32_0 = arith.constant 0 : i32
    %c0_i32_1 = arith.constant 0 : i32
    return %c0_i32, %c0_i32_0 : i32, i32
  }
  func.func @transform_5(%arg0: i32) -> (i32, i32) {
    %c0_i32 = arith.constant 0 : i32
    %c0_i32_0 = arith.constant 0 : i32
    return %arg0, %c0_i32 : i32, i32
  }
}

module attributes {stable_mosaic.version = 14 : i64} {
  func.func @_fin_body(%arg0: i32, %arg1: memref<2x10000x32xf32, #tpu.memory_space<vmem>>, %arg2: memref<10000x32xf32, #tpu.memory_space<vmem>>, %arg3: memref<10000x2xf32, #tpu.memory_space<vmem>>, %arg4: memref<1x32xf32, #tpu.memory_space<vmem>>, %arg5: memref<10000x20xf32, #tpu.memory_space<vmem>>) attributes {dimension_semantics = [#tpu.dimension_semantics<arbitrary>], iteration_bounds = array<i64: 1>, scalar_prefetch = 0 : i64, scratch_operands = 0 : i64, tpu.core_type = #tpu.core_type<tc>, window_params = [{transform_indices = @transform_0, window_bounds = array<i64: 2, 10000, 32>}, {transform_indices = @transform_1, window_bounds = array<i64: 10000, 32>}, {transform_indices = @transform_2, window_bounds = array<i64: 10000, 2>}, {pipeline_mode = #tpu.pipeline_mode<synchronous>, transform_indices = @transform_3, window_bounds = array<i64: 1, 32>}, {transform_indices = @transform_4, window_bounds = array<i64: 10000, 20>}]} {
    %get3A = arith.constant 0 : index
    %get3A_0 = arith.constant 0 : index
    %get3A_1 = vector.load %arg3[%get3A, %get3A_0] : memref<10000x2xf32, #tpu.memory_space<vmem>>, vector<10000x2xf32>
    %reduce_sum3A = arith.constant dense<0.000000e+00> : vector<10000xf32>
    %reduce_sum3A_2 = vector.multi_reduction <add>, %get3A_1, %reduce_sum3A [1] : vector<10000x2xf32> to vector<10000xf32>
    %broadcast_in_dim3A = vector.shape_cast %reduce_sum3A_2 : vector<10000xf32> to vector<10000x1xf32>
    %add3A = arith.constant 1.000000e+00 : f32
    %add3A_3 = vector.broadcast %add3A : f32 to vector<10000x1xf32>
    %add3A_4 = arith.addf %broadcast_in_dim3A, %add3A_3 : vector<10000x1xf32>
    %rsqrt3A = math.rsqrt %add3A_4 : vector<10000x1xf32>
    %get3A_5 = arith.constant 0 : index
    %get3A_6 = arith.constant 0 : index
    %get3A_7 = arith.constant 0 : index
    %get3A_8 = vector.load %arg1[%get3A_5, %get3A_6, %get3A_7] : memref<2x10000x32xf32, #tpu.memory_space<vmem>>, vector<1x10000x32xf32>
    %get3A_9 = vector.shape_cast %get3A_8 : vector<1x10000x32xf32> to vector<10000x32xf32>
    %get3A_10 = arith.constant 1 : index
    %get3A_11 = arith.constant 0 : index
    %get3A_12 = arith.constant 0 : index
    %get3A_13 = vector.load %arg1[%get3A_10, %get3A_11, %get3A_12] : memref<2x10000x32xf32, #tpu.memory_space<vmem>>, vector<1x10000x32xf32>
    %get3A_14 = vector.shape_cast %get3A_13 : vector<1x10000x32xf32> to vector<10000x32xf32>
    %add3A_15 = arith.addf %get3A_9, %get3A_14 : vector<10000x32xf32>
    %get3A_16 = arith.constant 0 : index
    %get3A_17 = arith.constant 0 : index
    %get3A_18 = vector.load %arg2[%get3A_16, %get3A_17] : memref<10000x32xf32, #tpu.memory_space<vmem>>, vector<10000x32xf32>
    %sub3A = arith.subf %add3A_15, %get3A_18 : vector<10000x32xf32>
    %mul3A = vector.broadcast %rsqrt3A : vector<10000x1xf32> to vector<10000x32xf32>
    %mul3A_19 = arith.mulf %mul3A, %sub3A : vector<10000x32xf32>
    %get3A_20 = arith.constant 0 : index
    %get3A_21 = arith.constant 0 : index
    %get3A_22 = vector.load %arg4[%get3A_20, %get3A_21] : memref<1x32xf32, #tpu.memory_space<vmem>>, vector<1x32xf32>
    %add3A_23 = vector.broadcast %get3A_22 : vector<1x32xf32> to vector<10000x32xf32>
    %add3A_24 = arith.addf %mul3A_19, %add3A_23 : vector<10000x32xf32>
    %slice3A = vector.extract_strided_slice %add3A_24 {offsets = [0, 0], sizes = [10000, 20], strides = [1, 1]} : vector<10000x32xf32> to vector<10000x20xf32>
    %swap3A = arith.constant 0 : index
    %swap3A_25 = arith.constant 0 : index
    %swap3A_26 = vector.load %arg5[%swap3A, %swap3A_25] : memref<10000x20xf32, #tpu.memory_space<vmem>>, vector<10000x20xf32>
    tpu.vector_store %arg5[%swap3A, %swap3A_25], %slice3A {strides = array<i32>} : memref<10000x20xf32, #tpu.memory_space<vmem>>, vector<10000x20xf32>,
    return
  }
  func.func @transform_0(%arg0: i32) -> (i32, i32, i32) {
    %c0_i32 = arith.constant 0 : i32
    %c0_i32_0 = arith.constant 0 : i32
    %c0_i32_1 = arith.constant 0 : i32
    return %c0_i32, %arg0, %c0_i32_0 : i32, i32, i32
  }
  func.func @transform_1(%arg0: i32) -> (i32, i32) {
    %c0_i32 = arith.constant 0 : i32
    %c0_i32_0 = arith.constant 0 : i32
    return %arg0, %c0_i32 : i32, i32
  }
  func.func @transform_2(%arg0: i32) -> (i32, i32) {
    %c0_i32 = arith.constant 0 : i32
    %c0_i32_0 = arith.constant 0 : i32
    return %arg0, %c0_i32 : i32, i32
  }
  func.func @transform_3(%arg0: i32) -> (i32, i32) {
    %c0_i32 = arith.constant 0 : i32
    %c0_i32_0 = arith.constant 0 : i32
    %c0_i32_1 = arith.constant 0 : i32
    return %c0_i32, %c0_i32_0 : i32, i32
  }
  func.func @transform_4(%arg0: i32) -> (i32, i32) {
    %c0_i32 = arith.constant 0 : i32
    %c0_i32_0 = arith.constant 0 : i32
    return %arg0, %c0_i32 : i32, i32
  }
}

</mosaic_0001>

<sc_bundles>
// kernel: kernel.11.cloned.1.call-start
scs
__scs_entry_jumppad:
0x0: {  	(pc) =	sbr.rel $0x88, $3  }
0x1: {  	(tag) =	ssettag $0x0;
	lr =	simm.s32 $0x1  }
0x2: {  	[smem:$0x3F9B] =	sst lr;
	_ =	strace $0xD0000000  }
0x3: {  	_ = 	snop  }
0x4: {  	_ = 	snop  }
0x5: {  	_ = 	snop  }
0x6: {  	_ = 	snop  }
0x7: {  	_ = 	snop  }
__scs_overlays_trampoline_lowered:
0x8: {  	[smem:$0x3FAA] =	sst s0  }
0x9: {  	[smem:$0x3FAB] =	sst s1  }
0xa: {  	[smem:$0x3FAC] =	sst s2  }
0xb: {  	[smem:$0x3FAD] =	sst s3  }
0xc: {  	[smem:$0x3FAE] =	sst s4  }
0xd: {  	[smem:$0x3FAF] =	sst s5  }
0xe: {  	[smem:$0x3FB0] =	sst s6  }
0xf: {  	[smem:$0x3FB1] =	sst s7  }
0x10: {  	[smem:$0x3FB2] =	sst s8  }
0x11: {  	[smem:$0x3FB3] =	sst s9;
	s0 =	simm.s32 @!p0 $0x0  }
0x12: {  	s1 =	sld [smem:$0x3F99];
	s0 =	simm.s32 @p0 $0x1  }
0x13: {  	[smem:$0x3FB4] =	sst s0;
	s0 =	simm.s32 @!p1 $0x0  }
0x14: {  	s2 =	sld [smem:$0x3F98];
	s0 =	simm.s32 @p1 $0x1  }
0x15: {  	[smem:$0x3FB5] =	sst s0;
	s0 =	simm.s32 @!p2 $0x0  }
0x16: {  	s3 =	sld [smem:$0x3FDB];
	s0 =	simm.s32 @p2 $0x1  }
0x17: {  	s4 =	simm.s32 $0x1BF5;
	[smem:$0x3FB7] =	sst s0  }
0x18: {  	s0 =	sld [smem:$0x3F9A];
	_ =	swait.ge [sflag:s4], $0x0  }
0x19: {  	s7 =	sld [smem:$0x3F9B]  }
0x1a: {  	s8 =	sadd.s32 $0xFFFFE003, lr  }
0x1b: {  	s9 =	sadd.s32 $0xFFFFFEF7, lr;
	s5 =	simm.s32 $0xFFFFFFFF;
	p2 =	slt.u32 s8, $0xFFFFF086  }
0x1c: {  	p1 =	slt.u32 s9, $0xF7A;
	s5 =	simm.s32 @!p2 $0x0  }
0x1d: {  	s5 =	simm.s32 @p1 $0x1;
	p0 =	seq.s32 s7, s2  }
0x1e: {  	s7 =	smul.u32 @!p0 $0xF7A, s2;
	p2 =	seq.s32 @!p0 s5, $0x0  }
0x1f: {  	s9 =	smul.u32 $0xF7A, s1;
	s8 =	simm.s32 @!p0 $0x1BF5;
	p2 =	por !p2, p0  }
0x20: {  	[sflag:s8] =	ssyncset.s32 @!p0 $0xFFFFF086;
	s6 =	sadd.s32 @!p0 s3, s7;
	s7 =	simm.s32 @!p0 $0x108  }
0x21: {  	s3 =	sadd.s32 s3, s9;
	s6 =	sadd.s32 @!p0 $0x88, s6;
	s7 =	simm.s32 @p2 $0x1082  }
0x22: {  	[simem:s7], [sflag:s8] =	dma.local @!p0 [hbm:s6], $0xF7A  }
0x23: {  	s9 =	sor.u32 $0xD0000000, s2;
	s6 =	simm.s32 $0x108;
	_ =	swait.ge @!p0 [sflag:s8], $0x0  }
0x24: {  	s3 =	sadd.s32 $0x88, s3;
	s6 =	simm.s32 @!p1 $0x1082;
	[sflag:s4] =	ssyncset.s32 $0xFFFFF086  }
0x25: {  	[simem:s6], [sflag:s4] =	dma.local [hbm:s3], $0xF7A  }
0x26: {  	[smem:$0x3F9B] =	sst s1;
	(tag) =	ssettag s2;
	_ =	strace s9  }
0x27: {  	s1 =	sld [smem:$0x3FAB]  }
0x28: {  	s2 =	sld [smem:$0x3FAC]  }
0x29: {  	s4 =	sld [smem:$0x3FAE]  }
0x2a: {  	p0 =	seq.s32 s5, $0x0;
	s5 =	sld [smem:$0x3FAF]  }
0x2b: {  	s6 =	sld [smem:$0x3FB0]  }
0x2c: {  	s7 =	sld [smem:$0x3FB1]  }
0x2d: {  	s3 =	simm.s32 $0x108;
	s8 =	sld [smem:$0x3FB2]  }
0x2e: {  	s3 =	simm.s32 @!p0 $0x1082;
	s9 =	sld [smem:$0x3FB3]  }
0x2f: {  	lr =	sadd.s32 s0, s3;
	s0 =	sld [smem:$0x3FAA]  }
0x30: {  	s3 =	sld [smem:$0x3FAD]  }
0x31: {  	[smem:$0x3FB6] =	sst s10  }
0x32: {  	s10 =	sld [smem:$0x3FB4];
	_ =	sdelay $0x3  }
0x33: {  	p0 =	seq.s32 s10, $0x1;
	s10 =	sld [smem:$0x3FB6];
	_ =	sdelay $0x3  }
0x34: {  	[smem:$0x3FB6] =	sst s10  }
0x35: {  	s10 =	sld [smem:$0x3FB5];
	_ =	sdelay $0x3  }
0x36: {  	p1 =	seq.s32 s10, $0x1;
	s10 =	sld [smem:$0x3FB6];
	_ =	sdelay $0x3  }
0x37: {  	[smem:$0x3FB6] =	sst s10  }
0x38: {  	s10 =	sld [smem:$0x3FB7]  }
0x39: {  	_ = 	snop;
	(pc) =	sbr.ind lr, $3  }
0x3a: {  	_ = 	snop  }
0x3b: {  	_ = 	snop  }
0x3c: {  	p2 =	seq.s32 s10, $0x1;
	s10 =	sld [smem:$0x3FB6]  }
0x3d: {  	_ =	shalt  }
0x3e: {  	_ =	shalt  }
0x3f: {  	_ =	shalt  }
0x40: {  	_ =	shalt  }
0x41: {  	_ =	shalt  }
0x42: {  	_ =	shalt  }
0x43: {  	_ =	shalt  }
0x44: {  	_ =	shalt  }
0x45: {  	_ =	shalt  }
0x46: {  	_ =	shalt  }
0x47: {  	_ =	shalt  }
0x48: {  	_ =	shalt  }
0x49: {  	_ =	shalt  }
0x4a: {  	_ =	shalt  }
0x4b: {  	_ =	shalt  }
0x4c: {  	_ =	shalt  }
0x4d: {  	_ =	shalt  }
0x4e: {  	_ =	shalt  }
0x4f: {  	_ =	shalt  }
0x50: {  	_ =	shalt  }
0x51: {  	_ =	shalt  }
0x52: {  	_ =	shalt  }
0x53: {  	_ =	shalt  }
0x54: {  	_ =	shalt  }
0x55: {  	_ =	shalt  }
0x56: {  	_ =	shalt  }
0x57: {  	_ =	shalt  }
0x58: {  	_ =	shalt  }
0x59: {  	_ =	shalt  }
0x5a: {  	_ =	shalt  }
0x5b: {  	_ =	shalt  }
0x5c: {  	_ =	shalt  }
0x5d: {  	_ =	shalt  }
0x5e: {  	_ =	shalt  }
0x5f: {  	_ =	shalt  }
0x60: {  	_ =	shalt  }
0x61: {  	_ =	shalt  }
0x62: {  	_ =	shalt  }
0x63: {  	_ =	shalt  }
0x64: {  	_ =	shalt  }
0x65: {  	_ =	shalt  }
0x66: {  	_ =	shalt  }
0x67: {  	_ =	shalt  }
0x68: {  	_ =	shalt  }
0x69: {  	_ =	shalt  }
0x6a: {  	_ =	shalt  }
0x6b: {  	_ =	shalt  }
0x6c: {  	_ =	shalt  }
0x6d: {  	_ =	shalt  }
0x6e: {  	_ =	shalt  }
0x6f: {  	_ =	shalt  }
0x70: {  	_ =	shalt  }
0x71: {  	_ =	shalt  }
0x72: {  	_ =	shalt  }
0x73: {  	_ =	shalt  }
0x74: {  	_ =	shalt  }
0x75: {  	_ =	shalt  }
0x76: {  	_ =	shalt  }
0x77: {  	_ =	shalt  }
0x78: {  	_ =	shalt  }
0x79: {  	_ =	shalt  }
0x7a: {  	_ =	shalt  }
0x7b: {  	_ =	shalt  }
0x7c: {  	_ =	shalt  }
0x7d: {  	_ =	shalt  }
0x7e: {  	_ =	shalt  }
0x7f: {  	_ =	shalt  }
0x80: {  	_ =	shalt  }
0x81: {  	_ =	shalt  }
0x82: {  	_ =	shalt  }
0x83: {  	_ =	shalt  }
0x84: {  	_ =	shalt  }
0x85: {  	_ =	shalt  }
0x86: {  	_ =	shalt  }
0x87: {  	_ =	shalt  }
.Lfunc_end0:
.L_simem_size_0:
called_computation.1_lowered:
.L_overlay_start_0:
0x88: {  	s2 =	sld [smem:$0x3FD9]  }
0x89: {  	s3 =	sld [smem:$0x3FFE];
	_ =	sdelay $0x1  }
0x8a: {  	s1 =	srdreg.scid  }
0x8b: {  	s0 =	sand.u32 $0x1, s1  }
0x8c: {  	s16 =	sshll.u32 s0, $0xA;
	s2 =	sadd.s32 s3, s2  }
0x8d: {  	s2 =	sadd.s32 s2, s16  }
0x8e: {  	[smem:$0x3FC2] =	sst s2  }
0x8f: {  	_ = 	snop  }
0x90: {  	(tm) =	ssettm $0x1  }
0x91: {  	s17 =	sld [smem:$0x3FFB];
	_ =	sdelay $0x3  }
0x92: {  	_ =	strace s17  }
0x93: {  	s2 =	sld [smem:$0x3FFC];
	_ =	sdelay $0x3  }
0x94: {  	_ =	strace s2  }
0x95: {  	s2 =	sld [smem:$0x3FFD];
	_ =	sdelay $0x3  }
0x96: {  	_ =	strace s2  }
0x97: {  	_ =	strace $0x8FFFFFFF  }
0x98: {  	s18 =	sld [smem:$0x3FDB];
	_ =	sdelay $0x1  }
0x99: {  	s19 =	simm.s32 $_scs_section_size  }
0x9a: {  	s4 =	simm.s32 $_size__tile_overlayer_lowered;
	s5 =	simm.s32 $_tile_overlayer_lowered  }
0x9b: {  	s22 =	simm.s32 $0x1BFF;
	s21 =	sshll.u32 s5, $0x1;
	s2 =	sadd.s32 s19, s18  }
0x9c: {  	s6 =	simm.s32 $0x0;
	s20 =	sshll.u32 s4, $0x1;
	s4 =	sadd.s32 s21, s2  }
0x9d: {  	[timem:s6], [sflag:s22] =	dma.local [hbm:s4], s20  }
0x9e: {  	_ =	swait.ge [sflag:s22], s20  }
0x9f: {  	s3 =	ssub.s32 $0x0, s20;
	[sflag:s22] =	ssyncset.done $0x0  }
0xa0: {  	[sflag:s22] =	ssyncadd.s32 s3;
	_ =	sdelay $0x1  }
0xa1: {  	s23 =	simm.s32 $0x1B8B  }
0xa2: {  	_ =	swait.ge [sflag:s23], $0x1  }
0xa3: {  	[sflag:s23] =	ssyncset.done $0x0  }
0xa4: {  	s25 =	simm.s32 $0x1B8E;
	s24 =	sld [smem:$0x3FFE];
	[sflag:s23] =	ssyncadd.s32 $0xFFFFFFFF  }
0xa5: {  	s26 =	simm.s32 $execute0_lowered;
	[smem:$0x3FD2] =	sst s25  }
0xa6: {  	s4 =	sshll.u32 s26, $0x1;
	_ =	strace $0x80000049;
	[dreg:$0x1] =	wrdreg $0xFFFFFFFF  }
0xa7: {  	s28 =	simm.s32 $_size_execute0_lowered;
	s2 =	sadd.s32 s2, s4;
	[dreg:$0x0] =	wrdreg $0x0  }
0xa8: {  	s4 =	sshll.u32 s28, $0x1;
	[dreg:$0x2] =	wrdreg s2  }
0xa9: {  	[dreg:$0x3] =	wrdreg s4  }
0xaa: {  	[dreg:$0x4] =	wrdreg $0xC0  }
0xab: {  	_ =	task [dreg:s6], $0x5FFFF  }
0xac: {  	[dreg:$0x1] =	wrdreg $0xFFFFFFFF  }
0xad: {  	[dreg:$0x0] =	wrdreg $0x60  }
0xae: {  	[dreg:$0x2] =	wrdreg s24  }
0xaf: {  	[dreg:$0x3] =	wrdreg $0x0  }
0xb0: {  	[dreg:$0x4] =	wrdreg $0x9  }
0xb1: {  	_ =	task.clear_ibuf [dreg:s6], $0x5FFFF;
	_ =	strace $0x90000049  }
0xb2: {  	s29 =	simm.s32 $0x9;
	_ =	strace $0x8000004B  }
0xb3: {  	_ =	swait.ge [sflag:s29], $0x1  }
0xb4: {  	[sflag:s29] =	ssyncadd.s32 $0xFFFFFFFF  }
0xb5: {  	_ =	strace $0x9000004B  }
0xb6: {  	_ =	sfence  }
0xb7: {  	s30 =	sld [smem:$0x0];
	_ =	sdelay $0x2  }
0xb8: {  	s31 =	sshll.u32 s1, $0xD;
	s1 =	sshrl.u32 s1, $0x2  }
0xb9: {  	s3 =	sand.u32 $0x4000, s31;
	s1 =	sadd.s32 s1, s30  }
0xba: {  	s0 =	sor.u32 s3, s0;
	s1 =	sshll.u32 s1, $0x11  }
0xbb: {  	s0 =	sor.u32 s1, s0  }
0xbc: {  	s0 =	sadd.s32 $0x8F2B, s0  }
0xbd: {  	[sflag:s0] =	ssyncadd.remote.s32 $0x1  }
0xbe: {  	_ =	sfence.sel $0xFFFF  }
0xbf: {  	[dreg:$0x0] =	wrdreg $0xFFFFFFFF;
	(pc) =	sbr.abs _section_cstart, $3  }
0xc0: {  	[dreg:$0x1] =	wrdreg $0xFFFFFFFF  }
0xc1: {  	_ =	task.clear_ibuf [dreg:s6], $0x2FFFF;
	_ =	strace $0x9FFFFFFF  }
0xc2: {  	(tm) =	ssettm $0x7FFFFFFF  }
0xc3: {  	_ =	shalt  }
tec
execute0_lowered:
.L_overlay_start_1:
0x0: {  	(tag) =	ssettag $0x1  }
0x1: {  	s0 =	rddreg [dreg:$0x0]  }
0x2: {  	s2 =	rddreg [dreg:$0x1]  }
0x3: {  	s1 =	srdreg.scid;
	s6 =	stileid.u32;
	s3 =	simm.s32 $0x0  }
0x4: {  	s11 =	simm.s32 $0x7800;
	s12 =	simm.s32 $0x3;
	s13 =	simm.s32 $0xA000  }
0x5: {  	s14 =	simm.s32 $0xC800;
	s15 =	simm.s32 $0x80;
	s17 =	simm.s32 $0xE000  }
0x6: {  	s19 =	simm.s32 $0xF800;
	s21 =	simm.s32 $0x11000;
	s23 =	simm.s32 $0x12800  }
0x7: {  	s28 =	simm.s32 $0x15800;
	s30 =	simm.s32 $0x17000;
	s16 =	simm.s32 $0x1A000  }
0x8: {  	s29 =	simm.s32 $0x2;
	s24 =	simm.s32 $0x0;
	s1 =	sand.u32 $0x1, s1  }
0x9: {  	s8 =	smul.u32 $0x7800, s6;
	[smem:$0x7FF] =	sst s3;
	s4 =	sshll.u32 s1, $0x4  }
0xa: {  	s5 =	smul.u32 $0x78000, s1;
	_ =	strace $0x8000004A;
	s1 =	ssub.s32 $0x2, s1  }
0xb: {  	s4 =	sor.u32 s6, s4;
	s7 =	sshrl.u32 s1, $0x1;
	s31 =	sshrl.u32 s8, $0x3  }
0xc: {  	s6 =	smul.u32 $0x500, s4;
	s5 =	sadd.s32 s8, s5;
	s4 =	sadd.s32 $0x14C00, s0  }
0xd: {  	s1 =	ssub.s32 s1, s7;
	s8 =	sadd.s32 s8, s2;
	s5 =	sshrl.u32 s5, $0x3  }
0xe: {  	s7 =	sadd.s32 s4, s31;
	s10 =	smax.u32 s1, $0x1;
	s6 =	sadd.s32 s6, s0  }
0xf: {  	s0 =	sadd.s32 s5, s0;
	s25 =	sadd.s32 $0xAA00, s6;
	s26 =	sadd.s32 $0xA00, s6  }
0x10: {  	s9 =	sadd.s32 $0x23C00, s0;
	s0 =	simm.s32 $0x18800;
	[dreg:$0x3] =	wrdreg s25  }
0x11: {  	[dreg:$0x4] =	wrdreg s26;
	s25 =	simm.s32 $0x14000;
	s26 =	simm.s32 $0x1  }
.LBB2_1:
0x12: {  	s1 =	rddreg [dreg:$0x3]  }
0x13: {  	[tilespmem:s11], [sflag:$0x3] =	stream.linear.gather [hbm4b:s1+s3], $0x2800, $0x38;
	[tilespmem:$0x1B800] =	vst v63  }
0x14: {  	_ =	swait.ge [sflag:s12], $0x2800  }
0x15: {  	[sflag:s12] =	ssyncset.done $0x0  }
0x16: {  	s18 =	rddreg [dreg:$0x4];
	[sflag:s12] =	ssyncadd.s32 $0xFFFFD800  }
0x17: {  	[tilespmem:s13], [sflag:$0x3] =	stream.linear.gather [hbm4b:s18+s3], $0x2800, $0x38;
	[tilespmem:$0x1B800] =	vst v63  }
0x18: {  	_ =	swait.ge [sflag:s12], $0x2800  }
0x19: {  	[sflag:s12] =	ssyncset.done $0x0  }
0x1a: {  	[sflag:s12] =	ssyncadd.s32 $0xFFFFD800  }
0x1b: {  	[tilespmem:s14], [sflag:$0x3] =	stream.linear.gather [hbm4b:s7+s3], $0x7800, $0x38;
	[tilespmem:$0x1B800] =	vst v63  }
0x1c: {  	_ =	swait.ge [sflag:s12], $0x7800  }
0x1d: {  	[sflag:s12] =	ssyncset.done $0x0  }
0x1e: {  	[sflag:s12] =	ssyncadd.s32 $0xFFFF8800  }
0x1f: {  	[spmem:s8] =	stream.linear.scatter [tilespmem:s14], [sflag:$0x3], $0x7800, $0x38;
	[tilespmem:$0x1B800] =	vst v63  }
0x20: {  	_ =	swait.ge [sflag:s12], $0x7800  }
0x21: {  	[sflag:s12] =	ssyncset.done $0x0  }
0x22: {  	[sflag:s12] =	ssyncadd.s32 $0xFFFF8800  }
0x23: {  	[bflag:$0x0] =	sbarrier.arrive $0xFFFF  }
0x24: {  	[tilespmem:s14], [sflag:$0x1] =	stream.indirect.gather [hbm4b:s4+s15], $0x30, s11, s15, $0xb8;
	[tilespmem:$0x1B800] =	vst v63  }
0x25: {  	s20 =	simm.s32 $0x7880  }
0x26: {  	[tilespmem:s17], [sflag:$0x1] =	stream.indirect.gather [hbm4b:s4+s15], $0x30, s20, s15, $0xb8;
	[tilespmem:$0x1B800] =	vst v63  }
0x27: {  	s22 =	simm.s32 $0x7900  }
0x28: {  	[tilespmem:s19], [sflag:$0x1] =	stream.indirect.gather [hbm4b:s4+s15], $0x30, s22, s15, $0xb8;
	[tilespmem:$0x1B800] =	vst v63  }
0x29: {  	s5 =	simm.s32 $0x7980  }
0x2a: {  	[tilespmem:s21], [sflag:$0x1] =	stream.indirect.gather [hbm4b:s4+s15], $0x30, s5, s15, $0xb8;
	[tilespmem:$0x1B800] =	vst v63  }
0x2b: {  	s6 =	simm.s32 $0x7A00  }
0x2c: {  	[tilespmem:s23], [sflag:$0x1] =	stream.indirect.gather [hbm4b:s4+s15], $0x30, s6, s15, $0xb8;
	[tilespmem:$0x1B800] =	vst v63  }
0x2d: {  	_ =	swait.ge [sflag:s26], $0x1800  }
0x2e: {  	[sflag:s26] =	ssyncset.done $0x0  }
0x2f: {  	[sflag:s26] =	ssyncadd.s32 $0xFFFFE800  }
0x30: {  	_ =	swait.ge [sflag:s26], $0x1800  }
0x31: {  	[sflag:s26] =	ssyncset.done $0x0  }
0x32: {  	[sflag:s26] =	ssyncadd.s32 $0xFFFFE800  }
0x33: {  	_ =	swait.ge [sflag:s26], $0x1800  }
0x34: {  	[sflag:s26] =	ssyncset.done $0x0  }
0x35: {  	[sflag:s26] =	ssyncadd.s32 $0xFFFFE800  }
0x36: {  	_ =	swait.ge [sflag:s26], $0x1800  }
0x37: {  	[sflag:s26] =	ssyncset.done $0x0  }
0x38: {  	[sflag:s26] =	ssyncadd.s32 $0xFFFFE800  }
0x39: {  	_ =	swait.ge [sflag:s26], $0x1800  }
0x3a: {  	[sflag:s26] =	ssyncset.done $0x0  }
0x3b: {  	s18 =	simm.s32 $0x7A80;
	[sflag:s26] =	ssyncadd.s32 $0xFFFFE800  }
0x3c: {  	[tilespmem:s25], [sflag:$0x1] =	stream.indirect.gather [hbm4b:s4+s15], $0x30, s18, s15, $0xb8;
	[tilespmem:$0x1B800] =	vst v63  }
0x3d: {  	s20 =	simm.s32 $0x7B00  }
0x3e: {  	[tilespmem:s28], [sflag:$0x1] =	stream.indirect.gather [hbm4b:s4+s15], $0x30, s20, s15, $0xb8;
	[tilespmem:$0x1B800] =	vst v63  }
0x3f: {  	s22 =	simm.s32 $0x7B80  }
0x40: {  	[tilespmem:s30], [sflag:$0x1] =	stream.indirect.gather [hbm4b:s4+s15], $0x30, s22, s15, $0xb8;
	[tilespmem:$0x1B800] =	vst v63  }
0x41: {  	s5 =	simm.s32 $0x7C00  }
0x42: {  	[tilespmem:s0], [sflag:$0x1] =	stream.indirect.gather [hbm4b:s4+s15], $0x30, s5, s15, $0xb8;
	[tilespmem:$0x1B800] =	vst v63  }
0x43: {  	s6 =	simm.s32 $0x7C80  }
0x44: {  	[tilespmem:s16], [sflag:$0x1] =	stream.indirect.gather [hbm4b:s4+s15], $0x30, s6, s15, $0xb8;
	[tilespmem:$0x1B800] =	vst v63  }
0x45: {  	_ = 	snop  }
0x46: {  	[spmem:s2] =	stream.indirect.scatter.add.f32 [tilespmem:s14], [sflag:$0x2], $0x30, s13, s15, $0xb8;
	[tilespmem:$0x1B800] =	vst v63  }
0x47: {  	s18 =	simm.s32 $0xA080  }
0x48: {  	[spmem:s2] =	stream.indirect.scatter.add.f32 [tilespmem:s17], [sflag:$0x2], $0x30, s18, s15, $0xb8;
	[tilespmem:$0x1B800] =	vst v63  }
0x49: {  	s20 =	simm.s32 $0xA100  }
0x4a: {  	[spmem:s2] =	stream.indirect.scatter.add.f32 [tilespmem:s19], [sflag:$0x2], $0x30, s20, s15, $0xb8;
	[tilespmem:$0x1B800] =	vst v63  }
0x4b: {  	s22 =	simm.s32 $0xA180  }
0x4c: {  	[spmem:s2] =	stream.indirect.scatter.add.f32 [tilespmem:s21], [sflag:$0x2], $0x30, s22, s15, $0xb8;
	[tilespmem:$0x1B800] =	vst v63  }
0x4d: {  	s5 =	simm.s32 $0xA200  }
0x4e: {  	[spmem:s2] =	stream.indirect.scatter.add.f32 [tilespmem:s23], [sflag:$0x2], $0x30, s5, s15, $0xb8;
	[tilespmem:$0x1B800] =	vst v63  }
0x4f: {  	_ =	swait.ge [sflag:s26], $0x1800  }
0x50: {  	[sflag:s26] =	ssyncset.done $0x0  }
0x51: {  	[sflag:s26] =	ssyncadd.s32 $0xFFFFE800  }
0x52: {  	_ =	swait.ge [sflag:s26], $0x1800  }
0x53: {  	[sflag:s26] =	ssyncset.done $0x0  }
0x54: {  	[sflag:s26] =	ssyncadd.s32 $0xFFFFE800  }
0x55: {  	_ =	swait.ge [sflag:s26], $0x1800  }
0x56: {  	[sflag:s26] =	ssyncset.done $0x0  }
0x57: {  	[sflag:s26] =	ssyncadd.s32 $0xFFFFE800  }
0x58: {  	_ =	swait.ge [sflag:s26], $0x1800  }
0x59: {  	[sflag:s26] =	ssyncset.done $0x0  }
0x5a: {  	[sflag:s26] =	ssyncadd.s32 $0xFFFFE800  }
0x5b: {  	_ =	swait.ge [sflag:s26], $0x1800  }
0x5c: {  	[sflag:s26] =	ssyncset.done $0x0  }
0x5d: {  	[sflag:s26] =	ssyncadd.s32 $0xFFFFE800  }
0x5e: {  	_ =	swait.ge [sflag:s29], $0x1800  }
0x5f: {  	[sflag:s29] =	ssyncset.done $0x0  }
0x60: {  	[sflag:s29] =	ssyncadd.s32 $0xFFFFE800  }
0x61: {  	_ =	swait.ge [sflag:s29], $0x1800  }
0x62: {  	[sflag:s29] =	ssyncset.done $0x0  }
0x63: {  	[sflag:s29] =	ssyncadd.s32 $0xFFFFE800  }
0x64: {  	_ =	swait.ge [sflag:s29], $0x1800  }
0x65: {  	[sflag:s29] =	ssyncset.done $0x0  }
0x66: {  	[sflag:s29] =	ssyncadd.s32 $0xFFFFE800  }
0x67: {  	s6 =	sand.u32 $0x1, s26;
	_ =	swait.ge [sflag:s29], $0x1800  }
0x68: {  	s18 =	sxor.u32 $0x1, s6;
	[sflag:s29] =	ssyncset.done $0x0  }
0x69: {  	s18 =	smul.u32 $0x1E000, s18;
	[sflag:s29] =	ssyncadd.s32 $0xFFFFE800  }
0x6a: {  	_ =	swait.ge [sflag:s29], $0x1800  }
0x6b: {  	s18 =	sshrl.u32 s18, $0x2;
	[sflag:s29] =	ssyncset.done $0x0  }
0x6c: {  	s31 =	simm.s32 $0x7D00;
	s20 =	sadd.s32 $0xC800, s18;
	[sflag:s29] =	ssyncadd.s32 $0xFFFFE800  }
0x6d: {  	[tilespmem:s20], [sflag:$0x1] =	stream.indirect.gather [hbm4b:s4+s15], $0x30, s31, s15, $0xb8;
	[tilespmem:$0x1B800] =	vst v63  }
0x6e: {  	s22 =	sadd.s32 $0xE000, s18;
	s31 =	simm.s32 $0x7D80  }
0x6f: {  	[tilespmem:s22], [sflag:$0x1] =	stream.indirect.gather [hbm4b:s4+s15], $0x30, s31, s15, $0xb8;
	[tilespmem:$0x1B800] =	vst v63  }
0x70: {  	s5 =	sadd.s32 $0xF800, s18;
	s31 =	simm.s32 $0x7E00  }
0x71: {  	[tilespmem:s5], [sflag:$0x1] =	stream.indirect.gather [hbm4b:s4+s15], $0x30, s31, s15, $0xb8;
	[tilespmem:$0x1B800] =	vst v63  }
0x72: {  	s1 =	smul.u32 $0x1E000, s6;
	s6 =	sadd.s32 $0x11000, s18;
	s31 =	simm.s32 $0x7E80  }
0x73: {  	[tilespmem:s6], [sflag:$0x1] =	stream.indirect.gather [hbm4b:s4+s15], $0x30, s31, s15, $0xb8;
	[tilespmem:$0x1B800] =	vst v63  }
0x74: {  	s1 =	sshrl.u32 s1, $0x2;
	s18 =	sadd.s32 $0x12800, s18;
	s22 =	simm.s32 $0x7F00  }
0x75: {  	[tilespmem:s18], [sflag:$0x1] =	stream.indirect.gather [hbm4b:s4+s15], $0x30, s22, s15, $0xb8;
	[tilespmem:$0x1B800] =	vst v63  }
0x76: {  	s5 =	sadd.s32 $0xC800, s1;
	s6 =	simm.s32 $0xA280  }
0x77: {  	[spmem:s2] =	stream.indirect.scatter.add.f32 [tilespmem:s5], [sflag:$0x2], $0x30, s6, s15, $0xb8;
	[tilespmem:$0x1B800] =	vst v63  }
0x78: {  	s20 =	sadd.s32 $0xE000, s1;
	s22 =	simm.s32 $0xA300  }
0x79: {  	[spmem:s2] =	stream.indirect.scatter.add.f32 [tilespmem:s20], [sflag:$0x2], $0x30, s22, s15, $0xb8;
	[tilespmem:$0x1B800] =	vst v63  }
0x7a: {  	s5 =	sadd.s32 $0xF800, s1;
	s6 =	simm.s32 $0xA380  }
0x7b: {  	[spmem:s2] =	stream.indirect.scatter.add.f32 [tilespmem:s5], [sflag:$0x2], $0x30, s6, s15, $0xb8;
	[tilespmem:$0x1B800] =	vst v63  }
0x7c: {  	s31 =	simm.s32 $0xA00;
	s20 =	sadd.s32 $0x11000, s1;
	s22 =	simm.s32 $0xA400  }
0x7d: {  	[spmem:s2] =	stream.indirect.scatter.add.f32 [tilespmem:s20], [sflag:$0x2], $0x30, s22, s15, $0xb8;
	[tilespmem:$0x1B800] =	vst v63  }
0x7e: {  	s18 =	sadd.s32 $0x12800, s1;
	s1 =	simm.s32 $0x2;
	s20 =	simm.s32 $0xA480  }
.LBB2_2:
0x7f: {  	[spmem:s2] =	stream.indirect.scatter.add.f32 [tilespmem:s18], [sflag:$0x2], $0x30, s20, s15, $0xb8;
	[tilespmem:$0x1B800] =	vst v63  }
0x80: {  	s18 =	smov.u32 s31  }
0x81: {  	p0 =	sne.s32 s31, $0x8200;
	s31 =	sadd.s32 $0xA00, s31;
	_ =	swait.ge [sflag:s26], $0x1800  }
0x82: {  	[sflag:s26] =	ssyncset.done $0x0  }
0x83: {  	[sflag:s26] =	ssyncadd.s32 $0xFFFFE800  }
0x84: {  	_ =	swait.ge [sflag:s26], $0x1800  }
0x85: {  	[sflag:s26] =	ssyncset.done $0x0  }
0x86: {  	[sflag:s26] =	ssyncadd.s32 $0xFFFFE800  }
0x87: {  	_ =	swait.ge [sflag:s26], $0x1800  }
0x88: {  	[sflag:s26] =	ssyncset.done $0x0  }
0x89: {  	[sflag:s26] =	ssyncadd.s32 $0xFFFFE800  }
0x8a: {  	_ =	swait.ge [sflag:s26], $0x1800  }
0x8b: {  	[sflag:s26] =	ssyncset.done $0x0  }
0x8c: {  	[sflag:s26] =	ssyncadd.s32 $0xFFFFE800  }
0x8d: {  	_ =	swait.ge [sflag:s26], $0x1800  }
0x8e: {  	[sflag:s26] =	ssyncset.done $0x0  }
0x8f: {  	[sflag:s26] =	ssyncadd.s32 $0xFFFFE800  }
0x90: {  	_ =	swait.ge [sflag:s29], $0x1800  }
0x91: {  	[sflag:s29] =	ssyncset.done $0x0  }
0x92: {  	[sflag:s29] =	ssyncadd.s32 $0xFFFFE800  }
0x93: {  	_ =	swait.ge [sflag:s29], $0x1800  }
0x94: {  	[sflag:s29] =	ssyncset.done $0x0  }
0x95: {  	[sflag:s29] =	ssyncadd.s32 $0xFFFFE800  }
0x96: {  	_ =	swait.ge [sflag:s29], $0x1800  }
0x97: {  	[sflag:s29] =	ssyncset.done $0x0  }
0x98: {  	[sflag:s29] =	ssyncadd.s32 $0xFFFFE800  }
0x99: {  	s20 =	sand.u32 $0x1, s1;
	_ =	swait.ge [sflag:s29], $0x1800  }
0x9a: {  	s22 =	smul.u32 $0x1E000, s20;
	s20 =	sxor.u32 $0x1, s20;
	[sflag:s29] =	ssyncset.done $0x0  }
0x9b: {  	s20 =	smul.u32 $0x1E000, s20;
	[sflag:s29] =	ssyncadd.s32 $0xFFFFE800  }
0x9c: {  	_ =	swait.ge [sflag:s29], $0x1800  }
0x9d: {  	s5 =	sshra.s32 s18, $0x2;
	s20 =	sshrl.u32 s20, $0x2;
	[sflag:s29] =	ssyncset.done $0x0  }
0x9e: {  	s6 =	sadd.s32 $0x7D00, s5;
	s18 =	sadd.s32 $0xC800, s20;
	[sflag:s29] =	ssyncadd.s32 $0xFFFFE800  }
0x9f: {  	[tilespmem:s18], [sflag:$0x1] =	stream.indirect.gather [hbm4b:s4+s15], $0x30, s6, s15, $0xb8;
	[tilespmem:$0x1B800] =	vst v63  }
0xa0: {  	s6 =	sadd.s32 $0xE000, s20;
	s18 =	sadd.s32 $0x7D80, s5  }
0xa1: {  	[tilespmem:s6], [sflag:$0x1] =	stream.indirect.gather [hbm4b:s4+s15], $0x30, s18, s15, $0xb8;
	[tilespmem:$0x1B800] =	vst v63  }
0xa2: {  	s6 =	sadd.s32 $0xF800, s20;
	s18 =	sadd.s32 $0x7E00, s5  }
0xa3: {  	[tilespmem:s6], [sflag:$0x1] =	stream.indirect.gather [hbm4b:s4+s15], $0x30, s18, s15, $0xb8;
	[tilespmem:$0x1B800] =	vst v63  }
0xa4: {  	s6 =	sadd.s32 $0x11000, s20;
	s18 =	sadd.s32 $0x7E80, s5  }
0xa5: {  	[tilespmem:s6], [sflag:$0x1] =	stream.indirect.gather [hbm4b:s4+s15], $0x30, s18, s15, $0xb8;
	[tilespmem:$0x1B800] =	vst v63  }
0xa6: {  	s6 =	sshrl.u32 s22, $0x2;
	s18 =	sadd.s32 $0x12800, s20;
	s20 =	sadd.s32 $0x7F00, s5  }
0xa7: {  	[tilespmem:s18], [sflag:$0x1] =	stream.indirect.gather [hbm4b:s4+s15], $0x30, s20, s15, $0xb8;
	[tilespmem:$0x1B800] =	vst v63  }
0xa8: {  	s18 =	sadd.s32 $0xC800, s6;
	s20 =	sadd.s32 $0xA280, s5  }
0xa9: {  	[spmem:s2] =	stream.indirect.scatter.add.f32 [tilespmem:s18], [sflag:$0x2], $0x30, s20, s15, $0xb8;
	[tilespmem:$0x1B800] =	vst v63  }
0xaa: {  	s18 =	sadd.s32 $0xE000, s6;
	s20 =	sadd.s32 $0xA300, s5  }
0xab: {  	[spmem:s2] =	stream.indirect.scatter.add.f32 [tilespmem:s18], [sflag:$0x2], $0x30, s20, s15, $0xb8;
	[tilespmem:$0x1B800] =	vst v63  }
.Ltmp0:
0xac: {  	s18 =	sadd.s32 $0xF800, s6;
	s20 =	sadd.s32 $0xA380, s5;
	(pc) =	sbr.rel @p0 .LBB2_2-.Ltmp0, $4  }
0xad: {  	[spmem:s2] =	stream.indirect.scatter.add.f32 [tilespmem:s18], [sflag:$0x2], $0x30, s20, s15, $0xb8;
	[tilespmem:$0x1B800] =	vst v63  }
0xae: {  	s18 =	sadd.s32 $0x11000, s6;
	s20 =	sadd.s32 $0xA400, s5  }
0xaf: {  	[spmem:s2] =	stream.indirect.scatter.add.f32 [tilespmem:s18], [sflag:$0x2], $0x30, s20, s15, $0xb8;
	[tilespmem:$0x1B800] =	vst v63  }
0xb0: {  	s1 =	sadd.s32 $0x1, s1;
	s18 =	sadd.s32 $0x12800, s6;
	s20 =	sadd.s32 $0xA480, s5  }
0xb1: {  	[spmem:s2] =	stream.indirect.scatter.add.f32 [tilespmem:s18], [sflag:$0x2], $0x30, s20, s15, $0xb8;
	[tilespmem:$0x1B800] =	vst v63  }
0xb2: {  	_ =	swait.ge [sflag:s26], $0x1800  }
0xb3: {  	[sflag:s26] =	ssyncset.done $0x0  }
0xb4: {  	[sflag:s26] =	ssyncadd.s32 $0xFFFFE800  }
0xb5: {  	_ =	swait.ge [sflag:s26], $0x1800  }
0xb6: {  	[sflag:s26] =	ssyncset.done $0x0  }
0xb7: {  	[sflag:s26] =	ssyncadd.s32 $0xFFFFE800  }
0xb8: {  	_ =	swait.ge [sflag:s26], $0x1800  }
0xb9: {  	[sflag:s26] =	ssyncset.done $0x0  }
0xba: {  	[sflag:s26] =	ssyncadd.s32 $0xFFFFE800  }
0xbb: {  	_ =	swait.ge [sflag:s26], $0x1800  }
0xbc: {  	[sflag:s26] =	ssyncset.done $0x0  }
0xbd: {  	[sflag:s26] =	ssyncadd.s32 $0xFFFFE800  }
0xbe: {  	_ =	swait.ge [sflag:s26], $0x1800  }
0xbf: {  	[sflag:s26] =	ssyncset.done $0x0  }
0xc0: {  	[sflag:s26] =	ssyncadd.s32 $0xFFFFE800  }
0xc1: {  	_ =	swait.ge [sflag:s29], $0x1800  }
0xc2: {  	[sflag:s29] =	ssyncset.done $0x0  }
0xc3: {  	[sflag:s29] =	ssyncadd.s32 $0xFFFFE800  }
0xc4: {  	_ =	swait.ge [sflag:s29], $0x1800  }
0xc5: {  	[sflag:s29] =	ssyncset.done $0x0  }
0xc6: {  	[sflag:s29] =	ssyncadd.s32 $0xFFFFE800  }
0xc7: {  	_ =	swait.ge [sflag:s29], $0x1800  }
0xc8: {  	[sflag:s29] =	ssyncset.done $0x0  }
0xc9: {  	[sflag:s29] =	ssyncadd.s32 $0xFFFFE800  }
0xca: {  	_ =	swait.ge [sflag:s29], $0x1800  }
0xcb: {  	[sflag:s29] =	ssyncset.done $0x0  }
0xcc: {  	[sflag:s29] =	ssyncadd.s32 $0xFFFFE800  }
0xcd: {  	_ =	swait.ge [sflag:s29], $0x1800  }
0xce: {  	[sflag:s29] =	ssyncset.done $0x0  }
0xcf: {  	s1 =	simm.s32 $0xC580;
	[sflag:s29] =	ssyncadd.s32 $0xFFFFE800  }
0xd0: {  	[spmem:s2] =	stream.indirect.scatter.add.f32 [tilespmem:s25], [sflag:$0x2], $0x30, s1, s15, $0xb8;
	[tilespmem:$0x1B800] =	vst v63  }
0xd1: {  	s18 =	simm.s32 $0xC600  }
0xd2: {  	[spmem:s2] =	stream.indirect.scatter.add.f32 [tilespmem:s28], [sflag:$0x2], $0x30, s18, s15, $0xb8;
	[tilespmem:$0x1B800] =	vst v63  }
0xd3: {  	s20 =	simm.s32 $0xC680  }
0xd4: {  	[spmem:s2] =	stream.indirect.scatter.add.f32 [tilespmem:s30], [sflag:$0x2], $0x30, s20, s15, $0xb8;
	[tilespmem:$0x1B800] =	vst v63  }
0xd5: {  	s22 =	simm.s32 $0xC700  }
0xd6: {  	[spmem:s2] =	stream.indirect.scatter.add.f32 [tilespmem:s0], [sflag:$0x2], $0x30, s22, s15, $0xb8;
	[tilespmem:$0x1B800] =	vst v63  }
0xd7: {  	s31 =	simm.s32 $0xC780  }
0xd8: {  	[spmem:s2] =	stream.indirect.scatter.add.f32 [tilespmem:s16], [sflag:$0x2], $0x30, s31, s15, $0xb8;
	[tilespmem:$0x1B800] =	vst v63  }
0xd9: {  	_ =	swait.ge [sflag:s29], $0x1800  }
0xda: {  	[sflag:s29] =	ssyncset.done $0x0  }
0xdb: {  	[sflag:s29] =	ssyncadd.s32 $0xFFFFE800  }
0xdc: {  	_ =	swait.ge [sflag:s29], $0x1800  }
0xdd: {  	[sflag:s29] =	ssyncset.done $0x0  }
0xde: {  	[sflag:s29] =	ssyncadd.s32 $0xFFFFE800  }
0xdf: {  	_ =	swait.ge [sflag:s29], $0x1800  }
0xe0: {  	[sflag:s29] =	ssyncset.done $0x0  }
0xe1: {  	[sflag:s29] =	ssyncadd.s32 $0xFFFFE800  }
0xe2: {  	_ =	swait.ge [sflag:s29], $0x1800  }
0xe3: {  	[sflag:s29] =	ssyncset.done $0x0  }
0xe4: {  	[sflag:s29] =	ssyncadd.s32 $0xFFFFE800  }
0xe5: {  	_ =	swait.ge [sflag:s29], $0x1800  }
0xe6: {  	[sflag:s29] =	ssyncset.done $0x0  }
0xe7: {  	[sflag:s29] =	ssyncadd.s32 $0xFFFFE800  }
0xe8: {  	[bflag:$0x0] =	sbarrier.arrive $0xFFFF  }
0xe9: {  	[tilespmem:s14], [sflag:$0x3] =	stream.linear.gather [spmem:s8], $0x7800, $0x38;
	[tilespmem:$0x1B800] =	vst v63  }
0xea: {  	s24 =	sadd.s32 $0x1, s24;
	_ =	swait.ge [sflag:s12], $0x7800  }
0xeb: {  	p0 =	sne.s32 s24, s10;
	[sflag:s12] =	ssyncset.done $0x0  }
.Ltmp1:
0xec: {  	[sflag:s12] =	ssyncadd.s32 $0xFFFF8800;
	(pc) =	sbr.rel @p0 .LBB2_1-.Ltmp1, $4  }
0xed: {  	[hbm4b:s9+s3] =	stream.linear.scatter [tilespmem:s14], [sflag:$0x3], $0x7800, $0x38;
	[tilespmem:$0x1B800] =	vst v63  }
0xee: {  	_ =	swait.ge [sflag:s12], $0x7800  }
0xef: {  	[sflag:s12] =	ssyncset.done $0x0  }
0xf0: {  	[sflag:s12] =	ssyncadd.s32 $0xFFFF8800  }
0xf1: {  	_ =	sfence.sel $0x180000  }
0xf2: {  	[bflag:$0x0] =	sbarrier.arrive $0xFFFF  }
0xf3: {  	_ =	strace $0x9000004A  }
0xf4: {  	s0 =	stileid.u32;
	[bflag:$0x2] =	sbarrier.arrive $0xFFFF  }
0xf5: {  	p0 =	sne.s32 s0, $0x0;
	s0 =	rddreg [dreg:$0x2]  }
0xf6: {  	s0 =	sadd.s32 @!p0 $0x100000, s0  }
0xf7: {  	[sflag:s0] =	ssyncadd.tile.s32 @!p0 $0x1;
	_ =	shalt  }
.Lfunc_end2:
_tile_overlayer_lowered:
.L_overlay_start_2:
0xf8: {  	(tag) =	ssettag $0x2  }
0xf9: {  	s0 =	rddreg [dreg:$0x0];
	s2 =	stileid.u32  }
0xfa: {  	s1 =	rddreg [dreg:$0x1];
	p0 =	sne.s32 s2, $0x0  }
0xfb: {  	s3 =	rddreg [dreg:$0x2];
	[bflag:$0x3] =	sbarrier.arrive $0xFFFF;
	s2 =	simm.s32 @!p0 $0x1C03  }
0xfc: {  	[timem:s3], [sflag:s2] =	dma.local @!p0 [hbm:s0], s1  }
0xfd: {  	s0 =	simm.s32 @!p0 $0x3  }
0xfe: {  	_ =	swait.ge @!p0 [sflag:s0], s1  }
0xff: {  	s1 =	ssub.s32 @!p0 $0x0, s1;
	[sflag:s0] =	ssyncset.done @!p0 $0x0  }
0x100: {  	[sflag:s0] =	ssyncadd.s32 @!p0 s1  }
0x101: {  	[bflag:$0x3] =	sbarrier.arrive $0xFFFF  }
0x102: {  	_ =	shalt  }

// kernel: kernel.14.cloned.1.call-start
scs
__scs_entry_jumppad:
0x0: {  	(pc) =	sbr.rel $0x88, $3  }
0x1: {  	(tag) =	ssettag $0x0;
	lr =	simm.s32 $0x1  }
0x2: {  	[smem:$0x3F9B] =	sst lr;
	_ =	strace $0xD0000000  }
0x3: {  	_ = 	snop  }
0x4: {  	_ = 	snop  }
0x5: {  	_ = 	snop  }
0x6: {  	_ = 	snop  }
0x7: {  	_ = 	snop  }
__scs_overlays_trampoline_lowered:
0x8: {  	[smem:$0x3FAA] =	sst s0  }
0x9: {  	[smem:$0x3FAB] =	sst s1  }
0xa: {  	[smem:$0x3FAC] =	sst s2  }
0xb: {  	[smem:$0x3FAD] =	sst s3  }
0xc: {  	[smem:$0x3FAE] =	sst s4  }
0xd: {  	[smem:$0x3FAF] =	sst s5  }
0xe: {  	[smem:$0x3FB0] =	sst s6  }
0xf: {  	[smem:$0x3FB1] =	sst s7  }
0x10: {  	[smem:$0x3FB2] =	sst s8  }
0x11: {  	[smem:$0x3FB3] =	sst s9;
	s0 =	simm.s32 @!p0 $0x0  }
0x12: {  	s1 =	sld [smem:$0x3F99];
	s0 =	simm.s32 @p0 $0x1  }
0x13: {  	[smem:$0x3FB4] =	sst s0;
	s0 =	simm.s32 @!p1 $0x0  }
0x14: {  	s2 =	sld [smem:$0x3F98];
	s0 =	simm.s32 @p1 $0x1  }
0x15: {  	[smem:$0x3FB5] =	sst s0;
	s0 =	simm.s32 @!p2 $0x0  }
0x16: {  	s3 =	sld [smem:$0x3FDB];
	s0 =	simm.s32 @p2 $0x1  }
0x17: {  	s4 =	simm.s32 $0x1BF5;
	[smem:$0x3FB7] =	sst s0  }
0x18: {  	s0 =	sld [smem:$0x3F9A];
	_ =	swait.ge [sflag:s4], $0x0  }
0x19: {  	s7 =	sld [smem:$0x3F9B]  }
0x1a: {  	s8 =	sadd.s32 $0xFFFFE003, lr  }
0x1b: {  	s9 =	sadd.s32 $0xFFFFFEF7, lr;
	s5 =	simm.s32 $0xFFFFFFFF;
	p2 =	slt.u32 s8, $0xFFFFF086  }
0x1c: {  	p1 =	slt.u32 s9, $0xF7A;
	s5 =	simm.s32 @!p2 $0x0  }
0x1d: {  	s5 =	simm.s32 @p1 $0x1;
	p0 =	seq.s32 s7, s2  }
0x1e: {  	s7 =	smul.u32 @!p0 $0xF7A, s2;
	p2 =	seq.s32 @!p0 s5, $0x0  }
0x1f: {  	s9 =	smul.u32 $0xF7A, s1;
	s8 =	simm.s32 @!p0 $0x1BF5;
	p2 =	por !p2, p0  }
0x20: {  	[sflag:s8] =	ssyncset.s32 @!p0 $0xFFFFF086;
	s6 =	sadd.s32 @!p0 s3, s7;
	s7 =	simm.s32 @!p0 $0x108  }
0x21: {  	s3 =	sadd.s32 s3, s9;
	s6 =	sadd.s32 @!p0 $0x88, s6;
	s7 =	simm.s32 @p2 $0x1082  }
0x22: {  	[simem:s7], [sflag:s8] =	dma.local @!p0 [hbm:s6], $0xF7A  }
0x23: {  	s9 =	sor.u32 $0xD0000000, s2;
	s6 =	simm.s32 $0x108;
	_ =	swait.ge @!p0 [sflag:s8], $0x0  }
0x24: {  	s3 =	sadd.s32 $0x88, s3;
	s6 =	simm.s32 @!p1 $0x1082;
	[sflag:s4] =	ssyncset.s32 $0xFFFFF086  }
0x25: {  	[simem:s6], [sflag:s4] =	dma.local [hbm:s3], $0xF7A  }
0x26: {  	[smem:$0x3F9B] =	sst s1;
	(tag) =	ssettag s2;
	_ =	strace s9  }
0x27: {  	s1 =	sld [smem:$0x3FAB]  }
0x28: {  	s2 =	sld [smem:$0x3FAC]  }
0x29: {  	s4 =	sld [smem:$0x3FAE]  }
0x2a: {  	p0 =	seq.s32 s5, $0x0;
	s5 =	sld [smem:$0x3FAF]  }
0x2b: {  	s6 =	sld [smem:$0x3FB0]  }
0x2c: {  	s7 =	sld [smem:$0x3FB1]  }
0x2d: {  	s3 =	simm.s32 $0x108;
	s8 =	sld [smem:$0x3FB2]  }
0x2e: {  	s3 =	simm.s32 @!p0 $0x1082;
	s9 =	sld [smem:$0x3FB3]  }
0x2f: {  	lr =	sadd.s32 s0, s3;
	s0 =	sld [smem:$0x3FAA]  }
0x30: {  	s3 =	sld [smem:$0x3FAD]  }
0x31: {  	[smem:$0x3FB6] =	sst s10  }
0x32: {  	s10 =	sld [smem:$0x3FB4];
	_ =	sdelay $0x3  }
0x33: {  	p0 =	seq.s32 s10, $0x1;
	s10 =	sld [smem:$0x3FB6];
	_ =	sdelay $0x3  }
0x34: {  	[smem:$0x3FB6] =	sst s10  }
0x35: {  	s10 =	sld [smem:$0x3FB5];
	_ =	sdelay $0x3  }
0x36: {  	p1 =	seq.s32 s10, $0x1;
	s10 =	sld [smem:$0x3FB6];
	_ =	sdelay $0x3  }
0x37: {  	[smem:$0x3FB6] =	sst s10  }
0x38: {  	s10 =	sld [smem:$0x3FB7]  }
0x39: {  	_ = 	snop;
	(pc) =	sbr.ind lr, $3  }
0x3a: {  	_ = 	snop  }
0x3b: {  	_ = 	snop  }
0x3c: {  	p2 =	seq.s32 s10, $0x1;
	s10 =	sld [smem:$0x3FB6]  }
0x3d: {  	_ =	shalt  }
0x3e: {  	_ =	shalt  }
0x3f: {  	_ =	shalt  }
0x40: {  	_ =	shalt  }
0x41: {  	_ =	shalt  }
0x42: {  	_ =	shalt  }
0x43: {  	_ =	shalt  }
0x44: {  	_ =	shalt  }
0x45: {  	_ =	shalt  }
0x46: {  	_ =	shalt  }
0x47: {  	_ =	shalt  }
0x48: {  	_ =	shalt  }
0x49: {  	_ =	shalt  }
0x4a: {  	_ =	shalt  }
0x4b: {  	_ =	shalt  }
0x4c: {  	_ =	shalt  }
0x4d: {  	_ =	shalt  }
0x4e: {  	_ =	shalt  }
0x4f: {  	_ =	shalt  }
0x50: {  	_ =	shalt  }
0x51: {  	_ =	shalt  }
0x52: {  	_ =	shalt  }
0x53: {  	_ =	shalt  }
0x54: {  	_ =	shalt  }
0x55: {  	_ =	shalt  }
0x56: {  	_ =	shalt  }
0x57: {  	_ =	shalt  }
0x58: {  	_ =	shalt  }
0x59: {  	_ =	shalt  }
0x5a: {  	_ =	shalt  }
0x5b: {  	_ =	shalt  }
0x5c: {  	_ =	shalt  }
0x5d: {  	_ =	shalt  }
0x5e: {  	_ =	shalt  }
0x5f: {  	_ =	shalt  }
0x60: {  	_ =	shalt  }
0x61: {  	_ =	shalt  }
0x62: {  	_ =	shalt  }
0x63: {  	_ =	shalt  }
0x64: {  	_ =	shalt  }
0x65: {  	_ =	shalt  }
0x66: {  	_ =	shalt  }
0x67: {  	_ =	shalt  }
0x68: {  	_ =	shalt  }
0x69: {  	_ =	shalt  }
0x6a: {  	_ =	shalt  }
0x6b: {  	_ =	shalt  }
0x6c: {  	_ =	shalt  }
0x6d: {  	_ =	shalt  }
0x6e: {  	_ =	shalt  }
0x6f: {  	_ =	shalt  }
0x70: {  	_ =	shalt  }
0x71: {  	_ =	shalt  }
0x72: {  	_ =	shalt  }
0x73: {  	_ =	shalt  }
0x74: {  	_ =	shalt  }
0x75: {  	_ =	shalt  }
0x76: {  	_ =	shalt  }
0x77: {  	_ =	shalt  }
0x78: {  	_ =	shalt  }
0x79: {  	_ =	shalt  }
0x7a: {  	_ =	shalt  }
0x7b: {  	_ =	shalt  }
0x7c: {  	_ =	shalt  }
0x7d: {  	_ =	shalt  }
0x7e: {  	_ =	shalt  }
0x7f: {  	_ =	shalt  }
0x80: {  	_ =	shalt  }
0x81: {  	_ =	shalt  }
0x82: {  	_ =	shalt  }
0x83: {  	_ =	shalt  }
0x84: {  	_ =	shalt  }
0x85: {  	_ =	shalt  }
0x86: {  	_ =	shalt  }
0x87: {  	_ =	shalt  }
.Lfunc_end0:
.L_simem_size_0:
called_computation.2_lowered:
.L_overlay_start_0:
0x88: {  	s2 =	sld [smem:$0x3FD9]  }
0x89: {  	s3 =	sld [smem:$0x3FFE];
	_ =	sdelay $0x1  }
0x8a: {  	s1 =	srdreg.scid  }
0x8b: {  	s0 =	sand.u32 $0x1, s1  }
0x8c: {  	s16 =	sshll.u32 s0, $0xA;
	s2 =	sadd.s32 s3, s2  }
0x8d: {  	s2 =	sadd.s32 s2, s16  }
0x8e: {  	[smem:$0x3FC2] =	sst s2  }
0x8f: {  	_ = 	snop  }
0x90: {  	(tm) =	ssettm $0x1  }
0x91: {  	s17 =	sld [smem:$0x3FFB];
	_ =	sdelay $0x3  }
0x92: {  	_ =	strace s17  }
0x93: {  	s2 =	sld [smem:$0x3FFC];
	_ =	sdelay $0x3  }
0x94: {  	_ =	strace s2  }
0x95: {  	s2 =	sld [smem:$0x3FFD];
	_ =	sdelay $0x3  }
0x96: {  	_ =	strace s2  }
0x97: {  	_ =	strace $0x8FFFFFFF  }
0x98: {  	s18 =	sld [smem:$0x3FDB];
	_ =	sdelay $0x1  }
0x99: {  	s19 =	simm.s32 $_scs_section_size  }
0x9a: {  	s4 =	simm.s32 $_size__tile_overlayer_lowered;
	s5 =	simm.s32 $_tile_overlayer_lowered  }
0x9b: {  	s22 =	simm.s32 $0x1BFF;
	s21 =	sshll.u32 s5, $0x1;
	s2 =	sadd.s32 s19, s18  }
0x9c: {  	s6 =	simm.s32 $0x0;
	s20 =	sshll.u32 s4, $0x1;
	s4 =	sadd.s32 s21, s2  }
0x9d: {  	[timem:s6], [sflag:s22] =	dma.local [hbm:s4], s20  }
0x9e: {  	_ =	swait.ge [sflag:s22], s20  }
0x9f: {  	s3 =	ssub.s32 $0x0, s20;
	[sflag:s22] =	ssyncset.done $0x0  }
0xa0: {  	[sflag:s22] =	ssyncadd.s32 s3;
	_ =	sdelay $0x1  }
0xa1: {  	s23 =	simm.s32 $0x1B8B  }
0xa2: {  	_ =	swait.ge [sflag:s23], $0x1  }
0xa3: {  	[sflag:s23] =	ssyncset.done $0x0  }
0xa4: {  	s25 =	simm.s32 $0x1B8E;
	s24 =	sld [smem:$0x3FFE];
	[sflag:s23] =	ssyncadd.s32 $0xFFFFFFFF  }
0xa5: {  	s26 =	simm.s32 $execute0_lowered;
	[smem:$0x3FD2] =	sst s25  }
0xa6: {  	s4 =	sshll.u32 s26, $0x1;
	_ =	strace $0x8000004C;
	[dreg:$0x1] =	wrdreg $0xFFFFFFFF  }
0xa7: {  	s28 =	simm.s32 $_size_execute0_lowered;
	s2 =	sadd.s32 s2, s4;
	[dreg:$0x0] =	wrdreg $0x0  }
0xa8: {  	s4 =	sshll.u32 s28, $0x1;
	[dreg:$0x2] =	wrdreg s2  }
0xa9: {  	[dreg:$0x3] =	wrdreg s4  }
0xaa: {  	[dreg:$0x4] =	wrdreg $0xC0  }
0xab: {  	_ =	task [dreg:s6], $0x5FFFF  }
0xac: {  	[dreg:$0x1] =	wrdreg $0xFFFFFFFF  }
0xad: {  	[dreg:$0x0] =	wrdreg $0x60  }
0xae: {  	[dreg:$0x2] =	wrdreg s24  }
0xaf: {  	[dreg:$0x3] =	wrdreg $0x0  }
0xb0: {  	[dreg:$0x4] =	wrdreg $0x9  }
0xb1: {  	_ =	task.clear_ibuf [dreg:s6], $0x5FFFF;
	_ =	strace $0x9000004C  }
0xb2: {  	s29 =	simm.s32 $0x9;
	_ =	strace $0x8000004E  }
0xb3: {  	_ =	swait.ge [sflag:s29], $0x1  }
0xb4: {  	[sflag:s29] =	ssyncadd.s32 $0xFFFFFFFF  }
0xb5: {  	_ =	strace $0x9000004E  }
0xb6: {  	_ =	sfence  }
0xb7: {  	s30 =	sld [smem:$0x0];
	_ =	sdelay $0x2  }
0xb8: {  	s31 =	sshll.u32 s1, $0xD;
	s1 =	sshrl.u32 s1, $0x2  }
0xb9: {  	s3 =	sand.u32 $0x4000, s31;
	s1 =	sadd.s32 s1, s30  }
0xba: {  	s0 =	sor.u32 s3, s0;
	s1 =	sshll.u32 s1, $0x11  }
0xbb: {  	s0 =	sor.u32 s1, s0  }
0xbc: {  	s0 =	sadd.s32 $0x8F2B, s0  }
0xbd: {  	[sflag:s0] =	ssyncadd.remote.s32 $0x1  }
0xbe: {  	_ =	sfence.sel $0xFFFF  }
0xbf: {  	[dreg:$0x0] =	wrdreg $0xFFFFFFFF;
	(pc) =	sbr.abs _section_cstart, $3  }
0xc0: {  	[dreg:$0x1] =	wrdreg $0xFFFFFFFF  }
0xc1: {  	_ =	task.clear_ibuf [dreg:s6], $0x2FFFF;
	_ =	strace $0x9FFFFFFF  }
0xc2: {  	(tm) =	ssettm $0x7FFFFFFF  }
0xc3: {  	_ =	shalt  }
tec
execute0_lowered:
.L_overlay_start_1:
0x0: {  	(tag) =	ssettag $0x1  }
0x1: {  	s0 =	rddreg [dreg:$0x0]  }
0x2: {  	s2 =	rddreg [dreg:$0x1]  }
0x3: {  	s1 =	srdreg.scid;
	s6 =	stileid.u32  }
0x4: {  	s3 =	simm.s32 $0x0;
	s11 =	simm.s32 $0x5000;
	s12 =	simm.s32 $0x3  }
0x5: {  	s14 =	simm.s32 $0xA000;
	s15 =	simm.s32 $0x80;
	s28 =	simm.s32 $0x10000  }
0x6: {  	s29 =	simm.s32 $0x5380;
	s30 =	simm.s32 $0x11000;
	s31 =	simm.s32 $0x5400  }
0x7: {  	s13 =	simm.s32 $0x13000;
	s16 =	simm.s32 $0x1;
	s17 =	simm.s32 $0x2  }
0x8: {  	s18 =	simm.s32 $0x0;
	s1 =	sand.u32 $0x1, s1;
	s8 =	smul.u32 $0x5000, s6  }
0x9: {  	[smem:$0x7FF] =	sst s3;
	s4 =	sshll.u32 s1, $0x4;
	s5 =	smul.u32 $0x50000, s1  }
0xa: {  	_ =	strace $0x8000004D;
	s1 =	ssub.s32 $0x2, s1;
	s4 =	sor.u32 s6, s4  }
0xb: {  	s7 =	sshrl.u32 s1, $0x1;
	s26 =	sshrl.u32 s8, $0x3;
	s6 =	smul.u32 $0x500, s4  }
0xc: {  	s5 =	sadd.s32 s8, s5;
	s4 =	sadd.s32 $0x14A00, s0;
	s1 =	ssub.s32 s1, s7  }
0xd: {  	s8 =	sadd.s32 s8, s2;
	s5 =	sshrl.u32 s5, $0x3;
	s7 =	sadd.s32 s4, s26  }
0xe: {  	s10 =	smax.u32 s1, $0x1;
	s26 =	simm.s32 $0x5300;
	s6 =	sadd.s32 s6, s0  }
0xf: {  	s1 =	simm.s32 $0x5480;
	s0 =	sadd.s32 s5, s0;
	s5 =	sadd.s32 $0xAA00, s6  }
0x10: {  	s6 =	sadd.s32 $0xA00, s6;
	s9 =	sadd.s32 $0x1EA00, s0;
	s0 =	simm.s32 $0x12000  }
.LBB2_1:
0x11: {  	[tilespmem:s11], [sflag:$0x3] =	stream.linear.gather [hbm4b:s5+s3], $0x2800, $0x38;
	[tilespmem:$0x1E000] =	vst v63  }
0x12: {  	_ =	swait.ge [sflag:s12], $0x2800  }
0x13: {  	[sflag:s12] =	ssyncset.done $0x0  }
0x14: {  	s19 =	simm.s32 $0x7800;
	[sflag:s12] =	ssyncadd.s32 $0xFFFFD800  }
0x15: {  	[tilespmem:s19], [sflag:$0x3] =	stream.linear.gather [hbm4b:s6+s3], $0x2800, $0x38;
	[tilespmem:$0x1E000] =	vst v63  }
0x16: {  	_ =	swait.ge [sflag:s12], $0x2800  }
0x17: {  	[sflag:s12] =	ssyncset.done $0x0  }
0x18: {  	[sflag:s12] =	ssyncadd.s32 $0xFFFFD800  }
0x19: {  	[tilespmem:s14], [sflag:$0x3] =	stream.linear.gather [hbm4b:s7+s3], $0x5000, $0x38;
	[tilespmem:$0x1E000] =	vst v63  }
0x1a: {  	_ =	swait.ge [sflag:s12], $0x5000  }
0x1b: {  	[sflag:s12] =	ssyncset.done $0x0  }
0x1c: {  	[sflag:s12] =	ssyncadd.s32 $0xFFFFB000  }
0x1d: {  	[spmem:s8] =	stream.linear.scatter [tilespmem:s14], [sflag:$0x3], $0x5000, $0x38;
	[tilespmem:$0x1E000] =	vst v63  }
0x1e: {  	_ =	swait.ge [sflag:s12], $0x5000  }
0x1f: {  	[sflag:s12] =	ssyncset.done $0x0  }
0x20: {  	[sflag:s12] =	ssyncadd.s32 $0xFFFFB000  }
0x21: {  	[bflag:$0x0] =	sbarrier.arrive $0xFFFF  }
0x22: {  	[tilespmem:s14], [sflag:$0x1] =	stream.indirect.gather [hbm4b:s4+s15], $0x20, s11, s15, $0xb8;
	[tilespmem:$0x1E000] =	vst v63  }
0x23: {  	s23 =	simm.s32 $0x5080;
	s20 =	simm.s32 $0xB000  }
0x24: {  	[tilespmem:s20], [sflag:$0x1] =	stream.indirect.gather [hbm4b:s4+s15], $0x20, s23, s15, $0xb8;
	[tilespmem:$0x1E000] =	vst v63  }
0x25: {  	s24 =	simm.s32 $0x5100;
	s25 =	simm.s32 $0xC000  }
0x26: {  	[tilespmem:s25], [sflag:$0x1] =	stream.indirect.gather [hbm4b:s4+s15], $0x20, s24, s15, $0xb8;
	[tilespmem:$0x1E000] =	vst v63  }
0x27: {  	s21 =	simm.s32 $0xD000;
	s20 =	simm.s32 $0x5180  }
0x28: {  	[tilespmem:s21], [sflag:$0x1] =	stream.indirect.gather [hbm4b:s4+s15], $0x20, s20, s15, $0xb8;
	[tilespmem:$0x1E000] =	vst v63  }
0x29: {  	s22 =	simm.s32 $0x5200;
	s23 =	simm.s32 $0xE000  }
0x2a: {  	[tilespmem:s23], [sflag:$0x1] =	stream.indirect.gather [hbm4b:s4+s15], $0x20, s22, s15, $0xb8;
	[tilespmem:$0x1E000] =	vst v63  }
0x2b: {  	s24 =	simm.s32 $0x5280;
	s25 =	simm.s32 $0xF000  }
0x2c: {  	[tilespmem:s25], [sflag:$0x1] =	stream.indirect.gather [hbm4b:s4+s15], $0x20, s24, s15, $0xb8;
	[tilespmem:$0x1E000] =	vst v63  }
0x2d: {  	_ = 	snop  }
0x2e: {  	[tilespmem:s28], [sflag:$0x1] =	stream.indirect.gather [hbm4b:s4+s15], $0x20, s26, s15, $0xb8;
	[tilespmem:$0x1E000] =	vst v63  }
0x2f: {  	_ = 	snop  }
0x30: {  	[tilespmem:s30], [sflag:$0x1] =	stream.indirect.gather [hbm4b:s4+s15], $0x20, s29, s15, $0xb8;
	[tilespmem:$0x1E000] =	vst v63  }
0x31: {  	_ = 	snop  }
0x32: {  	[tilespmem:s0], [sflag:$0x1] =	stream.indirect.gather [hbm4b:s4+s15], $0x20, s31, s15, $0xb8;
	[tilespmem:$0x1E000] =	vst v63  }
0x33: {  	s20 =	simm.s32 $0x0;
	s22 =	simm.s32 $0x0  }
0x34: {  	[tilespmem:s13], [sflag:$0x1] =	stream.indirect.gather [hbm4b:s4+s15], $0x20, s1, s15, $0xb8;
	[tilespmem:$0x1E000] =	vst v63  }
.LBB2_2:
0x35: {  	_ =	swait.ge [sflag:s16], $0x1000  }
0x36: {  	[sflag:s16] =	ssyncset.done $0x0  }
0x37: {  	[sflag:s16] =	ssyncadd.s32 $0xFFFFF000  }
0x38: {  	_ =	swait.ge [sflag:s16], $0x1000  }
0x39: {  	[sflag:s16] =	ssyncset.done $0x0  }
0x3a: {  	[sflag:s16] =	ssyncadd.s32 $0xFFFFF000  }
0x3b: {  	_ =	swait.ge [sflag:s16], $0x1000  }
0x3c: {  	[sflag:s16] =	ssyncset.done $0x0  }
0x3d: {  	[sflag:s16] =	ssyncadd.s32 $0xFFFFF000  }
0x3e: {  	_ =	swait.ge [sflag:s16], $0x1000  }
0x3f: {  	[sflag:s16] =	ssyncset.done $0x0  }
0x40: {  	[sflag:s16] =	ssyncadd.s32 $0xFFFFF000  }
0x41: {  	_ =	swait.ge [sflag:s16], $0x1000  }
0x42: {  	[sflag:s16] =	ssyncset.done $0x0  }
0x43: {  	[sflag:s16] =	ssyncadd.s32 $0xFFFFF000  }
0x44: {  	_ =	swait.ge [sflag:s16], $0x1000  }
0x45: {  	[sflag:s16] =	ssyncset.done $0x0  }
0x46: {  	[sflag:s16] =	ssyncadd.s32 $0xFFFFF000  }
0x47: {  	_ =	swait.ge [sflag:s16], $0x1000  }
0x48: {  	[sflag:s16] =	ssyncset.done $0x0  }
0x49: {  	[sflag:s16] =	ssyncadd.s32 $0xFFFFF000  }
0x4a: {  	_ =	swait.ge [sflag:s16], $0x1000  }
0x4b: {  	[sflag:s16] =	ssyncset.done $0x0  }
0x4c: {  	[sflag:s16] =	ssyncadd.s32 $0xFFFFF000  }
0x4d: {  	_ =	swait.ge [sflag:s16], $0x1000  }
0x4e: {  	[sflag:s16] =	ssyncset.done $0x0  }
0x4f: {  	[sflag:s16] =	ssyncadd.s32 $0xFFFFF000  }
0x50: {  	_ =	swait.ge [sflag:s16], $0x1000  }
0x51: {  	p0 =	seq.s32 s22, $0x0;
	[sflag:s16] =	ssyncset.done $0x0  }
0x52: {  	s19 =	simm.s32 @!p0 $0x2;
	[sflag:s16] =	ssyncadd.s32 $0xFFFFF000  }
0x53: {  	_ =	swait.ge @!p0 [sflag:s19], $0x1000  }
0x54: {  	[sflag:s19] =	ssyncset.done @!p0 $0x0  }
0x55: {  	[sflag:s19] =	ssyncadd.s32 @!p0 $0xFFFFF000  }
0x56: {  	_ =	swait.ge @!p0 [sflag:s19], $0x1000  }
0x57: {  	[sflag:s19] =	ssyncset.done @!p0 $0x0  }
0x58: {  	[sflag:s19] =	ssyncadd.s32 @!p0 $0xFFFFF000  }
0x59: {  	_ =	swait.ge @!p0 [sflag:s19], $0x1000  }
0x5a: {  	[sflag:s19] =	ssyncset.done @!p0 $0x0  }
0x5b: {  	[sflag:s19] =	ssyncadd.s32 @!p0 $0xFFFFF000  }
0x5c: {  	_ =	swait.ge @!p0 [sflag:s19], $0x1000  }
0x5d: {  	[sflag:s19] =	ssyncset.done @!p0 $0x0  }
0x5e: {  	[sflag:s19] =	ssyncadd.s32 @!p0 $0xFFFFF000  }
0x5f: {  	_ =	swait.ge @!p0 [sflag:s19], $0x1000  }
0x60: {  	[sflag:s19] =	ssyncset.done @!p0 $0x0  }
0x61: {  	[sflag:s19] =	ssyncadd.s32 @!p0 $0xFFFFF000  }
0x62: {  	_ =	swait.ge @!p0 [sflag:s19], $0x1000  }
0x63: {  	[sflag:s19] =	ssyncset.done @!p0 $0x0  }
0x64: {  	[sflag:s19] =	ssyncadd.s32 @!p0 $0xFFFFF000  }
0x65: {  	_ =	swait.ge @!p0 [sflag:s19], $0x1000  }
0x66: {  	[sflag:s19] =	ssyncset.done @!p0 $0x0  }
0x67: {  	[sflag:s19] =	ssyncadd.s32 @!p0 $0xFFFFF000  }
0x68: {  	_ =	swait.ge @!p0 [sflag:s19], $0x1000  }
0x69: {  	[sflag:s19] =	ssyncset.done @!p0 $0x0  }
0x6a: {  	[sflag:s19] =	ssyncadd.s32 @!p0 $0xFFFFF000  }
0x6b: {  	_ =	swait.ge @!p0 [sflag:s19], $0x1000  }
0x6c: {  	[sflag:s19] =	ssyncset.done @!p0 $0x0  }
0x6d: {  	[sflag:s19] =	ssyncadd.s32 @!p0 $0xFFFFF000  }
0x6e: {  	_ =	swait.ge @!p0 [sflag:s19], $0x1000  }
0x6f: {  	s21 =	sand.u32 $0x1, s20;
	p1 =	seq.s32 @!p0 s22, $0x8C00;
	[sflag:s19] =	ssyncset.done @!p0 $0x0  }
0x70: {  	p1 =	por p0, !p1;
	[sflag:s19] =	ssyncadd.s32 @!p0 $0xFFFFF000;
	s19 =	simm.s32 @!p0 $0x8C00  }
0x71: {  	s19 =	sxor.u32 @p1 $0x1, s21  }
0x72: {  	s19 =	smul.u32 @p1 $0x28000, s19;
	_ =	sdelay $0x1  }
0x73: {  	s23 =	sshra.s32 @p1 s22, $0x2;
	s19 =	sshrl.u32 @p1 s19, $0x2  }
0x74: {  	s25 =	sadd.s32 @p1 $0x5500, s23;
	s24 =	sadd.s32 @p1 $0xA000, s19  }
0x75: {  	[tilespmem:s24], [sflag:$0x1] =	stream.indirect.gather @p1 [hbm4b:s4+s15], $0x20, s25, s15, $0xb8;
	[tilespmem:$0x1E000] =	vst v63  }
0x76: {  	s24 =	sadd.s32 @p1 $0xB000, s19;
	s25 =	sadd.s32 @p1 $0x5580, s23  }
0x77: {  	[tilespmem:s24], [sflag:$0x1] =	stream.indirect.gather @p1 [hbm4b:s4+s15], $0x20, s25, s15, $0xb8;
	[tilespmem:$0x1E000] =	vst v63  }
0x78: {  	s24 =	sadd.s32 @p1 $0xC000, s19;
	s25 =	sadd.s32 @p1 $0x5600, s23  }
0x79: {  	[tilespmem:s24], [sflag:$0x1] =	stream.indirect.gather @p1 [hbm4b:s4+s15], $0x20, s25, s15, $0xb8;
	[tilespmem:$0x1E000] =	vst v63  }
0x7a: {  	s24 =	sadd.s32 @p1 $0xD000, s19;
	s25 =	sadd.s32 @p1 $0x5680, s23  }
0x7b: {  	[tilespmem:s24], [sflag:$0x1] =	stream.indirect.gather @p1 [hbm4b:s4+s15], $0x20, s25, s15, $0xb8;
	[tilespmem:$0x1E000] =	vst v63  }
0x7c: {  	s24 =	sadd.s32 @p1 $0xE000, s19;
	s25 =	sadd.s32 @p1 $0x5700, s23  }
0x7d: {  	[tilespmem:s24], [sflag:$0x1] =	stream.indirect.gather @p1 [hbm4b:s4+s15], $0x20, s25, s15, $0xb8;
	[tilespmem:$0x1E000] =	vst v63  }
0x7e: {  	s24 =	sadd.s32 @p1 $0xF000, s19;
	s25 =	sadd.s32 @p1 $0x5780, s23  }
0x7f: {  	[tilespmem:s24], [sflag:$0x1] =	stream.indirect.gather @p1 [hbm4b:s4+s15], $0x20, s25, s15, $0xb8;
	[tilespmem:$0x1E000] =	vst v63  }
0x80: {  	s24 =	sor.u32 @p1 $0x10000, s19;
	s25 =	sadd.s32 @p1 $0x5800, s23  }
0x81: {  	[tilespmem:s24], [sflag:$0x1] =	stream.indirect.gather @p1 [hbm4b:s4+s15], $0x20, s25, s15, $0xb8;
	[tilespmem:$0x1E000] =	vst v63  }
0x82: {  	s24 =	sor.u32 @p1 $0x11000, s19;
	s25 =	sadd.s32 @p1 $0x5880, s23  }
0x83: {  	[tilespmem:s24], [sflag:$0x1] =	stream.indirect.gather @p1 [hbm4b:s4+s15], $0x20, s25, s15, $0xb8;
	[tilespmem:$0x1E000] =	vst v63  }
0x84: {  	s24 =	sadd.s32 @p1 $0x12000, s19;
	s25 =	sadd.s32 @p1 $0x5900, s23  }
0x85: {  	[tilespmem:s24], [sflag:$0x1] =	stream.indirect.gather @p1 [hbm4b:s4+s15], $0x20, s25, s15, $0xb8;
	[tilespmem:$0x1E000] =	vst v63  }
0x86: {  	s21 =	smul.u32 $0x28000, s21;
	s19 =	sadd.s32 @p1 $0x13000, s19;
	s23 =	sadd.s32 @p1 $0x5980, s23  }
0x87: {  	[tilespmem:s19], [sflag:$0x1] =	stream.indirect.gather @p1 [hbm4b:s4+s15], $0x20, s23, s15, $0xb8;
	[tilespmem:$0x1E000] =	vst v63  }
0x88: {  	s19 =	smov.u32 @p1 s22  }
0x89: {  	s21 =	sshrl.u32 s21, $0x2;
	s19 =	sshra.s32 s19, $0x2  }
0x8a: {  	s24 =	sadd.s32 $0xA000, s21;
	s25 =	sadd.s32 $0x7800, s19  }
0x8b: {  	[spmem:s2] =	stream.indirect.scatter.add.f32 [tilespmem:s24], [sflag:$0x2], $0x20, s25, s15, $0xb8;
	[tilespmem:$0x1E000] =	vst v63  }
0x8c: {  	s24 =	sadd.s32 $0xB000, s21;
	s25 =	sadd.s32 $0x7880, s19  }
0x8d: {  	[spmem:s2] =	stream.indirect.scatter.add.f32 [tilespmem:s24], [sflag:$0x2], $0x20, s25, s15, $0xb8;
	[tilespmem:$0x1E000] =	vst v63  }
0x8e: {  	s24 =	sadd.s32 $0xC000, s21;
	s25 =	sadd.s32 $0x7900, s19  }
0x8f: {  	[spmem:s2] =	stream.indirect.scatter.add.f32 [tilespmem:s24], [sflag:$0x2], $0x20, s25, s15, $0xb8;
	[tilespmem:$0x1E000] =	vst v63  }
0x90: {  	s24 =	sadd.s32 $0xD000, s21;
	s25 =	sadd.s32 $0x7980, s19  }
0x91: {  	[spmem:s2] =	stream.indirect.scatter.add.f32 [tilespmem:s24], [sflag:$0x2], $0x20, s25, s15, $0xb8;
	[tilespmem:$0x1E000] =	vst v63  }
0x92: {  	s24 =	sadd.s32 $0xE000, s21;
	s25 =	sadd.s32 $0x7A00, s19  }
0x93: {  	[spmem:s2] =	stream.indirect.scatter.add.f32 [tilespmem:s24], [sflag:$0x2], $0x20, s25, s15, $0xb8;
	[tilespmem:$0x1E000] =	vst v63  }
0x94: {  	s24 =	sadd.s32 $0xF000, s21;
	s25 =	sadd.s32 $0x7A80, s19  }
0x95: {  	[spmem:s2] =	stream.indirect.scatter.add.f32 [tilespmem:s24], [sflag:$0x2], $0x20, s25, s15, $0xb8;
	[tilespmem:$0x1E000] =	vst v63  }
0x96: {  	s22 =	sadd.s32 $0x1400, s22;
	s24 =	sor.u32 $0x10000, s21;
	s25 =	sadd.s32 $0x7B00, s19  }
0x97: {  	[spmem:s2] =	stream.indirect.scatter.add.f32 [tilespmem:s24], [sflag:$0x2], $0x20, s25, s15, $0xb8;
	[tilespmem:$0x1E000] =	vst v63  }
0x98: {  	p0 =	sne.s32 s22, $0xA000;
	s24 =	sor.u32 $0x11000, s21;
	s25 =	sadd.s32 $0x7B80, s19  }
0x99: {  	[spmem:s2] =	stream.indirect.scatter.add.f32 [tilespmem:s24], [sflag:$0x2], $0x20, s25, s15, $0xb8;
	[tilespmem:$0x1E000] =	vst v63  }
.Ltmp0:
0x9a: {  	_ = 	snop;
	(pc) =	sbr.rel @p0 .LBB2_2-.Ltmp0, $4  }
0x9b: {  	s24 =	sadd.s32 $0x12000, s21;
	s25 =	sadd.s32 $0x7C00, s19  }
0x9c: {  	[spmem:s2] =	stream.indirect.scatter.add.f32 [tilespmem:s24], [sflag:$0x2], $0x20, s25, s15, $0xb8;
	[tilespmem:$0x1E000] =	vst v63  }
0x9d: {  	s20 =	sadd.s32 $0x1, s20;
	s21 =	sadd.s32 $0x13000, s21;
	s19 =	sadd.s32 $0x7C80, s19  }
0x9e: {  	[spmem:s2] =	stream.indirect.scatter.add.f32 [tilespmem:s21], [sflag:$0x2], $0x20, s19, s15, $0xb8;
	[tilespmem:$0x1E000] =	vst v63  }
0x9f: {  	_ =	swait.ge [sflag:s17], $0x1000  }
0xa0: {  	[sflag:s17] =	ssyncset.done $0x0  }
0xa1: {  	[sflag:s17] =	ssyncadd.s32 $0xFFFFF000  }
0xa2: {  	_ =	swait.ge [sflag:s17], $0x1000  }
0xa3: {  	[sflag:s17] =	ssyncset.done $0x0  }
0xa4: {  	[sflag:s17] =	ssyncadd.s32 $0xFFFFF000  }
0xa5: {  	_ =	swait.ge [sflag:s17], $0x1000  }
0xa6: {  	[sflag:s17] =	ssyncset.done $0x0  }
0xa7: {  	[sflag:s17] =	ssyncadd.s32 $0xFFFFF000  }
0xa8: {  	_ =	swait.ge [sflag:s17], $0x1000  }
0xa9: {  	[sflag:s17] =	ssyncset.done $0x0  }
0xaa: {  	[sflag:s17] =	ssyncadd.s32 $0xFFFFF000  }
0xab: {  	_ =	swait.ge [sflag:s17], $0x1000  }
0xac: {  	[sflag:s17] =	ssyncset.done $0x0  }
0xad: {  	[sflag:s17] =	ssyncadd.s32 $0xFFFFF000  }
0xae: {  	_ =	swait.ge [sflag:s17], $0x1000  }
0xaf: {  	[sflag:s17] =	ssyncset.done $0x0  }
0xb0: {  	[sflag:s17] =	ssyncadd.s32 $0xFFFFF000  }
0xb1: {  	_ =	swait.ge [sflag:s17], $0x1000  }
0xb2: {  	[sflag:s17] =	ssyncset.done $0x0  }
0xb3: {  	[sflag:s17] =	ssyncadd.s32 $0xFFFFF000  }
0xb4: {  	_ =	swait.ge [sflag:s17], $0x1000  }
0xb5: {  	[sflag:s17] =	ssyncset.done $0x0  }
0xb6: {  	[sflag:s17] =	ssyncadd.s32 $0xFFFFF000  }
0xb7: {  	_ =	swait.ge [sflag:s17], $0x1000  }
0xb8: {  	[sflag:s17] =	ssyncset.done $0x0  }
0xb9: {  	[sflag:s17] =	ssyncadd.s32 $0xFFFFF000  }
0xba: {  	_ =	swait.ge [sflag:s17], $0x1000  }
0xbb: {  	[sflag:s17] =	ssyncset.done $0x0  }
0xbc: {  	[sflag:s17] =	ssyncadd.s32 $0xFFFFF000  }
0xbd: {  	[bflag:$0x0] =	sbarrier.arrive $0xFFFF  }
0xbe: {  	[tilespmem:s14], [sflag:$0x3] =	stream.linear.gather [spmem:s8], $0x5000, $0x38;
	[tilespmem:$0x1E000] =	vst v63  }
0xbf: {  	s18 =	sadd.s32 $0x1, s18;
	_ =	swait.ge [sflag:s12], $0x5000  }
0xc0: {  	p0 =	sne.s32 s18, s10;
	[sflag:s12] =	ssyncset.done $0x0  }
.Ltmp1:
0xc1: {  	[sflag:s12] =	ssyncadd.s32 $0xFFFFB000;
	(pc) =	sbr.rel @p0 .LBB2_1-.Ltmp1, $4  }
0xc2: {  	[hbm4b:s9+s3] =	stream.linear.scatter [tilespmem:s14], [sflag:$0x3], $0x5000, $0x38;
	[tilespmem:$0x1E000] =	vst v63  }
0xc3: {  	_ =	swait.ge [sflag:s12], $0x5000  }
0xc4: {  	[sflag:s12] =	ssyncset.done $0x0  }
0xc5: {  	[sflag:s12] =	ssyncadd.s32 $0xFFFFB000  }
0xc6: {  	_ =	sfence.sel $0x180000  }
0xc7: {  	[bflag:$0x0] =	sbarrier.arrive $0xFFFF  }
0xc8: {  	_ =	strace $0x9000004D  }
0xc9: {  	s0 =	stileid.u32;
	[bflag:$0x2] =	sbarrier.arrive $0xFFFF  }
0xca: {  	p0 =	sne.s32 s0, $0x0;
	s0 =	rddreg [dreg:$0x2]  }
0xcb: {  	s0 =	sadd.s32 @!p0 $0x100000, s0  }
0xcc: {  	[sflag:s0] =	ssyncadd.tile.s32 @!p0 $0x1;
	_ =	shalt  }
.Lfunc_end2:
_tile_overlayer_lowered:
.L_overlay_start_2:
0xcd: {  	(tag) =	ssettag $0x2  }
0xce: {  	s0 =	rddreg [dreg:$0x0];
	s2 =	stileid.u32  }
0xcf: {  	s1 =	rddreg [dreg:$0x1];
	p0 =	sne.s32 s2, $0x0  }
0xd0: {  	s3 =	rddreg [dreg:$0x2];
	[bflag:$0x3] =	sbarrier.arrive $0xFFFF;
	s2 =	simm.s32 @!p0 $0x1C03  }
0xd1: {  	[timem:s3], [sflag:s2] =	dma.local @!p0 [hbm:s0], s1  }
0xd2: {  	s0 =	simm.s32 @!p0 $0x3  }
0xd3: {  	_ =	swait.ge @!p0 [sflag:s0], s1  }
0xd4: {  	s1 =	ssub.s32 @!p0 $0x0, s1;
	[sflag:s0] =	ssyncset.done @!p0 $0x0  }
0xd5: {  	[sflag:s0] =	ssyncadd.s32 @!p0 s1  }
0xd6: {  	[bflag:$0x3] =	sbarrier.arrive $0xFFFF  }
0xd7: {  	_ =	shalt  }

// kernel: kernel.8.cloned.1.call-start
scs
__scs_entry_jumppad:
0x0: {  	(pc) =	sbr.rel $0x88, $3  }
0x1: {  	(tag) =	ssettag $0x0;
	lr =	simm.s32 $0x1  }
0x2: {  	[smem:$0x3F9B] =	sst lr;
	_ =	strace $0xD0000000  }
0x3: {  	_ = 	snop  }
0x4: {  	_ = 	snop  }
0x5: {  	_ = 	snop  }
0x6: {  	_ = 	snop  }
0x7: {  	_ = 	snop  }
__scs_overlays_trampoline_lowered:
0x8: {  	[smem:$0x3FAA] =	sst s0  }
0x9: {  	[smem:$0x3FAB] =	sst s1  }
0xa: {  	[smem:$0x3FAC] =	sst s2  }
0xb: {  	[smem:$0x3FAD] =	sst s3  }
0xc: {  	[smem:$0x3FAE] =	sst s4  }
0xd: {  	[smem:$0x3FAF] =	sst s5  }
0xe: {  	[smem:$0x3FB0] =	sst s6  }
0xf: {  	[smem:$0x3FB1] =	sst s7  }
0x10: {  	[smem:$0x3FB2] =	sst s8  }
0x11: {  	[smem:$0x3FB3] =	sst s9;
	s0 =	simm.s32 @!p0 $0x0  }
0x12: {  	s1 =	sld [smem:$0x3F99];
	s0 =	simm.s32 @p0 $0x1  }
0x13: {  	[smem:$0x3FB4] =	sst s0;
	s0 =	simm.s32 @!p1 $0x0  }
0x14: {  	s2 =	sld [smem:$0x3F98];
	s0 =	simm.s32 @p1 $0x1  }
0x15: {  	[smem:$0x3FB5] =	sst s0;
	s0 =	simm.s32 @!p2 $0x0  }
0x16: {  	s3 =	sld [smem:$0x3FDB];
	s0 =	simm.s32 @p2 $0x1  }
0x17: {  	s4 =	simm.s32 $0x1BF5;
	[smem:$0x3FB7] =	sst s0  }
0x18: {  	s0 =	sld [smem:$0x3F9A];
	_ =	swait.ge [sflag:s4], $0x0  }
0x19: {  	s7 =	sld [smem:$0x3F9B]  }
0x1a: {  	s8 =	sadd.s32 $0xFFFFE003, lr  }
0x1b: {  	s9 =	sadd.s32 $0xFFFFFEF7, lr;
	s5 =	simm.s32 $0xFFFFFFFF;
	p2 =	slt.u32 s8, $0xFFFFF086  }
0x1c: {  	p1 =	slt.u32 s9, $0xF7A;
	s5 =	simm.s32 @!p2 $0x0  }
0x1d: {  	s5 =	simm.s32 @p1 $0x1;
	p0 =	seq.s32 s7, s2  }
0x1e: {  	s7 =	smul.u32 @!p0 $0xF7A, s2;
	p2 =	seq.s32 @!p0 s5, $0x0  }
0x1f: {  	s9 =	smul.u32 $0xF7A, s1;
	s8 =	simm.s32 @!p0 $0x1BF5;
	p2 =	por !p2, p0  }
0x20: {  	[sflag:s8] =	ssyncset.s32 @!p0 $0xFFFFF086;
	s6 =	sadd.s32 @!p0 s3, s7;
	s7 =	simm.s32 @!p0 $0x108  }
0x21: {  	s3 =	sadd.s32 s3, s9;
	s6 =	sadd.s32 @!p0 $0x88, s6;
	s7 =	simm.s32 @p2 $0x1082  }
0x22: {  	[simem:s7], [sflag:s8] =	dma.local @!p0 [hbm:s6], $0xF7A  }
0x23: {  	s9 =	sor.u32 $0xD0000000, s2;
	s6 =	simm.s32 $0x108;
	_ =	swait.ge @!p0 [sflag:s8], $0x0  }
0x24: {  	s3 =	sadd.s32 $0x88, s3;
	s6 =	simm.s32 @!p1 $0x1082;
	[sflag:s4] =	ssyncset.s32 $0xFFFFF086  }
0x25: {  	[simem:s6], [sflag:s4] =	dma.local [hbm:s3], $0xF7A  }
0x26: {  	[smem:$0x3F9B] =	sst s1;
	(tag) =	ssettag s2;
	_ =	strace s9  }
0x27: {  	s1 =	sld [smem:$0x3FAB]  }
0x28: {  	s2 =	sld [smem:$0x3FAC]  }
0x29: {  	s4 =	sld [smem:$0x3FAE]  }
0x2a: {  	p0 =	seq.s32 s5, $0x0;
	s5 =	sld [smem:$0x3FAF]  }
0x2b: {  	s6 =	sld [smem:$0x3FB0]  }
0x2c: {  	s7 =	sld [smem:$0x3FB1]  }
0x2d: {  	s3 =	simm.s32 $0x108;
	s8 =	sld [smem:$0x3FB2]  }
0x2e: {  	s3 =	simm.s32 @!p0 $0x1082;
	s9 =	sld [smem:$0x3FB3]  }
0x2f: {  	lr =	sadd.s32 s0, s3;
	s0 =	sld [smem:$0x3FAA]  }
0x30: {  	s3 =	sld [smem:$0x3FAD]  }
0x31: {  	[smem:$0x3FB6] =	sst s10  }
0x32: {  	s10 =	sld [smem:$0x3FB4];
	_ =	sdelay $0x3  }
0x33: {  	p0 =	seq.s32 s10, $0x1;
	s10 =	sld [smem:$0x3FB6];
	_ =	sdelay $0x3  }
0x34: {  	[smem:$0x3FB6] =	sst s10  }
0x35: {  	s10 =	sld [smem:$0x3FB5];
	_ =	sdelay $0x3  }
0x36: {  	p1 =	seq.s32 s10, $0x1;
	s10 =	sld [smem:$0x3FB6];
	_ =	sdelay $0x3  }
0x37: {  	[smem:$0x3FB6] =	sst s10  }
0x38: {  	s10 =	sld [smem:$0x3FB7]  }
0x39: {  	_ = 	snop;
	(pc) =	sbr.ind lr, $3  }
0x3a: {  	_ = 	snop  }
0x3b: {  	_ = 	snop  }
0x3c: {  	p2 =	seq.s32 s10, $0x1;
	s10 =	sld [smem:$0x3FB6]  }
0x3d: {  	_ =	shalt  }
0x3e: {  	_ =	shalt  }
0x3f: {  	_ =	shalt  }
0x40: {  	_ =	shalt  }
0x41: {  	_ =	shalt  }
0x42: {  	_ =	shalt  }
0x43: {  	_ =	shalt  }
0x44: {  	_ =	shalt  }
0x45: {  	_ =	shalt  }
0x46: {  	_ =	shalt  }
0x47: {  	_ =	shalt  }
0x48: {  	_ =	shalt  }
0x49: {  	_ =	shalt  }
0x4a: {  	_ =	shalt  }
0x4b: {  	_ =	shalt  }
0x4c: {  	_ =	shalt  }
0x4d: {  	_ =	shalt  }
0x4e: {  	_ =	shalt  }
0x4f: {  	_ =	shalt  }
0x50: {  	_ =	shalt  }
0x51: {  	_ =	shalt  }
0x52: {  	_ =	shalt  }
0x53: {  	_ =	shalt  }
0x54: {  	_ =	shalt  }
0x55: {  	_ =	shalt  }
0x56: {  	_ =	shalt  }
0x57: {  	_ =	shalt  }
0x58: {  	_ =	shalt  }
0x59: {  	_ =	shalt  }
0x5a: {  	_ =	shalt  }
0x5b: {  	_ =	shalt  }
0x5c: {  	_ =	shalt  }
0x5d: {  	_ =	shalt  }
0x5e: {  	_ =	shalt  }
0x5f: {  	_ =	shalt  }
0x60: {  	_ =	shalt  }
0x61: {  	_ =	shalt  }
0x62: {  	_ =	shalt  }
0x63: {  	_ =	shalt  }
0x64: {  	_ =	shalt  }
0x65: {  	_ =	shalt  }
0x66: {  	_ =	shalt  }
0x67: {  	_ =	shalt  }
0x68: {  	_ =	shalt  }
0x69: {  	_ =	shalt  }
0x6a: {  	_ =	shalt  }
0x6b: {  	_ =	shalt  }
0x6c: {  	_ =	shalt  }
0x6d: {  	_ =	shalt  }
0x6e: {  	_ =	shalt  }
0x6f: {  	_ =	shalt  }
0x70: {  	_ =	shalt  }
0x71: {  	_ =	shalt  }
0x72: {  	_ =	shalt  }
0x73: {  	_ =	shalt  }
0x74: {  	_ =	shalt  }
0x75: {  	_ =	shalt  }
0x76: {  	_ =	shalt  }
0x77: {  	_ =	shalt  }
0x78: {  	_ =	shalt  }
0x79: {  	_ =	shalt  }
0x7a: {  	_ =	shalt  }
0x7b: {  	_ =	shalt  }
0x7c: {  	_ =	shalt  }
0x7d: {  	_ =	shalt  }
0x7e: {  	_ =	shalt  }
0x7f: {  	_ =	shalt  }
0x80: {  	_ =	shalt  }
0x81: {  	_ =	shalt  }
0x82: {  	_ =	shalt  }
0x83: {  	_ =	shalt  }
0x84: {  	_ =	shalt  }
0x85: {  	_ =	shalt  }
0x86: {  	_ =	shalt  }
0x87: {  	_ =	shalt  }
.Lfunc_end0:
.L_simem_size_0:
called_computation_lowered:
.L_overlay_start_0:
0x88: {  	s2 =	sld [smem:$0x3FD9]  }
0x89: {  	s3 =	sld [smem:$0x3FFE];
	_ =	sdelay $0x1  }
0x8a: {  	s1 =	srdreg.scid  }
0x8b: {  	s0 =	sand.u32 $0x1, s1  }
0x8c: {  	s17 =	sshll.u32 s0, $0xA;
	s2 =	sadd.s32 s3, s2  }
0x8d: {  	s2 =	sadd.s32 s2, s17  }
0x8e: {  	[smem:$0x3FC2] =	sst s2  }
0x8f: {  	_ = 	snop  }
0x90: {  	s2 =	sld [smem:$0x3FD0];
	(tm) =	ssettm $0x1  }
0x91: {  	s18 =	sld [smem:$0x3FFB];
	_ =	sdelay $0x3  }
0x92: {  	_ =	strace s18  }
0x93: {  	s3 =	sld [smem:$0x3FFC];
	_ =	sdelay $0x3  }
0x94: {  	_ =	strace s3  }
0x95: {  	s3 =	sld [smem:$0x3FFD];
	_ =	sdelay $0x3  }
0x96: {  	_ =	strace s3  }
0x97: {  	_ =	strace $0x8FFFFFFF  }
0x98: {  	s19 =	sld [smem:$0x3FDB];
	_ =	sdelay $0x1  }
0x99: {  	s4 =	simm.s32 $_scs_section_size  }
0x9a: {  	s5 =	simm.s32 $_size__tile_overlayer_lowered;
	s6 =	simm.s32 $_tile_overlayer_lowered  }
0x9b: {  	s22 =	simm.s32 $0x1BFF;
	s21 =	sshll.u32 s6, $0x1;
	s3 =	sadd.s32 s4, s19  }
0x9c: {  	s7 =	simm.s32 $0x0;
	s20 =	sshll.u32 s5, $0x1;
	s5 =	sadd.s32 s21, s3  }
0x9d: {  	[timem:s7], [sflag:s22] =	dma.local [hbm:s5], s20  }
0x9e: {  	_ =	swait.ge [sflag:s22], s20  }
0x9f: {  	s4 =	ssub.s32 $0x0, s20;
	[sflag:s22] =	ssyncset.done $0x0  }
0xa0: {  	[sflag:s22] =	ssyncadd.s32 s4;
	_ =	sdelay $0x1  }
0xa1: {  	s23 =	simm.s32 $0x1B8B  }
0xa2: {  	_ =	swait.ge [sflag:s23], $0x1  }
0xa3: {  	[sflag:s23] =	ssyncset.done $0x0  }
0xa4: {  	s25 =	simm.s32 $0x1B8E;
	s24 =	sld [smem:$0x3FFE];
	[sflag:s23] =	ssyncadd.s32 $0xFFFFFFFF  }
0xa5: {  	s26 =	simm.s32 $execute0_lowered;
	[smem:$0x3FD2] =	sst s25  }
0xa6: {  	s5 =	sshll.u32 s26, $0x1;
	_ =	strace $0x80000046;
	[dreg:$0x1] =	wrdreg $0xFFFFFFFF  }
0xa7: {  	s28 =	simm.s32 $_size_execute0_lowered;
	s3 =	sadd.s32 s3, s5;
	[dreg:$0x0] =	wrdreg $0x0  }
0xa8: {  	s5 =	sshll.u32 s28, $0x1;
	[dreg:$0x2] =	wrdreg s3  }
0xa9: {  	[dreg:$0x3] =	wrdreg s5  }
0xaa: {  	[dreg:$0x4] =	wrdreg $0xC0  }
0xab: {  	_ =	task [dreg:s7], $0x5FFFF  }
0xac: {  	[dreg:$0x1] =	wrdreg $0xFFFFFFFF  }
0xad: {  	[dreg:$0x0] =	wrdreg $0x60  }
0xae: {  	[dreg:$0x2] =	wrdreg s24  }
0xaf: {  	[dreg:$0x3] =	wrdreg s2  }
0xb0: {  	[dreg:$0x4] =	wrdreg $0x0  }
0xb1: {  	[dreg:$0x5] =	wrdreg $0x9  }
0xb2: {  	_ =	task.clear_ibuf [dreg:s7], $0x6FFFF;
	_ =	strace $0x90000046  }
0xb3: {  	s29 =	simm.s32 $0x9;
	_ =	strace $0x80000048  }
0xb4: {  	_ =	swait.ge [sflag:s29], $0x1  }
0xb5: {  	[sflag:s29] =	ssyncadd.s32 $0xFFFFFFFF  }
0xb6: {  	_ =	strace $0x90000048  }
0xb7: {  	_ =	sfence  }
0xb8: {  	s30 =	sld [smem:$0x0];
	_ =	sdelay $0x2  }
0xb9: {  	s31 =	sshll.u32 s1, $0xD;
	s1 =	sshrl.u32 s1, $0x2  }
0xba: {  	s3 =	sand.u32 $0x4000, s31;
	s1 =	sadd.s32 s1, s30  }
0xbb: {  	s0 =	sor.u32 s3, s0;
	s1 =	sshll.u32 s1, $0x11  }
0xbc: {  	s0 =	sor.u32 s1, s0  }
0xbd: {  	s0 =	sadd.s32 $0x8F2B, s0  }
0xbe: {  	[sflag:s0] =	ssyncadd.remote.s32 $0x1  }
0xbf: {  	_ =	sfence.sel $0xFFFF  }
0xc0: {  	[dreg:$0x0] =	wrdreg $0xFFFFFFFF;
	(pc) =	sbr.abs _section_cstart, $3  }
0xc1: {  	[dreg:$0x1] =	wrdreg $0xFFFFFFFF  }
0xc2: {  	_ =	task.clear_ibuf [dreg:s7], $0x2FFFF;
	_ =	strace $0x9FFFFFFF  }
0xc3: {  	(tm) =	ssettm $0x7FFFFFFF  }
tec
execute0_lowered:
.L_overlay_start_1:
0x0: {  	(tag) =	ssettag $0x1  }
0x1: {  	s4 =	rddreg [dreg:$0x0]  }
0x2: {  	s0 =	srdreg.scid;
	s6 =	rddreg [dreg:$0x1]  }
0x3: {  	s2 =	rddreg [dreg:$0x2];
	s1 =	stileid.u32  }
0x4: {  	s3 =	simm.s32 $0x0;
	s11 =	simm.s32 $0x80;
	s12 =	simm.s32 $0x280  }
0x5: {  	s13 =	simm.s32 $0x1;
	s14 =	simm.s32 $0x100;
	s15 =	simm.s32 $0x0  }
0x6: {  	s5 =	sand.u32 $0x1, s0;
	s0 =	rddreg [dreg:$0x3];
	s8 =	smul.u32 $0x500, s1  }
0x7: {  	[smem:$0x7FF] =	sst s3;
	s10 =	smul.u32 $0xA00, s1;
	s7 =	sshll.u32 s5, $0x4  }
0x8: {  	_ =	strace $0x80000047;
	s9 =	ssub.s32 $0x2, s5;
	s5 =	sshll.u32 s5, $0x7  }
0x9: {  	s7 =	sor.u32 s1, s7;
	s29 =	sshrl.u32 s9, $0x1;
	s5 =	sor.u32 s5, s8  }
0xa: {  	s30 =	sshrl.u32 s10, $0x2;
	s8 =	simm.s32 $0x300;
	s7 =	smul.u32 $0x500, s7  }
0xb: {  	s10 =	simm.s32 $0x2B00;
	s31 =	sshrl.u32 s5, $0x3;
	s5 =	sadd.s32 s30, s2  }
0xc: {  	s6 =	sadd.s32 s6, s31;
	s4 =	sadd.s32 s7, s4;
	s7 =	ssub.s32 s9, s29  }
0xd: {  	v0 =	vimm.f32 $1.000000000e+00;
	v1 =	vimm.f32 $0.0e+00;
	s9 =	simm.s32 $0x2;
	s4 =	sadd.s32 $0xA00, s4;
	s7 =	smax.u32 s7, $0x1  }
.LBB2_1:
0xe: {  	[tilespmem:$0x280] =	vst v0  }
0xf: {  	[tilespmem:$0x290] =	vst v0  }
0x10: {  	[tilespmem:$0x2A0] =	vst v0  }
0x11: {  	[tilespmem:$0x2B0] =	vst v0  }
0x12: {  	[tilespmem:$0x2C0] =	vst v0  }
0x13: {  	[tilespmem:$0x2D0] =	vst v0  }
0x14: {  	[tilespmem:$0x2E0] =	vst v0  }
0x15: {  	[tilespmem:$0x2F0] =	vst v0  }
0x16: {  	[tilespmem:$0x2B00] =	vst v1  }
0x17: {  	[tilespmem:$0x2B10] =	vst v1  }
0x18: {  	[tilespmem:$0x2B20] =	vst v1  }
0x19: {  	[tilespmem:$0x2B30] =	vst v1  }
0x1a: {  	[tilespmem:$0x2B40] =	vst v1  }
0x1b: {  	[tilespmem:$0x2B50] =	vst v1  }
0x1c: {  	[tilespmem:$0x2B60] =	vst v1  }
0x1d: {  	[tilespmem:$0x2B70] =	vst v1  }
0x1e: {  	[tilespmem:$0x2B80] =	vst v1  }
0x1f: {  	[tilespmem:$0x2B90] =	vst v1  }
0x20: {  	[tilespmem:$0x2BA0] =	vst v1  }
0x21: {  	[tilespmem:$0x2BB0] =	vst v1  }
0x22: {  	[tilespmem:$0x2BC0] =	vst v1  }
0x23: {  	[tilespmem:$0x2BD0] =	vst v1  }
0x24: {  	[tilespmem:$0x2BE0] =	vst v1  }
0x25: {  	[tilespmem:$0x2BF0] =	vst v1  }
0x26: {  	[tilespmem:$0x2C00] =	vst v1  }
0x27: {  	[tilespmem:$0x2C10] =	vst v1  }
0x28: {  	[tilespmem:$0x2C20] =	vst v1  }
0x29: {  	[tilespmem:$0x2C30] =	vst v1  }
0x2a: {  	[tilespmem:$0x2C40] =	vst v1  }
0x2b: {  	[tilespmem:$0x2C50] =	vst v1  }
0x2c: {  	[tilespmem:$0x2C60] =	vst v1  }
0x2d: {  	[tilespmem:$0x2C70] =	vst v1  }
0x2e: {  	[tilespmem:$0x2C80] =	vst v1  }
0x2f: {  	[tilespmem:$0x2C90] =	vst v1  }
0x30: {  	[tilespmem:$0x2CA0] =	vst v1  }
0x31: {  	[tilespmem:$0x2CB0] =	vst v1  }
0x32: {  	[tilespmem:$0x2CC0] =	vst v1  }
0x33: {  	[tilespmem:$0x2CD0] =	vst v1  }
0x34: {  	[tilespmem:$0x2CE0] =	vst v1  }
0x35: {  	[tilespmem:$0x2CF0] =	vst v1  }
0x36: {  	[tilespmem:$0x2D00] =	vst v1  }
0x37: {  	[tilespmem:$0x2D10] =	vst v1  }
0x38: {  	[tilespmem:$0x2D20] =	vst v1  }
0x39: {  	[tilespmem:$0x2D30] =	vst v1  }
0x3a: {  	[tilespmem:$0x2D40] =	vst v1  }
0x3b: {  	[tilespmem:$0x2D50] =	vst v1  }
0x3c: {  	[tilespmem:$0x2D60] =	vst v1  }
0x3d: {  	[tilespmem:$0x2D70] =	vst v1  }
0x3e: {  	[tilespmem:s8], [sflag:$0x2] =	stream.linear.gather [hbm4b:s4+s3], $0x2800, $0x38;
	[tilespmem:$0x2D80] =	vst v63  }
0x3f: {  	_ =	swait.ge [sflag:s9], $0x2800  }
0x40: {  	[sflag:s9] =	ssyncset.done $0x0  }
0x41: {  	[sflag:s9] =	ssyncadd.s32 $0xFFFFD800  }
0x42: {  	[spmem:s5] =	stream.linear.scatter [tilespmem:s10], [sflag:$0x2], $0x280, $0x38;
	[tilespmem:$0x2D80] =	vst v63  }
0x43: {  	_ =	swait.ge [sflag:s9], $0x280  }
0x44: {  	[sflag:s9] =	ssyncset.done $0x0  }
0x45: {  	[sflag:s9] =	ssyncadd.s32 $0xFFFFFD80  }
0x46: {  	s16 =	simm.s32 $0x300;
	[bflag:$0x0] =	sbarrier.arrive $0xFFFF  }
0x47: {  	[spmem:s2] =	stream.indirect.scatter.add.f32 [tilespmem:s12], [sflag:$0x1], $0x1, s16, s11, $0xb8;
	[tilespmem:$0x2D80] =	vst v63  }
0x48: {  	s24 =	simm.s32 $0x380  }
0x49: {  	[spmem:s2] =	stream.indirect.scatter.add.f32 [tilespmem:s12], [sflag:$0x1], $0x1, s24, s11, $0xb8;
	[tilespmem:$0x2D80] =	vst v63  }
0x4a: {  	s25 =	simm.s32 $0x400  }
0x4b: {  	[spmem:s2] =	stream.indirect.scatter.add.f32 [tilespmem:s12], [sflag:$0x1], $0x1, s25, s11, $0xb8;
	[tilespmem:$0x2D80] =	vst v63  }
0x4c: {  	s26 =	simm.s32 $0x480  }
0x4d: {  	[spmem:s2] =	stream.indirect.scatter.add.f32 [tilespmem:s12], [sflag:$0x1], $0x1, s26, s11, $0xb8;
	[tilespmem:$0x2D80] =	vst v63  }
0x4e: {  	s28 =	simm.s32 $0x500  }
0x4f: {  	[spmem:s2] =	stream.indirect.scatter.add.f32 [tilespmem:s12], [sflag:$0x1], $0x1, s28, s11, $0xb8;
	[tilespmem:$0x2D80] =	vst v63  }
0x50: {  	s29 =	simm.s32 $0x580  }
0x51: {  	[spmem:s2] =	stream.indirect.scatter.add.f32 [tilespmem:s12], [sflag:$0x1], $0x1, s29, s11, $0xb8;
	[tilespmem:$0x2D80] =	vst v63  }
0x52: {  	s30 =	simm.s32 $0x600  }
0x53: {  	[spmem:s2] =	stream.indirect.scatter.add.f32 [tilespmem:s12], [sflag:$0x1], $0x1, s30, s11, $0xb8;
	[tilespmem:$0x2D80] =	vst v63  }
0x54: {  	s31 =	simm.s32 $0x680  }
0x55: {  	[spmem:s2] =	stream.indirect.scatter.add.f32 [tilespmem:s12], [sflag:$0x1], $0x1, s31, s11, $0xb8;
	[tilespmem:$0x2D80] =	vst v63  }
0x56: {  	_ =	swait.ge [sflag:s13], $0x80  }
0x57: {  	[sflag:s13] =	ssyncset.done $0x0  }
0x58: {  	[sflag:s13] =	ssyncadd.s32 $0xFFFFFF80  }
0x59: {  	_ =	swait.ge [sflag:s13], $0x80  }
0x5a: {  	[sflag:s13] =	ssyncset.done $0x0  }
0x5b: {  	[sflag:s13] =	ssyncadd.s32 $0xFFFFFF80  }
0x5c: {  	_ =	swait.ge [sflag:s13], $0x80  }
0x5d: {  	[sflag:s13] =	ssyncset.done $0x0  }
0x5e: {  	[sflag:s13] =	ssyncadd.s32 $0xFFFFFF80  }
0x5f: {  	_ =	swait.ge [sflag:s13], $0x80  }
0x60: {  	[sflag:s13] =	ssyncset.done $0x0  }
0x61: {  	[sflag:s13] =	ssyncadd.s32 $0xFFFFFF80  }
0x62: {  	_ =	swait.ge [sflag:s13], $0x80  }
0x63: {  	[sflag:s13] =	ssyncset.done $0x0  }
0x64: {  	[sflag:s13] =	ssyncadd.s32 $0xFFFFFF80  }
0x65: {  	_ =	swait.ge [sflag:s13], $0x80  }
0x66: {  	[sflag:s13] =	ssyncset.done $0x0  }
0x67: {  	[sflag:s13] =	ssyncadd.s32 $0xFFFFFF80  }
0x68: {  	_ =	swait.ge [sflag:s13], $0x80  }
0x69: {  	[sflag:s13] =	ssyncset.done $0x0  }
0x6a: {  	[sflag:s13] =	ssyncadd.s32 $0xFFFFFF80  }
0x6b: {  	_ =	swait.ge [sflag:s13], $0x80  }
0x6c: {  	s19 =	simm.s32 $0x2000;
	s18 =	simm.s32 $0x400;
	[sflag:s13] =	ssyncset.done $0x0  }
.LBB2_2:
0x6d: {  	s20 =	sadd.s32 $0x300, s18  }
0x6e: {  	[sflag:s13] =	ssyncadd.s32 $0xFFFFFF80;
	s17 =	smov.u32 s19;
	s16 =	sadd.s32 $0x1000, s19  }
0x6f: {  	[spmem:s2] =	stream.indirect.scatter.add.f32 [tilespmem:s12], [sflag:$0x1], $0x1, s20, s11, $0xb8;
	[tilespmem:$0x2D80] =	vst v63  }
0x70: {  	p0 =	sne.s32 s19, $0x9000;
	s19 =	sadd.s32 $0x380, s18  }
0x71: {  	[spmem:s2] =	stream.indirect.scatter.add.f32 [tilespmem:s12], [sflag:$0x1], $0x1, s19, s11, $0xb8;
	[tilespmem:$0x2D80] =	vst v63  }
0x72: {  	s19 =	sadd.s32 $0x400, s18  }
0x73: {  	[spmem:s2] =	stream.indirect.scatter.add.f32 [tilespmem:s12], [sflag:$0x1], $0x1, s19, s11, $0xb8;
	[tilespmem:$0x2D80] =	vst v63  }
0x74: {  	s19 =	sadd.s32 $0x480, s18  }
0x75: {  	[spmem:s2] =	stream.indirect.scatter.add.f32 [tilespmem:s12], [sflag:$0x1], $0x1, s19, s11, $0xb8;
	[tilespmem:$0x2D80] =	vst v63  }
0x76: {  	s19 =	sadd.s32 $0x500, s18  }
0x77: {  	[spmem:s2] =	stream.indirect.scatter.add.f32 [tilespmem:s12], [sflag:$0x1], $0x1, s19, s11, $0xb8;
	[tilespmem:$0x2D80] =	vst v63  }
0x78: {  	s19 =	sadd.s32 $0x580, s18  }
0x79: {  	[spmem:s2] =	stream.indirect.scatter.add.f32 [tilespmem:s12], [sflag:$0x1], $0x1, s19, s11, $0xb8;
	[tilespmem:$0x2D80] =	vst v63  }
0x7a: {  	s19 =	sadd.s32 $0x600, s18  }
0x7b: {  	[spmem:s2] =	stream.indirect.scatter.add.f32 [tilespmem:s12], [sflag:$0x1], $0x1, s19, s11, $0xb8;
	[tilespmem:$0x2D80] =	vst v63  }
0x7c: {  	s18 =	sadd.s32 $0x680, s18  }
0x7d: {  	[spmem:s2] =	stream.indirect.scatter.add.f32 [tilespmem:s12], [sflag:$0x1], $0x1, s18, s11, $0xb8;
	[tilespmem:$0x2D80] =	vst v63  }
0x7e: {  	_ =	swait.ge [sflag:s13], $0x80  }
0x7f: {  	[sflag:s13] =	ssyncset.done $0x0  }
0x80: {  	[sflag:s13] =	ssyncadd.s32 $0xFFFFFF80  }
0x81: {  	_ =	swait.ge [sflag:s13], $0x80  }
0x82: {  	[sflag:s13] =	ssyncset.done $0x0  }
0x83: {  	[sflag:s13] =	ssyncadd.s32 $0xFFFFFF80  }
0x84: {  	_ =	swait.ge [sflag:s13], $0x80  }
0x85: {  	[sflag:s13] =	ssyncset.done $0x0  }
0x86: {  	[sflag:s13] =	ssyncadd.s32 $0xFFFFFF80  }
0x87: {  	_ =	swait.ge [sflag:s13], $0x80  }
0x88: {  	[sflag:s13] =	ssyncset.done $0x0  }
0x89: {  	[sflag:s13] =	ssyncadd.s32 $0xFFFFFF80  }
0x8a: {  	_ =	swait.ge [sflag:s13], $0x80  }
0x8b: {  	[sflag:s13] =	ssyncset.done $0x0  }
0x8c: {  	[sflag:s13] =	ssyncadd.s32 $0xFFFFFF80  }
0x8d: {  	_ =	swait.ge [sflag:s13], $0x80  }
0x8e: {  	[sflag:s13] =	ssyncset.done $0x0  }
0x8f: {  	[sflag:s13] =	ssyncadd.s32 $0xFFFFFF80  }
.Ltmp0:
0x90: {  	_ =	swait.ge [sflag:s13], $0x80;
	(pc) =	sbr.rel @p0 .LBB2_2-.Ltmp0, $4  }
0x91: {  	[sflag:s13] =	ssyncset.done $0x0  }
0x92: {  	[sflag:s13] =	ssyncadd.s32 $0xFFFFFF80  }
0x93: {  	_ =	swait.ge [sflag:s13], $0x80  }
0x94: {  	s19 =	smov.u32 s16;
	s18 =	sshra.s32 s17, $0x2;
	[sflag:s13] =	ssyncset.done $0x0  }
0x95: {  	s16 =	sadd.s32 $0x300, s18;
	[sflag:s13] =	ssyncadd.s32 $0xFFFFFF80  }
0x96: {  	[spmem:s2] =	stream.indirect.scatter.add.f32 [tilespmem:s12], [sflag:$0x1], $0x1, s16, s11, $0xb8;
	[tilespmem:$0x2D80] =	vst v63  }
0x97: {  	s24 =	sadd.s32 $0x380, s18  }
0x98: {  	[spmem:s2] =	stream.indirect.scatter.add.f32 [tilespmem:s12], [sflag:$0x1], $0x1, s24, s11, $0xb8;
	[tilespmem:$0x2D80] =	vst v63  }
0x99: {  	s25 =	sadd.s32 $0x400, s18  }
0x9a: {  	[spmem:s2] =	stream.indirect.scatter.add.f32 [tilespmem:s12], [sflag:$0x1], $0x1, s25, s11, $0xb8;
	[tilespmem:$0x2D80] =	vst v63  }
0x9b: {  	s26 =	sadd.s32 $0x480, s18  }
0x9c: {  	[spmem:s2] =	stream.indirect.scatter.add.f32 [tilespmem:s12], [sflag:$0x1], $0x1, s26, s11, $0xb8;
	[tilespmem:$0x2D80] =	vst v63  }
0x9d: {  	s28 =	sadd.s32 $0x500, s18  }
0x9e: {  	[spmem:s2] =	stream.indirect.scatter.add.f32 [tilespmem:s12], [sflag:$0x1], $0x1, s28, s11, $0xb8;
	[tilespmem:$0x2D80] =	vst v63  }
0x9f: {  	s29 =	sadd.s32 $0x580, s18  }
0xa0: {  	[spmem:s2] =	stream.indirect.scatter.add.f32 [tilespmem:s12], [sflag:$0x1], $0x1, s29, s11, $0xb8;
	[tilespmem:$0x2D80] =	vst v63  }
0xa1: {  	s30 =	sadd.s32 $0x600, s18  }
0xa2: {  	[spmem:s2] =	stream.indirect.scatter.add.f32 [tilespmem:s12], [sflag:$0x1], $0x1, s30, s11, $0xb8;
	[tilespmem:$0x2D80] =	vst v63  }
0xa3: {  	s31 =	sadd.s32 $0x680, s18  }
0xa4: {  	[spmem:s2] =	stream.indirect.scatter.add.f32 [tilespmem:s12], [sflag:$0x1], $0x1, s31, s11, $0xb8;
	[tilespmem:$0x2D80] =	vst v63  }
0xa5: {  	_ =	swait.ge [sflag:s13], $0x80  }
0xa6: {  	[sflag:s13] =	ssyncset.done $0x0  }
0xa7: {  	[sflag:s13] =	ssyncadd.s32 $0xFFFFFF80  }
0xa8: {  	_ =	swait.ge [sflag:s13], $0x80  }
0xa9: {  	[sflag:s13] =	ssyncset.done $0x0  }
0xaa: {  	[sflag:s13] =	ssyncadd.s32 $0xFFFFFF80  }
0xab: {  	_ =	swait.ge [sflag:s13], $0x80  }
0xac: {  	[sflag:s13] =	ssyncset.done $0x0  }
0xad: {  	[sflag:s13] =	ssyncadd.s32 $0xFFFFFF80  }
0xae: {  	_ =	swait.ge [sflag:s13], $0x80  }
0xaf: {  	[sflag:s13] =	ssyncset.done $0x0  }
0xb0: {  	[sflag:s13] =	ssyncadd.s32 $0xFFFFFF80  }
0xb1: {  	_ =	swait.ge [sflag:s13], $0x80  }
0xb2: {  	[sflag:s13] =	ssyncset.done $0x0  }
0xb3: {  	[sflag:s13] =	ssyncadd.s32 $0xFFFFFF80  }
0xb4: {  	_ =	swait.ge [sflag:s13], $0x80  }
0xb5: {  	[sflag:s13] =	ssyncset.done $0x0  }
0xb6: {  	[sflag:s13] =	ssyncadd.s32 $0xFFFFFF80  }
0xb7: {  	_ =	swait.ge [sflag:s13], $0x80  }
0xb8: {  	[sflag:s13] =	ssyncset.done $0x0  }
0xb9: {  	[sflag:s13] =	ssyncadd.s32 $0xFFFFFF80  }
0xba: {  	_ =	swait.ge [sflag:s13], $0x80  }
0xbb: {  	[sflag:s13] =	ssyncset.done $0x0  }
0xbc: {  	[sflag:s13] =	ssyncadd.s32 $0xFFFFFF80  }
0xbd: {  	[bflag:$0x0] =	sbarrier.arrive $0xFFFF  }
0xbe: {  	[tilespmem:s10], [sflag:$0x2] =	stream.linear.gather [spmem:s5], $0x280, $0x38;
	[tilespmem:$0x2D80] =	vst v63  }
0xbf: {  	s15 =	sadd.s32 $0x1, s15;
	_ =	swait.ge [sflag:s9], $0x280  }
0xc0: {  	p0 =	sne.s32 s15, s7;
	[sflag:s9] =	ssyncset.done $0x0  }
.Ltmp1:
0xc1: {  	[sflag:s9] =	ssyncadd.s32 $0xFFFFFD80;
	(pc) =	sbr.rel @p0 .LBB2_1-.Ltmp1, $4  }
0xc2: {  	[hbm4b:s6+s11] =	stream.strided.scatter [tilespmem:s10], [sflag:$0x2], $0x280, s14, s11, $0x38;
	[tilespmem:$0x2D80] =	vst v63  }
0xc3: {  	_ =	swait.ge [sflag:s9], $0x280  }
0xc4: {  	[sflag:s9] =	ssyncset.done $0x0  }
0xc5: {  	[sflag:s9] =	ssyncadd.s32 $0xFFFFFD80  }
0xc6: {  	_ =	sfence.sel $0x180000  }
0xc7: {  	[bflag:$0x0] =	sbarrier.arrive $0xFFFF  }
0xc8: {  	p0 =	sne.s32 s1, $0x0;
	_ =	strace $0x90000047  }
0xc9: {  	s0 =	sadd.s32 @!p0 $0x100000, s0;
	[bflag:$0x2] =	sbarrier.arrive $0xFFFF  }
0xca: {  	[sflag:s0] =	ssyncadd.tile.s32 @!p0 $0x1;
	_ =	shalt  }
.Lfunc_end2:
_tile_overlayer_lowered:
.L_overlay_start_2:
0xcb: {  	(tag) =	ssettag $0x2  }
0xcc: {  	s0 =	rddreg [dreg:$0x0];
	s2 =	stileid.u32  }
0xcd: {  	s1 =	rddreg [dreg:$0x1];
	p0 =	sne.s32 s2, $0x0  }
0xce: {  	s3 =	rddreg [dreg:$0x2];
	[bflag:$0x3] =	sbarrier.arrive $0xFFFF;
	s2 =	simm.s32 @!p0 $0x1C02  }
0xcf: {  	[timem:s3], [sflag:s2] =	dma.local @!p0 [hbm:s0], s1  }
0xd0: {  	s0 =	simm.s32 @!p0 $0x2  }
0xd1: {  	_ =	swait.ge @!p0 [sflag:s0], s1  }
0xd2: {  	s1 =	ssub.s32 @!p0 $0x0, s1;
	[sflag:s0] =	ssyncset.done @!p0 $0x0  }
0xd3: {  	[sflag:s0] =	ssyncadd.s32 @!p0 s1  }
0xd4: {  	[bflag:$0x3] =	sbarrier.arrive $0xFFFF  }
0xd5: {  	_ =	shalt  }

</sc_bundles>
